<compile_context>
chip_gen: v7x
topology: tpu7x:2x2x1
jax: 0.10.2.dev20260603
libtpu: 0.0.44.dev20260713+nightly
codegen_flags: <defaults>
</compile_context>

<pallas_src>
import functools

import jax
import jax.numpy as jnp
import numpy as np
from jax.experimental import pallas as pl
from jax.experimental.pallas import tpu as pltpu
from jax.experimental.pallas import tpu_sc as plsc



def _mm_body(x_ref, w_ref, o_ref):
    o_ref[...] = jnp.dot(x_ref[...], w_ref[...],
                         preferred_element_type=jnp.float32)


def _pallas_mm(x, w):
    m, k = x.shape
    k2, n = w.shape
    bm = 2000
    return pl.pallas_call(
        _mm_body,
        grid=(m // bm,),
        in_specs=[pl.BlockSpec((bm, k), lambda i: (i, 0)),
                  pl.BlockSpec((k2, n), lambda i: (0, 0))],
        out_specs=pl.BlockSpec((bm, n), lambda i: (i, 0)),
        out_shape=jax.ShapeDtypeStruct((m, n), jnp.float32),
    )(x, w)


def _mult2_body(xr_ref, norm_ref, msg_ref):
    msg_ref[...] = xr_ref[...] * norm_ref[...]


def _pallas_mult2(xr, norm):
    e, d = xr.shape
    bm = 4000
    return pl.pallas_call(
        _mult2_body,
        grid=(e // bm,),
        in_specs=[pl.BlockSpec((bm, d), lambda i: (i, 0)),
                  pl.BlockSpec((bm, 1), lambda i: (i, 0))],
        out_specs=pl.BlockSpec((bm, d), lambda i: (i, 0)),
        out_shape=jax.ShapeDtypeStruct((e, d), jnp.float32),
    )(xr, norm)


def _self_body(y_ref, dis_ref, o_ref):
    nii = dis_ref[...] * dis_ref[...]
    o_ref[...] = y_ref[...] * nii


def _pallas_selfmul(y, dis):
    n, d = y.shape
    bm = 2000
    return pl.pallas_call(
        _self_body,
        grid=(n // bm,),
        in_specs=[pl.BlockSpec((bm, d), lambda i: (i, 0)),
                  pl.BlockSpec((bm, 1), lambda i: (i, 0))],
        out_specs=pl.BlockSpec((bm, d), lambda i: (i, 0)),
        out_shape=jax.ShapeDtypeStruct((n, d), jnp.float32),
    )(y, dis[:, None])


def _post_body(mu_ref, lv_ref, eps_ref, w_ref, z_ref, zw_ref):
    std = jnp.exp(0.5 * lv_ref[...])
    z = mu_ref[...] + eps_ref[...] * std
    z_ref[...] = z
    zw_ref[...] = z * w_ref[0:1, :]


def _pallas_post(mu, lv, eps, pool_w):
    n, d = mu.shape
    bm = 2000
    w2d = jnp.broadcast_to(pool_w[None, :], (8, d))
    return pl.pallas_call(
        _post_body,
        grid=(n // bm,),
        in_specs=[pl.BlockSpec((bm, d), lambda i: (i, 0)),
                  pl.BlockSpec((bm, d), lambda i: (i, 0)),
                  pl.BlockSpec((bm, d), lambda i: (i, 0)),
                  pl.BlockSpec((8, d), lambda i: (0, 0))],
        out_specs=[pl.BlockSpec((bm, d), lambda i: (i, 0)),
                   pl.BlockSpec((bm, d), lambda i: (i, 0))],
        out_shape=[jax.ShapeDtypeStruct((n, d), jnp.float32),
                   jax.ShapeDtypeStruct((n, d), jnp.float32)],
    )(mu, lv, eps, w2d)



_W = 128


def _sc_gather1(x, src):
    e = src.shape[0]
    n, d = x.shape
    src2 = src.reshape(1, e)
    mesh = plsc.VectorSubcoreMesh(core_axis_name="c", subcore_axis_name="s")

    @functools.partial(
        pl.kernel, mesh=mesh,
        out_type=jax.ShapeDtypeStruct((e, d), jnp.float32))
    def k(x_hbm, s_hbm, o_hbm):
        def body(s_v, o1):
            pltpu.sync_copy(x_hbm.at[s_v.at[0]], o1)

        pltpu.emit_pipeline(
            body,
            grid=(e // _W,),
            in_specs=[pl.BlockSpec((1, _W), lambda i: (0, i))],
            out_specs=[pl.BlockSpec((_W, d), lambda i: (i, 0))],
            core_axis_name=("c", "s"),
            dimension_semantics=(pltpu.PARALLEL,),
        )(s_hbm, o_hbm)

    return k(x, src2)



def kernel(x_raw, sincos_pe, edge_index, batch, W1, b1, Wmu, bmu, Wlv, blv, pool_w, eps):
    n = x_raw.shape[0]
    x_in = jnp.concatenate([x_raw, sincos_pe], axis=-1)
    loops = jnp.arange(n, dtype=edge_index.dtype)
    dst_full = jnp.concatenate([edge_index[1], loops])
    src32 = edge_index[0].astype(jnp.int32)
    dst32 = edge_index[1].astype(jnp.int32)

    ew = jnp.ones(dst_full.shape[0], dtype=jnp.float32)
    deg = jnp.zeros((n,), jnp.float32).at[dst_full].add(ew)
    dis = jnp.where(deg > 0, jax.lax.rsqrt(jnp.maximum(deg, 1e-12)), 0.0)

    y1 = _pallas_mm(x_in, W1)
    xr = _sc_gather1(y1, src32)
    norm_e = (dis[src32] * dis[dst32])[:, None]
    msg1 = _pallas_mult2(xr, norm_e)
    self1 = _pallas_selfmul(y1, dis)
    upd1 = jnp.concatenate([msg1, self1], axis=0)
    s1 = jax.ops.segment_sum(upd1, dst_full, num_segments=n)
    h = jax.nn.relu(s1 + b1)

    hc = _pallas_mm(h, jnp.concatenate([Wmu, Wlv], axis=1))
    hr = _sc_gather1(hc, src32)
    msg2 = _pallas_mult2(hr, norm_e)
    self2 = _pallas_selfmul(hc, dis)
    mu = jax.ops.segment_sum(
        jnp.concatenate([msg2[:, :64], self2[:, :64]], axis=0),
        dst_full, num_segments=n) + bmu
    logvar = jax.ops.segment_sum(
        jnp.concatenate([msg2[:, 64:], self2[:, 64:]], axis=0),
        dst_full, num_segments=n) + blv

    z, zw = _pallas_post(mu, logvar, eps, pool_w)
    score = jnp.tanh(zw.sum(axis=-1) / jnp.linalg.norm(pool_w))
    k = int(np.ceil(0.5 * n))
    _, perm = jax.lax.top_k(score, k)
    z_pool = z[perm] * score[perm][:, None]
    mu_pool = mu[perm]
    logvar_pool = logvar[perm]
    batch_pool = batch[perm]
    return (z_pool, mu_pool, logvar_pool, batch_pool, perm)

# --- scband reference (transcript-rebuilt; emitter-appended) ---
"""Pipeline reference for scband-gcnencoder-with-pool-4904852652785 (READ-ONLY COPY).

The authoritative reference and input builder live on the scoring server;
editing this copy changes nothing except your own understanding.
"""

import jax, jax.numpy as jnp
import numpy as np

N = 10000
E = 640000
IN_DIM = 128
PE_DIM = 16
HID = 128
LAT = 64
RATIO = 0.5


def gcn_conv(x, edge_index, W, b):
    # PyG GCNConv: x' = D^{-1/2} (A + I) D^{-1/2} X W + b
    n = x.shape[0]
    x = x @ W
    loops = jnp.arange(n, dtype=edge_index.dtype)
    src = jnp.concatenate([edge_index[0], loops])
    dst = jnp.concatenate([edge_index[1], loops])
    ew = jnp.ones(src.shape[0], dtype=x.dtype)
    deg = jnp.zeros((n,), dtype=x.dtype).at[dst].add(ew)
    dis = jnp.where(deg > 0, jax.lax.rsqrt(jnp.maximum(deg, 1e-12)), 0.0)
    norm = dis[src] * dis[dst]
    msg = x[src] * norm[:, None]
    out = jax.ops.segment_sum(msg, dst, num_segments=n)
    return out + b


def setup_inputs(seed: int = 0) -> dict:
    key = jax.random.key(seed)
    ks = jax.random.split(key, 12)
    x_raw = jax.random.normal(ks[0], (N, IN_DIM), dtype=jnp.float32)
    sincos_pe = jax.random.normal(ks[1], (N, PE_DIM), dtype=jnp.float32)
    edge_index = jax.random.randint(ks[2], (2, E), 0, N, dtype=jnp.int64)
    batch = jnp.zeros((N,), dtype=jnp.int64)
    d_in = IN_DIM + PE_DIM
    W1 = jax.random.normal(ks[3], (d_in, HID), dtype=jnp.float32) * (1.0 / np.sqrt(d_in))
    b1 = jnp.zeros((HID,), dtype=jnp.float32)
    Wmu = jax.random.normal(ks[4], (HID, LAT), dtype=jnp.float32) * (1.0 / np.sqrt(HID))
    bmu = jnp.zeros((LAT,), dtype=jnp.float32)
    Wlv = jax.random.normal(ks[5], (HID, LAT), dtype=jnp.float32) * (1.0 / np.sqrt(HID))
    blv = jnp.zeros((LAT,), dtype=jnp.float32)
    pool_w = jax.random.normal(ks[6], (LAT,), dtype=jnp.float32) * (1.0 / np.sqrt(LAT))
    # reparameterization noise (torch.randn_like) made deterministic
    eps = jax.random.normal(ks[7], (N, LAT), dtype=jnp.float32)
    return {"x_raw": x_raw, "sincos_pe": sincos_pe, "edge_index": edge_index,
            "batch": batch, "W1": W1, "b1": b1, "Wmu": Wmu, "bmu": bmu,
            "Wlv": Wlv, "blv": blv, "pool_w": pool_w, "eps": eps}


def reference(x_raw, sincos_pe, edge_index, batch, W1, b1, Wmu, bmu, Wlv, blv, pool_w, eps):
    x_in = jnp.concatenate([x_raw, sincos_pe], axis=-1)
    h = jax.nn.relu(gcn_conv(x_in, edge_index, W1, b1))
    mu = gcn_conv(h, edge_index, Wmu, bmu)
    logvar = gcn_conv(h, edge_index, Wlv, blv)
    std = jnp.exp(0.5 * logvar)
    z = mu + eps * std
    # TopKPooling (single graph: batch all zeros):
    # score = tanh((z . w) / ||w||); perm = topk(score, ceil(ratio*N))
    score = (z * pool_w).sum(axis=-1) / jnp.linalg.norm(pool_w)
    score = jnp.tanh(score)
    k = int(np.ceil(RATIO * N))
    _, perm = jax.lax.top_k(score, k)
    z_pool = z[perm] * score[perm][:, None]
    mu_pool = mu[perm]
    logvar_pool = logvar[perm]
    batch_pool = batch[perm]
    return (z_pool, mu_pool, logvar_pool, batch_pool, perm)

if __name__ == "__main__":
    import jax
    _d = setup_inputs()
    print(jax.jit(kernel)(*tuple(_d.values())))

</pallas_src>

<mosaic_0001>
#map = affine_map<(d0, d1) -> (0, 0)>
module attributes {stable_mosaic.version = 14 : i64} {
  func.func @k(%arg0: i32, %arg1: i32, %arg2: memref<10000x128xf32, #tpu.memory_space<hbm>>, %arg3: memref<1x640000xi32, #tpu.memory_space<hbm>>, %arg4: memref<640000x128xf32, #tpu.memory_space<hbm>>) attributes {dimension_semantics = [#tpu.dimension_semantics<core_parallel>, #tpu.dimension_semantics<subcore_parallel>], iteration_bounds = array<i64: 2, 16>, scalar_prefetch = 0 : i64, scratch_operands = 0 : i64, tpu.core_type = #tpu.core_type<sc_vector_subcore>, window_params = [{transform_indices = #map}, {transform_indices = #map}, {transform_indices = #map}]} {
    %mul3A = arith.constant 1 : i32
    %mul3A_0 = arith.muli %arg1, %mul3A : i32
    %add3A = arith.constant 0 : i32
    %add3A_1 = arith.addi %add3A, %mul3A_0 : i32
    %mul3A_2 = arith.constant 16 : i32
    %mul3A_3 = arith.muli %arg0, %mul3A_2 : i32
    %add3A_4 = arith.addi %add3A_1, %mul3A_3 : i32
    %lt3A = arith.constant 8 : i32
    %lt3A_5 = arith.cmpi slt, %add3A_4, %lt3A : i32
    %jit3A = arith.constant 157 : i32
    %jit3A_6 = arith.constant 156 : i32
    %select_n3A = arith.select %lt3A_5, %jit3A, %jit3A_6 : i32
    %lt3A_7 = arith.constant 8 : i32
    %lt3A_8 = arith.cmpi slt, %add3A_4, %lt3A_7 : i32
    %mul3A_9 = arith.muli %add3A_4, %select_n3A : i32
    %mul3A_10 = arith.constant 156 : i32
    %mul3A_11 = arith.muli %add3A_4, %mul3A_10 : i32
    %add3A_12 = arith.constant 8 : i32
    %add3A_13 = arith.addi %mul3A_11, %add3A_12 : i32
    %select_n3A_14 = arith.select %lt3A_8, %mul3A_9, %add3A_13 : i32
    %mul3A_15 = arith.constant 1 : i32
    %mul3A_16 = arith.muli %mul3A_15, %select_n3A : i32
    "tpu.region"() ({
      %run_scoped3A = memref.alloca() : memref<2x1x128xi32, #tpu.memory_space<vmem>>
      %run_scoped3A_17 = tpu.sem_alloc : memref<2x!tpu.dma_semaphore, #tpu.memory_space<semaphore_mem>>
      %run_scoped3A_18 = memref.alloca() : memref<2x128x128xf32, #tpu.memory_space<vmem>>
      %run_scoped3A_19 = tpu.sem_alloc : memref<2x!tpu.dma_semaphore, #tpu.memory_space<semaphore_mem>>
      %gt3A = arith.constant 0 : i32
      %gt3A_20 = arith.cmpi sgt, %mul3A_16, %gt3A : i32
      %convert_element_type3A = arith.extui %gt3A_20 : i1 to i32
      %cond3A = arith.constant 0 : i32
      %cond3A_21 = arith.cmpi ne, %convert_element_type3A, %cond3A : i32
      scf.if %cond3A_21 {
        %mul3A_22 = arith.constant 1 : i32
        %mul3A_23 = arith.muli %mul3A_22, %select_n3A : i32
        %sub3A = arith.constant 1 : i32
        %sub3A_24 = arith.subi %mul3A_23, %sub3A : i32
        %eq3A = arith.constant 0 : i32
        %eq3A_25 = arith.cmpi eq, %sub3A_24, %eq3A : i32
        %add3A_26 = arith.constant 0 : i32
        %add3A_27 = arith.addi %add3A_26, %select_n3A_14 : i32
        %select_n3A_28 = arith.constant true
        %select_n3A_29 = arith.constant 0 : i32
        %select_n3A_30 = arith.constant -1 : i32
        %select_n3A_31 = arith.select %select_n3A_28, %select_n3A_30, %select_n3A_29 : i32
        %eq3A_32 = arith.constant -1 : i32
        %eq3A_33 = arith.cmpi eq, %select_n3A_31, %eq3A_32 : i32
        %sub3A_34 = arith.constant 1 : i32
        %sub3A_35 = arith.subi %select_n3A, %sub3A_34 : i32
        %select_n3A_36 = arith.select %eq3A_33, %sub3A_35, %select_n3A_31 : i32
        %add3A_37 = arith.addi %select_n3A_36, %select_n3A_14 : i32
        %select_n3A_38 = arith.constant true
        %select_n3A_39 = arith.constant 0 : i32
        %select_n3A_40 = arith.constant 1 : i32
        %select_n3A_41 = arith.select %select_n3A_38, %select_n3A_40, %select_n3A_39 : i32
        %eq3A_42 = arith.cmpi eq, %select_n3A_41, %select_n3A : i32
        %select_n3A_43 = arith.constant 0 : i32
        %select_n3A_44 = arith.select %eq3A_42, %select_n3A_43, %select_n3A_41 : i32
        %add3A_45 = arith.addi %select_n3A_44, %select_n3A_14 : i32
        %add3A_46 = arith.constant 1 : i32
        %add3A_47 = arith.addi %select_n3A_44, %add3A_46 : i32
        %select_n3A_48 = arith.constant true
        %select_n3A_49 = arith.select %select_n3A_48, %add3A_47, %select_n3A_44 : i32
        %eq3A_50 = arith.cmpi eq, %select_n3A_49, %select_n3A : i32
        %select_n3A_51 = arith.constant 0 : i32
        %select_n3A_52 = arith.select %eq3A_50, %select_n3A_51, %select_n3A_49 : i32
        %add3A_53 = arith.addi %select_n3A_52, %select_n3A_14 : i32
        "tpu.trace_start"() <{level = 10 : i32, message = "ep_initialize_0"}> : () -> ()
        %rem3A = arith.constant 0 : i32
        %rem3A_54 = arith.constant 2 : i32
        %rem3A_55 = arith.remui %rem3A, %rem3A_54 : i32
        %mul3A_56 = arith.constant 128 : i32
        %mul3A_57 = arith.muli %mul3A_56, %add3A_27 : i32
        %dma_start3A = arith.constant 0 : i32
        %dma_start3A_58 = arith.constant 0 : i32
        %dma_start3A_59 = tpu.memref_slice %run_scoped3A[%rem3A_55, %dma_start3A, %dma_start3A_58] : memref<2x1x128xi32, #tpu.memory_space<vmem>> -> memref<1x1x128xi32, #tpu.memory_space<vmem>>
        %dma_start3A_60 = tpu.memref_squeeze %dma_start3A_59 : memref<1x1x128xi32, #tpu.memory_space<vmem>> -> memref<1x128xi32, #tpu.memory_space<vmem>>
        %dma_start3A_61 = arith.constant 0 : i32
        %dma_start3A_62 = tpu.memref_slice %arg3[%dma_start3A_61, %mul3A_57] : memref<1x640000xi32, #tpu.memory_space<hbm>> -> memref<1x128xi32, #tpu.memory_space<hbm>>
        %dma_start3A_63 = tpu.memref_slice %run_scoped3A_17[%rem3A_55] : memref<2x!tpu.dma_semaphore, #tpu.memory_space<semaphore_mem>> -> memref<1x!tpu.dma_semaphore, #tpu.memory_space<semaphore_mem>>
        %dma_start3A_64 = tpu.memref_squeeze %dma_start3A_63 : memref<1x!tpu.dma_semaphore, #tpu.memory_space<semaphore_mem>> -> memref<!tpu.dma_semaphore, #tpu.memory_space<semaphore_mem>>
        %dma_start3A_65 = arith.constant 0 : i32
        %dma_start3A_66 = arith.constant 0 : i32
        %dma_start3A_67 = tpu.memref_slice %run_scoped3A[%rem3A_55, %dma_start3A_65, %dma_start3A_66] : memref<2x1x128xi32, #tpu.memory_space<vmem>> -> memref<1x1x128xi32, #tpu.memory_space<vmem>>
        %dma_start3A_68 = tpu.memref_squeeze %dma_start3A_67 : memref<1x1x128xi32, #tpu.memory_space<vmem>> -> memref<1x128xi32, #tpu.memory_space<vmem>>
        %dma_start3A_69 = arith.constant 0 : i32
        %dma_start3A_70 = tpu.memref_slice %arg3[%dma_start3A_69, %mul3A_57] : memref<1x640000xi32, #tpu.memory_space<hbm>> -> memref<1x128xi32, #tpu.memory_space<hbm>>
        tpu.enqueue_dma source(%dma_start3A_70 : memref<1x128xi32, #tpu.memory_space<hbm>>) target(%dma_start3A_68 : memref<1x128xi32, #tpu.memory_space<vmem>>) target_semaphore(%dma_start3A_64 : memref<!tpu.dma_semaphore, #tpu.memory_space<semaphore_mem>>)
        %add3A_71 = arith.constant 0 : i32
        %add3A_72 = arith.constant 1 : i32
        %add3A_73 = arith.addi %add3A_71, %add3A_72 : i32
        %select_n3A_74 = arith.constant true
        %select_n3A_75 = arith.constant 0 : i32
        %select_n3A_76 = arith.select %select_n3A_74, %add3A_73, %select_n3A_75 : i32
        %while3A = arith.constant 0 : i32
        %while3A_77 = arith.constant 0 : i32
        %while3A_78 = arith.constant 0 : i32
        %while3A_79 = arith.constant 0 : i32
        %while3A_80 = arith.constant 0 : i32
        "tpu.trace_stop"() : () -> ()
        %while3A_81 = arith.subi %mul3A_16, %while3A : i32
        %while3A_82 = arith.addi %while3A, %while3A_81 : i32
        %while3A_83 = arith.constant 1 : i32
        %while3A_84 = arith.divsi %while3A_81, %while3A_83 : i32
        %while3A_85 = arith.muli %while3A_84, %while3A_83 : i32
        %while3A_86 = arith.addi %while3A, %while3A_85 : i32
        %while3A_87 = arith.constant 1 : i32
        %while3A_88:5 = scf.for %while3A_142 = %while3A to %while3A_86 step %while3A_87 iter_args(%while3A_143 = %select_n3A_76, %while3A_144 = %while3A_77, %while3A_145 = %while3A_78, %while3A_146 = %while3A_79, %while3A_147 = %while3A_80) -> (i32, i32, i32, i32, i32)  : i32 {
          %mul3A_148 = arith.constant 1 : i32
          %mul3A_149 = arith.muli %mul3A_148, %select_n3A : i32
          %eq3A_150 = arith.constant 0 : i32
          %eq3A_151 = arith.cmpi eq, %while3A_142, %eq3A_150 : i32
          %sub3A_152 = arith.constant 1 : i32
          %sub3A_153 = arith.subi %mul3A_149, %sub3A_152 : i32
          %eq3A_154 = arith.cmpi eq, %while3A_142, %sub3A_153 : i32
          %add3A_155 = arith.addi %while3A_147, %select_n3A_14 : i32
          %sub3A_156 = arith.constant 1 : i32
          %sub3A_157 = arith.subi %while3A_147, %sub3A_156 : i32
          %select_n3A_158 = arith.constant true
          %select_n3A_159 = arith.select %select_n3A_158, %sub3A_157, %while3A_147 : i32
          %eq3A_160 = arith.constant -1 : i32
          %eq3A_161 = arith.cmpi eq, %select_n3A_159, %eq3A_160 : i32
          %sub3A_162 = arith.constant 1 : i32
          %sub3A_163 = arith.subi %select_n3A, %sub3A_162 : i32
          %select_n3A_164 = arith.select %eq3A_161, %sub3A_163, %select_n3A_159 : i32
          %add3A_165 = arith.addi %select_n3A_164, %select_n3A_14 : i32
          %add3A_166 = arith.constant 1 : i32
          %add3A_167 = arith.addi %while3A_147, %add3A_166 : i32
          %select_n3A_168 = arith.constant true
          %select_n3A_169 = arith.select %select_n3A_168, %add3A_167, %while3A_147 : i32
          %eq3A_170 = arith.cmpi eq, %select_n3A_169, %select_n3A : i32
          %select_n3A_171 = arith.constant 0 : i32
          %select_n3A_172 = arith.select %eq3A_170, %select_n3A_171, %select_n3A_169 : i32
          %add3A_173 = arith.addi %select_n3A_172, %select_n3A_14 : i32
          %add3A_174 = arith.constant 1 : i32
          %add3A_175 = arith.addi %select_n3A_172, %add3A_174 : i32
          %select_n3A_176 = arith.constant true
          %select_n3A_177 = arith.select %select_n3A_176, %add3A_175, %select_n3A_172 : i32
          %eq3A_178 = arith.cmpi eq, %select_n3A_177, %select_n3A : i32
          %select_n3A_179 = arith.constant 0 : i32
          %select_n3A_180 = arith.select %eq3A_178, %select_n3A_179, %select_n3A_177 : i32
          %add3A_181 = arith.addi %select_n3A_180, %select_n3A_14 : i32
          %ne3A = arith.cmpi ne, %add3A_155, %add3A_173 : i32
          %or3A = arith.constant false
          %or3A_182 = arith.ori %or3A, %ne3A : i1
          %sub3A_183 = arith.constant 2 : i32
          %sub3A_184 = arith.subi %mul3A_149, %sub3A_183 : i32
          %add3A_185 = arith.constant 1 : i32
          %add3A_186 = arith.addi %sub3A_184, %add3A_185 : i32
          %ge3A = arith.cmpi sge, %while3A_142, %add3A_186 : i32
          %not3A = arith.constant true
          %not3A_187 = arith.xori %ge3A, %not3A : i1
          %and3A = arith.andi %or3A_182, %not3A_187 : i1
          %convert_element_type3A_188 = arith.extui %and3A : i1 to i32
          %cond3A_189 = arith.constant 0 : i32
          %cond3A_190 = arith.cmpi ne, %convert_element_type3A_188, %cond3A_189 : i32
          scf.if %cond3A_190 {
            "tpu.trace_start"() <{level = 10 : i32, message = "ep_copy_in"}> : () -> ()
            %rem3A_294 = arith.constant 2 : i32
            %rem3A_295 = arith.remui %while3A_143, %rem3A_294 : i32
            %mul3A_296 = arith.constant 128 : i32
            %mul3A_297 = arith.muli %mul3A_296, %add3A_173 : i32
            %dma_start3A_298 = arith.constant 0 : i32
            %dma_start3A_299 = arith.constant 0 : i32
            %dma_start3A_300 = tpu.memref_slice %run_scoped3A[%rem3A_295, %dma_start3A_298, %dma_start3A_299] : memref<2x1x128xi32, #tpu.memory_space<vmem>> -> memref<1x1x128xi32, #tpu.memory_space<vmem>>
            %dma_start3A_301 = tpu.memref_squeeze %dma_start3A_300 : memref<1x1x128xi32, #tpu.memory_space<vmem>> -> memref<1x128xi32, #tpu.memory_space<vmem>>
            %dma_start3A_302 = arith.constant 0 : i32
            %dma_start3A_303 = tpu.memref_slice %arg3[%dma_start3A_302, %mul3A_297] : memref<1x640000xi32, #tpu.memory_space<hbm>> -> memref<1x128xi32, #tpu.memory_space<hbm>>
            %dma_start3A_304 = tpu.memref_slice %run_scoped3A_17[%rem3A_295] : memref<2x!tpu.dma_semaphore, #tpu.memory_space<semaphore_mem>> -> memref<1x!tpu.dma_semaphore, #tpu.memory_space<semaphore_mem>>
            %dma_start3A_305 = tpu.memref_squeeze %dma_start3A_304 : memref<1x!tpu.dma_semaphore, #tpu.memory_space<semaphore_mem>> -> memref<!tpu.dma_semaphore, #tpu.memory_space<semaphore_mem>>
            %dma_start3A_306 = arith.constant 0 : i32
            %dma_start3A_307 = arith.constant 0 : i32
            %dma_start3A_308 = tpu.memref_slice %run_scoped3A[%rem3A_295, %dma_start3A_306, %dma_start3A_307] : memref<2x1x128xi32, #tpu.memory_space<vmem>> -> memref<1x1x128xi32, #tpu.memory_space<vmem>>
            %dma_start3A_309 = tpu.memref_squeeze %dma_start3A_308 : memref<1x1x128xi32, #tpu.memory_space<vmem>> -> memref<1x128xi32, #tpu.memory_space<vmem>>
            %dma_start3A_310 = arith.constant 0 : i32
            %dma_start3A_311 = tpu.memref_slice %arg3[%dma_start3A_310, %mul3A_297] : memref<1x640000xi32, #tpu.memory_space<hbm>> -> memref<1x128xi32, #tpu.memory_space<hbm>>
            tpu.enqueue_dma source(%dma_start3A_311 : memref<1x128xi32, #tpu.memory_space<hbm>>) target(%dma_start3A_309 : memref<1x128xi32, #tpu.memory_space<vmem>>) target_semaphore(%dma_start3A_305 : memref<!tpu.dma_semaphore, #tpu.memory_space<semaphore_mem>>)
            "tpu.trace_stop"() : () -> ()
          } else {
          }
          %and3A_191 = arith.constant true
          %and3A_192 = arith.andi %and3A, %and3A_191 : i1
          %add3A_193 = arith.constant 1 : i32
          %add3A_194 = arith.addi %while3A_143, %add3A_193 : i32
          %select_n3A_195 = arith.select %and3A_192, %add3A_194, %while3A_143 : i32
          %ne3A_196 = arith.cmpi ne, %add3A_155, %add3A_173 : i32
          %or3A_197 = arith.constant false
          %or3A_198 = arith.ori %or3A_197, %ne3A_196 : i1
          %or3A_199 = arith.constant false
          %or3A_200 = arith.ori %or3A_198, %or3A_199 : i1
          %sub3A_201 = arith.constant 2 : i32
          %sub3A_202 = arith.subi %mul3A_149, %sub3A_201 : i32
          %add3A_203 = arith.constant 1 : i32
          %add3A_204 = arith.addi %sub3A_202, %add3A_203 : i32
          %ge3A_205 = arith.cmpi sge, %while3A_142, %add3A_204 : i32
          %not3A_206 = arith.constant true
          %not3A_207 = arith.xori %ge3A_205, %not3A_206 : i1
          %and3A_208 = arith.andi %or3A_200, %not3A_207 : i1
          %ne3A_209 = arith.cmpi ne, %add3A_155, %add3A_165 : i32
          %or3A_210 = arith.constant false
          %or3A_211 = arith.ori %or3A_210, %ne3A_209 : i1
          %or3A_212 = arith.ori %or3A_211, %eq3A_151 : i1
          %convert_element_type3A_213 = arith.extui %or3A_212 : i1 to i32
          %cond3A_214 = arith.constant 0 : i32
          %cond3A_215 = arith.cmpi ne, %convert_element_type3A_213, %cond3A_214 : i32
          scf.if %cond3A_215 {
            "tpu.trace_start"() <{level = 10 : i32, message = "ep_wait_in"}> : () -> ()
            %mul3A_294 = arith.constant 128 : i32
            %mul3A_295 = arith.muli %mul3A_294, %add3A_155 : i32
            %rem3A_296 = arith.constant 2 : i32
            %rem3A_297 = arith.remui %while3A_144, %rem3A_296 : i32
            %dma_wait3A = arith.constant 0 : i32
            %dma_wait3A_298 = arith.constant 0 : i32
            %dma_wait3A_299 = tpu.memref_slice %run_scoped3A[%rem3A_297, %dma_wait3A, %dma_wait3A_298] : memref<2x1x128xi32, #tpu.memory_space<vmem>> -> memref<1x1x128xi32, #tpu.memory_space<vmem>>
            %dma_wait3A_300 = tpu.memref_squeeze %dma_wait3A_299 : memref<1x1x128xi32, #tpu.memory_space<vmem>> -> memref<1x128xi32, #tpu.memory_space<vmem>>
            %dma_wait3A_301 = arith.constant 0 : i32
            %dma_wait3A_302 = tpu.memref_slice %arg3[%dma_wait3A_301, %mul3A_295] : memref<1x640000xi32, #tpu.memory_space<hbm>> -> memref<1x128xi32, #tpu.memory_space<hbm>>
            %dma_wait3A_303 = tpu.memref_slice %run_scoped3A_17[%rem3A_297] : memref<2x!tpu.dma_semaphore, #tpu.memory_space<semaphore_mem>> -> memref<1x!tpu.dma_semaphore, #tpu.memory_space<semaphore_mem>>
            %dma_wait3A_304 = tpu.memref_squeeze %dma_wait3A_303 : memref<1x!tpu.dma_semaphore, #tpu.memory_space<semaphore_mem>> -> memref<!tpu.dma_semaphore, #tpu.memory_space<semaphore_mem>>
            %dma_wait3A_305 = arith.constant 0 : i32
            %dma_wait3A_306 = arith.constant 0 : i32
            %dma_wait3A_307 = tpu.memref_slice %run_scoped3A[%rem3A_297, %dma_wait3A_305, %dma_wait3A_306] : memref<2x1x128xi32, #tpu.memory_space<vmem>> -> memref<1x1x128xi32, #tpu.memory_space<vmem>>
            %dma_wait3A_308 = tpu.memref_squeeze %dma_wait3A_307 : memref<1x1x128xi32, #tpu.memory_space<vmem>> -> memref<1x128xi32, #tpu.memory_space<vmem>>
            %dma_wait3A_309 = arith.constant 0 : i32
            %dma_wait3A_310 = tpu.memref_slice %arg3[%dma_wait3A_309, %mul3A_295] : memref<1x640000xi32, #tpu.memory_space<hbm>> -> memref<1x128xi32, #tpu.memory_space<hbm>>
            tpu.wait_dma2 semaphore(%dma_wait3A_304 : memref<!tpu.dma_semaphore, #tpu.memory_space<semaphore_mem>>) src(%dma_wait3A_310 : memref<1x128xi32, #tpu.memory_space<hbm>>) dst(%dma_wait3A_308 : memref<1x128xi32, #tpu.memory_space<vmem>>)
            "tpu.trace_stop"() : () -> ()
          } else {
          }
          %ne3A_216 = arith.cmpi ne, %add3A_155, %add3A_165 : i32
          %or3A_217 = arith.constant false
          %or3A_218 = arith.ori %or3A_217, %ne3A_216 : i1
          %or3A_219 = arith.constant false
          %or3A_220 = arith.ori %or3A_218, %or3A_219 : i1
          %or3A_221 = arith.ori %or3A_220, %eq3A_151 : i1
          %convert_element_type3A_222 = arith.extui %or3A_221 : i1 to i32
          %cond3A_223 = arith.constant 0 : i32
          %cond3A_224 = arith.cmpi ne, %convert_element_type3A_222, %cond3A_223 : i32
          scf.if %cond3A_224 {
          } else {
          }
          %rem3A_225 = arith.constant 2 : i32
          %rem3A_226 = arith.remui %while3A_144, %rem3A_225 : i32
          %rem3A_227 = arith.constant 2 : i32
          %rem3A_228 = arith.remui %while3A_145, %rem3A_227 : i32
          %run_scoped3A_229 = arith.constant 0 : i32
          "tpu.trace_start"() <{level = 10 : i32, message = "ep_run_kernel"}> : () -> ()
          "tpu.region"() ({
            %run_scoped3A_294 = tpu.sem_alloc : memref<!tpu.dma_semaphore, #tpu.memory_space<semaphore_mem>>
            %dma_start3A_295 = arith.constant 0 : i32
            %dma_start3A_296 = arith.constant 0 : i32
            %dma_start3A_297 = tpu.memref_slice %run_scoped3A_18[%rem3A_228, %dma_start3A_295, %dma_start3A_296] : memref<2x128x128xf32, #tpu.memory_space<vmem>> -> memref<1x128x128xf32, #tpu.memory_space<vmem>>
            %dma_start3A_298 = tpu.memref_squeeze %dma_start3A_297 : memref<1x128x128xf32, #tpu.memory_space<vmem>> -> memref<128x128xf32, #tpu.memory_space<vmem>>
            %dma_start3A_299 = arith.constant 0 : i32
            %dma_start3A_300 = arith.constant 0 : i32
            %dma_start3A_301 = tpu.memref_slice %run_scoped3A[%rem3A_226, %dma_start3A_299, %dma_start3A_300] : memref<2x1x128xi32, #tpu.memory_space<vmem>> -> memref<1x1x128xi32, #tpu.memory_space<vmem>>
            %dma_start3A_302 = tpu.memref_squeeze %dma_start3A_301 : memref<1x1x128xi32, #tpu.memory_space<vmem>> -> memref<1x128xi32, #tpu.memory_space<vmem>>
            %dma_start3A_303 = arith.constant 0 : i32
            %dma_start3A_304 = tpu.memref_slice %dma_start3A_302[%run_scoped3A_229, %dma_start3A_303] : memref<1x128xi32, #tpu.memory_space<vmem>> -> memref<1x128xi32, #tpu.memory_space<vmem>>
            %dma_start3A_305 = tpu.memref_squeeze %dma_start3A_304 : memref<1x128xi32, #tpu.memory_space<vmem>> -> memref<128xi32, #tpu.memory_space<vmem>>
            %dma_start3A_306 = arith.constant 0 : i32
            %dma_start3A_307 = arith.constant 0 : i32
            %dma_start3A_308 = tpu.memref_slice %arg2[%dma_start3A_306, %dma_start3A_307] : memref<10000x128xf32, #tpu.memory_space<hbm>> -> memref<10000x128xf32, #tpu.memory_space<hbm>>
            tpu.enqueue_indirect_dma source(%dma_start3A_308 : memref<10000x128xf32, #tpu.memory_space<hbm>>) target(%dma_start3A_298 : memref<128x128xf32, #tpu.memory_space<vmem>>) offsets(%dma_start3A_305 : memref<128xi32, #tpu.memory_space<vmem>>) semaphore(%run_scoped3A_294 : memref<!tpu.dma_semaphore, #tpu.memory_space<semaphore_mem>>)
            %dma_wait3A = arith.constant 0 : i32
            %dma_wait3A_309 = arith.constant 0 : i32
            %dma_wait3A_310 = tpu.memref_slice %run_scoped3A_18[%rem3A_228, %dma_wait3A, %dma_wait3A_309] : memref<2x128x128xf32, #tpu.memory_space<vmem>> -> memref<1x128x128xf32, #tpu.memory_space<vmem>>
            %dma_wait3A_311 = tpu.memref_squeeze %dma_wait3A_310 : memref<1x128x128xf32, #tpu.memory_space<vmem>> -> memref<128x128xf32, #tpu.memory_space<vmem>>
            %dma_wait3A_312 = arith.constant 0 : i32
            %dma_wait3A_313 = arith.constant 0 : i32
            %dma_wait3A_314 = tpu.memref_slice %run_scoped3A[%rem3A_226, %dma_wait3A_312, %dma_wait3A_313] : memref<2x1x128xi32, #tpu.memory_space<vmem>> -> memref<1x1x128xi32, #tpu.memory_space<vmem>>
            %dma_wait3A_315 = tpu.memref_squeeze %dma_wait3A_314 : memref<1x1x128xi32, #tpu.memory_space<vmem>> -> memref<1x128xi32, #tpu.memory_space<vmem>>
            %dma_wait3A_316 = arith.constant 0 : i32
            %dma_wait3A_317 = tpu.memref_slice %dma_wait3A_315[%run_scoped3A_229, %dma_wait3A_316] : memref<1x128xi32, #tpu.memory_space<vmem>> -> memref<1x128xi32, #tpu.memory_space<vmem>>
            %dma_wait3A_318 = tpu.memref_squeeze %dma_wait3A_317 : memref<1x128xi32, #tpu.memory_space<vmem>> -> memref<128xi32, #tpu.memory_space<vmem>>
            %dma_wait3A_319 = arith.constant 0 : i32
            %dma_wait3A_320 = arith.constant 0 : i32
            %dma_wait3A_321 = tpu.memref_slice %arg2[%dma_wait3A_319, %dma_wait3A_320] : memref<10000x128xf32, #tpu.memory_space<hbm>> -> memref<10000x128xf32, #tpu.memory_space<hbm>>
            tpu.wait_indirect_dma semaphore(%run_scoped3A_294 : memref<!tpu.dma_semaphore, #tpu.memory_space<semaphore_mem>>) src(%dma_wait3A_321 : memref<10000x128xf32, #tpu.memory_space<hbm>>) dst(%dma_wait3A_311 : memref<128x128xf32, #tpu.memory_space<vmem>>)
            tpu.yield
          }) : () -> ()
          "tpu.trace_stop"() : () -> ()
          %ne3A_230 = arith.cmpi ne, %add3A_155, %add3A_173 : i32
          %or3A_231 = arith.constant false
          %or3A_232 = arith.ori %or3A_231, %ne3A_230 : i1
          %or3A_233 = arith.ori %or3A_232, %eq3A_154 : i1
          %convert_element_type3A_234 = arith.extui %or3A_233 : i1 to i32
          %cond3A_235 = arith.constant 0 : i32
          %cond3A_236 = arith.cmpi ne, %convert_element_type3A_234, %cond3A_235 : i32
          scf.if %cond3A_236 {
          } else {
          }
          %and3A_237 = arith.constant false
          %and3A_238 = arith.andi %or3A_233, %and3A_237 : i1
          %ne3A_239 = arith.cmpi ne, %add3A_155, %add3A_173 : i32
          %or3A_240 = arith.constant false
          %or3A_241 = arith.ori %or3A_240, %ne3A_239 : i1
          %or3A_242 = arith.constant false
          %or3A_243 = arith.ori %or3A_241, %or3A_242 : i1
          %or3A_244 = arith.ori %or3A_243, %eq3A_154 : i1
          %convert_element_type3A_245 = arith.extui %or3A_244 : i1 to i32
          %cond3A_246 = arith.constant 0 : i32
          %cond3A_247 = arith.cmpi ne, %convert_element_type3A_245, %cond3A_246 : i32
          scf.if %cond3A_247 {
            "tpu.trace_start"() <{level = 10 : i32, message = "ep_copy_out"}> : () -> ()
            %rem3A_294 = arith.constant 2 : i32
            %rem3A_295 = arith.remui %while3A_145, %rem3A_294 : i32
            %mul3A_296 = arith.constant 128 : i32
            %mul3A_297 = arith.muli %mul3A_296, %add3A_155 : i32
            %dma_start3A_298 = arith.constant 0 : i32
            %dma_start3A_299 = arith.constant 0 : i32
            %dma_start3A_300 = tpu.memref_slice %run_scoped3A_18[%rem3A_295, %dma_start3A_298, %dma_start3A_299] : memref<2x128x128xf32, #tpu.memory_space<vmem>> -> memref<1x128x128xf32, #tpu.memory_space<vmem>>
            %dma_start3A_301 = tpu.memref_squeeze %dma_start3A_300 : memref<1x128x128xf32, #tpu.memory_space<vmem>> -> memref<128x128xf32, #tpu.memory_space<vmem>>
            %dma_start3A_302 = arith.constant 0 : i32
            %dma_start3A_303 = tpu.memref_slice %arg4[%mul3A_297, %dma_start3A_302] : memref<640000x128xf32, #tpu.memory_space<hbm>> -> memref<128x128xf32, #tpu.memory_space<hbm>>
            %dma_start3A_304 = tpu.memref_slice %run_scoped3A_19[%rem3A_295] : memref<2x!tpu.dma_semaphore, #tpu.memory_space<semaphore_mem>> -> memref<1x!tpu.dma_semaphore, #tpu.memory_space<semaphore_mem>>
            %dma_start3A_305 = tpu.memref_squeeze %dma_start3A_304 : memref<1x!tpu.dma_semaphore, #tpu.memory_space<semaphore_mem>> -> memref<!tpu.dma_semaphore, #tpu.memory_space<semaphore_mem>>
            %dma_start3A_306 = arith.constant 0 : i32
            %dma_start3A_307 = tpu.memref_slice %arg4[%mul3A_297, %dma_start3A_306] : memref<640000x128xf32, #tpu.memory_space<hbm>> -> memref<128x128xf32, #tpu.memory_space<hbm>>
            %dma_start3A_308 = arith.constant 0 : i32
            %dma_start3A_309 = arith.constant 0 : i32
            %dma_start3A_310 = tpu.memref_slice %run_scoped3A_18[%rem3A_295, %dma_start3A_308, %dma_start3A_309] : memref<2x128x128xf32, #tpu.memory_space<vmem>> -> memref<1x128x128xf32, #tpu.memory_space<vmem>>
            %dma_start3A_311 = tpu.memref_squeeze %dma_start3A_310 : memref<1x128x128xf32, #tpu.memory_space<vmem>> -> memref<128x128xf32, #tpu.memory_space<vmem>>
            tpu.enqueue_dma source(%dma_start3A_311 : memref<128x128xf32, #tpu.memory_space<vmem>>) target(%dma_start3A_307 : memref<128x128xf32, #tpu.memory_space<hbm>>) target_semaphore(%dma_start3A_305 : memref<!tpu.dma_semaphore, #tpu.memory_space<semaphore_mem>>)
            "tpu.trace_stop"() : () -> ()
          } else {
          }
          %and3A_248 = arith.constant true
          %and3A_249 = arith.andi %or3A_244, %and3A_248 : i1
          %add3A_250 = arith.constant 1 : i32
          %add3A_251 = arith.addi %while3A_145, %add3A_250 : i32
          %select_n3A_252 = arith.select %and3A_249, %add3A_251, %while3A_145 : i32
          %ne3A_253 = arith.cmpi ne, %add3A_155, %add3A_165 : i32
          %or3A_254 = arith.constant false
          %or3A_255 = arith.ori %or3A_254, %ne3A_253 : i1
          %not3A_256 = arith.constant true
          %not3A_257 = arith.xori %eq3A_151, %not3A_256 : i1
          %and3A_258 = arith.andi %or3A_255, %not3A_257 : i1
          %convert_element_type3A_259 = arith.extui %and3A_258 : i1 to i32
          %cond3A_260 = arith.constant 0 : i32
          %cond3A_261 = arith.cmpi ne, %convert_element_type3A_259, %cond3A_260 : i32
          scf.if %cond3A_261 {
          } else {
          }
          %and3A_262 = arith.constant false
          %and3A_263 = arith.andi %and3A_258, %and3A_262 : i1
          %ne3A_264 = arith.cmpi ne, %add3A_155, %add3A_165 : i32
          %or3A_265 = arith.constant false
          %or3A_266 = arith.ori %or3A_265, %ne3A_264 : i1
          %or3A_267 = arith.constant false
          %or3A_268 = arith.ori %or3A_266, %or3A_267 : i1
          %not3A_269 = arith.constant true
          %not3A_270 = arith.xori %eq3A_151, %not3A_269 : i1
          %and3A_271 = arith.andi %or3A_268, %not3A_270 : i1
          %convert_element_type3A_272 = arith.extui %and3A_271 : i1 to i32
          %cond3A_273 = arith.constant 0 : i32
          %cond3A_274 = arith.cmpi ne, %convert_element_type3A_272, %cond3A_273 : i32
          scf.if %cond3A_274 {
            "tpu.trace_start"() <{level = 10 : i32, message = "ep_wait_out"}> : () -> ()
            %rem3A_294 = arith.constant 2 : i32
            %rem3A_295 = arith.remui %while3A_146, %rem3A_294 : i32
            %mul3A_296 = arith.constant 128 : i32
            %mul3A_297 = arith.muli %mul3A_296, %add3A_165 : i32
            %dma_wait3A = arith.constant 0 : i32
            %dma_wait3A_298 = arith.constant 0 : i32
            %dma_wait3A_299 = tpu.memref_slice %run_scoped3A_18[%rem3A_295, %dma_wait3A, %dma_wait3A_298] : memref<2x128x128xf32, #tpu.memory_space<vmem>> -> memref<1x128x128xf32, #tpu.memory_space<vmem>>
            %dma_wait3A_300 = tpu.memref_squeeze %dma_wait3A_299 : memref<1x128x128xf32, #tpu.memory_space<vmem>> -> memref<128x128xf32, #tpu.memory_space<vmem>>
            %dma_wait3A_301 = arith.constant 0 : i32
            %dma_wait3A_302 = tpu.memref_slice %arg4[%mul3A_297, %dma_wait3A_301] : memref<640000x128xf32, #tpu.memory_space<hbm>> -> memref<128x128xf32, #tpu.memory_space<hbm>>
            %dma_wait3A_303 = tpu.memref_slice %run_scoped3A_19[%rem3A_295] : memref<2x!tpu.dma_semaphore, #tpu.memory_space<semaphore_mem>> -> memref<1x!tpu.dma_semaphore, #tpu.memory_space<semaphore_mem>>
            %dma_wait3A_304 = tpu.memref_squeeze %dma_wait3A_303 : memref<1x!tpu.dma_semaphore, #tpu.memory_space<semaphore_mem>> -> memref<!tpu.dma_semaphore, #tpu.memory_space<semaphore_mem>>
            %dma_wait3A_305 = arith.constant 0 : i32
            %dma_wait3A_306 = tpu.memref_slice %arg4[%mul3A_297, %dma_wait3A_305] : memref<640000x128xf32, #tpu.memory_space<hbm>> -> memref<128x128xf32, #tpu.memory_space<hbm>>
            %dma_wait3A_307 = arith.constant 0 : i32
            %dma_wait3A_308 = arith.constant 0 : i32
            %dma_wait3A_309 = tpu.memref_slice %run_scoped3A_18[%rem3A_295, %dma_wait3A_307, %dma_wait3A_308] : memref<2x128x128xf32, #tpu.memory_space<vmem>> -> memref<1x128x128xf32, #tpu.memory_space<vmem>>
            %dma_wait3A_310 = tpu.memref_squeeze %dma_wait3A_309 : memref<1x128x128xf32, #tpu.memory_space<vmem>> -> memref<128x128xf32, #tpu.memory_space<vmem>>
            tpu.wait_dma2 semaphore(%dma_wait3A_304 : memref<!tpu.dma_semaphore, #tpu.memory_space<semaphore_mem>>) src(%dma_wait3A_310 : memref<128x128xf32, #tpu.memory_space<vmem>>) dst(%dma_wait3A_306 : memref<128x128xf32, #tpu.memory_space<hbm>>)
            "tpu.trace_stop"() : () -> ()
          } else {
          }
          %and3A_275 = arith.constant true
          %and3A_276 = arith.andi %and3A_271, %and3A_275 : i1
          %add3A_277 = arith.constant 1 : i32
          %add3A_278 = arith.addi %while3A_146, %add3A_277 : i32
          %select_n3A_279 = arith.select %and3A_276, %add3A_278, %while3A_146 : i32
          %ne3A_280 = arith.cmpi ne, %add3A_155, %add3A_173 : i32
          %or3A_281 = arith.constant false
          %or3A_282 = arith.ori %or3A_281, %ne3A_280 : i1
          %or3A_283 = arith.ori %or3A_282, %eq3A_154 : i1
          %add3A_284 = arith.constant 1 : i32
          %add3A_285 = arith.addi %while3A_144, %add3A_284 : i32
          %select_n3A_286 = arith.select %or3A_283, %add3A_285, %while3A_144 : i32
          %add3A_287 = arith.constant 1 : i32
          %add3A_288 = arith.addi %while3A_147, %add3A_287 : i32
          %select_n3A_289 = arith.constant true
          %select_n3A_290 = arith.select %select_n3A_289, %add3A_288, %while3A_147 : i32
          %eq3A_291 = arith.cmpi eq, %select_n3A_290, %select_n3A : i32
          %select_n3A_292 = arith.constant 0 : i32
          %select_n3A_293 = arith.select %eq3A_291, %select_n3A_292, %select_n3A_290 : i32
          scf.yield %select_n3A_195, %select_n3A_286, %select_n3A_252, %select_n3A_279, %select_n3A_293 : i32, i32, i32, i32, i32
        }
        %while3A_89 = arith.constant 1 : i32
        %while3A_90:5 = scf.for %while3A_142 = %while3A_86 to %while3A_82 step %while3A_89 iter_args(%while3A_143 = %while3A_88#0, %while3A_144 = %while3A_88#1, %while3A_145 = %while3A_88#2, %while3A_146 = %while3A_88#3, %while3A_147 = %while3A_88#4) -> (i32, i32, i32, i32, i32)  : i32 {
          %mul3A_148 = arith.constant 1 : i32
          %mul3A_149 = arith.muli %mul3A_148, %select_n3A : i32
          %eq3A_150 = arith.constant 0 : i32
          %eq3A_151 = arith.cmpi eq, %while3A_142, %eq3A_150 : i32
          %sub3A_152 = arith.constant 1 : i32
          %sub3A_153 = arith.subi %mul3A_149, %sub3A_152 : i32
          %eq3A_154 = arith.cmpi eq, %while3A_142, %sub3A_153 : i32
          %add3A_155 = arith.addi %while3A_147, %select_n3A_14 : i32
          %sub3A_156 = arith.constant 1 : i32
          %sub3A_157 = arith.subi %while3A_147, %sub3A_156 : i32
          %select_n3A_158 = arith.constant true
          %select_n3A_159 = arith.select %select_n3A_158, %sub3A_157, %while3A_147 : i32
          %eq3A_160 = arith.constant -1 : i32
          %eq3A_161 = arith.cmpi eq, %select_n3A_159, %eq3A_160 : i32
          %sub3A_162 = arith.constant 1 : i32
          %sub3A_163 = arith.subi %select_n3A, %sub3A_162 : i32
          %select_n3A_164 = arith.select %eq3A_161, %sub3A_163, %select_n3A_159 : i32
          %add3A_165 = arith.addi %select_n3A_164, %select_n3A_14 : i32
          %add3A_166 = arith.constant 1 : i32
          %add3A_167 = arith.addi %while3A_147, %add3A_166 : i32
          %select_n3A_168 = arith.constant true
          %select_n3A_169 = arith.select %select_n3A_168, %add3A_167, %while3A_147 : i32
          %eq3A_170 = arith.cmpi eq, %select_n3A_169, %select_n3A : i32
          %select_n3A_171 = arith.constant 0 : i32
          %select_n3A_172 = arith.select %eq3A_170, %select_n3A_171, %select_n3A_169 : i32
          %add3A_173 = arith.addi %select_n3A_172, %select_n3A_14 : i32
          %add3A_174 = arith.constant 1 : i32
          %add3A_175 = arith.addi %select_n3A_172, %add3A_174 : i32
          %select_n3A_176 = arith.constant true
          %select_n3A_177 = arith.select %select_n3A_176, %add3A_175, %select_n3A_172 : i32
          %eq3A_178 = arith.cmpi eq, %select_n3A_177, %select_n3A : i32
          %select_n3A_179 = arith.constant 0 : i32
          %select_n3A_180 = arith.select %eq3A_178, %select_n3A_179, %select_n3A_177 : i32
          %add3A_181 = arith.addi %select_n3A_180, %select_n3A_14 : i32
          %ne3A = arith.cmpi ne, %add3A_155, %add3A_173 : i32
          %or3A = arith.constant false
          %or3A_182 = arith.ori %or3A, %ne3A : i1
          %sub3A_183 = arith.constant 2 : i32
          %sub3A_184 = arith.subi %mul3A_149, %sub3A_183 : i32
          %add3A_185 = arith.constant 1 : i32
          %add3A_186 = arith.addi %sub3A_184, %add3A_185 : i32
          %ge3A = arith.cmpi sge, %while3A_142, %add3A_186 : i32
          %not3A = arith.constant true
          %not3A_187 = arith.xori %ge3A, %not3A : i1
          %and3A = arith.andi %or3A_182, %not3A_187 : i1
          %convert_element_type3A_188 = arith.extui %and3A : i1 to i32
          %cond3A_189 = arith.constant 0 : i32
          %cond3A_190 = arith.cmpi ne, %convert_element_type3A_188, %cond3A_189 : i32
          scf.if %cond3A_190 {
            "tpu.trace_start"() <{level = 10 : i32, message = "ep_copy_in"}> : () -> ()
            %rem3A_294 = arith.constant 2 : i32
            %rem3A_295 = arith.remui %while3A_143, %rem3A_294 : i32
            %mul3A_296 = arith.constant 128 : i32
            %mul3A_297 = arith.muli %mul3A_296, %add3A_173 : i32
            %dma_start3A_298 = arith.constant 0 : i32
            %dma_start3A_299 = arith.constant 0 : i32
            %dma_start3A_300 = tpu.memref_slice %run_scoped3A[%rem3A_295, %dma_start3A_298, %dma_start3A_299] : memref<2x1x128xi32, #tpu.memory_space<vmem>> -> memref<1x1x128xi32, #tpu.memory_space<vmem>>
            %dma_start3A_301 = tpu.memref_squeeze %dma_start3A_300 : memref<1x1x128xi32, #tpu.memory_space<vmem>> -> memref<1x128xi32, #tpu.memory_space<vmem>>
            %dma_start3A_302 = arith.constant 0 : i32
            %dma_start3A_303 = tpu.memref_slice %arg3[%dma_start3A_302, %mul3A_297] : memref<1x640000xi32, #tpu.memory_space<hbm>> -> memref<1x128xi32, #tpu.memory_space<hbm>>
            %dma_start3A_304 = tpu.memref_slice %run_scoped3A_17[%rem3A_295] : memref<2x!tpu.dma_semaphore, #tpu.memory_space<semaphore_mem>> -> memref<1x!tpu.dma_semaphore, #tpu.memory_space<semaphore_mem>>
            %dma_start3A_305 = tpu.memref_squeeze %dma_start3A_304 : memref<1x!tpu.dma_semaphore, #tpu.memory_space<semaphore_mem>> -> memref<!tpu.dma_semaphore, #tpu.memory_space<semaphore_mem>>
            %dma_start3A_306 = arith.constant 0 : i32
            %dma_start3A_307 = arith.constant 0 : i32
            %dma_start3A_308 = tpu.memref_slice %run_scoped3A[%rem3A_295, %dma_start3A_306, %dma_start3A_307] : memref<2x1x128xi32, #tpu.memory_space<vmem>> -> memref<1x1x128xi32, #tpu.memory_space<vmem>>
            %dma_start3A_309 = tpu.memref_squeeze %dma_start3A_308 : memref<1x1x128xi32, #tpu.memory_space<vmem>> -> memref<1x128xi32, #tpu.memory_space<vmem>>
            %dma_start3A_310 = arith.constant 0 : i32
            %dma_start3A_311 = tpu.memref_slice %arg3[%dma_start3A_310, %mul3A_297] : memref<1x640000xi32, #tpu.memory_space<hbm>> -> memref<1x128xi32, #tpu.memory_space<hbm>>
            tpu.enqueue_dma source(%dma_start3A_311 : memref<1x128xi32, #tpu.memory_space<hbm>>) target(%dma_start3A_309 : memref<1x128xi32, #tpu.memory_space<vmem>>) target_semaphore(%dma_start3A_305 : memref<!tpu.dma_semaphore, #tpu.memory_space<semaphore_mem>>)
            "tpu.trace_stop"() : () -> ()
          } else {
          }
          %and3A_191 = arith.constant true
          %and3A_192 = arith.andi %and3A, %and3A_191 : i1
          %add3A_193 = arith.constant 1 : i32
          %add3A_194 = arith.addi %while3A_143, %add3A_193 : i32
          %select_n3A_195 = arith.select %and3A_192, %add3A_194, %while3A_143 : i32
          %ne3A_196 = arith.cmpi ne, %add3A_155, %add3A_173 : i32
          %or3A_197 = arith.constant false
          %or3A_198 = arith.ori %or3A_197, %ne3A_196 : i1
          %or3A_199 = arith.constant false
          %or3A_200 = arith.ori %or3A_198, %or3A_199 : i1
          %sub3A_201 = arith.constant 2 : i32
          %sub3A_202 = arith.subi %mul3A_149, %sub3A_201 : i32
          %add3A_203 = arith.constant 1 : i32
          %add3A_204 = arith.addi %sub3A_202, %add3A_203 : i32
          %ge3A_205 = arith.cmpi sge, %while3A_142, %add3A_204 : i32
          %not3A_206 = arith.constant true
          %not3A_207 = arith.xori %ge3A_205, %not3A_206 : i1
          %and3A_208 = arith.andi %or3A_200, %not3A_207 : i1
          %ne3A_209 = arith.cmpi ne, %add3A_155, %add3A_165 : i32
          %or3A_210 = arith.constant false
          %or3A_211 = arith.ori %or3A_210, %ne3A_209 : i1
          %or3A_212 = arith.ori %or3A_211, %eq3A_151 : i1
          %convert_element_type3A_213 = arith.extui %or3A_212 : i1 to i32
          %cond3A_214 = arith.constant 0 : i32
          %cond3A_215 = arith.cmpi ne, %convert_element_type3A_213, %cond3A_214 : i32
          scf.if %cond3A_215 {
            "tpu.trace_start"() <{level = 10 : i32, message = "ep_wait_in"}> : () -> ()
            %mul3A_294 = arith.constant 128 : i32
            %mul3A_295 = arith.muli %mul3A_294, %add3A_155 : i32
            %rem3A_296 = arith.constant 2 : i32
            %rem3A_297 = arith.remui %while3A_144, %rem3A_296 : i32
            %dma_wait3A = arith.constant 0 : i32
            %dma_wait3A_298 = arith.constant 0 : i32
            %dma_wait3A_299 = tpu.memref_slice %run_scoped3A[%rem3A_297, %dma_wait3A, %dma_wait3A_298] : memref<2x1x128xi32, #tpu.memory_space<vmem>> -> memref<1x1x128xi32, #tpu.memory_space<vmem>>
            %dma_wait3A_300 = tpu.memref_squeeze %dma_wait3A_299 : memref<1x1x128xi32, #tpu.memory_space<vmem>> -> memref<1x128xi32, #tpu.memory_space<vmem>>
            %dma_wait3A_301 = arith.constant 0 : i32
            %dma_wait3A_302 = tpu.memref_slice %arg3[%dma_wait3A_301, %mul3A_295] : memref<1x640000xi32, #tpu.memory_space<hbm>> -> memref<1x128xi32, #tpu.memory_space<hbm>>
            %dma_wait3A_303 = tpu.memref_slice %run_scoped3A_17[%rem3A_297] : memref<2x!tpu.dma_semaphore, #tpu.memory_space<semaphore_mem>> -> memref<1x!tpu.dma_semaphore, #tpu.memory_space<semaphore_mem>>
            %dma_wait3A_304 = tpu.memref_squeeze %dma_wait3A_303 : memref<1x!tpu.dma_semaphore, #tpu.memory_space<semaphore_mem>> -> memref<!tpu.dma_semaphore, #tpu.memory_space<semaphore_mem>>
            %dma_wait3A_305 = arith.constant 0 : i32
            %dma_wait3A_306 = arith.constant 0 : i32
            %dma_wait3A_307 = tpu.memref_slice %run_scoped3A[%rem3A_297, %dma_wait3A_305, %dma_wait3A_306] : memref<2x1x128xi32, #tpu.memory_space<vmem>> -> memref<1x1x128xi32, #tpu.memory_space<vmem>>
            %dma_wait3A_308 = tpu.memref_squeeze %dma_wait3A_307 : memref<1x1x128xi32, #tpu.memory_space<vmem>> -> memref<1x128xi32, #tpu.memory_space<vmem>>
            %dma_wait3A_309 = arith.constant 0 : i32
            %dma_wait3A_310 = tpu.memref_slice %arg3[%dma_wait3A_309, %mul3A_295] : memref<1x640000xi32, #tpu.memory_space<hbm>> -> memref<1x128xi32, #tpu.memory_space<hbm>>
            tpu.wait_dma2 semaphore(%dma_wait3A_304 : memref<!tpu.dma_semaphore, #tpu.memory_space<semaphore_mem>>) src(%dma_wait3A_310 : memref<1x128xi32, #tpu.memory_space<hbm>>) dst(%dma_wait3A_308 : memref<1x128xi32, #tpu.memory_space<vmem>>)
            "tpu.trace_stop"() : () -> ()
          } else {
          }
          %ne3A_216 = arith.cmpi ne, %add3A_155, %add3A_165 : i32
          %or3A_217 = arith.constant false
          %or3A_218 = arith.ori %or3A_217, %ne3A_216 : i1
          %or3A_219 = arith.constant false
          %or3A_220 = arith.ori %or3A_218, %or3A_219 : i1
          %or3A_221 = arith.ori %or3A_220, %eq3A_151 : i1
          %convert_element_type3A_222 = arith.extui %or3A_221 : i1 to i32
          %cond3A_223 = arith.constant 0 : i32
          %cond3A_224 = arith.cmpi ne, %convert_element_type3A_222, %cond3A_223 : i32
          scf.if %cond3A_224 {
          } else {
          }
          %rem3A_225 = arith.constant 2 : i32
          %rem3A_226 = arith.remui %while3A_144, %rem3A_225 : i32
          %rem3A_227 = arith.constant 2 : i32
          %rem3A_228 = arith.remui %while3A_145, %rem3A_227 : i32
          %run_scoped3A_229 = arith.constant 0 : i32
          "tpu.trace_start"() <{level = 10 : i32, message = "ep_run_kernel"}> : () -> ()
          "tpu.region"() ({
            %run_scoped3A_294 = tpu.sem_alloc : memref<!tpu.dma_semaphore, #tpu.memory_space<semaphore_mem>>
            %dma_start3A_295 = arith.constant 0 : i32
            %dma_start3A_296 = arith.constant 0 : i32
            %dma_start3A_297 = tpu.memref_slice %run_scoped3A_18[%rem3A_228, %dma_start3A_295, %dma_start3A_296] : memref<2x128x128xf32, #tpu.memory_space<vmem>> -> memref<1x128x128xf32, #tpu.memory_space<vmem>>
            %dma_start3A_298 = tpu.memref_squeeze %dma_start3A_297 : memref<1x128x128xf32, #tpu.memory_space<vmem>> -> memref<128x128xf32, #tpu.memory_space<vmem>>
            %dma_start3A_299 = arith.constant 0 : i32
            %dma_start3A_300 = arith.constant 0 : i32
            %dma_start3A_301 = tpu.memref_slice %run_scoped3A[%rem3A_226, %dma_start3A_299, %dma_start3A_300] : memref<2x1x128xi32, #tpu.memory_space<vmem>> -> memref<1x1x128xi32, #tpu.memory_space<vmem>>
            %dma_start3A_302 = tpu.memref_squeeze %dma_start3A_301 : memref<1x1x128xi32, #tpu.memory_space<vmem>> -> memref<1x128xi32, #tpu.memory_space<vmem>>
            %dma_start3A_303 = arith.constant 0 : i32
            %dma_start3A_304 = tpu.memref_slice %dma_start3A_302[%run_scoped3A_229, %dma_start3A_303] : memref<1x128xi32, #tpu.memory_space<vmem>> -> memref<1x128xi32, #tpu.memory_space<vmem>>
            %dma_start3A_305 = tpu.memref_squeeze %dma_start3A_304 : memref<1x128xi32, #tpu.memory_space<vmem>> -> memref<128xi32, #tpu.memory_space<vmem>>
            %dma_start3A_306 = arith.constant 0 : i32
            %dma_start3A_307 = arith.constant 0 : i32
            %dma_start3A_308 = tpu.memref_slice %arg2[%dma_start3A_306, %dma_start3A_307] : memref<10000x128xf32, #tpu.memory_space<hbm>> -> memref<10000x128xf32, #tpu.memory_space<hbm>>
            tpu.enqueue_indirect_dma source(%dma_start3A_308 : memref<10000x128xf32, #tpu.memory_space<hbm>>) target(%dma_start3A_298 : memref<128x128xf32, #tpu.memory_space<vmem>>) offsets(%dma_start3A_305 : memref<128xi32, #tpu.memory_space<vmem>>) semaphore(%run_scoped3A_294 : memref<!tpu.dma_semaphore, #tpu.memory_space<semaphore_mem>>)
            %dma_wait3A = arith.constant 0 : i32
            %dma_wait3A_309 = arith.constant 0 : i32
            %dma_wait3A_310 = tpu.memref_slice %run_scoped3A_18[%rem3A_228, %dma_wait3A, %dma_wait3A_309] : memref<2x128x128xf32, #tpu.memory_space<vmem>> -> memref<1x128x128xf32, #tpu.memory_space<vmem>>
            %dma_wait3A_311 = tpu.memref_squeeze %dma_wait3A_310 : memref<1x128x128xf32, #tpu.memory_space<vmem>> -> memref<128x128xf32, #tpu.memory_space<vmem>>
            %dma_wait3A_312 = arith.constant 0 : i32
            %dma_wait3A_313 = arith.constant 0 : i32
            %dma_wait3A_314 = tpu.memref_slice %run_scoped3A[%rem3A_226, %dma_wait3A_312, %dma_wait3A_313] : memref<2x1x128xi32, #tpu.memory_space<vmem>> -> memref<1x1x128xi32, #tpu.memory_space<vmem>>
            %dma_wait3A_315 = tpu.memref_squeeze %dma_wait3A_314 : memref<1x1x128xi32, #tpu.memory_space<vmem>> -> memref<1x128xi32, #tpu.memory_space<vmem>>
            %dma_wait3A_316 = arith.constant 0 : i32
            %dma_wait3A_317 = tpu.memref_slice %dma_wait3A_315[%run_scoped3A_229, %dma_wait3A_316] : memref<1x128xi32, #tpu.memory_space<vmem>> -> memref<1x128xi32, #tpu.memory_space<vmem>>
            %dma_wait3A_318 = tpu.memref_squeeze %dma_wait3A_317 : memref<1x128xi32, #tpu.memory_space<vmem>> -> memref<128xi32, #tpu.memory_space<vmem>>
            %dma_wait3A_319 = arith.constant 0 : i32
            %dma_wait3A_320 = arith.constant 0 : i32
            %dma_wait3A_321 = tpu.memref_slice %arg2[%dma_wait3A_319, %dma_wait3A_320] : memref<10000x128xf32, #tpu.memory_space<hbm>> -> memref<10000x128xf32, #tpu.memory_space<hbm>>
            tpu.wait_indirect_dma semaphore(%run_scoped3A_294 : memref<!tpu.dma_semaphore, #tpu.memory_space<semaphore_mem>>) src(%dma_wait3A_321 : memref<10000x128xf32, #tpu.memory_space<hbm>>) dst(%dma_wait3A_311 : memref<128x128xf32, #tpu.memory_space<vmem>>)
            tpu.yield
          }) : () -> ()
          "tpu.trace_stop"() : () -> ()
          %ne3A_230 = arith.cmpi ne, %add3A_155, %add3A_173 : i32
          %or3A_231 = arith.constant false
          %or3A_232 = arith.ori %or3A_231, %ne3A_230 : i1
          %or3A_233 = arith.ori %or3A_232, %eq3A_154 : i1
          %convert_element_type3A_234 = arith.extui %or3A_233 : i1 to i32
          %cond3A_235 = arith.constant 0 : i32
          %cond3A_236 = arith.cmpi ne, %convert_element_type3A_234, %cond3A_235 : i32
          scf.if %cond3A_236 {
          } else {
          }
          %and3A_237 = arith.constant false
          %and3A_238 = arith.andi %or3A_233, %and3A_237 : i1
          %ne3A_239 = arith.cmpi ne, %add3A_155, %add3A_173 : i32
          %or3A_240 = arith.constant false
          %or3A_241 = arith.ori %or3A_240, %ne3A_239 : i1
          %or3A_242 = arith.constant false
          %or3A_243 = arith.ori %or3A_241, %or3A_242 : i1
          %or3A_244 = arith.ori %or3A_243, %eq3A_154 : i1
          %convert_element_type3A_245 = arith.extui %or3A_244 : i1 to i32
          %cond3A_246 = arith.constant 0 : i32
          %cond3A_247 = arith.cmpi ne, %convert_element_type3A_245, %cond3A_246 : i32
          scf.if %cond3A_247 {
            "tpu.trace_start"() <{level = 10 : i32, message = "ep_copy_out"}> : () -> ()
            %rem3A_294 = arith.constant 2 : i32
            %rem3A_295 = arith.remui %while3A_145, %rem3A_294 : i32
            %mul3A_296 = arith.constant 128 : i32
            %mul3A_297 = arith.muli %mul3A_296, %add3A_155 : i32
            %dma_start3A_298 = arith.constant 0 : i32
            %dma_start3A_299 = arith.constant 0 : i32
            %dma_start3A_300 = tpu.memref_slice %run_scoped3A_18[%rem3A_295, %dma_start3A_298, %dma_start3A_299] : memref<2x128x128xf32, #tpu.memory_space<vmem>> -> memref<1x128x128xf32, #tpu.memory_space<vmem>>
            %dma_start3A_301 = tpu.memref_squeeze %dma_start3A_300 : memref<1x128x128xf32, #tpu.memory_space<vmem>> -> memref<128x128xf32, #tpu.memory_space<vmem>>
            %dma_start3A_302 = arith.constant 0 : i32
            %dma_start3A_303 = tpu.memref_slice %arg4[%mul3A_297, %dma_start3A_302] : memref<640000x128xf32, #tpu.memory_space<hbm>> -> memref<128x128xf32, #tpu.memory_space<hbm>>
            %dma_start3A_304 = tpu.memref_slice %run_scoped3A_19[%rem3A_295] : memref<2x!tpu.dma_semaphore, #tpu.memory_space<semaphore_mem>> -> memref<1x!tpu.dma_semaphore, #tpu.memory_space<semaphore_mem>>
            %dma_start3A_305 = tpu.memref_squeeze %dma_start3A_304 : memref<1x!tpu.dma_semaphore, #tpu.memory_space<semaphore_mem>> -> memref<!tpu.dma_semaphore, #tpu.memory_space<semaphore_mem>>
            %dma_start3A_306 = arith.constant 0 : i32
            %dma_start3A_307 = tpu.memref_slice %arg4[%mul3A_297, %dma_start3A_306] : memref<640000x128xf32, #tpu.memory_space<hbm>> -> memref<128x128xf32, #tpu.memory_space<hbm>>
            %dma_start3A_308 = arith.constant 0 : i32
            %dma_start3A_309 = arith.constant 0 : i32
            %dma_start3A_310 = tpu.memref_slice %run_scoped3A_18[%rem3A_295, %dma_start3A_308, %dma_start3A_309] : memref<2x128x128xf32, #tpu.memory_space<vmem>> -> memref<1x128x128xf32, #tpu.memory_space<vmem>>
            %dma_start3A_311 = tpu.memref_squeeze %dma_start3A_310 : memref<1x128x128xf32, #tpu.memory_space<vmem>> -> memref<128x128xf32, #tpu.memory_space<vmem>>
            tpu.enqueue_dma source(%dma_start3A_311 : memref<128x128xf32, #tpu.memory_space<vmem>>) target(%dma_start3A_307 : memref<128x128xf32, #tpu.memory_space<hbm>>) target_semaphore(%dma_start3A_305 : memref<!tpu.dma_semaphore, #tpu.memory_space<semaphore_mem>>)
            "tpu.trace_stop"() : () -> ()
          } else {
          }
          %and3A_248 = arith.constant true
          %and3A_249 = arith.andi %or3A_244, %and3A_248 : i1
          %add3A_250 = arith.constant 1 : i32
          %add3A_251 = arith.addi %while3A_145, %add3A_250 : i32
          %select_n3A_252 = arith.select %and3A_249, %add3A_251, %while3A_145 : i32
          %ne3A_253 = arith.cmpi ne, %add3A_155, %add3A_165 : i32
          %or3A_254 = arith.constant false
          %or3A_255 = arith.ori %or3A_254, %ne3A_253 : i1
          %not3A_256 = arith.constant true
          %not3A_257 = arith.xori %eq3A_151, %not3A_256 : i1
          %and3A_258 = arith.andi %or3A_255, %not3A_257 : i1
          %convert_element_type3A_259 = arith.extui %and3A_258 : i1 to i32
          %cond3A_260 = arith.constant 0 : i32
          %cond3A_261 = arith.cmpi ne, %convert_element_type3A_259, %cond3A_260 : i32
          scf.if %cond3A_261 {
          } else {
          }
          %and3A_262 = arith.constant false
          %and3A_263 = arith.andi %and3A_258, %and3A_262 : i1
          %ne3A_264 = arith.cmpi ne, %add3A_155, %add3A_165 : i32
          %or3A_265 = arith.constant false
          %or3A_266 = arith.ori %or3A_265, %ne3A_264 : i1
          %or3A_267 = arith.constant false
          %or3A_268 = arith.ori %or3A_266, %or3A_267 : i1
          %not3A_269 = arith.constant true
          %not3A_270 = arith.xori %eq3A_151, %not3A_269 : i1
          %and3A_271 = arith.andi %or3A_268, %not3A_270 : i1
          %convert_element_type3A_272 = arith.extui %and3A_271 : i1 to i32
          %cond3A_273 = arith.constant 0 : i32
          %cond3A_274 = arith.cmpi ne, %convert_element_type3A_272, %cond3A_273 : i32
          scf.if %cond3A_274 {
            "tpu.trace_start"() <{level = 10 : i32, message = "ep_wait_out"}> : () -> ()
            %rem3A_294 = arith.constant 2 : i32
            %rem3A_295 = arith.remui %while3A_146, %rem3A_294 : i32
            %mul3A_296 = arith.constant 128 : i32
            %mul3A_297 = arith.muli %mul3A_296, %add3A_165 : i32
            %dma_wait3A = arith.constant 0 : i32
            %dma_wait3A_298 = arith.constant 0 : i32
            %dma_wait3A_299 = tpu.memref_slice %run_scoped3A_18[%rem3A_295, %dma_wait3A, %dma_wait3A_298] : memref<2x128x128xf32, #tpu.memory_space<vmem>> -> memref<1x128x128xf32, #tpu.memory_space<vmem>>
            %dma_wait3A_300 = tpu.memref_squeeze %dma_wait3A_299 : memref<1x128x128xf32, #tpu.memory_space<vmem>> -> memref<128x128xf32, #tpu.memory_space<vmem>>
            %dma_wait3A_301 = arith.constant 0 : i32
            %dma_wait3A_302 = tpu.memref_slice %arg4[%mul3A_297, %dma_wait3A_301] : memref<640000x128xf32, #tpu.memory_space<hbm>> -> memref<128x128xf32, #tpu.memory_space<hbm>>
            %dma_wait3A_303 = tpu.memref_slice %run_scoped3A_19[%rem3A_295] : memref<2x!tpu.dma_semaphore, #tpu.memory_space<semaphore_mem>> -> memref<1x!tpu.dma_semaphore, #tpu.memory_space<semaphore_mem>>
            %dma_wait3A_304 = tpu.memref_squeeze %dma_wait3A_303 : memref<1x!tpu.dma_semaphore, #tpu.memory_space<semaphore_mem>> -> memref<!tpu.dma_semaphore, #tpu.memory_space<semaphore_mem>>
            %dma_wait3A_305 = arith.constant 0 : i32
            %dma_wait3A_306 = tpu.memref_slice %arg4[%mul3A_297, %dma_wait3A_305] : memref<640000x128xf32, #tpu.memory_space<hbm>> -> memref<128x128xf32, #tpu.memory_space<hbm>>
            %dma_wait3A_307 = arith.constant 0 : i32
            %dma_wait3A_308 = arith.constant 0 : i32
            %dma_wait3A_309 = tpu.memref_slice %run_scoped3A_18[%rem3A_295, %dma_wait3A_307, %dma_wait3A_308] : memref<2x128x128xf32, #tpu.memory_space<vmem>> -> memref<1x128x128xf32, #tpu.memory_space<vmem>>
            %dma_wait3A_310 = tpu.memref_squeeze %dma_wait3A_309 : memref<1x128x128xf32, #tpu.memory_space<vmem>> -> memref<128x128xf32, #tpu.memory_space<vmem>>
            tpu.wait_dma2 semaphore(%dma_wait3A_304 : memref<!tpu.dma_semaphore, #tpu.memory_space<semaphore_mem>>) src(%dma_wait3A_310 : memref<128x128xf32, #tpu.memory_space<vmem>>) dst(%dma_wait3A_306 : memref<128x128xf32, #tpu.memory_space<hbm>>)
            "tpu.trace_stop"() : () -> ()
          } else {
          }
          %and3A_275 = arith.constant true
          %and3A_276 = arith.andi %and3A_271, %and3A_275 : i1
          %add3A_277 = arith.constant 1 : i32
          %add3A_278 = arith.addi %while3A_146, %add3A_277 : i32
          %select_n3A_279 = arith.select %and3A_276, %add3A_278, %while3A_146 : i32
          %ne3A_280 = arith.cmpi ne, %add3A_155, %add3A_173 : i32
          %or3A_281 = arith.constant false
          %or3A_282 = arith.ori %or3A_281, %ne3A_280 : i1
          %or3A_283 = arith.ori %or3A_282, %eq3A_154 : i1
          %add3A_284 = arith.constant 1 : i32
          %add3A_285 = arith.addi %while3A_144, %add3A_284 : i32
          %select_n3A_286 = arith.select %or3A_283, %add3A_285, %while3A_144 : i32
          %add3A_287 = arith.constant 1 : i32
          %add3A_288 = arith.addi %while3A_147, %add3A_287 : i32
          %select_n3A_289 = arith.constant true
          %select_n3A_290 = arith.select %select_n3A_289, %add3A_288, %while3A_147 : i32
          %eq3A_291 = arith.cmpi eq, %select_n3A_290, %select_n3A : i32
          %select_n3A_292 = arith.constant 0 : i32
          %select_n3A_293 = arith.select %eq3A_291, %select_n3A_292, %select_n3A_290 : i32
          scf.yield %select_n3A_195, %select_n3A_286, %select_n3A_252, %select_n3A_279, %select_n3A_293 : i32, i32, i32, i32, i32
        }
        %sub3A_91 = arith.constant 1 : i32
        %sub3A_92 = arith.subi %while3A_90#4, %sub3A_91 : i32
        %select_n3A_93 = arith.constant true
        %select_n3A_94 = arith.select %select_n3A_93, %sub3A_92, %while3A_90#4 : i32
        %eq3A_95 = arith.constant -1 : i32
        %eq3A_96 = arith.cmpi eq, %select_n3A_94, %eq3A_95 : i32
        %sub3A_97 = arith.constant 1 : i32
        %sub3A_98 = arith.subi %select_n3A, %sub3A_97 : i32
        %select_n3A_99 = arith.select %eq3A_96, %sub3A_98, %select_n3A_94 : i32
        %sub3A_100 = arith.constant 1 : i32
        %sub3A_101 = arith.subi %mul3A_16, %sub3A_100 : i32
        %mul3A_102 = arith.constant 1 : i32
        %mul3A_103 = arith.muli %mul3A_102, %select_n3A : i32
        %eq3A_104 = arith.constant 0 : i32
        %eq3A_105 = arith.cmpi eq, %sub3A_101, %eq3A_104 : i32
        %sub3A_106 = arith.constant 1 : i32
        %sub3A_107 = arith.subi %mul3A_103, %sub3A_106 : i32
        %eq3A_108 = arith.cmpi eq, %sub3A_101, %sub3A_107 : i32
        %add3A_109 = arith.addi %select_n3A_99, %select_n3A_14 : i32
        %sub3A_110 = arith.constant 1 : i32
        %sub3A_111 = arith.subi %select_n3A_99, %sub3A_110 : i32
        %select_n3A_112 = arith.constant true
        %select_n3A_113 = arith.select %select_n3A_112, %sub3A_111, %select_n3A_99 : i32
        %eq3A_114 = arith.constant -1 : i32
        %eq3A_115 = arith.cmpi eq, %select_n3A_113, %eq3A_114 : i32
        %sub3A_116 = arith.constant 1 : i32
        %sub3A_117 = arith.subi %select_n3A, %sub3A_116 : i32
        %select_n3A_118 = arith.select %eq3A_115, %sub3A_117, %select_n3A_113 : i32
        %add3A_119 = arith.addi %select_n3A_118, %select_n3A_14 : i32
        %add3A_120 = arith.constant 1 : i32
        %add3A_121 = arith.addi %select_n3A_99, %add3A_120 : i32
        %select_n3A_122 = arith.constant true
        %select_n3A_123 = arith.select %select_n3A_122, %add3A_121, %select_n3A_99 : i32
        %eq3A_124 = arith.cmpi eq, %select_n3A_123, %select_n3A : i32
        %select_n3A_125 = arith.constant 0 : i32
        %select_n3A_126 = arith.select %eq3A_124, %select_n3A_125, %select_n3A_123 : i32
        %add3A_127 = arith.addi %select_n3A_126, %select_n3A_14 : i32
        %add3A_128 = arith.constant 1 : i32
        %add3A_129 = arith.addi %select_n3A_126, %add3A_128 : i32
        %select_n3A_130 = arith.constant true
        %select_n3A_131 = arith.select %select_n3A_130, %add3A_129, %select_n3A_126 : i32
        %eq3A_132 = arith.cmpi eq, %select_n3A_131, %select_n3A : i32
        %select_n3A_133 = arith.constant 0 : i32
        %select_n3A_134 = arith.select %eq3A_132, %select_n3A_133, %select_n3A_131 : i32
        %add3A_135 = arith.addi %select_n3A_134, %select_n3A_14 : i32
        %convert_element_type3A_136 = arith.extui %eq3A_108 : i1 to i32
        %cond3A_137 = arith.constant 0 : i32
        %cond3A_138 = arith.cmpi ne, %convert_element_type3A_136, %cond3A_137 : i32
        scf.if %cond3A_138 {
        } else {
        }
        %convert_element_type3A_139 = arith.extui %eq3A_108 : i1 to i32
        %cond3A_140 = arith.constant 0 : i32
        %cond3A_141 = arith.cmpi ne, %convert_element_type3A_139, %cond3A_140 : i32
        scf.if %cond3A_141 {
          "tpu.trace_start"() <{level = 10 : i32, message = "ep_finalize"}> : () -> ()
          %rem3A_142 = arith.constant 2 : i32
          %rem3A_143 = arith.remui %while3A_90#3, %rem3A_142 : i32
          %mul3A_144 = arith.constant 128 : i32
          %mul3A_145 = arith.muli %mul3A_144, %add3A_109 : i32
          %dma_wait3A = arith.constant 0 : i32
          %dma_wait3A_146 = arith.constant 0 : i32
          %dma_wait3A_147 = tpu.memref_slice %run_scoped3A_18[%rem3A_143, %dma_wait3A, %dma_wait3A_146] : memref<2x128x128xf32, #tpu.memory_space<vmem>> -> memref<1x128x128xf32, #tpu.memory_space<vmem>>
          %dma_wait3A_148 = tpu.memref_squeeze %dma_wait3A_147 : memref<1x128x128xf32, #tpu.memory_space<vmem>> -> memref<128x128xf32, #tpu.memory_space<vmem>>
          %dma_wait3A_149 = arith.constant 0 : i32
          %dma_wait3A_150 = tpu.memref_slice %arg4[%mul3A_145, %dma_wait3A_149] : memref<640000x128xf32, #tpu.memory_space<hbm>> -> memref<128x128xf32, #tpu.memory_space<hbm>>
          %dma_wait3A_151 = tpu.memref_slice %run_scoped3A_19[%rem3A_143] : memref<2x!tpu.dma_semaphore, #tpu.memory_space<semaphore_mem>> -> memref<1x!tpu.dma_semaphore, #tpu.memory_space<semaphore_mem>>
          %dma_wait3A_152 = tpu.memref_squeeze %dma_wait3A_151 : memref<1x!tpu.dma_semaphore, #tpu.memory_space<semaphore_mem>> -> memref<!tpu.dma_semaphore, #tpu.memory_space<semaphore_mem>>
          %dma_wait3A_153 = arith.constant 0 : i32
          %dma_wait3A_154 = tpu.memref_slice %arg4[%mul3A_145, %dma_wait3A_153] : memref<640000x128xf32, #tpu.memory_space<hbm>> -> memref<128x128xf32, #tpu.memory_space<hbm>>
          %dma_wait3A_155 = arith.constant 0 : i32
          %dma_wait3A_156 = arith.constant 0 : i32
          %dma_wait3A_157 = tpu.memref_slice %run_scoped3A_18[%rem3A_143, %dma_wait3A_155, %dma_wait3A_156] : memref<2x128x128xf32, #tpu.memory_space<vmem>> -> memref<1x128x128xf32, #tpu.memory_space<vmem>>
          %dma_wait3A_158 = tpu.memref_squeeze %dma_wait3A_157 : memref<1x128x128xf32, #tpu.memory_space<vmem>> -> memref<128x128xf32, #tpu.memory_space<vmem>>
          tpu.wait_dma2 semaphore(%dma_wait3A_152 : memref<!tpu.dma_semaphore, #tpu.memory_space<semaphore_mem>>) src(%dma_wait3A_158 : memref<128x128xf32, #tpu.memory_space<vmem>>) dst(%dma_wait3A_154 : memref<128x128xf32, #tpu.memory_space<hbm>>)
          "tpu.trace_stop"() : () -> ()
        } else {
        }
      } else {
      }
      tpu.yield
    }) : () -> ()
    return
  }
}

#map = affine_map<(d0, d1) -> (0, 0)>
module attributes {stable_mosaic.version = 14 : i64} {
  func.func @k(%arg0: i32, %arg1: i32, %arg2: memref<10000x128xf32, #tpu.memory_space<hbm>>, %arg3: memref<1x640000xi32, #tpu.memory_space<hbm>>, %arg4: memref<640000x128xf32, #tpu.memory_space<hbm>>) attributes {dimension_semantics = [#tpu.dimension_semantics<core_parallel>, #tpu.dimension_semantics<subcore_parallel>], iteration_bounds = array<i64: 2, 16>, scalar_prefetch = 0 : i64, scratch_operands = 0 : i64, tpu.core_type = #tpu.core_type<sc_vector_subcore>, window_params = [{transform_indices = #map}, {transform_indices = #map}, {transform_indices = #map}]} {
    %mul3A = arith.constant 1 : i32
    %mul3A_0 = arith.muli %arg1, %mul3A : i32
    %add3A = arith.constant 0 : i32
    %add3A_1 = arith.addi %add3A, %mul3A_0 : i32
    %mul3A_2 = arith.constant 16 : i32
    %mul3A_3 = arith.muli %arg0, %mul3A_2 : i32
    %add3A_4 = arith.addi %add3A_1, %mul3A_3 : i32
    %lt3A = arith.constant 8 : i32
    %lt3A_5 = arith.cmpi slt, %add3A_4, %lt3A : i32
    %jit3A = arith.constant 157 : i32
    %jit3A_6 = arith.constant 156 : i32
    %select_n3A = arith.select %lt3A_5, %jit3A, %jit3A_6 : i32
    %lt3A_7 = arith.constant 8 : i32
    %lt3A_8 = arith.cmpi slt, %add3A_4, %lt3A_7 : i32
    %mul3A_9 = arith.muli %add3A_4, %select_n3A : i32
    %mul3A_10 = arith.constant 156 : i32
    %mul3A_11 = arith.muli %add3A_4, %mul3A_10 : i32
    %add3A_12 = arith.constant 8 : i32
    %add3A_13 = arith.addi %mul3A_11, %add3A_12 : i32
    %select_n3A_14 = arith.select %lt3A_8, %mul3A_9, %add3A_13 : i32
    %mul3A_15 = arith.constant 1 : i32
    %mul3A_16 = arith.muli %mul3A_15, %select_n3A : i32
    "tpu.region"() ({
      %run_scoped3A = memref.alloca() : memref<2x1x128xi32, #tpu.memory_space<vmem>>
      %run_scoped3A_17 = tpu.sem_alloc : memref<2x!tpu.dma_semaphore, #tpu.memory_space<semaphore_mem>>
      %run_scoped3A_18 = memref.alloca() : memref<2x128x128xf32, #tpu.memory_space<vmem>>
      %run_scoped3A_19 = tpu.sem_alloc : memref<2x!tpu.dma_semaphore, #tpu.memory_space<semaphore_mem>>
      %gt3A = arith.constant 0 : i32
      %gt3A_20 = arith.cmpi sgt, %mul3A_16, %gt3A : i32
      %convert_element_type3A = arith.extui %gt3A_20 : i1 to i32
      %cond3A = arith.constant 0 : i32
      %cond3A_21 = arith.cmpi ne, %convert_element_type3A, %cond3A : i32
      scf.if %cond3A_21 {
        %mul3A_22 = arith.constant 1 : i32
        %mul3A_23 = arith.muli %mul3A_22, %select_n3A : i32
        %sub3A = arith.constant 1 : i32
        %sub3A_24 = arith.subi %mul3A_23, %sub3A : i32
        %eq3A = arith.constant 0 : i32
        %eq3A_25 = arith.cmpi eq, %sub3A_24, %eq3A : i32
        %add3A_26 = arith.constant 0 : i32
        %add3A_27 = arith.addi %add3A_26, %select_n3A_14 : i32
        %select_n3A_28 = arith.constant true
        %select_n3A_29 = arith.constant 0 : i32
        %select_n3A_30 = arith.constant -1 : i32
        %select_n3A_31 = arith.select %select_n3A_28, %select_n3A_30, %select_n3A_29 : i32
        %eq3A_32 = arith.constant -1 : i32
        %eq3A_33 = arith.cmpi eq, %select_n3A_31, %eq3A_32 : i32
        %sub3A_34 = arith.constant 1 : i32
        %sub3A_35 = arith.subi %select_n3A, %sub3A_34 : i32
        %select_n3A_36 = arith.select %eq3A_33, %sub3A_35, %select_n3A_31 : i32
        %add3A_37 = arith.addi %select_n3A_36, %select_n3A_14 : i32
        %select_n3A_38 = arith.constant true
        %select_n3A_39 = arith.constant 0 : i32
        %select_n3A_40 = arith.constant 1 : i32
        %select_n3A_41 = arith.select %select_n3A_38, %select_n3A_40, %select_n3A_39 : i32
        %eq3A_42 = arith.cmpi eq, %select_n3A_41, %select_n3A : i32
        %select_n3A_43 = arith.constant 0 : i32
        %select_n3A_44 = arith.select %eq3A_42, %select_n3A_43, %select_n3A_41 : i32
        %add3A_45 = arith.addi %select_n3A_44, %select_n3A_14 : i32
        %add3A_46 = arith.constant 1 : i32
        %add3A_47 = arith.addi %select_n3A_44, %add3A_46 : i32
        %select_n3A_48 = arith.constant true
        %select_n3A_49 = arith.select %select_n3A_48, %add3A_47, %select_n3A_44 : i32
        %eq3A_50 = arith.cmpi eq, %select_n3A_49, %select_n3A : i32
        %select_n3A_51 = arith.constant 0 : i32
        %select_n3A_52 = arith.select %eq3A_50, %select_n3A_51, %select_n3A_49 : i32
        %add3A_53 = arith.addi %select_n3A_52, %select_n3A_14 : i32
        "tpu.trace_start"() <{level = 10 : i32, message = "ep_initialize_0"}> : () -> ()
        %rem3A = arith.constant 0 : i32
        %rem3A_54 = arith.constant 2 : i32
        %rem3A_55 = arith.remui %rem3A, %rem3A_54 : i32
        %mul3A_56 = arith.constant 128 : i32
        %mul3A_57 = arith.muli %mul3A_56, %add3A_27 : i32
        %dma_start3A = arith.constant 0 : i32
        %dma_start3A_58 = arith.constant 0 : i32
        %dma_start3A_59 = tpu.memref_slice %run_scoped3A[%rem3A_55, %dma_start3A, %dma_start3A_58] : memref<2x1x128xi32, #tpu.memory_space<vmem>> -> memref<1x1x128xi32, #tpu.memory_space<vmem>>
        %dma_start3A_60 = tpu.memref_squeeze %dma_start3A_59 : memref<1x1x128xi32, #tpu.memory_space<vmem>> -> memref<1x128xi32, #tpu.memory_space<vmem>>
        %dma_start3A_61 = arith.constant 0 : i32
        %dma_start3A_62 = tpu.memref_slice %arg3[%dma_start3A_61, %mul3A_57] : memref<1x640000xi32, #tpu.memory_space<hbm>> -> memref<1x128xi32, #tpu.memory_space<hbm>>
        %dma_start3A_63 = tpu.memref_slice %run_scoped3A_17[%rem3A_55] : memref<2x!tpu.dma_semaphore, #tpu.memory_space<semaphore_mem>> -> memref<1x!tpu.dma_semaphore, #tpu.memory_space<semaphore_mem>>
        %dma_start3A_64 = tpu.memref_squeeze %dma_start3A_63 : memref<1x!tpu.dma_semaphore, #tpu.memory_space<semaphore_mem>> -> memref<!tpu.dma_semaphore, #tpu.memory_space<semaphore_mem>>
        %dma_start3A_65 = arith.constant 0 : i32
        %dma_start3A_66 = arith.constant 0 : i32
        %dma_start3A_67 = tpu.memref_slice %run_scoped3A[%rem3A_55, %dma_start3A_65, %dma_start3A_66] : memref<2x1x128xi32, #tpu.memory_space<vmem>> -> memref<1x1x128xi32, #tpu.memory_space<vmem>>
        %dma_start3A_68 = tpu.memref_squeeze %dma_start3A_67 : memref<1x1x128xi32, #tpu.memory_space<vmem>> -> memref<1x128xi32, #tpu.memory_space<vmem>>
        %dma_start3A_69 = arith.constant 0 : i32
        %dma_start3A_70 = tpu.memref_slice %arg3[%dma_start3A_69, %mul3A_57] : memref<1x640000xi32, #tpu.memory_space<hbm>> -> memref<1x128xi32, #tpu.memory_space<hbm>>
        tpu.enqueue_dma source(%dma_start3A_70 : memref<1x128xi32, #tpu.memory_space<hbm>>) target(%dma_start3A_68 : memref<1x128xi32, #tpu.memory_space<vmem>>) target_semaphore(%dma_start3A_64 : memref<!tpu.dma_semaphore, #tpu.memory_space<semaphore_mem>>)
        %add3A_71 = arith.constant 0 : i32
        %add3A_72 = arith.constant 1 : i32
        %add3A_73 = arith.addi %add3A_71, %add3A_72 : i32
        %select_n3A_74 = arith.constant true
        %select_n3A_75 = arith.constant 0 : i32
        %select_n3A_76 = arith.select %select_n3A_74, %add3A_73, %select_n3A_75 : i32
        %while3A = arith.constant 0 : i32
        %while3A_77 = arith.constant 0 : i32
        %while3A_78 = arith.constant 0 : i32
        %while3A_79 = arith.constant 0 : i32
        %while3A_80 = arith.constant 0 : i32
        "tpu.trace_stop"() : () -> ()
        %while3A_81 = arith.subi %mul3A_16, %while3A : i32
        %while3A_82 = arith.addi %while3A, %while3A_81 : i32
        %while3A_83 = arith.constant 1 : i32
        %while3A_84 = arith.divsi %while3A_81, %while3A_83 : i32
        %while3A_85 = arith.muli %while3A_84, %while3A_83 : i32
        %while3A_86 = arith.addi %while3A, %while3A_85 : i32
        %while3A_87 = arith.constant 1 : i32
        %while3A_88:5 = scf.for %while3A_142 = %while3A to %while3A_86 step %while3A_87 iter_args(%while3A_143 = %select_n3A_76, %while3A_144 = %while3A_77, %while3A_145 = %while3A_78, %while3A_146 = %while3A_79, %while3A_147 = %while3A_80) -> (i32, i32, i32, i32, i32)  : i32 {
          %mul3A_148 = arith.constant 1 : i32
          %mul3A_149 = arith.muli %mul3A_148, %select_n3A : i32
          %eq3A_150 = arith.constant 0 : i32
          %eq3A_151 = arith.cmpi eq, %while3A_142, %eq3A_150 : i32
          %sub3A_152 = arith.constant 1 : i32
          %sub3A_153 = arith.subi %mul3A_149, %sub3A_152 : i32
          %eq3A_154 = arith.cmpi eq, %while3A_142, %sub3A_153 : i32
          %add3A_155 = arith.addi %while3A_147, %select_n3A_14 : i32
          %sub3A_156 = arith.constant 1 : i32
          %sub3A_157 = arith.subi %while3A_147, %sub3A_156 : i32
          %select_n3A_158 = arith.constant true
          %select_n3A_159 = arith.select %select_n3A_158, %sub3A_157, %while3A_147 : i32
          %eq3A_160 = arith.constant -1 : i32
          %eq3A_161 = arith.cmpi eq, %select_n3A_159, %eq3A_160 : i32
          %sub3A_162 = arith.constant 1 : i32
          %sub3A_163 = arith.subi %select_n3A, %sub3A_162 : i32
          %select_n3A_164 = arith.select %eq3A_161, %sub3A_163, %select_n3A_159 : i32
          %add3A_165 = arith.addi %select_n3A_164, %select_n3A_14 : i32
          %add3A_166 = arith.constant 1 : i32
          %add3A_167 = arith.addi %while3A_147, %add3A_166 : i32
          %select_n3A_168 = arith.constant true
          %select_n3A_169 = arith.select %select_n3A_168, %add3A_167, %while3A_147 : i32
          %eq3A_170 = arith.cmpi eq, %select_n3A_169, %select_n3A : i32
          %select_n3A_171 = arith.constant 0 : i32
          %select_n3A_172 = arith.select %eq3A_170, %select_n3A_171, %select_n3A_169 : i32
          %add3A_173 = arith.addi %select_n3A_172, %select_n3A_14 : i32
          %add3A_174 = arith.constant 1 : i32
          %add3A_175 = arith.addi %select_n3A_172, %add3A_174 : i32
          %select_n3A_176 = arith.constant true
          %select_n3A_177 = arith.select %select_n3A_176, %add3A_175, %select_n3A_172 : i32
          %eq3A_178 = arith.cmpi eq, %select_n3A_177, %select_n3A : i32
          %select_n3A_179 = arith.constant 0 : i32
          %select_n3A_180 = arith.select %eq3A_178, %select_n3A_179, %select_n3A_177 : i32
          %add3A_181 = arith.addi %select_n3A_180, %select_n3A_14 : i32
          %ne3A = arith.cmpi ne, %add3A_155, %add3A_173 : i32
          %or3A = arith.constant false
          %or3A_182 = arith.ori %or3A, %ne3A : i1
          %sub3A_183 = arith.constant 2 : i32
          %sub3A_184 = arith.subi %mul3A_149, %sub3A_183 : i32
          %add3A_185 = arith.constant 1 : i32
          %add3A_186 = arith.addi %sub3A_184, %add3A_185 : i32
          %ge3A = arith.cmpi sge, %while3A_142, %add3A_186 : i32
          %not3A = arith.constant true
          %not3A_187 = arith.xori %ge3A, %not3A : i1
          %and3A = arith.andi %or3A_182, %not3A_187 : i1
          %convert_element_type3A_188 = arith.extui %and3A : i1 to i32
          %cond3A_189 = arith.constant 0 : i32
          %cond3A_190 = arith.cmpi ne, %convert_element_type3A_188, %cond3A_189 : i32
          scf.if %cond3A_190 {
            "tpu.trace_start"() <{level = 10 : i32, message = "ep_copy_in"}> : () -> ()
            %rem3A_294 = arith.constant 2 : i32
            %rem3A_295 = arith.remui %while3A_143, %rem3A_294 : i32
            %mul3A_296 = arith.constant 128 : i32
            %mul3A_297 = arith.muli %mul3A_296, %add3A_173 : i32
            %dma_start3A_298 = arith.constant 0 : i32
            %dma_start3A_299 = arith.constant 0 : i32
            %dma_start3A_300 = tpu.memref_slice %run_scoped3A[%rem3A_295, %dma_start3A_298, %dma_start3A_299] : memref<2x1x128xi32, #tpu.memory_space<vmem>> -> memref<1x1x128xi32, #tpu.memory_space<vmem>>
            %dma_start3A_301 = tpu.memref_squeeze %dma_start3A_300 : memref<1x1x128xi32, #tpu.memory_space<vmem>> -> memref<1x128xi32, #tpu.memory_space<vmem>>
            %dma_start3A_302 = arith.constant 0 : i32
            %dma_start3A_303 = tpu.memref_slice %arg3[%dma_start3A_302, %mul3A_297] : memref<1x640000xi32, #tpu.memory_space<hbm>> -> memref<1x128xi32, #tpu.memory_space<hbm>>
            %dma_start3A_304 = tpu.memref_slice %run_scoped3A_17[%rem3A_295] : memref<2x!tpu.dma_semaphore, #tpu.memory_space<semaphore_mem>> -> memref<1x!tpu.dma_semaphore, #tpu.memory_space<semaphore_mem>>
            %dma_start3A_305 = tpu.memref_squeeze %dma_start3A_304 : memref<1x!tpu.dma_semaphore, #tpu.memory_space<semaphore_mem>> -> memref<!tpu.dma_semaphore, #tpu.memory_space<semaphore_mem>>
            %dma_start3A_306 = arith.constant 0 : i32
            %dma_start3A_307 = arith.constant 0 : i32
            %dma_start3A_308 = tpu.memref_slice %run_scoped3A[%rem3A_295, %dma_start3A_306, %dma_start3A_307] : memref<2x1x128xi32, #tpu.memory_space<vmem>> -> memref<1x1x128xi32, #tpu.memory_space<vmem>>
            %dma_start3A_309 = tpu.memref_squeeze %dma_start3A_308 : memref<1x1x128xi32, #tpu.memory_space<vmem>> -> memref<1x128xi32, #tpu.memory_space<vmem>>
            %dma_start3A_310 = arith.constant 0 : i32
            %dma_start3A_311 = tpu.memref_slice %arg3[%dma_start3A_310, %mul3A_297] : memref<1x640000xi32, #tpu.memory_space<hbm>> -> memref<1x128xi32, #tpu.memory_space<hbm>>
            tpu.enqueue_dma source(%dma_start3A_311 : memref<1x128xi32, #tpu.memory_space<hbm>>) target(%dma_start3A_309 : memref<1x128xi32, #tpu.memory_space<vmem>>) target_semaphore(%dma_start3A_305 : memref<!tpu.dma_semaphore, #tpu.memory_space<semaphore_mem>>)
            "tpu.trace_stop"() : () -> ()
          } else {
          }
          %and3A_191 = arith.constant true
          %and3A_192 = arith.andi %and3A, %and3A_191 : i1
          %add3A_193 = arith.constant 1 : i32
          %add3A_194 = arith.addi %while3A_143, %add3A_193 : i32
          %select_n3A_195 = arith.select %and3A_192, %add3A_194, %while3A_143 : i32
          %ne3A_196 = arith.cmpi ne, %add3A_155, %add3A_173 : i32
          %or3A_197 = arith.constant false
          %or3A_198 = arith.ori %or3A_197, %ne3A_196 : i1
          %or3A_199 = arith.constant false
          %or3A_200 = arith.ori %or3A_198, %or3A_199 : i1
          %sub3A_201 = arith.constant 2 : i32
          %sub3A_202 = arith.subi %mul3A_149, %sub3A_201 : i32
          %add3A_203 = arith.constant 1 : i32
          %add3A_204 = arith.addi %sub3A_202, %add3A_203 : i32
          %ge3A_205 = arith.cmpi sge, %while3A_142, %add3A_204 : i32
          %not3A_206 = arith.constant true
          %not3A_207 = arith.xori %ge3A_205, %not3A_206 : i1
          %and3A_208 = arith.andi %or3A_200, %not3A_207 : i1
          %ne3A_209 = arith.cmpi ne, %add3A_155, %add3A_165 : i32
          %or3A_210 = arith.constant false
          %or3A_211 = arith.ori %or3A_210, %ne3A_209 : i1
          %or3A_212 = arith.ori %or3A_211, %eq3A_151 : i1
          %convert_element_type3A_213 = arith.extui %or3A_212 : i1 to i32
          %cond3A_214 = arith.constant 0 : i32
          %cond3A_215 = arith.cmpi ne, %convert_element_type3A_213, %cond3A_214 : i32
          scf.if %cond3A_215 {
            "tpu.trace_start"() <{level = 10 : i32, message = "ep_wait_in"}> : () -> ()
            %mul3A_294 = arith.constant 128 : i32
            %mul3A_295 = arith.muli %mul3A_294, %add3A_155 : i32
            %rem3A_296 = arith.constant 2 : i32
            %rem3A_297 = arith.remui %while3A_144, %rem3A_296 : i32
            %dma_wait3A = arith.constant 0 : i32
            %dma_wait3A_298 = arith.constant 0 : i32
            %dma_wait3A_299 = tpu.memref_slice %run_scoped3A[%rem3A_297, %dma_wait3A, %dma_wait3A_298] : memref<2x1x128xi32, #tpu.memory_space<vmem>> -> memref<1x1x128xi32, #tpu.memory_space<vmem>>
            %dma_wait3A_300 = tpu.memref_squeeze %dma_wait3A_299 : memref<1x1x128xi32, #tpu.memory_space<vmem>> -> memref<1x128xi32, #tpu.memory_space<vmem>>
            %dma_wait3A_301 = arith.constant 0 : i32
            %dma_wait3A_302 = tpu.memref_slice %arg3[%dma_wait3A_301, %mul3A_295] : memref<1x640000xi32, #tpu.memory_space<hbm>> -> memref<1x128xi32, #tpu.memory_space<hbm>>
            %dma_wait3A_303 = tpu.memref_slice %run_scoped3A_17[%rem3A_297] : memref<2x!tpu.dma_semaphore, #tpu.memory_space<semaphore_mem>> -> memref<1x!tpu.dma_semaphore, #tpu.memory_space<semaphore_mem>>
            %dma_wait3A_304 = tpu.memref_squeeze %dma_wait3A_303 : memref<1x!tpu.dma_semaphore, #tpu.memory_space<semaphore_mem>> -> memref<!tpu.dma_semaphore, #tpu.memory_space<semaphore_mem>>
            %dma_wait3A_305 = arith.constant 0 : i32
            %dma_wait3A_306 = arith.constant 0 : i32
            %dma_wait3A_307 = tpu.memref_slice %run_scoped3A[%rem3A_297, %dma_wait3A_305, %dma_wait3A_306] : memref<2x1x128xi32, #tpu.memory_space<vmem>> -> memref<1x1x128xi32, #tpu.memory_space<vmem>>
            %dma_wait3A_308 = tpu.memref_squeeze %dma_wait3A_307 : memref<1x1x128xi32, #tpu.memory_space<vmem>> -> memref<1x128xi32, #tpu.memory_space<vmem>>
            %dma_wait3A_309 = arith.constant 0 : i32
            %dma_wait3A_310 = tpu.memref_slice %arg3[%dma_wait3A_309, %mul3A_295] : memref<1x640000xi32, #tpu.memory_space<hbm>> -> memref<1x128xi32, #tpu.memory_space<hbm>>
            tpu.wait_dma2 semaphore(%dma_wait3A_304 : memref<!tpu.dma_semaphore, #tpu.memory_space<semaphore_mem>>) src(%dma_wait3A_310 : memref<1x128xi32, #tpu.memory_space<hbm>>) dst(%dma_wait3A_308 : memref<1x128xi32, #tpu.memory_space<vmem>>)
            "tpu.trace_stop"() : () -> ()
          } else {
          }
          %ne3A_216 = arith.cmpi ne, %add3A_155, %add3A_165 : i32
          %or3A_217 = arith.constant false
          %or3A_218 = arith.ori %or3A_217, %ne3A_216 : i1
          %or3A_219 = arith.constant false
          %or3A_220 = arith.ori %or3A_218, %or3A_219 : i1
          %or3A_221 = arith.ori %or3A_220, %eq3A_151 : i1
          %convert_element_type3A_222 = arith.extui %or3A_221 : i1 to i32
          %cond3A_223 = arith.constant 0 : i32
          %cond3A_224 = arith.cmpi ne, %convert_element_type3A_222, %cond3A_223 : i32
          scf.if %cond3A_224 {
          } else {
          }
          %rem3A_225 = arith.constant 2 : i32
          %rem3A_226 = arith.remui %while3A_144, %rem3A_225 : i32
          %rem3A_227 = arith.constant 2 : i32
          %rem3A_228 = arith.remui %while3A_145, %rem3A_227 : i32
          %run_scoped3A_229 = arith.constant 0 : i32
          "tpu.trace_start"() <{level = 10 : i32, message = "ep_run_kernel"}> : () -> ()
          "tpu.region"() ({
            %run_scoped3A_294 = tpu.sem_alloc : memref<!tpu.dma_semaphore, #tpu.memory_space<semaphore_mem>>
            %dma_start3A_295 = arith.constant 0 : i32
            %dma_start3A_296 = arith.constant 0 : i32
            %dma_start3A_297 = tpu.memref_slice %run_scoped3A_18[%rem3A_228, %dma_start3A_295, %dma_start3A_296] : memref<2x128x128xf32, #tpu.memory_space<vmem>> -> memref<1x128x128xf32, #tpu.memory_space<vmem>>
            %dma_start3A_298 = tpu.memref_squeeze %dma_start3A_297 : memref<1x128x128xf32, #tpu.memory_space<vmem>> -> memref<128x128xf32, #tpu.memory_space<vmem>>
            %dma_start3A_299 = arith.constant 0 : i32
            %dma_start3A_300 = arith.constant 0 : i32
            %dma_start3A_301 = tpu.memref_slice %run_scoped3A[%rem3A_226, %dma_start3A_299, %dma_start3A_300] : memref<2x1x128xi32, #tpu.memory_space<vmem>> -> memref<1x1x128xi32, #tpu.memory_space<vmem>>
            %dma_start3A_302 = tpu.memref_squeeze %dma_start3A_301 : memref<1x1x128xi32, #tpu.memory_space<vmem>> -> memref<1x128xi32, #tpu.memory_space<vmem>>
            %dma_start3A_303 = arith.constant 0 : i32
            %dma_start3A_304 = tpu.memref_slice %dma_start3A_302[%run_scoped3A_229, %dma_start3A_303] : memref<1x128xi32, #tpu.memory_space<vmem>> -> memref<1x128xi32, #tpu.memory_space<vmem>>
            %dma_start3A_305 = tpu.memref_squeeze %dma_start3A_304 : memref<1x128xi32, #tpu.memory_space<vmem>> -> memref<128xi32, #tpu.memory_space<vmem>>
            %dma_start3A_306 = arith.constant 0 : i32
            %dma_start3A_307 = arith.constant 0 : i32
            %dma_start3A_308 = tpu.memref_slice %arg2[%dma_start3A_306, %dma_start3A_307] : memref<10000x128xf32, #tpu.memory_space<hbm>> -> memref<10000x128xf32, #tpu.memory_space<hbm>>
            tpu.enqueue_indirect_dma source(%dma_start3A_308 : memref<10000x128xf32, #tpu.memory_space<hbm>>) target(%dma_start3A_298 : memref<128x128xf32, #tpu.memory_space<vmem>>) offsets(%dma_start3A_305 : memref<128xi32, #tpu.memory_space<vmem>>) semaphore(%run_scoped3A_294 : memref<!tpu.dma_semaphore, #tpu.memory_space<semaphore_mem>>)
            %dma_wait3A = arith.constant 0 : i32
            %dma_wait3A_309 = arith.constant 0 : i32
            %dma_wait3A_310 = tpu.memref_slice %run_scoped3A_18[%rem3A_228, %dma_wait3A, %dma_wait3A_309] : memref<2x128x128xf32, #tpu.memory_space<vmem>> -> memref<1x128x128xf32, #tpu.memory_space<vmem>>
            %dma_wait3A_311 = tpu.memref_squeeze %dma_wait3A_310 : memref<1x128x128xf32, #tpu.memory_space<vmem>> -> memref<128x128xf32, #tpu.memory_space<vmem>>
            %dma_wait3A_312 = arith.constant 0 : i32
            %dma_wait3A_313 = arith.constant 0 : i32
            %dma_wait3A_314 = tpu.memref_slice %run_scoped3A[%rem3A_226, %dma_wait3A_312, %dma_wait3A_313] : memref<2x1x128xi32, #tpu.memory_space<vmem>> -> memref<1x1x128xi32, #tpu.memory_space<vmem>>
            %dma_wait3A_315 = tpu.memref_squeeze %dma_wait3A_314 : memref<1x1x128xi32, #tpu.memory_space<vmem>> -> memref<1x128xi32, #tpu.memory_space<vmem>>
            %dma_wait3A_316 = arith.constant 0 : i32
            %dma_wait3A_317 = tpu.memref_slice %dma_wait3A_315[%run_scoped3A_229, %dma_wait3A_316] : memref<1x128xi32, #tpu.memory_space<vmem>> -> memref<1x128xi32, #tpu.memory_space<vmem>>
            %dma_wait3A_318 = tpu.memref_squeeze %dma_wait3A_317 : memref<1x128xi32, #tpu.memory_space<vmem>> -> memref<128xi32, #tpu.memory_space<vmem>>
            %dma_wait3A_319 = arith.constant 0 : i32
            %dma_wait3A_320 = arith.constant 0 : i32
            %dma_wait3A_321 = tpu.memref_slice %arg2[%dma_wait3A_319, %dma_wait3A_320] : memref<10000x128xf32, #tpu.memory_space<hbm>> -> memref<10000x128xf32, #tpu.memory_space<hbm>>
            tpu.wait_indirect_dma semaphore(%run_scoped3A_294 : memref<!tpu.dma_semaphore, #tpu.memory_space<semaphore_mem>>) src(%dma_wait3A_321 : memref<10000x128xf32, #tpu.memory_space<hbm>>) dst(%dma_wait3A_311 : memref<128x128xf32, #tpu.memory_space<vmem>>)
            tpu.yield
          }) : () -> ()
          "tpu.trace_stop"() : () -> ()
          %ne3A_230 = arith.cmpi ne, %add3A_155, %add3A_173 : i32
          %or3A_231 = arith.constant false
          %or3A_232 = arith.ori %or3A_231, %ne3A_230 : i1
          %or3A_233 = arith.ori %or3A_232, %eq3A_154 : i1
          %convert_element_type3A_234 = arith.extui %or3A_233 : i1 to i32
          %cond3A_235 = arith.constant 0 : i32
          %cond3A_236 = arith.cmpi ne, %convert_element_type3A_234, %cond3A_235 : i32
          scf.if %cond3A_236 {
          } else {
          }
          %and3A_237 = arith.constant false
          %and3A_238 = arith.andi %or3A_233, %and3A_237 : i1
          %ne3A_239 = arith.cmpi ne, %add3A_155, %add3A_173 : i32
          %or3A_240 = arith.constant false
          %or3A_241 = arith.ori %or3A_240, %ne3A_239 : i1
          %or3A_242 = arith.constant false
          %or3A_243 = arith.ori %or3A_241, %or3A_242 : i1
          %or3A_244 = arith.ori %or3A_243, %eq3A_154 : i1
          %convert_element_type3A_245 = arith.extui %or3A_244 : i1 to i32
          %cond3A_246 = arith.constant 0 : i32
          %cond3A_247 = arith.cmpi ne, %convert_element_type3A_245, %cond3A_246 : i32
          scf.if %cond3A_247 {
            "tpu.trace_start"() <{level = 10 : i32, message = "ep_copy_out"}> : () -> ()
            %rem3A_294 = arith.constant 2 : i32
            %rem3A_295 = arith.remui %while3A_145, %rem3A_294 : i32
            %mul3A_296 = arith.constant 128 : i32
            %mul3A_297 = arith.muli %mul3A_296, %add3A_155 : i32
            %dma_start3A_298 = arith.constant 0 : i32
            %dma_start3A_299 = arith.constant 0 : i32
            %dma_start3A_300 = tpu.memref_slice %run_scoped3A_18[%rem3A_295, %dma_start3A_298, %dma_start3A_299] : memref<2x128x128xf32, #tpu.memory_space<vmem>> -> memref<1x128x128xf32, #tpu.memory_space<vmem>>
            %dma_start3A_301 = tpu.memref_squeeze %dma_start3A_300 : memref<1x128x128xf32, #tpu.memory_space<vmem>> -> memref<128x128xf32, #tpu.memory_space<vmem>>
            %dma_start3A_302 = arith.constant 0 : i32
            %dma_start3A_303 = tpu.memref_slice %arg4[%mul3A_297, %dma_start3A_302] : memref<640000x128xf32, #tpu.memory_space<hbm>> -> memref<128x128xf32, #tpu.memory_space<hbm>>
            %dma_start3A_304 = tpu.memref_slice %run_scoped3A_19[%rem3A_295] : memref<2x!tpu.dma_semaphore, #tpu.memory_space<semaphore_mem>> -> memref<1x!tpu.dma_semaphore, #tpu.memory_space<semaphore_mem>>
            %dma_start3A_305 = tpu.memref_squeeze %dma_start3A_304 : memref<1x!tpu.dma_semaphore, #tpu.memory_space<semaphore_mem>> -> memref<!tpu.dma_semaphore, #tpu.memory_space<semaphore_mem>>
            %dma_start3A_306 = arith.constant 0 : i32
            %dma_start3A_307 = tpu.memref_slice %arg4[%mul3A_297, %dma_start3A_306] : memref<640000x128xf32, #tpu.memory_space<hbm>> -> memref<128x128xf32, #tpu.memory_space<hbm>>
            %dma_start3A_308 = arith.constant 0 : i32
            %dma_start3A_309 = arith.constant 0 : i32
            %dma_start3A_310 = tpu.memref_slice %run_scoped3A_18[%rem3A_295, %dma_start3A_308, %dma_start3A_309] : memref<2x128x128xf32, #tpu.memory_space<vmem>> -> memref<1x128x128xf32, #tpu.memory_space<vmem>>
            %dma_start3A_311 = tpu.memref_squeeze %dma_start3A_310 : memref<1x128x128xf32, #tpu.memory_space<vmem>> -> memref<128x128xf32, #tpu.memory_space<vmem>>
            tpu.enqueue_dma source(%dma_start3A_311 : memref<128x128xf32, #tpu.memory_space<vmem>>) target(%dma_start3A_307 : memref<128x128xf32, #tpu.memory_space<hbm>>) target_semaphore(%dma_start3A_305 : memref<!tpu.dma_semaphore, #tpu.memory_space<semaphore_mem>>)
            "tpu.trace_stop"() : () -> ()
          } else {
          }
          %and3A_248 = arith.constant true
          %and3A_249 = arith.andi %or3A_244, %and3A_248 : i1
          %add3A_250 = arith.constant 1 : i32
          %add3A_251 = arith.addi %while3A_145, %add3A_250 : i32
          %select_n3A_252 = arith.select %and3A_249, %add3A_251, %while3A_145 : i32
          %ne3A_253 = arith.cmpi ne, %add3A_155, %add3A_165 : i32
          %or3A_254 = arith.constant false
          %or3A_255 = arith.ori %or3A_254, %ne3A_253 : i1
          %not3A_256 = arith.constant true
          %not3A_257 = arith.xori %eq3A_151, %not3A_256 : i1
          %and3A_258 = arith.andi %or3A_255, %not3A_257 : i1
          %convert_element_type3A_259 = arith.extui %and3A_258 : i1 to i32
          %cond3A_260 = arith.constant 0 : i32
          %cond3A_261 = arith.cmpi ne, %convert_element_type3A_259, %cond3A_260 : i32
          scf.if %cond3A_261 {
          } else {
          }
          %and3A_262 = arith.constant false
          %and3A_263 = arith.andi %and3A_258, %and3A_262 : i1
          %ne3A_264 = arith.cmpi ne, %add3A_155, %add3A_165 : i32
          %or3A_265 = arith.constant false
          %or3A_266 = arith.ori %or3A_265, %ne3A_264 : i1
          %or3A_267 = arith.constant false
          %or3A_268 = arith.ori %or3A_266, %or3A_267 : i1
          %not3A_269 = arith.constant true
          %not3A_270 = arith.xori %eq3A_151, %not3A_269 : i1
          %and3A_271 = arith.andi %or3A_268, %not3A_270 : i1
          %convert_element_type3A_272 = arith.extui %and3A_271 : i1 to i32
          %cond3A_273 = arith.constant 0 : i32
          %cond3A_274 = arith.cmpi ne, %convert_element_type3A_272, %cond3A_273 : i32
          scf.if %cond3A_274 {
            "tpu.trace_start"() <{level = 10 : i32, message = "ep_wait_out"}> : () -> ()
            %rem3A_294 = arith.constant 2 : i32
            %rem3A_295 = arith.remui %while3A_146, %rem3A_294 : i32
            %mul3A_296 = arith.constant 128 : i32
            %mul3A_297 = arith.muli %mul3A_296, %add3A_165 : i32
            %dma_wait3A = arith.constant 0 : i32
            %dma_wait3A_298 = arith.constant 0 : i32
            %dma_wait3A_299 = tpu.memref_slice %run_scoped3A_18[%rem3A_295, %dma_wait3A, %dma_wait3A_298] : memref<2x128x128xf32, #tpu.memory_space<vmem>> -> memref<1x128x128xf32, #tpu.memory_space<vmem>>
            %dma_wait3A_300 = tpu.memref_squeeze %dma_wait3A_299 : memref<1x128x128xf32, #tpu.memory_space<vmem>> -> memref<128x128xf32, #tpu.memory_space<vmem>>
            %dma_wait3A_301 = arith.constant 0 : i32
            %dma_wait3A_302 = tpu.memref_slice %arg4[%mul3A_297, %dma_wait3A_301] : memref<640000x128xf32, #tpu.memory_space<hbm>> -> memref<128x128xf32, #tpu.memory_space<hbm>>
            %dma_wait3A_303 = tpu.memref_slice %run_scoped3A_19[%rem3A_295] : memref<2x!tpu.dma_semaphore, #tpu.memory_space<semaphore_mem>> -> memref<1x!tpu.dma_semaphore, #tpu.memory_space<semaphore_mem>>
            %dma_wait3A_304 = tpu.memref_squeeze %dma_wait3A_303 : memref<1x!tpu.dma_semaphore, #tpu.memory_space<semaphore_mem>> -> memref<!tpu.dma_semaphore, #tpu.memory_space<semaphore_mem>>
            %dma_wait3A_305 = arith.constant 0 : i32
            %dma_wait3A_306 = tpu.memref_slice %arg4[%mul3A_297, %dma_wait3A_305] : memref<640000x128xf32, #tpu.memory_space<hbm>> -> memref<128x128xf32, #tpu.memory_space<hbm>>
            %dma_wait3A_307 = arith.constant 0 : i32
            %dma_wait3A_308 = arith.constant 0 : i32
            %dma_wait3A_309 = tpu.memref_slice %run_scoped3A_18[%rem3A_295, %dma_wait3A_307, %dma_wait3A_308] : memref<2x128x128xf32, #tpu.memory_space<vmem>> -> memref<1x128x128xf32, #tpu.memory_space<vmem>>
            %dma_wait3A_310 = tpu.memref_squeeze %dma_wait3A_309 : memref<1x128x128xf32, #tpu.memory_space<vmem>> -> memref<128x128xf32, #tpu.memory_space<vmem>>
            tpu.wait_dma2 semaphore(%dma_wait3A_304 : memref<!tpu.dma_semaphore, #tpu.memory_space<semaphore_mem>>) src(%dma_wait3A_310 : memref<128x128xf32, #tpu.memory_space<vmem>>) dst(%dma_wait3A_306 : memref<128x128xf32, #tpu.memory_space<hbm>>)
            "tpu.trace_stop"() : () -> ()
          } else {
          }
          %and3A_275 = arith.constant true
          %and3A_276 = arith.andi %and3A_271, %and3A_275 : i1
          %add3A_277 = arith.constant 1 : i32
          %add3A_278 = arith.addi %while3A_146, %add3A_277 : i32
          %select_n3A_279 = arith.select %and3A_276, %add3A_278, %while3A_146 : i32
          %ne3A_280 = arith.cmpi ne, %add3A_155, %add3A_173 : i32
          %or3A_281 = arith.constant false
          %or3A_282 = arith.ori %or3A_281, %ne3A_280 : i1
          %or3A_283 = arith.ori %or3A_282, %eq3A_154 : i1
          %add3A_284 = arith.constant 1 : i32
          %add3A_285 = arith.addi %while3A_144, %add3A_284 : i32
          %select_n3A_286 = arith.select %or3A_283, %add3A_285, %while3A_144 : i32
          %add3A_287 = arith.constant 1 : i32
          %add3A_288 = arith.addi %while3A_147, %add3A_287 : i32
          %select_n3A_289 = arith.constant true
          %select_n3A_290 = arith.select %select_n3A_289, %add3A_288, %while3A_147 : i32
          %eq3A_291 = arith.cmpi eq, %select_n3A_290, %select_n3A : i32
          %select_n3A_292 = arith.constant 0 : i32
          %select_n3A_293 = arith.select %eq3A_291, %select_n3A_292, %select_n3A_290 : i32
          scf.yield %select_n3A_195, %select_n3A_286, %select_n3A_252, %select_n3A_279, %select_n3A_293 : i32, i32, i32, i32, i32
        }
        %while3A_89 = arith.constant 1 : i32
        %while3A_90:5 = scf.for %while3A_142 = %while3A_86 to %while3A_82 step %while3A_89 iter_args(%while3A_143 = %while3A_88#0, %while3A_144 = %while3A_88#1, %while3A_145 = %while3A_88#2, %while3A_146 = %while3A_88#3, %while3A_147 = %while3A_88#4) -> (i32, i32, i32, i32, i32)  : i32 {
          %mul3A_148 = arith.constant 1 : i32
          %mul3A_149 = arith.muli %mul3A_148, %select_n3A : i32
          %eq3A_150 = arith.constant 0 : i32
          %eq3A_151 = arith.cmpi eq, %while3A_142, %eq3A_150 : i32
          %sub3A_152 = arith.constant 1 : i32
          %sub3A_153 = arith.subi %mul3A_149, %sub3A_152 : i32
          %eq3A_154 = arith.cmpi eq, %while3A_142, %sub3A_153 : i32
          %add3A_155 = arith.addi %while3A_147, %select_n3A_14 : i32
          %sub3A_156 = arith.constant 1 : i32
          %sub3A_157 = arith.subi %while3A_147, %sub3A_156 : i32
          %select_n3A_158 = arith.constant true
          %select_n3A_159 = arith.select %select_n3A_158, %sub3A_157, %while3A_147 : i32
          %eq3A_160 = arith.constant -1 : i32
          %eq3A_161 = arith.cmpi eq, %select_n3A_159, %eq3A_160 : i32
          %sub3A_162 = arith.constant 1 : i32
          %sub3A_163 = arith.subi %select_n3A, %sub3A_162 : i32
          %select_n3A_164 = arith.select %eq3A_161, %sub3A_163, %select_n3A_159 : i32
          %add3A_165 = arith.addi %select_n3A_164, %select_n3A_14 : i32
          %add3A_166 = arith.constant 1 : i32
          %add3A_167 = arith.addi %while3A_147, %add3A_166 : i32
          %select_n3A_168 = arith.constant true
          %select_n3A_169 = arith.select %select_n3A_168, %add3A_167, %while3A_147 : i32
          %eq3A_170 = arith.cmpi eq, %select_n3A_169, %select_n3A : i32
          %select_n3A_171 = arith.constant 0 : i32
          %select_n3A_172 = arith.select %eq3A_170, %select_n3A_171, %select_n3A_169 : i32
          %add3A_173 = arith.addi %select_n3A_172, %select_n3A_14 : i32
          %add3A_174 = arith.constant 1 : i32
          %add3A_175 = arith.addi %select_n3A_172, %add3A_174 : i32
          %select_n3A_176 = arith.constant true
          %select_n3A_177 = arith.select %select_n3A_176, %add3A_175, %select_n3A_172 : i32
          %eq3A_178 = arith.cmpi eq, %select_n3A_177, %select_n3A : i32
          %select_n3A_179 = arith.constant 0 : i32
          %select_n3A_180 = arith.select %eq3A_178, %select_n3A_179, %select_n3A_177 : i32
          %add3A_181 = arith.addi %select_n3A_180, %select_n3A_14 : i32
          %ne3A = arith.cmpi ne, %add3A_155, %add3A_173 : i32
          %or3A = arith.constant false
          %or3A_182 = arith.ori %or3A, %ne3A : i1
          %sub3A_183 = arith.constant 2 : i32
          %sub3A_184 = arith.subi %mul3A_149, %sub3A_183 : i32
          %add3A_185 = arith.constant 1 : i32
          %add3A_186 = arith.addi %sub3A_184, %add3A_185 : i32
          %ge3A = arith.cmpi sge, %while3A_142, %add3A_186 : i32
          %not3A = arith.constant true
          %not3A_187 = arith.xori %ge3A, %not3A : i1
          %and3A = arith.andi %or3A_182, %not3A_187 : i1
          %convert_element_type3A_188 = arith.extui %and3A : i1 to i32
          %cond3A_189 = arith.constant 0 : i32
          %cond3A_190 = arith.cmpi ne, %convert_element_type3A_188, %cond3A_189 : i32
          scf.if %cond3A_190 {
            "tpu.trace_start"() <{level = 10 : i32, message = "ep_copy_in"}> : () -> ()
            %rem3A_294 = arith.constant 2 : i32
            %rem3A_295 = arith.remui %while3A_143, %rem3A_294 : i32
            %mul3A_296 = arith.constant 128 : i32
            %mul3A_297 = arith.muli %mul3A_296, %add3A_173 : i32
            %dma_start3A_298 = arith.constant 0 : i32
            %dma_start3A_299 = arith.constant 0 : i32
            %dma_start3A_300 = tpu.memref_slice %run_scoped3A[%rem3A_295, %dma_start3A_298, %dma_start3A_299] : memref<2x1x128xi32, #tpu.memory_space<vmem>> -> memref<1x1x128xi32, #tpu.memory_space<vmem>>
            %dma_start3A_301 = tpu.memref_squeeze %dma_start3A_300 : memref<1x1x128xi32, #tpu.memory_space<vmem>> -> memref<1x128xi32, #tpu.memory_space<vmem>>
            %dma_start3A_302 = arith.constant 0 : i32
            %dma_start3A_303 = tpu.memref_slice %arg3[%dma_start3A_302, %mul3A_297] : memref<1x640000xi32, #tpu.memory_space<hbm>> -> memref<1x128xi32, #tpu.memory_space<hbm>>
            %dma_start3A_304 = tpu.memref_slice %run_scoped3A_17[%rem3A_295] : memref<2x!tpu.dma_semaphore, #tpu.memory_space<semaphore_mem>> -> memref<1x!tpu.dma_semaphore, #tpu.memory_space<semaphore_mem>>
            %dma_start3A_305 = tpu.memref_squeeze %dma_start3A_304 : memref<1x!tpu.dma_semaphore, #tpu.memory_space<semaphore_mem>> -> memref<!tpu.dma_semaphore, #tpu.memory_space<semaphore_mem>>
            %dma_start3A_306 = arith.constant 0 : i32
            %dma_start3A_307 = arith.constant 0 : i32
            %dma_start3A_308 = tpu.memref_slice %run_scoped3A[%rem3A_295, %dma_start3A_306, %dma_start3A_307] : memref<2x1x128xi32, #tpu.memory_space<vmem>> -> memref<1x1x128xi32, #tpu.memory_space<vmem>>
            %dma_start3A_309 = tpu.memref_squeeze %dma_start3A_308 : memref<1x1x128xi32, #tpu.memory_space<vmem>> -> memref<1x128xi32, #tpu.memory_space<vmem>>
            %dma_start3A_310 = arith.constant 0 : i32
            %dma_start3A_311 = tpu.memref_slice %arg3[%dma_start3A_310, %mul3A_297] : memref<1x640000xi32, #tpu.memory_space<hbm>> -> memref<1x128xi32, #tpu.memory_space<hbm>>
            tpu.enqueue_dma source(%dma_start3A_311 : memref<1x128xi32, #tpu.memory_space<hbm>>) target(%dma_start3A_309 : memref<1x128xi32, #tpu.memory_space<vmem>>) target_semaphore(%dma_start3A_305 : memref<!tpu.dma_semaphore, #tpu.memory_space<semaphore_mem>>)
            "tpu.trace_stop"() : () -> ()
          } else {
          }
          %and3A_191 = arith.constant true
          %and3A_192 = arith.andi %and3A, %and3A_191 : i1
          %add3A_193 = arith.constant 1 : i32
          %add3A_194 = arith.addi %while3A_143, %add3A_193 : i32
          %select_n3A_195 = arith.select %and3A_192, %add3A_194, %while3A_143 : i32
          %ne3A_196 = arith.cmpi ne, %add3A_155, %add3A_173 : i32
          %or3A_197 = arith.constant false
          %or3A_198 = arith.ori %or3A_197, %ne3A_196 : i1
          %or3A_199 = arith.constant false
          %or3A_200 = arith.ori %or3A_198, %or3A_199 : i1
          %sub3A_201 = arith.constant 2 : i32
          %sub3A_202 = arith.subi %mul3A_149, %sub3A_201 : i32
          %add3A_203 = arith.constant 1 : i32
          %add3A_204 = arith.addi %sub3A_202, %add3A_203 : i32
          %ge3A_205 = arith.cmpi sge, %while3A_142, %add3A_204 : i32
          %not3A_206 = arith.constant true
          %not3A_207 = arith.xori %ge3A_205, %not3A_206 : i1
          %and3A_208 = arith.andi %or3A_200, %not3A_207 : i1
          %ne3A_209 = arith.cmpi ne, %add3A_155, %add3A_165 : i32
          %or3A_210 = arith.constant false
          %or3A_211 = arith.ori %or3A_210, %ne3A_209 : i1
          %or3A_212 = arith.ori %or3A_211, %eq3A_151 : i1
          %convert_element_type3A_213 = arith.extui %or3A_212 : i1 to i32
          %cond3A_214 = arith.constant 0 : i32
          %cond3A_215 = arith.cmpi ne, %convert_element_type3A_213, %cond3A_214 : i32
          scf.if %cond3A_215 {
            "tpu.trace_start"() <{level = 10 : i32, message = "ep_wait_in"}> : () -> ()
            %mul3A_294 = arith.constant 128 : i32
            %mul3A_295 = arith.muli %mul3A_294, %add3A_155 : i32
            %rem3A_296 = arith.constant 2 : i32
            %rem3A_297 = arith.remui %while3A_144, %rem3A_296 : i32
            %dma_wait3A = arith.constant 0 : i32
            %dma_wait3A_298 = arith.constant 0 : i32
            %dma_wait3A_299 = tpu.memref_slice %run_scoped3A[%rem3A_297, %dma_wait3A, %dma_wait3A_298] : memref<2x1x128xi32, #tpu.memory_space<vmem>> -> memref<1x1x128xi32, #tpu.memory_space<vmem>>
            %dma_wait3A_300 = tpu.memref_squeeze %dma_wait3A_299 : memref<1x1x128xi32, #tpu.memory_space<vmem>> -> memref<1x128xi32, #tpu.memory_space<vmem>>
            %dma_wait3A_301 = arith.constant 0 : i32
            %dma_wait3A_302 = tpu.memref_slice %arg3[%dma_wait3A_301, %mul3A_295] : memref<1x640000xi32, #tpu.memory_space<hbm>> -> memref<1x128xi32, #tpu.memory_space<hbm>>
            %dma_wait3A_303 = tpu.memref_slice %run_scoped3A_17[%rem3A_297] : memref<2x!tpu.dma_semaphore, #tpu.memory_space<semaphore_mem>> -> memref<1x!tpu.dma_semaphore, #tpu.memory_space<semaphore_mem>>
            %dma_wait3A_304 = tpu.memref_squeeze %dma_wait3A_303 : memref<1x!tpu.dma_semaphore, #tpu.memory_space<semaphore_mem>> -> memref<!tpu.dma_semaphore, #tpu.memory_space<semaphore_mem>>
            %dma_wait3A_305 = arith.constant 0 : i32
            %dma_wait3A_306 = arith.constant 0 : i32
            %dma_wait3A_307 = tpu.memref_slice %run_scoped3A[%rem3A_297, %dma_wait3A_305, %dma_wait3A_306] : memref<2x1x128xi32, #tpu.memory_space<vmem>> -> memref<1x1x128xi32, #tpu.memory_space<vmem>>
            %dma_wait3A_308 = tpu.memref_squeeze %dma_wait3A_307 : memref<1x1x128xi32, #tpu.memory_space<vmem>> -> memref<1x128xi32, #tpu.memory_space<vmem>>
            %dma_wait3A_309 = arith.constant 0 : i32
            %dma_wait3A_310 = tpu.memref_slice %arg3[%dma_wait3A_309, %mul3A_295] : memref<1x640000xi32, #tpu.memory_space<hbm>> -> memref<1x128xi32, #tpu.memory_space<hbm>>
            tpu.wait_dma2 semaphore(%dma_wait3A_304 : memref<!tpu.dma_semaphore, #tpu.memory_space<semaphore_mem>>) src(%dma_wait3A_310 : memref<1x128xi32, #tpu.memory_space<hbm>>) dst(%dma_wait3A_308 : memref<1x128xi32, #tpu.memory_space<vmem>>)
            "tpu.trace_stop"() : () -> ()
          } else {
          }
          %ne3A_216 = arith.cmpi ne, %add3A_155, %add3A_165 : i32
          %or3A_217 = arith.constant false
          %or3A_218 = arith.ori %or3A_217, %ne3A_216 : i1
          %or3A_219 = arith.constant false
          %or3A_220 = arith.ori %or3A_218, %or3A_219 : i1
          %or3A_221 = arith.ori %or3A_220, %eq3A_151 : i1
          %convert_element_type3A_222 = arith.extui %or3A_221 : i1 to i32
          %cond3A_223 = arith.constant 0 : i32
          %cond3A_224 = arith.cmpi ne, %convert_element_type3A_222, %cond3A_223 : i32
          scf.if %cond3A_224 {
          } else {
          }
          %rem3A_225 = arith.constant 2 : i32
          %rem3A_226 = arith.remui %while3A_144, %rem3A_225 : i32
          %rem3A_227 = arith.constant 2 : i32
          %rem3A_228 = arith.remui %while3A_145, %rem3A_227 : i32
          %run_scoped3A_229 = arith.constant 0 : i32
          "tpu.trace_start"() <{level = 10 : i32, message = "ep_run_kernel"}> : () -> ()
          "tpu.region"() ({
            %run_scoped3A_294 = tpu.sem_alloc : memref<!tpu.dma_semaphore, #tpu.memory_space<semaphore_mem>>
            %dma_start3A_295 = arith.constant 0 : i32
            %dma_start3A_296 = arith.constant 0 : i32
            %dma_start3A_297 = tpu.memref_slice %run_scoped3A_18[%rem3A_228, %dma_start3A_295, %dma_start3A_296] : memref<2x128x128xf32, #tpu.memory_space<vmem>> -> memref<1x128x128xf32, #tpu.memory_space<vmem>>
            %dma_start3A_298 = tpu.memref_squeeze %dma_start3A_297 : memref<1x128x128xf32, #tpu.memory_space<vmem>> -> memref<128x128xf32, #tpu.memory_space<vmem>>
            %dma_start3A_299 = arith.constant 0 : i32
            %dma_start3A_300 = arith.constant 0 : i32
            %dma_start3A_301 = tpu.memref_slice %run_scoped3A[%rem3A_226, %dma_start3A_299, %dma_start3A_300] : memref<2x1x128xi32, #tpu.memory_space<vmem>> -> memref<1x1x128xi32, #tpu.memory_space<vmem>>
            %dma_start3A_302 = tpu.memref_squeeze %dma_start3A_301 : memref<1x1x128xi32, #tpu.memory_space<vmem>> -> memref<1x128xi32, #tpu.memory_space<vmem>>
            %dma_start3A_303 = arith.constant 0 : i32
            %dma_start3A_304 = tpu.memref_slice %dma_start3A_302[%run_scoped3A_229, %dma_start3A_303] : memref<1x128xi32, #tpu.memory_space<vmem>> -> memref<1x128xi32, #tpu.memory_space<vmem>>
            %dma_start3A_305 = tpu.memref_squeeze %dma_start3A_304 : memref<1x128xi32, #tpu.memory_space<vmem>> -> memref<128xi32, #tpu.memory_space<vmem>>
            %dma_start3A_306 = arith.constant 0 : i32
            %dma_start3A_307 = arith.constant 0 : i32
            %dma_start3A_308 = tpu.memref_slice %arg2[%dma_start3A_306, %dma_start3A_307] : memref<10000x128xf32, #tpu.memory_space<hbm>> -> memref<10000x128xf32, #tpu.memory_space<hbm>>
            tpu.enqueue_indirect_dma source(%dma_start3A_308 : memref<10000x128xf32, #tpu.memory_space<hbm>>) target(%dma_start3A_298 : memref<128x128xf32, #tpu.memory_space<vmem>>) offsets(%dma_start3A_305 : memref<128xi32, #tpu.memory_space<vmem>>) semaphore(%run_scoped3A_294 : memref<!tpu.dma_semaphore, #tpu.memory_space<semaphore_mem>>)
            %dma_wait3A = arith.constant 0 : i32
            %dma_wait3A_309 = arith.constant 0 : i32
            %dma_wait3A_310 = tpu.memref_slice %run_scoped3A_18[%rem3A_228, %dma_wait3A, %dma_wait3A_309] : memref<2x128x128xf32, #tpu.memory_space<vmem>> -> memref<1x128x128xf32, #tpu.memory_space<vmem>>
            %dma_wait3A_311 = tpu.memref_squeeze %dma_wait3A_310 : memref<1x128x128xf32, #tpu.memory_space<vmem>> -> memref<128x128xf32, #tpu.memory_space<vmem>>
            %dma_wait3A_312 = arith.constant 0 : i32
            %dma_wait3A_313 = arith.constant 0 : i32
            %dma_wait3A_314 = tpu.memref_slice %run_scoped3A[%rem3A_226, %dma_wait3A_312, %dma_wait3A_313] : memref<2x1x128xi32, #tpu.memory_space<vmem>> -> memref<1x1x128xi32, #tpu.memory_space<vmem>>
            %dma_wait3A_315 = tpu.memref_squeeze %dma_wait3A_314 : memref<1x1x128xi32, #tpu.memory_space<vmem>> -> memref<1x128xi32, #tpu.memory_space<vmem>>
            %dma_wait3A_316 = arith.constant 0 : i32
            %dma_wait3A_317 = tpu.memref_slice %dma_wait3A_315[%run_scoped3A_229, %dma_wait3A_316] : memref<1x128xi32, #tpu.memory_space<vmem>> -> memref<1x128xi32, #tpu.memory_space<vmem>>
            %dma_wait3A_318 = tpu.memref_squeeze %dma_wait3A_317 : memref<1x128xi32, #tpu.memory_space<vmem>> -> memref<128xi32, #tpu.memory_space<vmem>>
            %dma_wait3A_319 = arith.constant 0 : i32
            %dma_wait3A_320 = arith.constant 0 : i32
            %dma_wait3A_321 = tpu.memref_slice %arg2[%dma_wait3A_319, %dma_wait3A_320] : memref<10000x128xf32, #tpu.memory_space<hbm>> -> memref<10000x128xf32, #tpu.memory_space<hbm>>
            tpu.wait_indirect_dma semaphore(%run_scoped3A_294 : memref<!tpu.dma_semaphore, #tpu.memory_space<semaphore_mem>>) src(%dma_wait3A_321 : memref<10000x128xf32, #tpu.memory_space<hbm>>) dst(%dma_wait3A_311 : memref<128x128xf32, #tpu.memory_space<vmem>>)
            tpu.yield
          }) : () -> ()
          "tpu.trace_stop"() : () -> ()
          %ne3A_230 = arith.cmpi ne, %add3A_155, %add3A_173 : i32
          %or3A_231 = arith.constant false
          %or3A_232 = arith.ori %or3A_231, %ne3A_230 : i1
          %or3A_233 = arith.ori %or3A_232, %eq3A_154 : i1
          %convert_element_type3A_234 = arith.extui %or3A_233 : i1 to i32
          %cond3A_235 = arith.constant 0 : i32
          %cond3A_236 = arith.cmpi ne, %convert_element_type3A_234, %cond3A_235 : i32
          scf.if %cond3A_236 {
          } else {
          }
          %and3A_237 = arith.constant false
          %and3A_238 = arith.andi %or3A_233, %and3A_237 : i1
          %ne3A_239 = arith.cmpi ne, %add3A_155, %add3A_173 : i32
          %or3A_240 = arith.constant false
          %or3A_241 = arith.ori %or3A_240, %ne3A_239 : i1
          %or3A_242 = arith.constant false
          %or3A_243 = arith.ori %or3A_241, %or3A_242 : i1
          %or3A_244 = arith.ori %or3A_243, %eq3A_154 : i1
          %convert_element_type3A_245 = arith.extui %or3A_244 : i1 to i32
          %cond3A_246 = arith.constant 0 : i32
          %cond3A_247 = arith.cmpi ne, %convert_element_type3A_245, %cond3A_246 : i32
          scf.if %cond3A_247 {
            "tpu.trace_start"() <{level = 10 : i32, message = "ep_copy_out"}> : () -> ()
            %rem3A_294 = arith.constant 2 : i32
            %rem3A_295 = arith.remui %while3A_145, %rem3A_294 : i32
            %mul3A_296 = arith.constant 128 : i32
            %mul3A_297 = arith.muli %mul3A_296, %add3A_155 : i32
            %dma_start3A_298 = arith.constant 0 : i32
            %dma_start3A_299 = arith.constant 0 : i32
            %dma_start3A_300 = tpu.memref_slice %run_scoped3A_18[%rem3A_295, %dma_start3A_298, %dma_start3A_299] : memref<2x128x128xf32, #tpu.memory_space<vmem>> -> memref<1x128x128xf32, #tpu.memory_space<vmem>>
            %dma_start3A_301 = tpu.memref_squeeze %dma_start3A_300 : memref<1x128x128xf32, #tpu.memory_space<vmem>> -> memref<128x128xf32, #tpu.memory_space<vmem>>
            %dma_start3A_302 = arith.constant 0 : i32
            %dma_start3A_303 = tpu.memref_slice %arg4[%mul3A_297, %dma_start3A_302] : memref<640000x128xf32, #tpu.memory_space<hbm>> -> memref<128x128xf32, #tpu.memory_space<hbm>>
            %dma_start3A_304 = tpu.memref_slice %run_scoped3A_19[%rem3A_295] : memref<2x!tpu.dma_semaphore, #tpu.memory_space<semaphore_mem>> -> memref<1x!tpu.dma_semaphore, #tpu.memory_space<semaphore_mem>>
            %dma_start3A_305 = tpu.memref_squeeze %dma_start3A_304 : memref<1x!tpu.dma_semaphore, #tpu.memory_space<semaphore_mem>> -> memref<!tpu.dma_semaphore, #tpu.memory_space<semaphore_mem>>
            %dma_start3A_306 = arith.constant 0 : i32
            %dma_start3A_307 = tpu.memref_slice %arg4[%mul3A_297, %dma_start3A_306] : memref<640000x128xf32, #tpu.memory_space<hbm>> -> memref<128x128xf32, #tpu.memory_space<hbm>>
            %dma_start3A_308 = arith.constant 0 : i32
            %dma_start3A_309 = arith.constant 0 : i32
            %dma_start3A_310 = tpu.memref_slice %run_scoped3A_18[%rem3A_295, %dma_start3A_308, %dma_start3A_309] : memref<2x128x128xf32, #tpu.memory_space<vmem>> -> memref<1x128x128xf32, #tpu.memory_space<vmem>>
            %dma_start3A_311 = tpu.memref_squeeze %dma_start3A_310 : memref<1x128x128xf32, #tpu.memory_space<vmem>> -> memref<128x128xf32, #tpu.memory_space<vmem>>
            tpu.enqueue_dma source(%dma_start3A_311 : memref<128x128xf32, #tpu.memory_space<vmem>>) target(%dma_start3A_307 : memref<128x128xf32, #tpu.memory_space<hbm>>) target_semaphore(%dma_start3A_305 : memref<!tpu.dma_semaphore, #tpu.memory_space<semaphore_mem>>)
            "tpu.trace_stop"() : () -> ()
          } else {
          }
          %and3A_248 = arith.constant true
          %and3A_249 = arith.andi %or3A_244, %and3A_248 : i1
          %add3A_250 = arith.constant 1 : i32
          %add3A_251 = arith.addi %while3A_145, %add3A_250 : i32
          %select_n3A_252 = arith.select %and3A_249, %add3A_251, %while3A_145 : i32
          %ne3A_253 = arith.cmpi ne, %add3A_155, %add3A_165 : i32
          %or3A_254 = arith.constant false
          %or3A_255 = arith.ori %or3A_254, %ne3A_253 : i1
          %not3A_256 = arith.constant true
          %not3A_257 = arith.xori %eq3A_151, %not3A_256 : i1
          %and3A_258 = arith.andi %or3A_255, %not3A_257 : i1
          %convert_element_type3A_259 = arith.extui %and3A_258 : i1 to i32
          %cond3A_260 = arith.constant 0 : i32
          %cond3A_261 = arith.cmpi ne, %convert_element_type3A_259, %cond3A_260 : i32
          scf.if %cond3A_261 {
          } else {
          }
          %and3A_262 = arith.constant false
          %and3A_263 = arith.andi %and3A_258, %and3A_262 : i1
          %ne3A_264 = arith.cmpi ne, %add3A_155, %add3A_165 : i32
          %or3A_265 = arith.constant false
          %or3A_266 = arith.ori %or3A_265, %ne3A_264 : i1
          %or3A_267 = arith.constant false
          %or3A_268 = arith.ori %or3A_266, %or3A_267 : i1
          %not3A_269 = arith.constant true
          %not3A_270 = arith.xori %eq3A_151, %not3A_269 : i1
          %and3A_271 = arith.andi %or3A_268, %not3A_270 : i1
          %convert_element_type3A_272 = arith.extui %and3A_271 : i1 to i32
          %cond3A_273 = arith.constant 0 : i32
          %cond3A_274 = arith.cmpi ne, %convert_element_type3A_272, %cond3A_273 : i32
          scf.if %cond3A_274 {
            "tpu.trace_start"() <{level = 10 : i32, message = "ep_wait_out"}> : () -> ()
            %rem3A_294 = arith.constant 2 : i32
            %rem3A_295 = arith.remui %while3A_146, %rem3A_294 : i32
            %mul3A_296 = arith.constant 128 : i32
            %mul3A_297 = arith.muli %mul3A_296, %add3A_165 : i32
            %dma_wait3A = arith.constant 0 : i32
            %dma_wait3A_298 = arith.constant 0 : i32
            %dma_wait3A_299 = tpu.memref_slice %run_scoped3A_18[%rem3A_295, %dma_wait3A, %dma_wait3A_298] : memref<2x128x128xf32, #tpu.memory_space<vmem>> -> memref<1x128x128xf32, #tpu.memory_space<vmem>>
            %dma_wait3A_300 = tpu.memref_squeeze %dma_wait3A_299 : memref<1x128x128xf32, #tpu.memory_space<vmem>> -> memref<128x128xf32, #tpu.memory_space<vmem>>
            %dma_wait3A_301 = arith.constant 0 : i32
            %dma_wait3A_302 = tpu.memref_slice %arg4[%mul3A_297, %dma_wait3A_301] : memref<640000x128xf32, #tpu.memory_space<hbm>> -> memref<128x128xf32, #tpu.memory_space<hbm>>
            %dma_wait3A_303 = tpu.memref_slice %run_scoped3A_19[%rem3A_295] : memref<2x!tpu.dma_semaphore, #tpu.memory_space<semaphore_mem>> -> memref<1x!tpu.dma_semaphore, #tpu.memory_space<semaphore_mem>>
            %dma_wait3A_304 = tpu.memref_squeeze %dma_wait3A_303 : memref<1x!tpu.dma_semaphore, #tpu.memory_space<semaphore_mem>> -> memref<!tpu.dma_semaphore, #tpu.memory_space<semaphore_mem>>
            %dma_wait3A_305 = arith.constant 0 : i32
            %dma_wait3A_306 = tpu.memref_slice %arg4[%mul3A_297, %dma_wait3A_305] : memref<640000x128xf32, #tpu.memory_space<hbm>> -> memref<128x128xf32, #tpu.memory_space<hbm>>
            %dma_wait3A_307 = arith.constant 0 : i32
            %dma_wait3A_308 = arith.constant 0 : i32
            %dma_wait3A_309 = tpu.memref_slice %run_scoped3A_18[%rem3A_295, %dma_wait3A_307, %dma_wait3A_308] : memref<2x128x128xf32, #tpu.memory_space<vmem>> -> memref<1x128x128xf32, #tpu.memory_space<vmem>>
            %dma_wait3A_310 = tpu.memref_squeeze %dma_wait3A_309 : memref<1x128x128xf32, #tpu.memory_space<vmem>> -> memref<128x128xf32, #tpu.memory_space<vmem>>
            tpu.wait_dma2 semaphore(%dma_wait3A_304 : memref<!tpu.dma_semaphore, #tpu.memory_space<semaphore_mem>>) src(%dma_wait3A_310 : memref<128x128xf32, #tpu.memory_space<vmem>>) dst(%dma_wait3A_306 : memref<128x128xf32, #tpu.memory_space<hbm>>)
            "tpu.trace_stop"() : () -> ()
          } else {
          }
          %and3A_275 = arith.constant true
          %and3A_276 = arith.andi %and3A_271, %and3A_275 : i1
          %add3A_277 = arith.constant 1 : i32
          %add3A_278 = arith.addi %while3A_146, %add3A_277 : i32
          %select_n3A_279 = arith.select %and3A_276, %add3A_278, %while3A_146 : i32
          %ne3A_280 = arith.cmpi ne, %add3A_155, %add3A_173 : i32
          %or3A_281 = arith.constant false
          %or3A_282 = arith.ori %or3A_281, %ne3A_280 : i1
          %or3A_283 = arith.ori %or3A_282, %eq3A_154 : i1
          %add3A_284 = arith.constant 1 : i32
          %add3A_285 = arith.addi %while3A_144, %add3A_284 : i32
          %select_n3A_286 = arith.select %or3A_283, %add3A_285, %while3A_144 : i32
          %add3A_287 = arith.constant 1 : i32
          %add3A_288 = arith.addi %while3A_147, %add3A_287 : i32
          %select_n3A_289 = arith.constant true
          %select_n3A_290 = arith.select %select_n3A_289, %add3A_288, %while3A_147 : i32
          %eq3A_291 = arith.cmpi eq, %select_n3A_290, %select_n3A : i32
          %select_n3A_292 = arith.constant 0 : i32
          %select_n3A_293 = arith.select %eq3A_291, %select_n3A_292, %select_n3A_290 : i32
          scf.yield %select_n3A_195, %select_n3A_286, %select_n3A_252, %select_n3A_279, %select_n3A_293 : i32, i32, i32, i32, i32
        }
        %sub3A_91 = arith.constant 1 : i32
        %sub3A_92 = arith.subi %while3A_90#4, %sub3A_91 : i32
        %select_n3A_93 = arith.constant true
        %select_n3A_94 = arith.select %select_n3A_93, %sub3A_92, %while3A_90#4 : i32
        %eq3A_95 = arith.constant -1 : i32
        %eq3A_96 = arith.cmpi eq, %select_n3A_94, %eq3A_95 : i32
        %sub3A_97 = arith.constant 1 : i32
        %sub3A_98 = arith.subi %select_n3A, %sub3A_97 : i32
        %select_n3A_99 = arith.select %eq3A_96, %sub3A_98, %select_n3A_94 : i32
        %sub3A_100 = arith.constant 1 : i32
        %sub3A_101 = arith.subi %mul3A_16, %sub3A_100 : i32
        %mul3A_102 = arith.constant 1 : i32
        %mul3A_103 = arith.muli %mul3A_102, %select_n3A : i32
        %eq3A_104 = arith.constant 0 : i32
        %eq3A_105 = arith.cmpi eq, %sub3A_101, %eq3A_104 : i32
        %sub3A_106 = arith.constant 1 : i32
        %sub3A_107 = arith.subi %mul3A_103, %sub3A_106 : i32
        %eq3A_108 = arith.cmpi eq, %sub3A_101, %sub3A_107 : i32
        %add3A_109 = arith.addi %select_n3A_99, %select_n3A_14 : i32
        %sub3A_110 = arith.constant 1 : i32
        %sub3A_111 = arith.subi %select_n3A_99, %sub3A_110 : i32
        %select_n3A_112 = arith.constant true
        %select_n3A_113 = arith.select %select_n3A_112, %sub3A_111, %select_n3A_99 : i32
        %eq3A_114 = arith.constant -1 : i32
        %eq3A_115 = arith.cmpi eq, %select_n3A_113, %eq3A_114 : i32
        %sub3A_116 = arith.constant 1 : i32
        %sub3A_117 = arith.subi %select_n3A, %sub3A_116 : i32
        %select_n3A_118 = arith.select %eq3A_115, %sub3A_117, %select_n3A_113 : i32
        %add3A_119 = arith.addi %select_n3A_118, %select_n3A_14 : i32
        %add3A_120 = arith.constant 1 : i32
        %add3A_121 = arith.addi %select_n3A_99, %add3A_120 : i32
        %select_n3A_122 = arith.constant true
        %select_n3A_123 = arith.select %select_n3A_122, %add3A_121, %select_n3A_99 : i32
        %eq3A_124 = arith.cmpi eq, %select_n3A_123, %select_n3A : i32
        %select_n3A_125 = arith.constant 0 : i32
        %select_n3A_126 = arith.select %eq3A_124, %select_n3A_125, %select_n3A_123 : i32
        %add3A_127 = arith.addi %select_n3A_126, %select_n3A_14 : i32
        %add3A_128 = arith.constant 1 : i32
        %add3A_129 = arith.addi %select_n3A_126, %add3A_128 : i32
        %select_n3A_130 = arith.constant true
        %select_n3A_131 = arith.select %select_n3A_130, %add3A_129, %select_n3A_126 : i32
        %eq3A_132 = arith.cmpi eq, %select_n3A_131, %select_n3A : i32
        %select_n3A_133 = arith.constant 0 : i32
        %select_n3A_134 = arith.select %eq3A_132, %select_n3A_133, %select_n3A_131 : i32
        %add3A_135 = arith.addi %select_n3A_134, %select_n3A_14 : i32
        %convert_element_type3A_136 = arith.extui %eq3A_108 : i1 to i32
        %cond3A_137 = arith.constant 0 : i32
        %cond3A_138 = arith.cmpi ne, %convert_element_type3A_136, %cond3A_137 : i32
        scf.if %cond3A_138 {
        } else {
        }
        %convert_element_type3A_139 = arith.extui %eq3A_108 : i1 to i32
        %cond3A_140 = arith.constant 0 : i32
        %cond3A_141 = arith.cmpi ne, %convert_element_type3A_139, %cond3A_140 : i32
        scf.if %cond3A_141 {
          "tpu.trace_start"() <{level = 10 : i32, message = "ep_finalize"}> : () -> ()
          %rem3A_142 = arith.constant 2 : i32
          %rem3A_143 = arith.remui %while3A_90#3, %rem3A_142 : i32
          %mul3A_144 = arith.constant 128 : i32
          %mul3A_145 = arith.muli %mul3A_144, %add3A_109 : i32
          %dma_wait3A = arith.constant 0 : i32
          %dma_wait3A_146 = arith.constant 0 : i32
          %dma_wait3A_147 = tpu.memref_slice %run_scoped3A_18[%rem3A_143, %dma_wait3A, %dma_wait3A_146] : memref<2x128x128xf32, #tpu.memory_space<vmem>> -> memref<1x128x128xf32, #tpu.memory_space<vmem>>
          %dma_wait3A_148 = tpu.memref_squeeze %dma_wait3A_147 : memref<1x128x128xf32, #tpu.memory_space<vmem>> -> memref<128x128xf32, #tpu.memory_space<vmem>>
          %dma_wait3A_149 = arith.constant 0 : i32
          %dma_wait3A_150 = tpu.memref_slice %arg4[%mul3A_145, %dma_wait3A_149] : memref<640000x128xf32, #tpu.memory_space<hbm>> -> memref<128x128xf32, #tpu.memory_space<hbm>>
          %dma_wait3A_151 = tpu.memref_slice %run_scoped3A_19[%rem3A_143] : memref<2x!tpu.dma_semaphore, #tpu.memory_space<semaphore_mem>> -> memref<1x!tpu.dma_semaphore, #tpu.memory_space<semaphore_mem>>
          %dma_wait3A_152 = tpu.memref_squeeze %dma_wait3A_151 : memref<1x!tpu.dma_semaphore, #tpu.memory_space<semaphore_mem>> -> memref<!tpu.dma_semaphore, #tpu.memory_space<semaphore_mem>>
          %dma_wait3A_153 = arith.constant 0 : i32
          %dma_wait3A_154 = tpu.memref_slice %arg4[%mul3A_145, %dma_wait3A_153] : memref<640000x128xf32, #tpu.memory_space<hbm>> -> memref<128x128xf32, #tpu.memory_space<hbm>>
          %dma_wait3A_155 = arith.constant 0 : i32
          %dma_wait3A_156 = arith.constant 0 : i32
          %dma_wait3A_157 = tpu.memref_slice %run_scoped3A_18[%rem3A_143, %dma_wait3A_155, %dma_wait3A_156] : memref<2x128x128xf32, #tpu.memory_space<vmem>> -> memref<1x128x128xf32, #tpu.memory_space<vmem>>
          %dma_wait3A_158 = tpu.memref_squeeze %dma_wait3A_157 : memref<1x128x128xf32, #tpu.memory_space<vmem>> -> memref<128x128xf32, #tpu.memory_space<vmem>>
          tpu.wait_dma2 semaphore(%dma_wait3A_152 : memref<!tpu.dma_semaphore, #tpu.memory_space<semaphore_mem>>) src(%dma_wait3A_158 : memref<128x128xf32, #tpu.memory_space<vmem>>) dst(%dma_wait3A_154 : memref<128x128xf32, #tpu.memory_space<hbm>>)
          "tpu.trace_stop"() : () -> ()
        } else {
        }
      } else {
      }
      tpu.yield
    }) : () -> ()
    return
  }
}

module attributes {stable_mosaic.version = 14 : i64} {
  func.func @_mm_body(%arg0: i32, %arg1: memref<2000x144xf32, #tpu.memory_space<vmem>>, %arg2: memref<144x128xf32, #tpu.memory_space<vmem>>, %arg3: memref<2000x128xf32, #tpu.memory_space<vmem>>) attributes {dimension_semantics = [#tpu.dimension_semantics<arbitrary>], iteration_bounds = array<i64: 5>, scalar_prefetch = 0 : i64, scratch_operands = 0 : i64, tpu.core_type = #tpu.core_type<tc>, window_params = [{transform_indices = @transform_0, window_bounds = array<i64: 2000, 144>}, {pipeline_mode = #tpu.pipeline_mode<synchronous>, transform_indices = @transform_1, window_bounds = array<i64: 144, 128>}, {transform_indices = @transform_2, window_bounds = array<i64: 2000, 128>}]} {
    %get3A = arith.constant 0 : index
    %get3A_0 = arith.constant 0 : index
    %get3A_1 = vector.load %arg1[%get3A, %get3A_0] : memref<2000x144xf32, #tpu.memory_space<vmem>>, vector<2000x144xf32>
    %get3A_2 = arith.constant 0 : index
    %get3A_3 = arith.constant 0 : index
    %get3A_4 = vector.load %arg2[%get3A_2, %get3A_3] : memref<144x128xf32, #tpu.memory_space<vmem>>, vector<144x128xf32>
    %dot_general3A = arith.constant dense<0.000000e+00> : vector<2000x128xf32>
    %dot_general3A_5 = tpu.matmul %get3A_1, %get3A_4, %dot_general3A {dimension_numbers = #tpu.dot_dimension_numbers<[1], [0], [0], [1], [0, 0, 1, 1], [], []>, transpose_lhs_hint = false} : vector<2000x144xf32>, vector<144x128xf32>, vector<2000x128xf32> -> vector<2000x128xf32>
    %swap3A = arith.constant 0 : index
    %swap3A_6 = arith.constant 0 : index
    %swap3A_7 = vector.load %arg3[%swap3A, %swap3A_6] : memref<2000x128xf32, #tpu.memory_space<vmem>>, vector<2000x128xf32>
    tpu.vector_store %arg3[%swap3A, %swap3A_6], %dot_general3A_5 {strides = array<i32>} : memref<2000x128xf32, #tpu.memory_space<vmem>>, vector<2000x128xf32>,
    return
  }
  func.func @transform_0(%arg0: i32) -> (i32, i32) {
    %c0_i32 = arith.constant 0 : i32
    %c0_i32_0 = arith.constant 0 : i32
    return %arg0, %c0_i32 : i32, i32
  }
  func.func @transform_1(%arg0: i32) -> (i32, i32) {
    %c0_i32 = arith.constant 0 : i32
    %c0_i32_0 = arith.constant 0 : i32
    %c0_i32_1 = arith.constant 0 : i32
    return %c0_i32, %c0_i32_0 : i32, i32
  }
  func.func @transform_2(%arg0: i32) -> (i32, i32) {
    %c0_i32 = arith.constant 0 : i32
    %c0_i32_0 = arith.constant 0 : i32
    return %arg0, %c0_i32 : i32, i32
  }
}

module attributes {stable_mosaic.version = 14 : i64} {
  func.func @_self_body(%arg0: i32, %arg1: memref<2000x128xf32, #tpu.memory_space<vmem>>, %arg2: memref<2000x1xf32, #tpu.memory_space<vmem>>, %arg3: memref<2000x128xf32, #tpu.memory_space<vmem>>) attributes {dimension_semantics = [#tpu.dimension_semantics<arbitrary>], iteration_bounds = array<i64: 5>, scalar_prefetch = 0 : i64, scratch_operands = 0 : i64, tpu.core_type = #tpu.core_type<tc>, window_params = [{transform_indices = @transform_0, window_bounds = array<i64: 2000, 128>}, {transform_indices = @transform_1, window_bounds = array<i64: 2000, 1>}, {transform_indices = @transform_2, window_bounds = array<i64: 2000, 128>}]} {
    %get3A = arith.constant 0 : index
    %get3A_0 = arith.constant 0 : index
    %get3A_1 = vector.load %arg2[%get3A, %get3A_0] : memref<2000x1xf32, #tpu.memory_space<vmem>>, vector<2000x1xf32>
    %get3A_2 = arith.constant 0 : index
    %get3A_3 = arith.constant 0 : index
    %get3A_4 = vector.load %arg2[%get3A_2, %get3A_3] : memref<2000x1xf32, #tpu.memory_space<vmem>>, vector<2000x1xf32>
    %mul3A = arith.mulf %get3A_1, %get3A_4 : vector<2000x1xf32>
    %get3A_5 = arith.constant 0 : index
    %get3A_6 = arith.constant 0 : index
    %get3A_7 = vector.load %arg1[%get3A_5, %get3A_6] : memref<2000x128xf32, #tpu.memory_space<vmem>>, vector<2000x128xf32>
    %mul3A_8 = vector.broadcast %mul3A : vector<2000x1xf32> to vector<2000x128xf32>
    %mul3A_9 = arith.mulf %get3A_7, %mul3A_8 : vector<2000x128xf32>
    %swap3A = arith.constant 0 : index
    %swap3A_10 = arith.constant 0 : index
    %swap3A_11 = vector.load %arg3[%swap3A, %swap3A_10] : memref<2000x128xf32, #tpu.memory_space<vmem>>, vector<2000x128xf32>
    tpu.vector_store %arg3[%swap3A, %swap3A_10], %mul3A_9 {strides = array<i32>} : memref<2000x128xf32, #tpu.memory_space<vmem>>, vector<2000x128xf32>,
    return
  }
  func.func @transform_0(%arg0: i32) -> (i32, i32) {
    %c0_i32 = arith.constant 0 : i32
    %c0_i32_0 = arith.constant 0 : i32
    return %arg0, %c0_i32 : i32, i32
  }
  func.func @transform_1(%arg0: i32) -> (i32, i32) {
    %c0_i32 = arith.constant 0 : i32
    %c0_i32_0 = arith.constant 0 : i32
    return %arg0, %c0_i32 : i32, i32
  }
  func.func @transform_2(%arg0: i32) -> (i32, i32) {
    %c0_i32 = arith.constant 0 : i32
    %c0_i32_0 = arith.constant 0 : i32
    return %arg0, %c0_i32 : i32, i32
  }
}

module attributes {stable_mosaic.version = 14 : i64} {
  func.func @_mult2_body(%arg0: i32, %arg1: memref<4000x128xf32, #tpu.memory_space<vmem>>, %arg2: memref<4000x1xf32, #tpu.memory_space<vmem>>, %arg3: memref<4000x128xf32, #tpu.memory_space<vmem>>) attributes {dimension_semantics = [#tpu.dimension_semantics<arbitrary>], iteration_bounds = array<i64: 160>, scalar_prefetch = 0 : i64, scratch_operands = 0 : i64, tpu.core_type = #tpu.core_type<tc>, window_params = [{transform_indices = @transform_0, window_bounds = array<i64: 4000, 128>}, {transform_indices = @transform_1, window_bounds = array<i64: 4000, 1>}, {transform_indices = @transform_2, window_bounds = array<i64: 4000, 128>}]} {
    %get3A = arith.constant 0 : index
    %get3A_0 = arith.constant 0 : index
    %get3A_1 = vector.load %arg1[%get3A, %get3A_0] : memref<4000x128xf32, #tpu.memory_space<vmem>>, vector<4000x128xf32>
    %get3A_2 = arith.constant 0 : index
    %get3A_3 = arith.constant 0 : index
    %get3A_4 = vector.load %arg2[%get3A_2, %get3A_3] : memref<4000x1xf32, #tpu.memory_space<vmem>>, vector<4000x1xf32>
    %mul3A = vector.broadcast %get3A_4 : vector<4000x1xf32> to vector<4000x128xf32>
    %mul3A_5 = arith.mulf %get3A_1, %mul3A : vector<4000x128xf32>
    %swap3A = arith.constant 0 : index
    %swap3A_6 = arith.constant 0 : index
    %swap3A_7 = vector.load %arg3[%swap3A, %swap3A_6] : memref<4000x128xf32, #tpu.memory_space<vmem>>, vector<4000x128xf32>
    tpu.vector_store %arg3[%swap3A, %swap3A_6], %mul3A_5 {strides = array<i32>} : memref<4000x128xf32, #tpu.memory_space<vmem>>, vector<4000x128xf32>,
    return
  }
  func.func @transform_0(%arg0: i32) -> (i32, i32) {
    %c0_i32 = arith.constant 0 : i32
    %c0_i32_0 = arith.constant 0 : i32
    return %arg0, %c0_i32 : i32, i32
  }
  func.func @transform_1(%arg0: i32) -> (i32, i32) {
    %c0_i32 = arith.constant 0 : i32
    %c0_i32_0 = arith.constant 0 : i32
    return %arg0, %c0_i32 : i32, i32
  }
  func.func @transform_2(%arg0: i32) -> (i32, i32) {
    %c0_i32 = arith.constant 0 : i32
    %c0_i32_0 = arith.constant 0 : i32
    return %arg0, %c0_i32 : i32, i32
  }
}

module attributes {stable_mosaic.version = 14 : i64} {
  func.func @_mm_body(%arg0: i32, %arg1: memref<2000x128xf32, #tpu.memory_space<vmem>>, %arg2: memref<128x128xf32, #tpu.memory_space<vmem>>, %arg3: memref<2000x128xf32, #tpu.memory_space<vmem>>) attributes {dimension_semantics = [#tpu.dimension_semantics<arbitrary>], iteration_bounds = array<i64: 5>, scalar_prefetch = 0 : i64, scratch_operands = 0 : i64, tpu.core_type = #tpu.core_type<tc>, window_params = [{transform_indices = @transform_0, window_bounds = array<i64: 2000, 128>}, {pipeline_mode = #tpu.pipeline_mode<synchronous>, transform_indices = @transform_1, window_bounds = array<i64: 128, 128>}, {transform_indices = @transform_2, window_bounds = array<i64: 2000, 128>}]} {
    %get3A = arith.constant 0 : index
    %get3A_0 = arith.constant 0 : index
    %get3A_1 = vector.load %arg1[%get3A, %get3A_0] : memref<2000x128xf32, #tpu.memory_space<vmem>>, vector<2000x128xf32>
    %get3A_2 = arith.constant 0 : index
    %get3A_3 = arith.constant 0 : index
    %get3A_4 = vector.load %arg2[%get3A_2, %get3A_3] : memref<128x128xf32, #tpu.memory_space<vmem>>, vector<128x128xf32>
    %dot_general3A = arith.constant dense<0.000000e+00> : vector<2000x128xf32>
    %dot_general3A_5 = tpu.matmul %get3A_1, %get3A_4, %dot_general3A {dimension_numbers = #tpu.dot_dimension_numbers<[1], [0], [0], [1], [0, 0, 1, 1], [], []>, transpose_lhs_hint = false} : vector<2000x128xf32>, vector<128x128xf32>, vector<2000x128xf32> -> vector<2000x128xf32>
    %swap3A = arith.constant 0 : index
    %swap3A_6 = arith.constant 0 : index
    %swap3A_7 = vector.load %arg3[%swap3A, %swap3A_6] : memref<2000x128xf32, #tpu.memory_space<vmem>>, vector<2000x128xf32>
    tpu.vector_store %arg3[%swap3A, %swap3A_6], %dot_general3A_5 {strides = array<i32>} : memref<2000x128xf32, #tpu.memory_space<vmem>>, vector<2000x128xf32>,
    return
  }
  func.func @transform_0(%arg0: i32) -> (i32, i32) {
    %c0_i32 = arith.constant 0 : i32
    %c0_i32_0 = arith.constant 0 : i32
    return %arg0, %c0_i32 : i32, i32
  }
  func.func @transform_1(%arg0: i32) -> (i32, i32) {
    %c0_i32 = arith.constant 0 : i32
    %c0_i32_0 = arith.constant 0 : i32
    %c0_i32_1 = arith.constant 0 : i32
    return %c0_i32, %c0_i32_0 : i32, i32
  }
  func.func @transform_2(%arg0: i32) -> (i32, i32) {
    %c0_i32 = arith.constant 0 : i32
    %c0_i32_0 = arith.constant 0 : i32
    return %arg0, %c0_i32 : i32, i32
  }
}

module attributes {stable_mosaic.version = 14 : i64} {
  func.func @_post_body(%arg0: i32, %arg1: memref<2000x64xf32, #tpu.memory_space<vmem>>, %arg2: memref<2000x64xf32, #tpu.memory_space<vmem>>, %arg3: memref<2000x64xf32, #tpu.memory_space<vmem>>, %arg4: memref<8x64xf32, #tpu.memory_space<vmem>>, %arg5: memref<2000x64xf32, #tpu.memory_space<vmem>>, %arg6: memref<2000x64xf32, #tpu.memory_space<vmem>>) attributes {dimension_semantics = [#tpu.dimension_semantics<arbitrary>], iteration_bounds = array<i64: 5>, scalar_prefetch = 0 : i64, scratch_operands = 0 : i64, tpu.core_type = #tpu.core_type<tc>, window_params = [{transform_indices = @transform_0, window_bounds = array<i64: 2000, 64>}, {transform_indices = @transform_1, window_bounds = array<i64: 2000, 64>}, {transform_indices = @transform_2, window_bounds = array<i64: 2000, 64>}, {pipeline_mode = #tpu.pipeline_mode<synchronous>, transform_indices = @transform_3, window_bounds = array<i64: 8, 64>}, {transform_indices = @transform_4, window_bounds = array<i64: 2000, 64>}, {transform_indices = @transform_5, window_bounds = array<i64: 2000, 64>}]} {
    %get3A = arith.constant 0 : index
    %get3A_0 = arith.constant 0 : index
    %get3A_1 = vector.load %arg2[%get3A, %get3A_0] : memref<2000x64xf32, #tpu.memory_space<vmem>>, vector<2000x64xf32>
    %mul3A = arith.constant 5.000000e-01 : f32
    %mul3A_2 = vector.broadcast %mul3A : f32 to vector<2000x64xf32>
    %mul3A_3 = arith.mulf %mul3A_2, %get3A_1 : vector<2000x64xf32>
    %exp3A = math.exp %mul3A_3 : vector<2000x64xf32>
    %get3A_4 = arith.constant 0 : index
    %get3A_5 = arith.constant 0 : index
    %get3A_6 = vector.load %arg1[%get3A_4, %get3A_5] : memref<2000x64xf32, #tpu.memory_space<vmem>>, vector<2000x64xf32>
    %get3A_7 = arith.constant 0 : index
    %get3A_8 = arith.constant 0 : index
    %get3A_9 = vector.load %arg3[%get3A_7, %get3A_8] : memref<2000x64xf32, #tpu.memory_space<vmem>>, vector<2000x64xf32>
    %mul3A_10 = arith.mulf %get3A_9, %exp3A : vector<2000x64xf32>
    %add3A = arith.addf %get3A_6, %mul3A_10 : vector<2000x64xf32>
    %swap3A = arith.constant 0 : index
    %swap3A_11 = arith.constant 0 : index
    %swap3A_12 = vector.load %arg5[%swap3A, %swap3A_11] : memref<2000x64xf32, #tpu.memory_space<vmem>>, vector<2000x64xf32>
    tpu.vector_store %arg5[%swap3A, %swap3A_11], %add3A {strides = array<i32>} : memref<2000x64xf32, #tpu.memory_space<vmem>>, vector<2000x64xf32>,
    %get3A_13 = arith.constant 0 : index
    %get3A_14 = arith.constant 0 : index
    %get3A_15 = vector.load %arg4[%get3A_13, %get3A_14] : memref<8x64xf32, #tpu.memory_space<vmem>>, vector<1x64xf32>
    %mul3A_16 = vector.broadcast %get3A_15 : vector<1x64xf32> to vector<2000x64xf32>
    %mul3A_17 = arith.mulf %add3A, %mul3A_16 : vector<2000x64xf32>
    %swap3A_18 = arith.constant 0 : index
    %swap3A_19 = arith.constant 0 : index
    %swap3A_20 = vector.load %arg6[%swap3A_18, %swap3A_19] : memref<2000x64xf32, #tpu.memory_space<vmem>>, vector<2000x64xf32>
    tpu.vector_store %arg6[%swap3A_18, %swap3A_19], %mul3A_17 {strides = array<i32>} : memref<2000x64xf32, #tpu.memory_space<vmem>>, vector<2000x64xf32>,
    return
  }
  func.func @transform_0(%arg0: i32) -> (i32, i32) {
    %c0_i32 = arith.constant 0 : i32
    %c0_i32_0 = arith.constant 0 : i32
    return %arg0, %c0_i32 : i32, i32
  }
  func.func @transform_1(%arg0: i32) -> (i32, i32) {
    %c0_i32 = arith.constant 0 : i32
    %c0_i32_0 = arith.constant 0 : i32
    return %arg0, %c0_i32 : i32, i32
  }
  func.func @transform_2(%arg0: i32) -> (i32, i32) {
    %c0_i32 = arith.constant 0 : i32
    %c0_i32_0 = arith.constant 0 : i32
    return %arg0, %c0_i32 : i32, i32
  }
  func.func @transform_3(%arg0: i32) -> (i32, i32) {
    %c0_i32 = arith.constant 0 : i32
    %c0_i32_0 = arith.constant 0 : i32
    %c0_i32_1 = arith.constant 0 : i32
    return %c0_i32, %c0_i32_0 : i32, i32
  }
  func.func @transform_4(%arg0: i32) -> (i32, i32) {
    %c0_i32 = arith.constant 0 : i32
    %c0_i32_0 = arith.constant 0 : i32
    return %arg0, %c0_i32 : i32, i32
  }
  func.func @transform_5(%arg0: i32) -> (i32, i32) {
    %c0_i32 = arith.constant 0 : i32
    %c0_i32_0 = arith.constant 0 : i32
    return %arg0, %c0_i32 : i32, i32
  }
}

</mosaic_0001>

<sc_bundles>
// kernel: gather_offload_async_start.1
scs
__scs_entry_jumppad:
0x0: {  	(pc) =	sbr.rel $0x88, $3  }
0x1: {  	(tag) =	ssettag $0x0;
	lr =	simm.s32 $0x1  }
0x2: {  	[smem:$0x3F95] =	sst lr;
	_ =	strace $0xD0000000  }
0x3: {  	_ = 	snop  }
0x4: {  	_ = 	snop  }
0x5: {  	_ = 	snop  }
0x6: {  	_ = 	snop  }
0x7: {  	_ = 	snop  }
__scs_overlays_trampoline_lowered:
0x8: {  	[smem:$0x3FA4] =	sst s0  }
0x9: {  	[smem:$0x3FA5] =	sst s1  }
0xa: {  	[smem:$0x3FA6] =	sst s2  }
0xb: {  	[smem:$0x3FA7] =	sst s3  }
0xc: {  	[smem:$0x3FA8] =	sst s4  }
0xd: {  	[smem:$0x3FA9] =	sst s5  }
0xe: {  	[smem:$0x3FAA] =	sst s6  }
0xf: {  	[smem:$0x3FAB] =	sst s7  }
0x10: {  	[smem:$0x3FAC] =	sst s8  }
0x11: {  	[smem:$0x3FAD] =	sst s9;
	s0 =	simm.s32 @!p0 $0x0  }
0x12: {  	s1 =	sld [smem:$0x3F93];
	s0 =	simm.s32 @p0 $0x1  }
0x13: {  	[smem:$0x3FAE] =	sst s0;
	s0 =	simm.s32 @!p1 $0x0  }
0x14: {  	s2 =	sld [smem:$0x3F92];
	s0 =	simm.s32 @p1 $0x1  }
0x15: {  	[smem:$0x3FAF] =	sst s0;
	s0 =	simm.s32 @!p2 $0x0  }
0x16: {  	s3 =	sld [smem:$0x3FDB];
	s0 =	simm.s32 @p2 $0x1  }
0x17: {  	s4 =	simm.s32 $0x1BF5;
	[smem:$0x3FB1] =	sst s0  }
0x18: {  	s0 =	sld [smem:$0x3F94];
	_ =	swait.ge [sflag:s4], $0x0  }
0x19: {  	s7 =	sld [smem:$0x3F95]  }
0x1a: {  	s8 =	sadd.s32 $0xFFFFE003, lr  }
0x1b: {  	s9 =	sadd.s32 $0xFFFFFEF7, lr;
	s5 =	simm.s32 $0xFFFFFFFF;
	p2 =	slt.u32 s8, $0xFFFFF086  }
0x1c: {  	p1 =	slt.u32 s9, $0xF7A;
	s5 =	simm.s32 @!p2 $0x0  }
0x1d: {  	s5 =	simm.s32 @p1 $0x1;
	p0 =	seq.s32 s7, s2  }
0x1e: {  	s7 =	smul.u32 @!p0 $0xF7A, s2;
	p2 =	seq.s32 @!p0 s5, $0x0  }
0x1f: {  	s9 =	smul.u32 $0xF7A, s1;
	s8 =	simm.s32 @!p0 $0x1BF5;
	p2 =	por !p2, p0  }
0x20: {  	[sflag:s8] =	ssyncset.s32 @!p0 $0xFFFFF086;
	s6 =	sadd.s32 @!p0 s3, s7;
	s7 =	simm.s32 @!p0 $0x108  }
0x21: {  	s3 =	sadd.s32 s3, s9;
	s6 =	sadd.s32 @!p0 $0x88, s6;
	s7 =	simm.s32 @p2 $0x1082  }
0x22: {  	[simem:s7], [sflag:s8] =	dma.local @!p0 [hbm:s6], $0xF7A  }
0x23: {  	s9 =	sor.u32 $0xD0000000, s2;
	s6 =	simm.s32 $0x108;
	_ =	swait.ge @!p0 [sflag:s8], $0x0  }
0x24: {  	s3 =	sadd.s32 $0x88, s3;
	s6 =	simm.s32 @!p1 $0x1082;
	[sflag:s4] =	ssyncset.s32 $0xFFFFF086  }
0x25: {  	[simem:s6], [sflag:s4] =	dma.local [hbm:s3], $0xF7A  }
0x26: {  	[smem:$0x3F95] =	sst s1;
	(tag) =	ssettag s2;
	_ =	strace s9  }
0x27: {  	s1 =	sld [smem:$0x3FA5]  }
0x28: {  	s2 =	sld [smem:$0x3FA6]  }
0x29: {  	s4 =	sld [smem:$0x3FA8]  }
0x2a: {  	p0 =	seq.s32 s5, $0x0;
	s5 =	sld [smem:$0x3FA9]  }
0x2b: {  	s6 =	sld [smem:$0x3FAA]  }
0x2c: {  	s7 =	sld [smem:$0x3FAB]  }
0x2d: {  	s3 =	simm.s32 $0x108;
	s8 =	sld [smem:$0x3FAC]  }
0x2e: {  	s3 =	simm.s32 @!p0 $0x1082;
	s9 =	sld [smem:$0x3FAD]  }
0x2f: {  	lr =	sadd.s32 s0, s3;
	s0 =	sld [smem:$0x3FA4]  }
0x30: {  	s3 =	sld [smem:$0x3FA7]  }
0x31: {  	[smem:$0x3FB0] =	sst s10  }
0x32: {  	s10 =	sld [smem:$0x3FAE];
	_ =	sdelay $0x3  }
0x33: {  	p0 =	seq.s32 s10, $0x1;
	s10 =	sld [smem:$0x3FB0];
	_ =	sdelay $0x3  }
0x34: {  	[smem:$0x3FB0] =	sst s10  }
0x35: {  	s10 =	sld [smem:$0x3FAF];
	_ =	sdelay $0x3  }
0x36: {  	p1 =	seq.s32 s10, $0x1;
	s10 =	sld [smem:$0x3FB0];
	_ =	sdelay $0x3  }
0x37: {  	[smem:$0x3FB0] =	sst s10  }
0x38: {  	s10 =	sld [smem:$0x3FB1]  }
0x39: {  	_ = 	snop;
	(pc) =	sbr.ind lr, $3  }
0x3a: {  	_ = 	snop  }
0x3b: {  	_ = 	snop  }
0x3c: {  	p2 =	seq.s32 s10, $0x1;
	s10 =	sld [smem:$0x3FB0]  }
0x3d: {  	_ =	shalt  }
0x3e: {  	_ =	shalt  }
0x3f: {  	_ =	shalt  }
0x40: {  	_ =	shalt  }
0x41: {  	_ =	shalt  }
0x42: {  	_ =	shalt  }
0x43: {  	_ =	shalt  }
0x44: {  	_ =	shalt  }
0x45: {  	_ =	shalt  }
0x46: {  	_ =	shalt  }
0x47: {  	_ =	shalt  }
0x48: {  	_ =	shalt  }
0x49: {  	_ =	shalt  }
0x4a: {  	_ =	shalt  }
0x4b: {  	_ =	shalt  }
0x4c: {  	_ =	shalt  }
0x4d: {  	_ =	shalt  }
0x4e: {  	_ =	shalt  }
0x4f: {  	_ =	shalt  }
0x50: {  	_ =	shalt  }
0x51: {  	_ =	shalt  }
0x52: {  	_ =	shalt  }
0x53: {  	_ =	shalt  }
0x54: {  	_ =	shalt  }
0x55: {  	_ =	shalt  }
0x56: {  	_ =	shalt  }
0x57: {  	_ =	shalt  }
0x58: {  	_ =	shalt  }
0x59: {  	_ =	shalt  }
0x5a: {  	_ =	shalt  }
0x5b: {  	_ =	shalt  }
0x5c: {  	_ =	shalt  }
0x5d: {  	_ =	shalt  }
0x5e: {  	_ =	shalt  }
0x5f: {  	_ =	shalt  }
0x60: {  	_ =	shalt  }
0x61: {  	_ =	shalt  }
0x62: {  	_ =	shalt  }
0x63: {  	_ =	shalt  }
0x64: {  	_ =	shalt  }
0x65: {  	_ =	shalt  }
0x66: {  	_ =	shalt  }
0x67: {  	_ =	shalt  }
0x68: {  	_ =	shalt  }
0x69: {  	_ =	shalt  }
0x6a: {  	_ =	shalt  }
0x6b: {  	_ =	shalt  }
0x6c: {  	_ =	shalt  }
0x6d: {  	_ =	shalt  }
0x6e: {  	_ =	shalt  }
0x6f: {  	_ =	shalt  }
0x70: {  	_ =	shalt  }
0x71: {  	_ =	shalt  }
0x72: {  	_ =	shalt  }
0x73: {  	_ =	shalt  }
0x74: {  	_ =	shalt  }
0x75: {  	_ =	shalt  }
0x76: {  	_ =	shalt  }
0x77: {  	_ =	shalt  }
0x78: {  	_ =	shalt  }
0x79: {  	_ =	shalt  }
0x7a: {  	_ =	shalt  }
0x7b: {  	_ =	shalt  }
0x7c: {  	_ =	shalt  }
0x7d: {  	_ =	shalt  }
0x7e: {  	_ =	shalt  }
0x7f: {  	_ =	shalt  }
0x80: {  	_ =	shalt  }
0x81: {  	_ =	shalt  }
0x82: {  	_ =	shalt  }
0x83: {  	_ =	shalt  }
0x84: {  	_ =	shalt  }
0x85: {  	_ =	shalt  }
0x86: {  	_ =	shalt  }
0x87: {  	_ =	shalt  }
.Lfunc_end0:
.L_simem_size_0:
called_computation.5_lowered:
.L_overlay_start_0:
0x88: {  	s0 =	sld [smem:$0x3FD9]  }
0x89: {  	s1 =	sld [smem:$0x3FFE];
	_ =	sdelay $0x3  }
0x8a: {  	s0 =	sadd.s32 s1, s0  }
0x8b: {  	[smem:$0x3FBC] =	sst s0  }
0x8c: {  	_ = 	snop  }
0x8d: {  	s0 =	sld [smem:$0x3FD0];
	_ =	sdelay $0x2  }
0x8e: {  	s13 =	simm.s32 $0xD;
	s2 =	simm.s32 $0x10  }
0x8f: {  	[smem:s2], [sflag:s13] =	dma.local [hbm:s0], $0x1  }
0x90: {  	_ =	swait.eq [sflag:s13], $0x1  }
0x91: {  	[sflag:s13] =	ssyncset.done $0x0  }
0x92: {  	s14 =	sld [smem:$0x11];
	[sflag:s13] =	ssyncadd.s32 $0xFFFFFFFF  }
0x93: {  	s15 =	sld [smem:$0x13];
	(tm) =	ssettm $0x1  }
0x94: {  	s16 =	sld [smem:$0x3FFB];
	_ =	sdelay $0x3  }
0x95: {  	_ =	strace s16  }
0x96: {  	s2 =	sld [smem:$0x3FFC];
	_ =	sdelay $0x3  }
0x97: {  	_ =	strace s2  }
0x98: {  	s2 =	sld [smem:$0x3FFD];
	_ =	sdelay $0x3  }
0x99: {  	_ =	strace s2  }
0x9a: {  	_ =	strace $0x8FFFFFFF  }
0x9b: {  	s17 =	sld [smem:$0x3FDB];
	_ =	sdelay $0x1  }
0x9c: {  	s3 =	simm.s32 $_scs_section_size  }
0x9d: {  	s4 =	simm.s32 $_size__tile_overlayer_lowered;
	s5 =	simm.s32 $_tile_overlayer_lowered  }
0x9e: {  	s20 =	simm.s32 $0x1BFF;
	s19 =	sshll.u32 s5, $0x1;
	s2 =	sadd.s32 s3, s17  }
0x9f: {  	s6 =	simm.s32 $0x0;
	s18 =	sshll.u32 s4, $0x1;
	s4 =	sadd.s32 s19, s2  }
0xa0: {  	[timem:s6], [sflag:s20] =	dma.local [hbm:s4], s18  }
0xa1: {  	_ =	swait.ge [sflag:s20], s18  }
0xa2: {  	s3 =	ssub.s32 $0x0, s18;
	[sflag:s20] =	ssyncset.done $0x0  }
0xa3: {  	[sflag:s20] =	ssyncadd.s32 s3;
	_ =	sdelay $0x1  }
0xa4: {  	s21 =	simm.s32 $0x1B8B  }
0xa5: {  	_ =	swait.ge [sflag:s21], $0x1  }
0xa6: {  	[sflag:s21] =	ssyncset.done $0x0  }
0xa7: {  	s23 =	simm.s32 $0x1B8E;
	s22 =	sld [smem:$0x3FFE];
	[sflag:s21] =	ssyncadd.s32 $0xFFFFFFFF  }
0xa8: {  	s24 =	simm.s32 $execute0_lowered;
	[smem:$0x3FD2] =	sst s23  }
0xa9: {  	s4 =	sshll.u32 s24, $0x1;
	_ =	strace $0x80000066;
	[dreg:$0x1] =	wrdreg $0xFFFFFFFF  }
0xaa: {  	s25 =	simm.s32 $_size_execute0_lowered;
	s2 =	sadd.s32 s2, s4;
	[dreg:$0x0] =	wrdreg $0x0  }
0xab: {  	s4 =	sshll.u32 s25, $0x1;
	[dreg:$0x2] =	wrdreg s2  }
0xac: {  	[dreg:$0x3] =	wrdreg s4  }
0xad: {  	[dreg:$0x4] =	wrdreg $0xC0  }
0xae: {  	_ =	task [dreg:s6], $0x5FFFF  }
0xaf: {  	[dreg:$0x1] =	wrdreg $0xFFFFFFFF  }
0xb0: {  	[dreg:$0x0] =	wrdreg $0x60  }
0xb1: {  	[dreg:$0x2] =	wrdreg s14  }
0xb2: {  	[dreg:$0x3] =	wrdreg s22  }
0xb3: {  	[dreg:$0x4] =	wrdreg s15  }
0xb4: {  	[dreg:$0x5] =	wrdreg $0xB  }
0xb5: {  	_ =	task.clear_ibuf [dreg:s6], $0x6FFFF;
	_ =	strace $0x90000066  }
0xb6: {  	s26 =	simm.s32 $0xB;
	_ =	strace $0x80000068  }
0xb7: {  	_ =	swait.ge [sflag:s26], $0x1  }
0xb8: {  	[sflag:s26] =	ssyncadd.s32 $0xFFFFFFFF  }
0xb9: {  	_ =	strace $0x90000068  }
0xba: {  	_ =	sfence  }
0xbb: {  	s28 =	sld [smem:$0x0];
	_ =	sdelay $0x1  }
0xbc: {  	s29 =	srdreg.scid  }
0xbd: {  	s30 =	sshll.u32 s29, $0xD;
	s31 =	sshrl.u32 s29, $0x2  }
0xbe: {  	s1 =	sand.u32 $0x1, s29;
	s2 =	sand.u32 $0x4000, s30;
	s0 =	sadd.s32 s31, s28  }
0xbf: {  	s1 =	sor.u32 s2, s1;
	s0 =	sshll.u32 s0, $0x11  }
0xc0: {  	s0 =	sor.u32 s0, s1  }
0xc1: {  	s0 =	sadd.s32 $0x8F2B, s0  }
0xc2: {  	[sflag:s0] =	ssyncadd.remote.s32 $0x1  }
0xc3: {  	_ =	sfence.sel $0xFFFF  }
0xc4: {  	[dreg:$0x0] =	wrdreg $0xFFFFFFFF;
	(pc) =	sbr.abs _section_cstart, $3  }
0xc5: {  	[dreg:$0x1] =	wrdreg $0xFFFFFFFF  }
0xc6: {  	_ =	task.clear_ibuf [dreg:s6], $0x2FFFF;
	_ =	strace $0x9FFFFFFF  }
0xc7: {  	(tm) =	ssettm $0x7FFFFFFF  }
tec
execute0_lowered:
.L_overlay_start_1:
0x0: {  	(tag) =	ssettag $0x1  }
0x1: {  	s2 =	rddreg [dreg:$0x0]  }
0x2: {  	s5 =	rddreg [dreg:$0x1]  }
0x3: {  	s3 =	rddreg [dreg:$0x2]  }
0x4: {  	s0 =	rddreg [dreg:$0x3];
	s1 =	stileid.u32  }
0x5: {  	_ =	strace $0x80000067;
	s6 =	simm.s32 $0x1;
	s8 =	simm.s32 $0x2  }
0x6: {  	s30 =	simm.s32 $0x3;
	s12 =	simm.s32 $0x0;
	s4 =	sshll.u32 s1, $0x4  }
0x7: {  	s9 =	simm.s32 $0x0;
	s10 =	simm.s32 $0x0;
	s7 =	ssub.s32 $0x1380, s4  }
0x8: {  	s5 =	sadd.s32 $0x28E00, s5;
	[sflag:s6] =	ssyncpa.u1 $0x0;
	s6 =	sshrl.u32 s7, $0x8  }
0x9: {  	[sflag:s8] =	ssyncpa.u1 $0x0;
	s11 =	smov.u32 s4;
	s31 =	sshll.u32 s6, $0x4  }
0xa: {  	[sflag:s30] =	ssyncpa.u1 $0x0;
	s7 =	sadd.s32 $0x2, s6;
	s8 =	sadd.s32 $0x30, s31  }
.LBB2_1:
0xb: {  	p0 =	sgt.u32 s10, s6  }
0xc: {  	s13 =	sxor.u32 @!p0 $0xFFFFFFFF, s9;
	s14 =	sshrl.u32 @!p0 s11, $0x3  }
0xd: {  	s15 =	sand.u32 @!p0 $0x7, s11;
	s13 =	sand.u32 @!p0 $0x10, s13;
	s14 =	sadd.s32 @!p0 s5, s14  }
0xe: {  	[tilespmem:s13], [sflag:$0x2] =	stream.linear.gather @!p0 [hbm4b:s14+s15], $0x10, $0x38;
	[tilespmem:$0x40] =	vst v63  }
0xf: {  	p0 =	seq.s32 s9, $0x0  }
0x10: {  	p1 =	sge.u32 @!p0 s10, s7  }
0x11: {  	p0 =	por p1, p0  }
0x12: {  	s13 =	simm.s32 @!p0 $0x2  }
0x13: {  	_ =	swait.ge @!p0 [sflag:s13], $0x10  }
0x14: {  	[sflag:s13] =	ssyncset.done @!p0 $0x0  }
0x15: {  	[sflag:s13] =	ssyncadd.s32 @!p0 $0xFFFFFFF0;
	s13 =	sand.u32 @!p0 $0x10, s9  }
0x16: {  	(ifvalue) =	ssetifvalue @!p0 $0x7FFFFFFF;
	v0 =	vld.msk @!p0 [tilespmem:s13+$0x0 ss:$0x1], $0xffff;
	_ =	sdelay $0x4  }
0x17: {  	vm0 =	vgt.s32 @!p0 v0, $0x0  }
0x18: {  	v0 =	vnsel @!p0 vm0, $0x0, v0  }
0x19: {  	v0 =	vmin.u32 @!p0 v0, $0x270F;
	_ =	sdelay $0x3  }
0x1a: {  	s14 =	simm.s32 @!p0 $0x0;
	s13 =	sor.u32 @!p0 $0x20, s13;
	(ifvalue) =	ssetifvalue @!p0 $0x7FFFFFFF;
	vm0 =	vmmov @!p0 $0xffff  }
0x1b: {  	[tilespmem:s13], [sflag:$0x1] =	stream.indirect_vreg.gather @!p0 [hbm4b:s2+s14], $0x1, v0, vm0, $0x4038;
	[tilespmem:$0x40] =	vst v63  }
0x1c: {  	s14 =	simm.s32 @!p0 $0x1  }
0x1d: {  	_ =	swait.ge @!p0 [sflag:s14], $0x10  }
0x1e: {  	s15 =	sshrl.u32 @!p0 s12, $0x3;
	[sflag:s14] =	ssyncset.done @!p0 $0x0  }
0x1f: {  	s12 =	sand.u32 @!p0 $0x7, s12;
	[sflag:s14] =	ssyncadd.s32 @!p0 $0xFFFFFFF0;
	s14 =	sadd.s32 @!p0 s3, s15  }
0x20: {  	[hbm4b:s14+s12] =	stream.linear.scatter @!p0 [tilespmem:s13], [sflag:$0x3], $0x10, $0x38;
	[tilespmem:$0x40] =	vst v63  }
0x21: {  	s14 =	sadd.s32 $0x100, s11  }
0x22: {  	s9 =	sadd.s32 $0x10, s9;
	p1 =	sgt.s32 s14, $0x1387  }
0x23: {  	s14 =	smov.u32 @p1 s4;
	p1 =	sne.s32 s8, s9  }
.Ltmp0:
0x24: {  	p0 =	slt.u32 s10, $0x2;
	(pc) =	sbr.rel @p1 .LBB2_1-.Ltmp0, $4  }
0x25: {  	s13 =	simm.s32 @!p0 $0x3  }
0x26: {  	_ =	swait.ge @!p0 [sflag:s13], $0x10  }
0x27: {  	s12 =	smov.u32 s11;
	[sflag:s13] =	ssyncset.done @!p0 $0x0  }
0x28: {  	s10 =	sadd.s32 $0x1, s10;
	s11 =	smov.u32 s14;
	[sflag:s13] =	ssyncadd.s32 @!p0 $0xFFFFFFF0  }
0x29: {  	_ =	sfence.sel $0x180000  }
0x2a: {  	s2 =	simm.s32 $0x2;
	[bflag:$0x0] =	sbarrier.arrive $0xFFFF  }
0x2b: {  	s30 =	simm.s32 $0x3;
	[sflag:s2] =	ssyncpa.u1 $0x1  }
0x2c: {  	s31 =	simm.s32 $0x1;
	[sflag:s30] =	ssyncpa.u1 $0x1  }
0x2d: {  	[sflag:s31] =	ssyncpa.u1 $0x1  }
0x2e: {  	p0 =	sne.s32 s1, $0x0;
	_ =	strace $0x90000067  }
0x2f: {  	s0 =	sadd.s32 @!p0 $0x100000, s0;
	[bflag:$0x2] =	sbarrier.arrive $0xFFFF  }
0x30: {  	[sflag:s0] =	ssyncadd.tile.s32 @!p0 $0x1;
	_ =	shalt  }
.Lfunc_end2:
_tile_overlayer_lowered:
.L_overlay_start_2:
0x31: {  	(tag) =	ssettag $0x2  }
0x32: {  	s0 =	rddreg [dreg:$0x0];
	s2 =	stileid.u32  }
0x33: {  	s1 =	rddreg [dreg:$0x1];
	p0 =	sne.s32 s2, $0x0  }
0x34: {  	s3 =	rddreg [dreg:$0x2];
	[bflag:$0x3] =	sbarrier.arrive $0xFFFF;
	s2 =	simm.s32 @!p0 $0x1C01  }
0x35: {  	[timem:s3], [sflag:s2] =	dma.local @!p0 [hbm:s0], s1  }
0x36: {  	s0 =	simm.s32 @!p0 $0x1  }
0x37: {  	_ =	swait.ge @!p0 [sflag:s0], s1  }
0x38: {  	s1 =	ssub.s32 @!p0 $0x0, s1;
	[sflag:s0] =	ssyncset.done @!p0 $0x0  }
0x39: {  	[sflag:s0] =	ssyncadd.s32 @!p0 s1  }
0x3a: {  	[bflag:$0x3] =	sbarrier.arrive $0xFFFF  }
0x3b: {  	_ =	shalt  }

// kernel: gather_offload_async_start.2
scs
__scs_entry_jumppad:
0x0: {  	(pc) =	sbr.rel $0x88, $3  }
0x1: {  	(tag) =	ssettag $0x0;
	lr =	simm.s32 $0x1  }
0x2: {  	[smem:$0x3F95] =	sst lr;
	_ =	strace $0xD0000000  }
0x3: {  	_ = 	snop  }
0x4: {  	_ = 	snop  }
0x5: {  	_ = 	snop  }
0x6: {  	_ = 	snop  }
0x7: {  	_ = 	snop  }
__scs_overlays_trampoline_lowered:
0x8: {  	[smem:$0x3FA4] =	sst s0  }
0x9: {  	[smem:$0x3FA5] =	sst s1  }
0xa: {  	[smem:$0x3FA6] =	sst s2  }
0xb: {  	[smem:$0x3FA7] =	sst s3  }
0xc: {  	[smem:$0x3FA8] =	sst s4  }
0xd: {  	[smem:$0x3FA9] =	sst s5  }
0xe: {  	[smem:$0x3FAA] =	sst s6  }
0xf: {  	[smem:$0x3FAB] =	sst s7  }
0x10: {  	[smem:$0x3FAC] =	sst s8  }
0x11: {  	[smem:$0x3FAD] =	sst s9;
	s0 =	simm.s32 @!p0 $0x0  }
0x12: {  	s1 =	sld [smem:$0x3F93];
	s0 =	simm.s32 @p0 $0x1  }
0x13: {  	[smem:$0x3FAE] =	sst s0;
	s0 =	simm.s32 @!p1 $0x0  }
0x14: {  	s2 =	sld [smem:$0x3F92];
	s0 =	simm.s32 @p1 $0x1  }
0x15: {  	[smem:$0x3FAF] =	sst s0;
	s0 =	simm.s32 @!p2 $0x0  }
0x16: {  	s3 =	sld [smem:$0x3FDB];
	s0 =	simm.s32 @p2 $0x1  }
0x17: {  	s4 =	simm.s32 $0x1BF5;
	[smem:$0x3FB1] =	sst s0  }
0x18: {  	s0 =	sld [smem:$0x3F94];
	_ =	swait.ge [sflag:s4], $0x0  }
0x19: {  	s7 =	sld [smem:$0x3F95]  }
0x1a: {  	s8 =	sadd.s32 $0xFFFFE003, lr  }
0x1b: {  	s9 =	sadd.s32 $0xFFFFFEF7, lr;
	s5 =	simm.s32 $0xFFFFFFFF;
	p2 =	slt.u32 s8, $0xFFFFF086  }
0x1c: {  	p1 =	slt.u32 s9, $0xF7A;
	s5 =	simm.s32 @!p2 $0x0  }
0x1d: {  	s5 =	simm.s32 @p1 $0x1;
	p0 =	seq.s32 s7, s2  }
0x1e: {  	s7 =	smul.u32 @!p0 $0xF7A, s2;
	p2 =	seq.s32 @!p0 s5, $0x0  }
0x1f: {  	s9 =	smul.u32 $0xF7A, s1;
	s8 =	simm.s32 @!p0 $0x1BF5;
	p2 =	por !p2, p0  }
0x20: {  	[sflag:s8] =	ssyncset.s32 @!p0 $0xFFFFF086;
	s6 =	sadd.s32 @!p0 s3, s7;
	s7 =	simm.s32 @!p0 $0x108  }
0x21: {  	s3 =	sadd.s32 s3, s9;
	s6 =	sadd.s32 @!p0 $0x88, s6;
	s7 =	simm.s32 @p2 $0x1082  }
0x22: {  	[simem:s7], [sflag:s8] =	dma.local @!p0 [hbm:s6], $0xF7A  }
0x23: {  	s9 =	sor.u32 $0xD0000000, s2;
	s6 =	simm.s32 $0x108;
	_ =	swait.ge @!p0 [sflag:s8], $0x0  }
0x24: {  	s3 =	sadd.s32 $0x88, s3;
	s6 =	simm.s32 @!p1 $0x1082;
	[sflag:s4] =	ssyncset.s32 $0xFFFFF086  }
0x25: {  	[simem:s6], [sflag:s4] =	dma.local [hbm:s3], $0xF7A  }
0x26: {  	[smem:$0x3F95] =	sst s1;
	(tag) =	ssettag s2;
	_ =	strace s9  }
0x27: {  	s1 =	sld [smem:$0x3FA5]  }
0x28: {  	s2 =	sld [smem:$0x3FA6]  }
0x29: {  	s4 =	sld [smem:$0x3FA8]  }
0x2a: {  	p0 =	seq.s32 s5, $0x0;
	s5 =	sld [smem:$0x3FA9]  }
0x2b: {  	s6 =	sld [smem:$0x3FAA]  }
0x2c: {  	s7 =	sld [smem:$0x3FAB]  }
0x2d: {  	s3 =	simm.s32 $0x108;
	s8 =	sld [smem:$0x3FAC]  }
0x2e: {  	s3 =	simm.s32 @!p0 $0x1082;
	s9 =	sld [smem:$0x3FAD]  }
0x2f: {  	lr =	sadd.s32 s0, s3;
	s0 =	sld [smem:$0x3FA4]  }
0x30: {  	s3 =	sld [smem:$0x3FA7]  }
0x31: {  	[smem:$0x3FB0] =	sst s10  }
0x32: {  	s10 =	sld [smem:$0x3FAE];
	_ =	sdelay $0x3  }
0x33: {  	p0 =	seq.s32 s10, $0x1;
	s10 =	sld [smem:$0x3FB0];
	_ =	sdelay $0x3  }
0x34: {  	[smem:$0x3FB0] =	sst s10  }
0x35: {  	s10 =	sld [smem:$0x3FAF];
	_ =	sdelay $0x3  }
0x36: {  	p1 =	seq.s32 s10, $0x1;
	s10 =	sld [smem:$0x3FB0];
	_ =	sdelay $0x3  }
0x37: {  	[smem:$0x3FB0] =	sst s10  }
0x38: {  	s10 =	sld [smem:$0x3FB1]  }
0x39: {  	_ = 	snop;
	(pc) =	sbr.ind lr, $3  }
0x3a: {  	_ = 	snop  }
0x3b: {  	_ = 	snop  }
0x3c: {  	p2 =	seq.s32 s10, $0x1;
	s10 =	sld [smem:$0x3FB0]  }
0x3d: {  	_ =	shalt  }
0x3e: {  	_ =	shalt  }
0x3f: {  	_ =	shalt  }
0x40: {  	_ =	shalt  }
0x41: {  	_ =	shalt  }
0x42: {  	_ =	shalt  }
0x43: {  	_ =	shalt  }
0x44: {  	_ =	shalt  }
0x45: {  	_ =	shalt  }
0x46: {  	_ =	shalt  }
0x47: {  	_ =	shalt  }
0x48: {  	_ =	shalt  }
0x49: {  	_ =	shalt  }
0x4a: {  	_ =	shalt  }
0x4b: {  	_ =	shalt  }
0x4c: {  	_ =	shalt  }
0x4d: {  	_ =	shalt  }
0x4e: {  	_ =	shalt  }
0x4f: {  	_ =	shalt  }
0x50: {  	_ =	shalt  }
0x51: {  	_ =	shalt  }
0x52: {  	_ =	shalt  }
0x53: {  	_ =	shalt  }
0x54: {  	_ =	shalt  }
0x55: {  	_ =	shalt  }
0x56: {  	_ =	shalt  }
0x57: {  	_ =	shalt  }
0x58: {  	_ =	shalt  }
0x59: {  	_ =	shalt  }
0x5a: {  	_ =	shalt  }
0x5b: {  	_ =	shalt  }
0x5c: {  	_ =	shalt  }
0x5d: {  	_ =	shalt  }
0x5e: {  	_ =	shalt  }
0x5f: {  	_ =	shalt  }
0x60: {  	_ =	shalt  }
0x61: {  	_ =	shalt  }
0x62: {  	_ =	shalt  }
0x63: {  	_ =	shalt  }
0x64: {  	_ =	shalt  }
0x65: {  	_ =	shalt  }
0x66: {  	_ =	shalt  }
0x67: {  	_ =	shalt  }
0x68: {  	_ =	shalt  }
0x69: {  	_ =	shalt  }
0x6a: {  	_ =	shalt  }
0x6b: {  	_ =	shalt  }
0x6c: {  	_ =	shalt  }
0x6d: {  	_ =	shalt  }
0x6e: {  	_ =	shalt  }
0x6f: {  	_ =	shalt  }
0x70: {  	_ =	shalt  }
0x71: {  	_ =	shalt  }
0x72: {  	_ =	shalt  }
0x73: {  	_ =	shalt  }
0x74: {  	_ =	shalt  }
0x75: {  	_ =	shalt  }
0x76: {  	_ =	shalt  }
0x77: {  	_ =	shalt  }
0x78: {  	_ =	shalt  }
0x79: {  	_ =	shalt  }
0x7a: {  	_ =	shalt  }
0x7b: {  	_ =	shalt  }
0x7c: {  	_ =	shalt  }
0x7d: {  	_ =	shalt  }
0x7e: {  	_ =	shalt  }
0x7f: {  	_ =	shalt  }
0x80: {  	_ =	shalt  }
0x81: {  	_ =	shalt  }
0x82: {  	_ =	shalt  }
0x83: {  	_ =	shalt  }
0x84: {  	_ =	shalt  }
0x85: {  	_ =	shalt  }
0x86: {  	_ =	shalt  }
0x87: {  	_ =	shalt  }
.Lfunc_end0:
.L_simem_size_0:
called_computation.6_lowered:
.L_overlay_start_0:
0x88: {  	s0 =	sld [smem:$0x3FD9]  }
0x89: {  	s1 =	sld [smem:$0x3FFE];
	_ =	sdelay $0x3  }
0x8a: {  	s0 =	sadd.s32 s1, s0  }
0x8b: {  	[smem:$0x3FBC] =	sst s0  }
0x8c: {  	_ = 	snop  }
0x8d: {  	(tm) =	ssettm $0x1  }
0x8e: {  	s15 =	sld [smem:$0x3FFB];
	_ =	sdelay $0x3  }
0x8f: {  	_ =	strace s15  }
0x90: {  	s0 =	sld [smem:$0x3FFC];
	_ =	sdelay $0x3  }
0x91: {  	_ =	strace s0  }
0x92: {  	s0 =	sld [smem:$0x3FFD];
	_ =	sdelay $0x3  }
0x93: {  	_ =	strace s0  }
0x94: {  	_ =	strace $0x8FFFFFFF  }
0x95: {  	s16 =	sld [smem:$0x3FDB];
	_ =	sdelay $0x1  }
0x96: {  	s17 =	simm.s32 $_scs_section_size  }
0x97: {  	s2 =	simm.s32 $_size__tile_overlayer_lowered;
	s3 =	simm.s32 $_tile_overlayer_lowered  }
0x98: {  	s20 =	simm.s32 $0x1BFF;
	s19 =	sshll.u32 s3, $0x1;
	s0 =	sadd.s32 s17, s16  }
0x99: {  	s4 =	simm.s32 $0x0;
	s18 =	sshll.u32 s2, $0x1;
	s2 =	sadd.s32 s19, s0  }
0x9a: {  	[timem:s4], [sflag:s20] =	dma.local [hbm:s2], s18  }
0x9b: {  	_ =	swait.ge [sflag:s20], s18  }
0x9c: {  	s1 =	ssub.s32 $0x0, s18;
	[sflag:s20] =	ssyncset.done $0x0  }
0x9d: {  	[sflag:s20] =	ssyncadd.s32 s1;
	_ =	sdelay $0x1  }
0x9e: {  	s21 =	simm.s32 $0x1B8B  }
0x9f: {  	_ =	swait.ge [sflag:s21], $0x1  }
0xa0: {  	[sflag:s21] =	ssyncset.done $0x0  }
0xa1: {  	s23 =	simm.s32 $0x1B8E;
	s22 =	sld [smem:$0x3FFE];
	[sflag:s21] =	ssyncadd.s32 $0xFFFFFFFF  }
0xa2: {  	s24 =	simm.s32 $execute0_lowered;
	[smem:$0x3FD2] =	sst s23  }
0xa3: {  	s2 =	sshll.u32 s24, $0x1;
	_ =	strace $0x8000006F;
	[dreg:$0x1] =	wrdreg $0xFFFFFFFF  }
0xa4: {  	s25 =	simm.s32 $_size_execute0_lowered;
	s0 =	sadd.s32 s0, s2;
	[dreg:$0x0] =	wrdreg $0x0  }
0xa5: {  	s2 =	sshll.u32 s25, $0x1;
	[dreg:$0x2] =	wrdreg s0  }
0xa6: {  	[dreg:$0x3] =	wrdreg s2  }
0xa7: {  	[dreg:$0x4] =	wrdreg $0xC0  }
0xa8: {  	_ =	task [dreg:s4], $0x5FFFF  }
0xa9: {  	[dreg:$0x1] =	wrdreg $0xFFFFFFFF  }
0xaa: {  	[dreg:$0x0] =	wrdreg $0x60  }
0xab: {  	[dreg:$0x2] =	wrdreg s22  }
0xac: {  	[dreg:$0x3] =	wrdreg $0x9  }
0xad: {  	_ =	task.clear_ibuf [dreg:s4], $0x4FFFF;
	_ =	strace $0x9000006F  }
0xae: {  	s26 =	simm.s32 $0x9;
	_ =	strace $0x80000071  }
0xaf: {  	_ =	swait.ge [sflag:s26], $0x1  }
0xb0: {  	[sflag:s26] =	ssyncadd.s32 $0xFFFFFFFF  }
0xb1: {  	_ =	strace $0x90000071  }
0xb2: {  	_ =	sfence  }
0xb3: {  	s28 =	sld [smem:$0x0];
	_ =	sdelay $0x1  }
0xb4: {  	s29 =	srdreg.scid  }
0xb5: {  	s30 =	sshll.u32 s29, $0xD;
	s31 =	sshrl.u32 s29, $0x2  }
0xb6: {  	s1 =	sand.u32 $0x1, s29;
	s2 =	sand.u32 $0x4000, s30;
	s0 =	sadd.s32 s31, s28  }
0xb7: {  	s1 =	sor.u32 s2, s1;
	s0 =	sshll.u32 s0, $0x11  }
0xb8: {  	s0 =	sor.u32 s0, s1  }
0xb9: {  	s0 =	sadd.s32 $0x8F2B, s0  }
0xba: {  	[sflag:s0] =	ssyncadd.remote.s32 $0x1  }
0xbb: {  	_ =	sfence.sel $0xFFFF  }
0xbc: {  	[dreg:$0x0] =	wrdreg $0xFFFFFFFF;
	(pc) =	sbr.abs _section_cstart, $3  }
0xbd: {  	[dreg:$0x1] =	wrdreg $0xFFFFFFFF  }
0xbe: {  	_ =	task.clear_ibuf [dreg:s4], $0x2FFFF;
	_ =	strace $0x9FFFFFFF  }
0xbf: {  	(tm) =	ssettm $0x7FFFFFFF  }
tec
execute0_lowered:
.L_overlay_start_1:
0x0: {  	(tag) =	ssettag $0x1  }
0x1: {  	s0 =	stileid.u32  }
0x2: {  	s1 =	smin.u32 s0, $0x9  }
0x3: {  	s1 =	sadd.s32 s0, s1  }
0x4: {  	s2 =	simm.s32 $0x190;
	p0 =	slt.u32 s0, $0x9;
	s1 =	smul.u32 $0xC8, s1  }
0x5: {  	s2 =	simm.s32 @!p0 $0xC8  }
0x6: {  	s2 =	sadd.s32 s2, s1  }
0x7: {  	s3 =	smin.u32 s2, $0x1388  }
0x8: {  	s7 =	ssub.s32 s3, s1  }
0x9: {  	p0 =	sgt.s32 s7, $0x0  }
0xa: {  	s7 =	simm.s32 @!p0 $0x0  }
0xb: {  	s31 =	sand.u32 $0xFFF8, s7  }
0xc: {  	s2 =	sshrl.u32 s31, $0x3  }
0xd: {  	s4 =	smul.u32 $0x147B, s2  }
0xe: {  	s9 =	rddreg [dreg:$0x0];
	s6 =	simm.s32 $0x1;
	s11 =	simm.s32 $0x3  }
0xf: {  	s13 =	simm.s32 $0x0;
	s12 =	simm.s32 $0x0;
	s8 =	sshrl.u32 s4, $0x11  }
0x10: {  	s2 =	rddreg [dreg:$0x1];
	_ =	strace $0x80000070;
	s10 =	smul.u32 $0xC8, s8  }
.Ltmp0:
0x11: {  	s5 =	sadd.s32 $0x28E00, s9;
	[sflag:s6] =	ssyncpa.u1 $0x0;
	(pc) =	sbr.rel .LBB2_1-.Ltmp0, $4  }
0x12: {  	s4 =	sadd.s32 $0xA8AC00, s9;
	p0 =	sne.s32 s7, s10;
	s10 =	simm.s32 $0x1  }
0x13: {  	s9 =	sadd.s32 $0x50600, s9;
	s7 =	simm.s32 $0x2;
	s10 =	simm.s32 @!p0 $0x0  }
0x14: {  	[sflag:s7] =	ssyncpa.u1 $0x0;
	p0 =	por $0x0, $0x0;
	s8 =	sadd.s32 s8, s10  }
0x15: {  	vm0 =	vmmov $0xff;
	vm1 =	vcmask $0x3F20;
	[sflag:s11] =	ssyncpa.u1 $0x0;
	s11 =	smov.u32 s1;
	s10 =	sadd.s32 $0x1, s8  }
.LBB2_6:
0x16: {  	[hbm:s17] =	stream.linear.scatter [tilespmem:s14], [sflag:$0x3], $0x400, $0x38;
	[tilespmem:$0xC990] =	vst v63  }
.LBB2_7:
0x17: {  	s13 =	sadd.s32 $0xC8, s11  }
0x18: {  	s15 =	smov.u32 s1;
	p2 =	slt.s32 s13, s3  }
0x19: {  	s15 =	smov.u32 @p2 s13;
	p2 =	sne.s32 s12, s10  }
.Ltmp1:
0x1a: {  	p1 =	slt.u32 s12, $0x2;
	(pc) =	sbr.rel @!p2 .LBB2_8-.Ltmp1, $4  }
0x1b: {  	s14 =	simm.s32 @!p1 $0x3  }
0x1c: {  	s16 =	sadd.s32 $0x1, s12;
	_ =	swait.ge @!p1 [sflag:s14], $0x6400  }
0x1d: {  	p0 =	por !p0, !p0;
	s13 =	smov.u32 s11;
	[sflag:s14] =	ssyncset.done @!p1 $0x0  }
0x1e: {  	s12 =	smov.u32 s16;
	s11 =	smov.u32 s15;
	[sflag:s14] =	ssyncadd.s32 @!p1 $0xFFFF9C00  }
.LBB2_1:
0x1f: {  	p1 =	sge.u32 s12, s8  }
0x20: {  	s14 =	sxor.u32 @!p1 $0xFFFFFFFF, s12  }
0x21: {  	s14 =	sand.u32 @!p1 $0x1, s14  }
0x22: {  	s14 =	smul.u32 @!p1 $0x320, s14  }
0x23: {  	s31 =	sadd.s32 $0xFFFFFFFF, s12;
	s15 =	sshrl.u32 @!p1 s11, $0x3  }
0x24: {  	s16 =	sand.u32 @!p1 $0x7, s11;
	s15 =	sadd.s32 @!p1 s5, s15;
	s14 =	sshrl.u32 @!p1 s14, $0x2  }
0x25: {  	[tilespmem:s14], [sflag:$0x2] =	stream.linear.gather @!p1 [hbm4b:s15+s16], $0xC8, $0x38;
	[tilespmem:$0xC990] =	vst v63  }
0x26: {  	p1 =	sge.u32 s31, s8  }
.Ltmp2:
0x27: {  	_ = 	snop;
	(pc) =	sbr.rel @p1 .LBB2_7-.Ltmp2, $1  }
0x28: {  	_ =	sdelay $0x3  }
0x29: {  	s14 =	simm.s32 $0x1  }
0x2a: {  	s14 =	simm.s32 @!p0 $0x0  }
0x2b: {  	s15 =	smul.u32 $0x320, s14  }
0x2c: {  	_ =	swait.ge [sflag:s7], $0xC8  }
0x2d: {  	[sflag:s7] =	ssyncset.done $0x0;
	s16 =	sshrl.u32 s15, $0x2  }
0x2e: {  	[sflag:s7] =	ssyncadd.s32 $0xFFFFFF38;
	s15 =	sadd.s32 $0x0, s16  }
0x2f: {  	v0 =	vld.msk [tilespmem:s15+$0x0 ss:$0x1], $0xffff;
	_ =	sdelay $0x4  }
0x30: {  	vm2 =	vgt.s32 v0, $0x0  }
0x31: {  	v0 =	vnsel vm2, $0x0, v0  }
0x32: {  	v0 =	vmin.u32 v0, $0x270F  }
0x33: {  	v0 =	vshll.u32 v0, $0x4  }
0x34: {  	s14 =	smul.u32 $0x19000, s14  }
0x35: {  	s31 =	sand.u32 $0x1, s12  }
0x36: {  	s17 =	smul.u32 $0x320, s31;
	s14 =	sshrl.u32 s14, $0x2  }
0x37: {  	s19 =	smul.u32 $0x19000, s31;
	s14 =	sor.u32 $0x190, s14  }
0x38: {  	[tilespmem:s14], [sflag:$0x1] =	stream.indirect_vreg.gather [hbm:s4], $0x80, v0, vm0, $0x38;
	[tilespmem:$0xC990] =	vst v63  }
0x39: {  	s18 =	sshrl.u32 s17, $0x2;
	s20 =	sadd.s32 $0x10, s16;
	s15 =	sadd.s32 $0x400, s14  }
0x3a: {  	[tilespmem:s15], [sflag:$0x1] =	stream.indirect_vreg.gather [hbm:s4], $0x80, v0, vm1, $0x38;
	[tilespmem:$0xC990] =	vst v63  }
0x3b: {  	s17 =	sshrl.u32 s19, $0x2;
	s19 =	smov.u32 s14;
	v0 =	vld.msk [tilespmem:s20+$0x0 ss:$0x1], $0xffff;
	s20 =	simm.s32 $0x80  }
.LBB2_3:
0x3c: {  	p1 =	sne.s32 s20, $0x2C0;
	_ =	sdelay $0x4  }
0x3d: {  	vm2 =	vgt.s32 v0, $0x0  }
0x3e: {  	v0 =	vnsel vm2, $0x0, v0  }
0x3f: {  	v0 =	vmin.u32 v0, $0x270F  }
0x40: {  	v0 =	vshll.u32 v0, $0x4;
	_ =	sdelay $0x3  }
.Ltmp3:
0x41: {  	s21 =	sshra.s32 s20, $0x2;
	s19 =	sadd.s32 $0x800, s19;
	(pc) =	sbr.rel @p1 .LBB2_3-.Ltmp3, $4  }
0x42: {  	[tilespmem:s19], [sflag:$0x1] =	stream.indirect_vreg.gather [hbm:s4], $0x80, v0, vm0, $0x38;
	[tilespmem:$0xC990] =	vst v63  }
0x43: {  	s21 =	sadd.s32 s21, s16;
	s22 =	sadd.s32 $0x400, s19  }
0x44: {  	[tilespmem:s22], [sflag:$0x1] =	stream.indirect_vreg.gather [hbm:s4], $0x80, v0, vm1, $0x38;
	[tilespmem:$0xC990] =	vst v63  }
0x45: {  	s20 =	sadd.s32 $0x40, s20;
	v0 =	vld.msk [tilespmem:s21+$0x0 ss:$0x1], $0xffff  }
0x46: {  	_ =	sdelay $0x3  }
0x47: {  	vm2 =	vgt.s32 v0, $0x0  }
0x48: {  	v0 =	vnsel vm2, $0x0, v0  }
0x49: {  	v0 =	vmin.u32 v0, $0x270F  }
0x4a: {  	v0 =	vshll.u32 v0, $0x4;
	_ =	sdelay $0x3  }
0x4b: {  	s16 =	sadd.s32 $0x800, s19  }
0x4c: {  	[tilespmem:s16], [sflag:$0x1] =	stream.indirect_vreg.gather [hbm:s4], $0x80, v0, vm0, $0x38;
	[tilespmem:$0xC990] =	vst v63  }
0x4d: {  	s16 =	sadd.s32 $0x400, s16  }
0x4e: {  	[tilespmem:s16], [sflag:$0x1] =	stream.indirect_vreg.gather [hbm:s4], $0x80, v0, vm1, $0x38;
	[tilespmem:$0xC990] =	vst v63  }
0x4f: {  	v0 =	vld.msk [tilespmem:s18+$0xC0 ss:$0x1], $0xff;
	_ =	sdelay $0x4  }
0x50: {  	vm2 =	vgt.s32 v0, $0x0  }
0x51: {  	v0 =	vnsel vm2, $0x0, v0  }
0x52: {  	v0 =	vmin.u32 v0, $0x270F  }
0x53: {  	v0 =	vshll.u32 v0, $0x4;
	_ =	sdelay $0x3  }
0x54: {  	s31 =	sadd.s32 $0x6190, s17  }
0x55: {  	[tilespmem:s31], [sflag:$0x1] =	stream.indirect_vreg.gather [hbm:s4], $0x80, v0, vm0, $0x38;
	[tilespmem:$0xC990] =	vst v63  }
0x56: {  	s13 =	sshll.u32 s13, $0x4;
	_ =	swait.ge [sflag:s6], $0x6400  }
0x57: {  	s13 =	sadd.s32 s13, s9;
	[sflag:s6] =	ssyncset.done $0x0  }
0x58: {  	s17 =	sadd.s32 $0x0, s13;
	s16 =	simm.s32 $0x80;
	[sflag:s6] =	ssyncadd.s32 $0xFFFF9C00  }
.LBB2_5:
0x59: {  	[hbm:s17] =	stream.linear.scatter [tilespmem:s14], [sflag:$0x3], $0x400, $0x38;
	[tilespmem:$0xC990] =	vst v63  }
0x5a: {  	s17 =	smov.u32 s16;
	s14 =	smov.u32 s15;
	p1 =	sne.s32 s16, $0xC00  }
.Ltmp4:
0x5b: {  	s16 =	sadd.s32 $0x80, s16;
	(pc) =	sbr.rel @p1 .LBB2_5-.Ltmp4, $2  }
0x5c: {  	_ =	sdelay $0x2  }
0x5d: {  	s15 =	sadd.s32 $0x400, s15;
	s17 =	sadd.s32 s17, s13  }
.Ltmp5:
0x5e: {  	_ = 	snop;
	(pc) =	sbr.rel .LBB2_6-.Ltmp5, $1  }
0x5f: {  	_ =	sdelay $0x3  }
.LBB2_8:
0x60: {  	_ =	sfence.sel $0x180000  }
0x61: {  	s1 =	simm.s32 $0x2;
	[bflag:$0x0] =	sbarrier.arrive $0xFFFF  }
0x62: {  	s30 =	simm.s32 $0x3;
	[sflag:s1] =	ssyncpa.u1 $0x1  }
0x63: {  	s31 =	simm.s32 $0x1;
	[sflag:s30] =	ssyncpa.u1 $0x1  }
0x64: {  	[sflag:s31] =	ssyncpa.u1 $0x1  }
0x65: {  	p0 =	sne.s32 s0, $0x0;
	_ =	strace $0x90000070  }
0x66: {  	s0 =	sadd.s32 @!p0 $0x100000, s2;
	[bflag:$0x2] =	sbarrier.arrive $0xFFFF  }
0x67: {  	[sflag:s0] =	ssyncadd.tile.s32 @!p0 $0x1;
	_ =	shalt  }
.Lfunc_end2:
_tile_overlayer_lowered:
.L_overlay_start_2:
0x68: {  	(tag) =	ssettag $0x2  }
0x69: {  	s0 =	rddreg [dreg:$0x0];
	s2 =	stileid.u32  }
0x6a: {  	s1 =	rddreg [dreg:$0x1];
	p0 =	sne.s32 s2, $0x0  }
0x6b: {  	s3 =	rddreg [dreg:$0x2];
	[bflag:$0x3] =	sbarrier.arrive $0xFFFF;
	s2 =	simm.s32 @!p0 $0x1C01  }
0x6c: {  	[timem:s3], [sflag:s2] =	dma.local @!p0 [hbm:s0], s1  }
0x6d: {  	s0 =	simm.s32 @!p0 $0x1  }
0x6e: {  	_ =	swait.ge @!p0 [sflag:s0], s1  }
0x6f: {  	s1 =	ssub.s32 @!p0 $0x0, s1;
	[sflag:s0] =	ssyncset.done @!p0 $0x0  }
0x70: {  	[sflag:s0] =	ssyncadd.s32 @!p0 s1  }
0x71: {  	[bflag:$0x3] =	sbarrier.arrive $0xFFFF  }
0x72: {  	_ =	shalt  }

// kernel: gather_offload_async_start.3
scs
__scs_entry_jumppad:
0x0: {  	(pc) =	sbr.rel $0x88, $3  }
0x1: {  	(tag) =	ssettag $0x0;
	lr =	simm.s32 $0x1  }
0x2: {  	[smem:$0x3F95] =	sst lr;
	_ =	strace $0xD0000000  }
0x3: {  	_ = 	snop  }
0x4: {  	_ = 	snop  }
0x5: {  	_ = 	snop  }
0x6: {  	_ = 	snop  }
0x7: {  	_ = 	snop  }
__scs_overlays_trampoline_lowered:
0x8: {  	[smem:$0x3FA4] =	sst s0  }
0x9: {  	[smem:$0x3FA5] =	sst s1  }
0xa: {  	[smem:$0x3FA6] =	sst s2  }
0xb: {  	[smem:$0x3FA7] =	sst s3  }
0xc: {  	[smem:$0x3FA8] =	sst s4  }
0xd: {  	[smem:$0x3FA9] =	sst s5  }
0xe: {  	[smem:$0x3FAA] =	sst s6  }
0xf: {  	[smem:$0x3FAB] =	sst s7  }
0x10: {  	[smem:$0x3FAC] =	sst s8  }
0x11: {  	[smem:$0x3FAD] =	sst s9;
	s0 =	simm.s32 @!p0 $0x0  }
0x12: {  	s1 =	sld [smem:$0x3F93];
	s0 =	simm.s32 @p0 $0x1  }
0x13: {  	[smem:$0x3FAE] =	sst s0;
	s0 =	simm.s32 @!p1 $0x0  }
0x14: {  	s2 =	sld [smem:$0x3F92];
	s0 =	simm.s32 @p1 $0x1  }
0x15: {  	[smem:$0x3FAF] =	sst s0;
	s0 =	simm.s32 @!p2 $0x0  }
0x16: {  	s3 =	sld [smem:$0x3FDB];
	s0 =	simm.s32 @p2 $0x1  }
0x17: {  	s4 =	simm.s32 $0x1BF5;
	[smem:$0x3FB1] =	sst s0  }
0x18: {  	s0 =	sld [smem:$0x3F94];
	_ =	swait.ge [sflag:s4], $0x0  }
0x19: {  	s7 =	sld [smem:$0x3F95]  }
0x1a: {  	s8 =	sadd.s32 $0xFFFFE003, lr  }
0x1b: {  	s9 =	sadd.s32 $0xFFFFFEF7, lr;
	s5 =	simm.s32 $0xFFFFFFFF;
	p2 =	slt.u32 s8, $0xFFFFF086  }
0x1c: {  	p1 =	slt.u32 s9, $0xF7A;
	s5 =	simm.s32 @!p2 $0x0  }
0x1d: {  	s5 =	simm.s32 @p1 $0x1;
	p0 =	seq.s32 s7, s2  }
0x1e: {  	s7 =	smul.u32 @!p0 $0xF7A, s2;
	p2 =	seq.s32 @!p0 s5, $0x0  }
0x1f: {  	s9 =	smul.u32 $0xF7A, s1;
	s8 =	simm.s32 @!p0 $0x1BF5;
	p2 =	por !p2, p0  }
0x20: {  	[sflag:s8] =	ssyncset.s32 @!p0 $0xFFFFF086;
	s6 =	sadd.s32 @!p0 s3, s7;
	s7 =	simm.s32 @!p0 $0x108  }
0x21: {  	s3 =	sadd.s32 s3, s9;
	s6 =	sadd.s32 @!p0 $0x88, s6;
	s7 =	simm.s32 @p2 $0x1082  }
0x22: {  	[simem:s7], [sflag:s8] =	dma.local @!p0 [hbm:s6], $0xF7A  }
0x23: {  	s9 =	sor.u32 $0xD0000000, s2;
	s6 =	simm.s32 $0x108;
	_ =	swait.ge @!p0 [sflag:s8], $0x0  }
0x24: {  	s3 =	sadd.s32 $0x88, s3;
	s6 =	simm.s32 @!p1 $0x1082;
	[sflag:s4] =	ssyncset.s32 $0xFFFFF086  }
0x25: {  	[simem:s6], [sflag:s4] =	dma.local [hbm:s3], $0xF7A  }
0x26: {  	[smem:$0x3F95] =	sst s1;
	(tag) =	ssettag s2;
	_ =	strace s9  }
0x27: {  	s1 =	sld [smem:$0x3FA5]  }
0x28: {  	s2 =	sld [smem:$0x3FA6]  }
0x29: {  	s4 =	sld [smem:$0x3FA8]  }
0x2a: {  	p0 =	seq.s32 s5, $0x0;
	s5 =	sld [smem:$0x3FA9]  }
0x2b: {  	s6 =	sld [smem:$0x3FAA]  }
0x2c: {  	s7 =	sld [smem:$0x3FAB]  }
0x2d: {  	s3 =	simm.s32 $0x108;
	s8 =	sld [smem:$0x3FAC]  }
0x2e: {  	s3 =	simm.s32 @!p0 $0x1082;
	s9 =	sld [smem:$0x3FAD]  }
0x2f: {  	lr =	sadd.s32 s0, s3;
	s0 =	sld [smem:$0x3FA4]  }
0x30: {  	s3 =	sld [smem:$0x3FA7]  }
0x31: {  	[smem:$0x3FB0] =	sst s10  }
0x32: {  	s10 =	sld [smem:$0x3FAE];
	_ =	sdelay $0x3  }
0x33: {  	p0 =	seq.s32 s10, $0x1;
	s10 =	sld [smem:$0x3FB0];
	_ =	sdelay $0x3  }
0x34: {  	[smem:$0x3FB0] =	sst s10  }
0x35: {  	s10 =	sld [smem:$0x3FAF];
	_ =	sdelay $0x3  }
0x36: {  	p1 =	seq.s32 s10, $0x1;
	s10 =	sld [smem:$0x3FB0];
	_ =	sdelay $0x3  }
0x37: {  	[smem:$0x3FB0] =	sst s10  }
0x38: {  	s10 =	sld [smem:$0x3FB1]  }
0x39: {  	_ = 	snop;
	(pc) =	sbr.ind lr, $3  }
0x3a: {  	_ = 	snop  }
0x3b: {  	_ = 	snop  }
0x3c: {  	p2 =	seq.s32 s10, $0x1;
	s10 =	sld [smem:$0x3FB0]  }
0x3d: {  	_ =	shalt  }
0x3e: {  	_ =	shalt  }
0x3f: {  	_ =	shalt  }
0x40: {  	_ =	shalt  }
0x41: {  	_ =	shalt  }
0x42: {  	_ =	shalt  }
0x43: {  	_ =	shalt  }
0x44: {  	_ =	shalt  }
0x45: {  	_ =	shalt  }
0x46: {  	_ =	shalt  }
0x47: {  	_ =	shalt  }
0x48: {  	_ =	shalt  }
0x49: {  	_ =	shalt  }
0x4a: {  	_ =	shalt  }
0x4b: {  	_ =	shalt  }
0x4c: {  	_ =	shalt  }
0x4d: {  	_ =	shalt  }
0x4e: {  	_ =	shalt  }
0x4f: {  	_ =	shalt  }
0x50: {  	_ =	shalt  }
0x51: {  	_ =	shalt  }
0x52: {  	_ =	shalt  }
0x53: {  	_ =	shalt  }
0x54: {  	_ =	shalt  }
0x55: {  	_ =	shalt  }
0x56: {  	_ =	shalt  }
0x57: {  	_ =	shalt  }
0x58: {  	_ =	shalt  }
0x59: {  	_ =	shalt  }
0x5a: {  	_ =	shalt  }
0x5b: {  	_ =	shalt  }
0x5c: {  	_ =	shalt  }
0x5d: {  	_ =	shalt  }
0x5e: {  	_ =	shalt  }
0x5f: {  	_ =	shalt  }
0x60: {  	_ =	shalt  }
0x61: {  	_ =	shalt  }
0x62: {  	_ =	shalt  }
0x63: {  	_ =	shalt  }
0x64: {  	_ =	shalt  }
0x65: {  	_ =	shalt  }
0x66: {  	_ =	shalt  }
0x67: {  	_ =	shalt  }
0x68: {  	_ =	shalt  }
0x69: {  	_ =	shalt  }
0x6a: {  	_ =	shalt  }
0x6b: {  	_ =	shalt  }
0x6c: {  	_ =	shalt  }
0x6d: {  	_ =	shalt  }
0x6e: {  	_ =	shalt  }
0x6f: {  	_ =	shalt  }
0x70: {  	_ =	shalt  }
0x71: {  	_ =	shalt  }
0x72: {  	_ =	shalt  }
0x73: {  	_ =	shalt  }
0x74: {  	_ =	shalt  }
0x75: {  	_ =	shalt  }
0x76: {  	_ =	shalt  }
0x77: {  	_ =	shalt  }
0x78: {  	_ =	shalt  }
0x79: {  	_ =	shalt  }
0x7a: {  	_ =	shalt  }
0x7b: {  	_ =	shalt  }
0x7c: {  	_ =	shalt  }
0x7d: {  	_ =	shalt  }
0x7e: {  	_ =	shalt  }
0x7f: {  	_ =	shalt  }
0x80: {  	_ =	shalt  }
0x81: {  	_ =	shalt  }
0x82: {  	_ =	shalt  }
0x83: {  	_ =	shalt  }
0x84: {  	_ =	shalt  }
0x85: {  	_ =	shalt  }
0x86: {  	_ =	shalt  }
0x87: {  	_ =	shalt  }
.Lfunc_end0:
.L_simem_size_0:
called_computation.7_lowered:
.L_overlay_start_0:
0x88: {  	s0 =	sld [smem:$0x3FD9]  }
0x89: {  	s1 =	sld [smem:$0x3FFE];
	_ =	sdelay $0x3  }
0x8a: {  	s0 =	sadd.s32 s1, s0  }
0x8b: {  	[smem:$0x3FBC] =	sst s0  }
0x8c: {  	_ = 	snop  }
0x8d: {  	(tm) =	ssettm $0x1  }
0x8e: {  	s15 =	sld [smem:$0x3FFB];
	_ =	sdelay $0x3  }
0x8f: {  	_ =	strace s15  }
0x90: {  	s0 =	sld [smem:$0x3FFC];
	_ =	sdelay $0x3  }
0x91: {  	_ =	strace s0  }
0x92: {  	s0 =	sld [smem:$0x3FFD];
	_ =	sdelay $0x3  }
0x93: {  	_ =	strace s0  }
0x94: {  	_ =	strace $0x8FFFFFFF  }
0x95: {  	s16 =	sld [smem:$0x3FDB];
	_ =	sdelay $0x1  }
0x96: {  	s17 =	simm.s32 $_scs_section_size  }
0x97: {  	s2 =	simm.s32 $_size__tile_overlayer_lowered;
	s3 =	simm.s32 $_tile_overlayer_lowered  }
0x98: {  	s20 =	simm.s32 $0x1BFF;
	s19 =	sshll.u32 s3, $0x1;
	s0 =	sadd.s32 s17, s16  }
0x99: {  	s4 =	simm.s32 $0x0;
	s18 =	sshll.u32 s2, $0x1;
	s2 =	sadd.s32 s19, s0  }
0x9a: {  	[timem:s4], [sflag:s20] =	dma.local [hbm:s2], s18  }
0x9b: {  	_ =	swait.ge [sflag:s20], s18  }
0x9c: {  	s1 =	ssub.s32 $0x0, s18;
	[sflag:s20] =	ssyncset.done $0x0  }
0x9d: {  	[sflag:s20] =	ssyncadd.s32 s1;
	_ =	sdelay $0x1  }
0x9e: {  	s21 =	simm.s32 $0x1B8B  }
0x9f: {  	_ =	swait.ge [sflag:s21], $0x1  }
0xa0: {  	[sflag:s21] =	ssyncset.done $0x0  }
0xa1: {  	s23 =	simm.s32 $0x1B8E;
	s22 =	sld [smem:$0x3FFE];
	[sflag:s21] =	ssyncadd.s32 $0xFFFFFFFF  }
0xa2: {  	s24 =	simm.s32 $execute0_lowered;
	[smem:$0x3FD2] =	sst s23  }
0xa3: {  	s2 =	sshll.u32 s24, $0x1;
	_ =	strace $0x8000006C;
	[dreg:$0x1] =	wrdreg $0xFFFFFFFF  }
0xa4: {  	s25 =	simm.s32 $_size_execute0_lowered;
	s0 =	sadd.s32 s0, s2;
	[dreg:$0x0] =	wrdreg $0x0  }
0xa5: {  	s2 =	sshll.u32 s25, $0x1;
	[dreg:$0x2] =	wrdreg s0  }
0xa6: {  	[dreg:$0x3] =	wrdreg s2  }
0xa7: {  	[dreg:$0x4] =	wrdreg $0xC0  }
0xa8: {  	_ =	task [dreg:s4], $0x5FFFF  }
0xa9: {  	[dreg:$0x1] =	wrdreg $0xFFFFFFFF  }
0xaa: {  	[dreg:$0x0] =	wrdreg $0x60  }
0xab: {  	[dreg:$0x2] =	wrdreg s22  }
0xac: {  	[dreg:$0x3] =	wrdreg $0xC  }
0xad: {  	_ =	task.clear_ibuf [dreg:s4], $0x4FFFF;
	_ =	strace $0x9000006C  }
0xae: {  	s26 =	simm.s32 $0xC;
	_ =	strace $0x8000006E  }
0xaf: {  	_ =	swait.ge [sflag:s26], $0x1  }
0xb0: {  	[sflag:s26] =	ssyncadd.s32 $0xFFFFFFFF  }
0xb1: {  	_ =	strace $0x9000006E  }
0xb2: {  	_ =	sfence  }
0xb3: {  	s28 =	sld [smem:$0x0];
	_ =	sdelay $0x1  }
0xb4: {  	s29 =	srdreg.scid  }
0xb5: {  	s30 =	sshll.u32 s29, $0xD;
	s31 =	sshrl.u32 s29, $0x2  }
0xb6: {  	s1 =	sand.u32 $0x1, s29;
	s2 =	sand.u32 $0x4000, s30;
	s0 =	sadd.s32 s31, s28  }
0xb7: {  	s1 =	sor.u32 s2, s1;
	s0 =	sshll.u32 s0, $0x11  }
0xb8: {  	s0 =	sor.u32 s0, s1  }
0xb9: {  	s0 =	sadd.s32 $0x8F2B, s0  }
0xba: {  	[sflag:s0] =	ssyncadd.remote.s32 $0x1  }
0xbb: {  	_ =	sfence.sel $0xFFFF  }
0xbc: {  	[dreg:$0x0] =	wrdreg $0xFFFFFFFF;
	(pc) =	sbr.abs _section_cstart, $3  }
0xbd: {  	[dreg:$0x1] =	wrdreg $0xFFFFFFFF  }
0xbe: {  	_ =	task.clear_ibuf [dreg:s4], $0x2FFFF;
	_ =	strace $0x9FFFFFFF  }
0xbf: {  	(tm) =	ssettm $0x7FFFFFFF  }
tec
execute0_lowered:
.L_overlay_start_1:
0x0: {  	(tag) =	ssettag $0x1  }
0x1: {  	s0 =	stileid.u32  }
0x2: {  	s1 =	smin.u32 s0, $0x9  }
0x3: {  	s1 =	sadd.s32 s0, s1  }
0x4: {  	s2 =	simm.s32 $0x190;
	p0 =	slt.u32 s0, $0x9;
	s1 =	smul.u32 $0xC8, s1  }
0x5: {  	s2 =	simm.s32 @!p0 $0xC8  }
0x6: {  	s2 =	sadd.s32 s2, s1  }
0x7: {  	s3 =	smin.u32 s2, $0x1388  }
0x8: {  	s7 =	ssub.s32 s3, s1  }
0x9: {  	p0 =	sgt.s32 s7, $0x0  }
0xa: {  	s7 =	simm.s32 @!p0 $0x0  }
0xb: {  	s31 =	sand.u32 $0xFFF8, s7  }
0xc: {  	s2 =	sshrl.u32 s31, $0x3  }
0xd: {  	s4 =	smul.u32 $0x147B, s2  }
0xe: {  	s9 =	rddreg [dreg:$0x0];
	s6 =	simm.s32 $0x1;
	s11 =	simm.s32 $0x3  }
0xf: {  	s13 =	simm.s32 $0x0;
	s12 =	simm.s32 $0x0;
	s8 =	sshrl.u32 s4, $0x11  }
0x10: {  	s2 =	rddreg [dreg:$0x1];
	_ =	strace $0x8000006D;
	s10 =	smul.u32 $0xC8, s8  }
.Ltmp0:
0x11: {  	s5 =	sadd.s32 $0x28E00, s9;
	[sflag:s6] =	ssyncpa.u1 $0x0;
	(pc) =	sbr.rel .LBB2_1-.Ltmp0, $4  }
0x12: {  	s4 =	sadd.s32 $0xA63A00, s9;
	p0 =	sne.s32 s7, s10;
	s10 =	simm.s32 $0x1  }
0x13: {  	s9 =	sadd.s32 $0x3CC00, s9;
	s7 =	simm.s32 $0x2;
	s10 =	simm.s32 @!p0 $0x0  }
0x14: {  	[sflag:s7] =	ssyncpa.u1 $0x0;
	p0 =	por $0x0, $0x0;
	s8 =	sadd.s32 s8, s10  }
0x15: {  	vm0 =	vmmov $0xff;
	vm1 =	vcmask $0x3F20;
	[sflag:s11] =	ssyncpa.u1 $0x0;
	s11 =	smov.u32 s1;
	s10 =	sadd.s32 $0x1, s8  }
.LBB2_6:
0x16: {  	[hbm:s17] =	stream.linear.scatter [tilespmem:s14], [sflag:$0x3], $0x400, $0x38;
	[tilespmem:$0xC990] =	vst v63  }
.LBB2_7:
0x17: {  	s13 =	sadd.s32 $0xC8, s11  }
0x18: {  	s15 =	smov.u32 s1;
	p2 =	slt.s32 s13, s3  }
0x19: {  	s15 =	smov.u32 @p2 s13;
	p2 =	sne.s32 s12, s10  }
.Ltmp1:
0x1a: {  	p1 =	slt.u32 s12, $0x2;
	(pc) =	sbr.rel @!p2 .LBB2_8-.Ltmp1, $4  }
0x1b: {  	s14 =	simm.s32 @!p1 $0x3  }
0x1c: {  	s16 =	sadd.s32 $0x1, s12;
	_ =	swait.ge @!p1 [sflag:s14], $0x6400  }
0x1d: {  	p0 =	por !p0, !p0;
	s13 =	smov.u32 s11;
	[sflag:s14] =	ssyncset.done @!p1 $0x0  }
0x1e: {  	s12 =	smov.u32 s16;
	s11 =	smov.u32 s15;
	[sflag:s14] =	ssyncadd.s32 @!p1 $0xFFFF9C00  }
.LBB2_1:
0x1f: {  	p1 =	sge.u32 s12, s8  }
0x20: {  	s14 =	sxor.u32 @!p1 $0xFFFFFFFF, s12  }
0x21: {  	s14 =	sand.u32 @!p1 $0x1, s14  }
0x22: {  	s14 =	smul.u32 @!p1 $0x320, s14  }
0x23: {  	s31 =	sadd.s32 $0xFFFFFFFF, s12;
	s15 =	sshrl.u32 @!p1 s11, $0x3  }
0x24: {  	s16 =	sand.u32 @!p1 $0x7, s11;
	s15 =	sadd.s32 @!p1 s5, s15;
	s14 =	sshrl.u32 @!p1 s14, $0x2  }
0x25: {  	[tilespmem:s14], [sflag:$0x2] =	stream.linear.gather @!p1 [hbm4b:s15+s16], $0xC8, $0x38;
	[tilespmem:$0xC990] =	vst v63  }
0x26: {  	p1 =	sge.u32 s31, s8  }
.Ltmp2:
0x27: {  	_ = 	snop;
	(pc) =	sbr.rel @p1 .LBB2_7-.Ltmp2, $1  }
0x28: {  	_ =	sdelay $0x3  }
0x29: {  	s14 =	simm.s32 $0x1  }
0x2a: {  	s14 =	simm.s32 @!p0 $0x0  }
0x2b: {  	s15 =	smul.u32 $0x320, s14  }
0x2c: {  	_ =	swait.ge [sflag:s7], $0xC8  }
0x2d: {  	[sflag:s7] =	ssyncset.done $0x0;
	s16 =	sshrl.u32 s15, $0x2  }
0x2e: {  	[sflag:s7] =	ssyncadd.s32 $0xFFFFFF38;
	s15 =	sadd.s32 $0x0, s16  }
0x2f: {  	v0 =	vld.msk [tilespmem:s15+$0x0 ss:$0x1], $0xffff;
	_ =	sdelay $0x4  }
0x30: {  	vm2 =	vgt.s32 v0, $0x0  }
0x31: {  	v0 =	vnsel vm2, $0x0, v0  }
0x32: {  	v0 =	vmin.u32 v0, $0x270F  }
0x33: {  	v0 =	vshll.u32 v0, $0x4  }
0x34: {  	s14 =	smul.u32 $0x19000, s14  }
0x35: {  	s31 =	sand.u32 $0x1, s12  }
0x36: {  	s17 =	smul.u32 $0x320, s31;
	s14 =	sshrl.u32 s14, $0x2  }
0x37: {  	s19 =	smul.u32 $0x19000, s31;
	s14 =	sor.u32 $0x190, s14  }
0x38: {  	[tilespmem:s14], [sflag:$0x1] =	stream.indirect_vreg.gather [hbm:s4], $0x80, v0, vm0, $0x38;
	[tilespmem:$0xC990] =	vst v63  }
0x39: {  	s18 =	sshrl.u32 s17, $0x2;
	s20 =	sadd.s32 $0x10, s16;
	s15 =	sadd.s32 $0x400, s14  }
0x3a: {  	[tilespmem:s15], [sflag:$0x1] =	stream.indirect_vreg.gather [hbm:s4], $0x80, v0, vm1, $0x38;
	[tilespmem:$0xC990] =	vst v63  }
0x3b: {  	s17 =	sshrl.u32 s19, $0x2;
	s19 =	smov.u32 s14;
	v0 =	vld.msk [tilespmem:s20+$0x0 ss:$0x1], $0xffff;
	s20 =	simm.s32 $0x80  }
.LBB2_3:
0x3c: {  	p1 =	sne.s32 s20, $0x2C0;
	_ =	sdelay $0x4  }
0x3d: {  	vm2 =	vgt.s32 v0, $0x0  }
0x3e: {  	v0 =	vnsel vm2, $0x0, v0  }
0x3f: {  	v0 =	vmin.u32 v0, $0x270F  }
0x40: {  	v0 =	vshll.u32 v0, $0x4;
	_ =	sdelay $0x3  }
.Ltmp3:
0x41: {  	s21 =	sshra.s32 s20, $0x2;
	s19 =	sadd.s32 $0x800, s19;
	(pc) =	sbr.rel @p1 .LBB2_3-.Ltmp3, $4  }
0x42: {  	[tilespmem:s19], [sflag:$0x1] =	stream.indirect_vreg.gather [hbm:s4], $0x80, v0, vm0, $0x38;
	[tilespmem:$0xC990] =	vst v63  }
0x43: {  	s21 =	sadd.s32 s21, s16;
	s22 =	sadd.s32 $0x400, s19  }
0x44: {  	[tilespmem:s22], [sflag:$0x1] =	stream.indirect_vreg.gather [hbm:s4], $0x80, v0, vm1, $0x38;
	[tilespmem:$0xC990] =	vst v63  }
0x45: {  	s20 =	sadd.s32 $0x40, s20;
	v0 =	vld.msk [tilespmem:s21+$0x0 ss:$0x1], $0xffff  }
0x46: {  	_ =	sdelay $0x3  }
0x47: {  	vm2 =	vgt.s32 v0, $0x0  }
0x48: {  	v0 =	vnsel vm2, $0x0, v0  }
0x49: {  	v0 =	vmin.u32 v0, $0x270F  }
0x4a: {  	v0 =	vshll.u32 v0, $0x4;
	_ =	sdelay $0x3  }
0x4b: {  	s16 =	sadd.s32 $0x800, s19  }
0x4c: {  	[tilespmem:s16], [sflag:$0x1] =	stream.indirect_vreg.gather [hbm:s4], $0x80, v0, vm0, $0x38;
	[tilespmem:$0xC990] =	vst v63  }
0x4d: {  	s16 =	sadd.s32 $0x400, s16  }
0x4e: {  	[tilespmem:s16], [sflag:$0x1] =	stream.indirect_vreg.gather [hbm:s4], $0x80, v0, vm1, $0x38;
	[tilespmem:$0xC990] =	vst v63  }
0x4f: {  	v0 =	vld.msk [tilespmem:s18+$0xC0 ss:$0x1], $0xff;
	_ =	sdelay $0x4  }
0x50: {  	vm2 =	vgt.s32 v0, $0x0  }
0x51: {  	v0 =	vnsel vm2, $0x0, v0  }
0x52: {  	v0 =	vmin.u32 v0, $0x270F  }
0x53: {  	v0 =	vshll.u32 v0, $0x4;
	_ =	sdelay $0x3  }
0x54: {  	s31 =	sadd.s32 $0x6190, s17  }
0x55: {  	[tilespmem:s31], [sflag:$0x1] =	stream.indirect_vreg.gather [hbm:s4], $0x80, v0, vm0, $0x38;
	[tilespmem:$0xC990] =	vst v63  }
0x56: {  	s13 =	sshll.u32 s13, $0x4;
	_ =	swait.ge [sflag:s6], $0x6400  }
0x57: {  	s13 =	sadd.s32 s13, s9;
	[sflag:s6] =	ssyncset.done $0x0  }
0x58: {  	s17 =	sadd.s32 $0x0, s13;
	s16 =	simm.s32 $0x80;
	[sflag:s6] =	ssyncadd.s32 $0xFFFF9C00  }
.LBB2_5:
0x59: {  	[hbm:s17] =	stream.linear.scatter [tilespmem:s14], [sflag:$0x3], $0x400, $0x38;
	[tilespmem:$0xC990] =	vst v63  }
0x5a: {  	s17 =	smov.u32 s16;
	s14 =	smov.u32 s15;
	p1 =	sne.s32 s16, $0xC00  }
.Ltmp4:
0x5b: {  	s16 =	sadd.s32 $0x80, s16;
	(pc) =	sbr.rel @p1 .LBB2_5-.Ltmp4, $2  }
0x5c: {  	_ =	sdelay $0x2  }
0x5d: {  	s15 =	sadd.s32 $0x400, s15;
	s17 =	sadd.s32 s17, s13  }
.Ltmp5:
0x5e: {  	_ = 	snop;
	(pc) =	sbr.rel .LBB2_6-.Ltmp5, $1  }
0x5f: {  	_ =	sdelay $0x3  }
.LBB2_8:
0x60: {  	_ =	sfence.sel $0x180000  }
0x61: {  	s1 =	simm.s32 $0x2;
	[bflag:$0x0] =	sbarrier.arrive $0xFFFF  }
0x62: {  	s30 =	simm.s32 $0x3;
	[sflag:s1] =	ssyncpa.u1 $0x1  }
0x63: {  	s31 =	simm.s32 $0x1;
	[sflag:s30] =	ssyncpa.u1 $0x1  }
0x64: {  	[sflag:s31] =	ssyncpa.u1 $0x1  }
0x65: {  	p0 =	sne.s32 s0, $0x0;
	_ =	strace $0x9000006D  }
0x66: {  	s0 =	sadd.s32 @!p0 $0x100000, s2;
	[bflag:$0x2] =	sbarrier.arrive $0xFFFF  }
0x67: {  	[sflag:s0] =	ssyncadd.tile.s32 @!p0 $0x1;
	_ =	shalt  }
.Lfunc_end2:
_tile_overlayer_lowered:
.L_overlay_start_2:
0x68: {  	(tag) =	ssettag $0x2  }
0x69: {  	s0 =	rddreg [dreg:$0x0];
	s2 =	stileid.u32  }
0x6a: {  	s1 =	rddreg [dreg:$0x1];
	p0 =	sne.s32 s2, $0x0  }
0x6b: {  	s3 =	rddreg [dreg:$0x2];
	[bflag:$0x3] =	sbarrier.arrive $0xFFFF;
	s2 =	simm.s32 @!p0 $0x1C01  }
0x6c: {  	[timem:s3], [sflag:s2] =	dma.local @!p0 [hbm:s0], s1  }
0x6d: {  	s0 =	simm.s32 @!p0 $0x1  }
0x6e: {  	_ =	swait.ge @!p0 [sflag:s0], s1  }
0x6f: {  	s1 =	ssub.s32 @!p0 $0x0, s1;
	[sflag:s0] =	ssyncset.done @!p0 $0x0  }
0x70: {  	[sflag:s0] =	ssyncadd.s32 @!p0 s1  }
0x71: {  	[bflag:$0x3] =	sbarrier.arrive $0xFFFF  }
0x72: {  	_ =	shalt  }

// kernel: gather_offload_async_start.4
scs
__scs_entry_jumppad:
0x0: {  	(pc) =	sbr.rel $0x88, $3  }
0x1: {  	(tag) =	ssettag $0x0;
	lr =	simm.s32 $0x1  }
0x2: {  	[smem:$0x3F95] =	sst lr;
	_ =	strace $0xD0000000  }
0x3: {  	_ = 	snop  }
0x4: {  	_ = 	snop  }
0x5: {  	_ = 	snop  }
0x6: {  	_ = 	snop  }
0x7: {  	_ = 	snop  }
__scs_overlays_trampoline_lowered:
0x8: {  	[smem:$0x3FA4] =	sst s0  }
0x9: {  	[smem:$0x3FA5] =	sst s1  }
0xa: {  	[smem:$0x3FA6] =	sst s2  }
0xb: {  	[smem:$0x3FA7] =	sst s3  }
0xc: {  	[smem:$0x3FA8] =	sst s4  }
0xd: {  	[smem:$0x3FA9] =	sst s5  }
0xe: {  	[smem:$0x3FAA] =	sst s6  }
0xf: {  	[smem:$0x3FAB] =	sst s7  }
0x10: {  	[smem:$0x3FAC] =	sst s8  }
0x11: {  	[smem:$0x3FAD] =	sst s9;
	s0 =	simm.s32 @!p0 $0x0  }
0x12: {  	s1 =	sld [smem:$0x3F93];
	s0 =	simm.s32 @p0 $0x1  }
0x13: {  	[smem:$0x3FAE] =	sst s0;
	s0 =	simm.s32 @!p1 $0x0  }
0x14: {  	s2 =	sld [smem:$0x3F92];
	s0 =	simm.s32 @p1 $0x1  }
0x15: {  	[smem:$0x3FAF] =	sst s0;
	s0 =	simm.s32 @!p2 $0x0  }
0x16: {  	s3 =	sld [smem:$0x3FDB];
	s0 =	simm.s32 @p2 $0x1  }
0x17: {  	s4 =	simm.s32 $0x1BF5;
	[smem:$0x3FB1] =	sst s0  }
0x18: {  	s0 =	sld [smem:$0x3F94];
	_ =	swait.ge [sflag:s4], $0x0  }
0x19: {  	s7 =	sld [smem:$0x3F95]  }
0x1a: {  	s8 =	sadd.s32 $0xFFFFE003, lr  }
0x1b: {  	s9 =	sadd.s32 $0xFFFFFEF7, lr;
	s5 =	simm.s32 $0xFFFFFFFF;
	p2 =	slt.u32 s8, $0xFFFFF086  }
0x1c: {  	p1 =	slt.u32 s9, $0xF7A;
	s5 =	simm.s32 @!p2 $0x0  }
0x1d: {  	s5 =	simm.s32 @p1 $0x1;
	p0 =	seq.s32 s7, s2  }
0x1e: {  	s7 =	smul.u32 @!p0 $0xF7A, s2;
	p2 =	seq.s32 @!p0 s5, $0x0  }
0x1f: {  	s9 =	smul.u32 $0xF7A, s1;
	s8 =	simm.s32 @!p0 $0x1BF5;
	p2 =	por !p2, p0  }
0x20: {  	[sflag:s8] =	ssyncset.s32 @!p0 $0xFFFFF086;
	s6 =	sadd.s32 @!p0 s3, s7;
	s7 =	simm.s32 @!p0 $0x108  }
0x21: {  	s3 =	sadd.s32 s3, s9;
	s6 =	sadd.s32 @!p0 $0x88, s6;
	s7 =	simm.s32 @p2 $0x1082  }
0x22: {  	[simem:s7], [sflag:s8] =	dma.local @!p0 [hbm:s6], $0xF7A  }
0x23: {  	s9 =	sor.u32 $0xD0000000, s2;
	s6 =	simm.s32 $0x108;
	_ =	swait.ge @!p0 [sflag:s8], $0x0  }
0x24: {  	s3 =	sadd.s32 $0x88, s3;
	s6 =	simm.s32 @!p1 $0x1082;
	[sflag:s4] =	ssyncset.s32 $0xFFFFF086  }
0x25: {  	[simem:s6], [sflag:s4] =	dma.local [hbm:s3], $0xF7A  }
0x26: {  	[smem:$0x3F95] =	sst s1;
	(tag) =	ssettag s2;
	_ =	strace s9  }
0x27: {  	s1 =	sld [smem:$0x3FA5]  }
0x28: {  	s2 =	sld [smem:$0x3FA6]  }
0x29: {  	s4 =	sld [smem:$0x3FA8]  }
0x2a: {  	p0 =	seq.s32 s5, $0x0;
	s5 =	sld [smem:$0x3FA9]  }
0x2b: {  	s6 =	sld [smem:$0x3FAA]  }
0x2c: {  	s7 =	sld [smem:$0x3FAB]  }
0x2d: {  	s3 =	simm.s32 $0x108;
	s8 =	sld [smem:$0x3FAC]  }
0x2e: {  	s3 =	simm.s32 @!p0 $0x1082;
	s9 =	sld [smem:$0x3FAD]  }
0x2f: {  	lr =	sadd.s32 s0, s3;
	s0 =	sld [smem:$0x3FA4]  }
0x30: {  	s3 =	sld [smem:$0x3FA7]  }
0x31: {  	[smem:$0x3FB0] =	sst s10  }
0x32: {  	s10 =	sld [smem:$0x3FAE];
	_ =	sdelay $0x3  }
0x33: {  	p0 =	seq.s32 s10, $0x1;
	s10 =	sld [smem:$0x3FB0];
	_ =	sdelay $0x3  }
0x34: {  	[smem:$0x3FB0] =	sst s10  }
0x35: {  	s10 =	sld [smem:$0x3FAF];
	_ =	sdelay $0x3  }
0x36: {  	p1 =	seq.s32 s10, $0x1;
	s10 =	sld [smem:$0x3FB0];
	_ =	sdelay $0x3  }
0x37: {  	[smem:$0x3FB0] =	sst s10  }
0x38: {  	s10 =	sld [smem:$0x3FB1]  }
0x39: {  	_ = 	snop;
	(pc) =	sbr.ind lr, $3  }
0x3a: {  	_ = 	snop  }
0x3b: {  	_ = 	snop  }
0x3c: {  	p2 =	seq.s32 s10, $0x1;
	s10 =	sld [smem:$0x3FB0]  }
0x3d: {  	_ =	shalt  }
0x3e: {  	_ =	shalt  }
0x3f: {  	_ =	shalt  }
0x40: {  	_ =	shalt  }
0x41: {  	_ =	shalt  }
0x42: {  	_ =	shalt  }
0x43: {  	_ =	shalt  }
0x44: {  	_ =	shalt  }
0x45: {  	_ =	shalt  }
0x46: {  	_ =	shalt  }
0x47: {  	_ =	shalt  }
0x48: {  	_ =	shalt  }
0x49: {  	_ =	shalt  }
0x4a: {  	_ =	shalt  }
0x4b: {  	_ =	shalt  }
0x4c: {  	_ =	shalt  }
0x4d: {  	_ =	shalt  }
0x4e: {  	_ =	shalt  }
0x4f: {  	_ =	shalt  }
0x50: {  	_ =	shalt  }
0x51: {  	_ =	shalt  }
0x52: {  	_ =	shalt  }
0x53: {  	_ =	shalt  }
0x54: {  	_ =	shalt  }
0x55: {  	_ =	shalt  }
0x56: {  	_ =	shalt  }
0x57: {  	_ =	shalt  }
0x58: {  	_ =	shalt  }
0x59: {  	_ =	shalt  }
0x5a: {  	_ =	shalt  }
0x5b: {  	_ =	shalt  }
0x5c: {  	_ =	shalt  }
0x5d: {  	_ =	shalt  }
0x5e: {  	_ =	shalt  }
0x5f: {  	_ =	shalt  }
0x60: {  	_ =	shalt  }
0x61: {  	_ =	shalt  }
0x62: {  	_ =	shalt  }
0x63: {  	_ =	shalt  }
0x64: {  	_ =	shalt  }
0x65: {  	_ =	shalt  }
0x66: {  	_ =	shalt  }
0x67: {  	_ =	shalt  }
0x68: {  	_ =	shalt  }
0x69: {  	_ =	shalt  }
0x6a: {  	_ =	shalt  }
0x6b: {  	_ =	shalt  }
0x6c: {  	_ =	shalt  }
0x6d: {  	_ =	shalt  }
0x6e: {  	_ =	shalt  }
0x6f: {  	_ =	shalt  }
0x70: {  	_ =	shalt  }
0x71: {  	_ =	shalt  }
0x72: {  	_ =	shalt  }
0x73: {  	_ =	shalt  }
0x74: {  	_ =	shalt  }
0x75: {  	_ =	shalt  }
0x76: {  	_ =	shalt  }
0x77: {  	_ =	shalt  }
0x78: {  	_ =	shalt  }
0x79: {  	_ =	shalt  }
0x7a: {  	_ =	shalt  }
0x7b: {  	_ =	shalt  }
0x7c: {  	_ =	shalt  }
0x7d: {  	_ =	shalt  }
0x7e: {  	_ =	shalt  }
0x7f: {  	_ =	shalt  }
0x80: {  	_ =	shalt  }
0x81: {  	_ =	shalt  }
0x82: {  	_ =	shalt  }
0x83: {  	_ =	shalt  }
0x84: {  	_ =	shalt  }
0x85: {  	_ =	shalt  }
0x86: {  	_ =	shalt  }
0x87: {  	_ =	shalt  }
.Lfunc_end0:
.L_simem_size_0:
called_computation.8_lowered:
.L_overlay_start_0:
0x88: {  	s0 =	sld [smem:$0x3FD9]  }
0x89: {  	s1 =	sld [smem:$0x3FFE];
	_ =	sdelay $0x3  }
0x8a: {  	s0 =	sadd.s32 s1, s0  }
0x8b: {  	[smem:$0x3FBC] =	sst s0  }
0x8c: {  	_ = 	snop  }
0x8d: {  	s0 =	sld [smem:$0x3FD0];
	_ =	sdelay $0x2  }
0x8e: {  	s2 =	simm.s32 $0xD;
	s3 =	simm.s32 $0x10;
	s13 =	sld [smem:$0x3FC6]  }
0x8f: {  	[smem:s3], [sflag:s2] =	dma.local [hbm:s0], $0x1  }
0x90: {  	_ =	swait.eq [sflag:s2], $0x1  }
0x91: {  	[sflag:s2] =	ssyncset.done $0x0  }
0x92: {  	[sflag:s2] =	ssyncadd.s32 $0xFFFFFFFF  }
0x93: {  	s14 =	sld [smem:$0x13];
	(tm) =	ssettm $0x1  }
0x94: {  	s15 =	sld [smem:$0x3FFB];
	_ =	sdelay $0x3  }
0x95: {  	_ =	strace s15  }
0x96: {  	s2 =	sld [smem:$0x3FFC];
	_ =	sdelay $0x3  }
0x97: {  	_ =	strace s2  }
0x98: {  	s2 =	sld [smem:$0x3FFD];
	_ =	sdelay $0x3  }
0x99: {  	_ =	strace s2  }
0x9a: {  	_ =	strace $0x8FFFFFFF  }
0x9b: {  	s16 =	sld [smem:$0x3FDB];
	_ =	sdelay $0x1  }
0x9c: {  	s17 =	simm.s32 $_scs_section_size  }
0x9d: {  	s4 =	simm.s32 $_size__tile_overlayer_lowered;
	s5 =	simm.s32 $_tile_overlayer_lowered  }
0x9e: {  	s20 =	simm.s32 $0x1BFF;
	s19 =	sshll.u32 s5, $0x1;
	s2 =	sadd.s32 s17, s16  }
0x9f: {  	s6 =	simm.s32 $0x0;
	s18 =	sshll.u32 s4, $0x1;
	s4 =	sadd.s32 s19, s2  }
0xa0: {  	[timem:s6], [sflag:s20] =	dma.local [hbm:s4], s18  }
0xa1: {  	_ =	swait.ge [sflag:s20], s18  }
0xa2: {  	s3 =	ssub.s32 $0x0, s18;
	[sflag:s20] =	ssyncset.done $0x0  }
0xa3: {  	[sflag:s20] =	ssyncadd.s32 s3;
	_ =	sdelay $0x1  }
0xa4: {  	s21 =	simm.s32 $0x1B8B  }
0xa5: {  	_ =	swait.ge [sflag:s21], $0x1  }
0xa6: {  	[sflag:s21] =	ssyncset.done $0x0  }
0xa7: {  	s23 =	simm.s32 $0x1B8E;
	s22 =	sld [smem:$0x3FFE];
	[sflag:s21] =	ssyncadd.s32 $0xFFFFFFFF  }
0xa8: {  	s24 =	simm.s32 $execute0_lowered;
	[smem:$0x3FD2] =	sst s23  }
0xa9: {  	s4 =	sshll.u32 s24, $0x1;
	_ =	strace $0x80000072;
	[dreg:$0x1] =	wrdreg $0xFFFFFFFF  }
0xaa: {  	s25 =	simm.s32 $_size_execute0_lowered;
	s2 =	sadd.s32 s2, s4;
	[dreg:$0x0] =	wrdreg $0x0  }
0xab: {  	s4 =	sshll.u32 s25, $0x1;
	[dreg:$0x2] =	wrdreg s2  }
0xac: {  	[dreg:$0x3] =	wrdreg s4  }
0xad: {  	[dreg:$0x4] =	wrdreg $0xC0  }
0xae: {  	_ =	task [dreg:s6], $0x5FFFF  }
0xaf: {  	[dreg:$0x1] =	wrdreg $0xFFFFFFFF  }
0xb0: {  	[dreg:$0x0] =	wrdreg $0x60  }
0xb1: {  	[dreg:$0x2] =	wrdreg s13  }
0xb2: {  	[dreg:$0x3] =	wrdreg s22  }
0xb3: {  	[dreg:$0x4] =	wrdreg s14  }
0xb4: {  	[dreg:$0x5] =	wrdreg $0xA  }
0xb5: {  	_ =	task.clear_ibuf [dreg:s6], $0x6FFFF;
	_ =	strace $0x90000072  }
0xb6: {  	s26 =	simm.s32 $0xA;
	_ =	strace $0x80000074  }
0xb7: {  	_ =	swait.ge [sflag:s26], $0x1  }
0xb8: {  	[sflag:s26] =	ssyncadd.s32 $0xFFFFFFFF  }
0xb9: {  	_ =	strace $0x90000074  }
0xba: {  	_ =	sfence  }
0xbb: {  	s28 =	sld [smem:$0x0];
	_ =	sdelay $0x1  }
0xbc: {  	s29 =	srdreg.scid  }
0xbd: {  	s30 =	sshll.u32 s29, $0xD;
	s31 =	sshrl.u32 s29, $0x2  }
0xbe: {  	s1 =	sand.u32 $0x1, s29;
	s2 =	sand.u32 $0x4000, s30;
	s0 =	sadd.s32 s31, s28  }
0xbf: {  	s1 =	sor.u32 s2, s1;
	s0 =	sshll.u32 s0, $0x11  }
0xc0: {  	s0 =	sor.u32 s0, s1  }
0xc1: {  	s0 =	sadd.s32 $0x8F2B, s0  }
0xc2: {  	[sflag:s0] =	ssyncadd.remote.s32 $0x1  }
0xc3: {  	_ =	sfence.sel $0xFFFF  }
0xc4: {  	[dreg:$0x0] =	wrdreg $0xFFFFFFFF;
	(pc) =	sbr.abs _section_cstart, $3  }
0xc5: {  	[dreg:$0x1] =	wrdreg $0xFFFFFFFF  }
0xc6: {  	_ =	task.clear_ibuf [dreg:s6], $0x2FFFF;
	_ =	strace $0x9FFFFFFF  }
0xc7: {  	(tm) =	ssettm $0x7FFFFFFF  }
tec
execute0_lowered:
.L_overlay_start_1:
0x0: {  	(tag) =	ssettag $0x1  }
0x1: {  	s2 =	rddreg [dreg:$0x0]  }
0x2: {  	s5 =	rddreg [dreg:$0x1]  }
0x3: {  	s3 =	rddreg [dreg:$0x2]  }
0x4: {  	s0 =	rddreg [dreg:$0x3];
	s1 =	stileid.u32  }
0x5: {  	_ =	strace $0x80000073;
	s6 =	simm.s32 $0x1;
	s8 =	simm.s32 $0x2  }
0x6: {  	s30 =	simm.s32 $0x3;
	s12 =	simm.s32 $0x0;
	s4 =	sshll.u32 s1, $0x4  }
0x7: {  	s9 =	simm.s32 $0x0;
	s10 =	simm.s32 $0x0;
	s7 =	ssub.s32 $0x1380, s4  }
0x8: {  	s5 =	sadd.s32 $0x28E00, s5;
	[sflag:s6] =	ssyncpa.u1 $0x0;
	s6 =	sshrl.u32 s7, $0x8  }
0x9: {  	[sflag:s8] =	ssyncpa.u1 $0x0;
	s11 =	smov.u32 s4;
	s31 =	sshll.u32 s6, $0x4  }
0xa: {  	[sflag:s30] =	ssyncpa.u1 $0x0;
	s7 =	sadd.s32 $0x2, s6;
	s8 =	sadd.s32 $0x30, s31  }
.LBB2_1:
0xb: {  	p0 =	sgt.u32 s10, s6  }
0xc: {  	s13 =	sxor.u32 @!p0 $0xFFFFFFFF, s9;
	s14 =	sshrl.u32 @!p0 s11, $0x3  }
0xd: {  	s15 =	sand.u32 @!p0 $0x7, s11;
	s13 =	sand.u32 @!p0 $0x10, s13;
	s14 =	sadd.s32 @!p0 s5, s14  }
0xe: {  	[tilespmem:s13], [sflag:$0x2] =	stream.linear.gather @!p0 [hbm4b:s14+s15], $0x10, $0x38;
	[tilespmem:$0x40] =	vst v63  }
0xf: {  	p0 =	seq.s32 s9, $0x0  }
0x10: {  	p1 =	sge.u32 @!p0 s10, s7  }
0x11: {  	p0 =	por p1, p0  }
0x12: {  	s13 =	simm.s32 @!p0 $0x2  }
0x13: {  	_ =	swait.ge @!p0 [sflag:s13], $0x10  }
0x14: {  	[sflag:s13] =	ssyncset.done @!p0 $0x0  }
0x15: {  	[sflag:s13] =	ssyncadd.s32 @!p0 $0xFFFFFFF0;
	s13 =	sand.u32 @!p0 $0x10, s9  }
0x16: {  	(ifvalue) =	ssetifvalue @!p0 $0x7FFFFFFF;
	v0 =	vld.msk @!p0 [tilespmem:s13+$0x0 ss:$0x1], $0xffff;
	_ =	sdelay $0x4  }
0x17: {  	vm0 =	vgt.s32 @!p0 v0, $0x0  }
0x18: {  	v0 =	vnsel @!p0 vm0, $0x0, v0  }
0x19: {  	v0 =	vmin.u32 @!p0 v0, $0x270F;
	_ =	sdelay $0x3  }
0x1a: {  	s14 =	simm.s32 @!p0 $0x0;
	s13 =	sor.u32 @!p0 $0x20, s13;
	(ifvalue) =	ssetifvalue @!p0 $0x7FFFFFFF;
	vm0 =	vmmov @!p0 $0xffff  }
0x1b: {  	[tilespmem:s13], [sflag:$0x1] =	stream.indirect_vreg.gather @!p0 [hbm4b:s2+s14], $0x1, v0, vm0, $0x4038;
	[tilespmem:$0x40] =	vst v63  }
0x1c: {  	s14 =	simm.s32 @!p0 $0x1  }
0x1d: {  	_ =	swait.ge @!p0 [sflag:s14], $0x10  }
0x1e: {  	s15 =	sshrl.u32 @!p0 s12, $0x3;
	[sflag:s14] =	ssyncset.done @!p0 $0x0  }
0x1f: {  	s12 =	sand.u32 @!p0 $0x7, s12;
	[sflag:s14] =	ssyncadd.s32 @!p0 $0xFFFFFFF0;
	s14 =	sadd.s32 @!p0 s3, s15  }
0x20: {  	[hbm4b:s14+s12] =	stream.linear.scatter @!p0 [tilespmem:s13], [sflag:$0x3], $0x10, $0x38;
	[tilespmem:$0x40] =	vst v63  }
0x21: {  	s14 =	sadd.s32 $0x100, s11  }
0x22: {  	s9 =	sadd.s32 $0x10, s9;
	p1 =	sgt.s32 s14, $0x1387  }
0x23: {  	s14 =	smov.u32 @p1 s4;
	p1 =	sne.s32 s8, s9  }
.Ltmp0:
0x24: {  	p0 =	slt.u32 s10, $0x2;
	(pc) =	sbr.rel @p1 .LBB2_1-.Ltmp0, $4  }
0x25: {  	s13 =	simm.s32 @!p0 $0x3  }
0x26: {  	_ =	swait.ge @!p0 [sflag:s13], $0x10  }
0x27: {  	s12 =	smov.u32 s11;
	[sflag:s13] =	ssyncset.done @!p0 $0x0  }
0x28: {  	s10 =	sadd.s32 $0x1, s10;
	s11 =	smov.u32 s14;
	[sflag:s13] =	ssyncadd.s32 @!p0 $0xFFFFFFF0  }
0x29: {  	_ =	sfence.sel $0x180000  }
0x2a: {  	s2 =	simm.s32 $0x2;
	[bflag:$0x0] =	sbarrier.arrive $0xFFFF  }
0x2b: {  	s30 =	simm.s32 $0x3;
	[sflag:s2] =	ssyncpa.u1 $0x1  }
0x2c: {  	s31 =	simm.s32 $0x1;
	[sflag:s30] =	ssyncpa.u1 $0x1  }
0x2d: {  	[sflag:s31] =	ssyncpa.u1 $0x1  }
0x2e: {  	p0 =	sne.s32 s1, $0x0;
	_ =	strace $0x90000073  }
0x2f: {  	s0 =	sadd.s32 @!p0 $0x100000, s0;
	[bflag:$0x2] =	sbarrier.arrive $0xFFFF  }
0x30: {  	[sflag:s0] =	ssyncadd.tile.s32 @!p0 $0x1;
	_ =	shalt  }
.Lfunc_end2:
_tile_overlayer_lowered:
.L_overlay_start_2:
0x31: {  	(tag) =	ssettag $0x2  }
0x32: {  	s0 =	rddreg [dreg:$0x0];
	s2 =	stileid.u32  }
0x33: {  	s1 =	rddreg [dreg:$0x1];
	p0 =	sne.s32 s2, $0x0  }
0x34: {  	s3 =	rddreg [dreg:$0x2];
	[bflag:$0x3] =	sbarrier.arrive $0xFFFF;
	s2 =	simm.s32 @!p0 $0x1C01  }
0x35: {  	[timem:s3], [sflag:s2] =	dma.local @!p0 [hbm:s0], s1  }
0x36: {  	s0 =	simm.s32 @!p0 $0x1  }
0x37: {  	_ =	swait.ge @!p0 [sflag:s0], s1  }
0x38: {  	s1 =	ssub.s32 @!p0 $0x0, s1;
	[sflag:s0] =	ssyncset.done @!p0 $0x0  }
0x39: {  	[sflag:s0] =	ssyncadd.s32 @!p0 s1  }
0x3a: {  	[bflag:$0x3] =	sbarrier.arrive $0xFFFF  }
0x3b: {  	_ =	shalt  }

// kernel: gather_offload_async_start
scs
__scs_entry_jumppad:
0x0: {  	(pc) =	sbr.rel $0x88, $3  }
0x1: {  	(tag) =	ssettag $0x0;
	lr =	simm.s32 $0x1  }
0x2: {  	[smem:$0x3F95] =	sst lr;
	_ =	strace $0xD0000000  }
0x3: {  	_ = 	snop  }
0x4: {  	_ = 	snop  }
0x5: {  	_ = 	snop  }
0x6: {  	_ = 	snop  }
0x7: {  	_ = 	snop  }
__scs_overlays_trampoline_lowered:
0x8: {  	[smem:$0x3FA4] =	sst s0  }
0x9: {  	[smem:$0x3FA5] =	sst s1  }
0xa: {  	[smem:$0x3FA6] =	sst s2  }
0xb: {  	[smem:$0x3FA7] =	sst s3  }
0xc: {  	[smem:$0x3FA8] =	sst s4  }
0xd: {  	[smem:$0x3FA9] =	sst s5  }
0xe: {  	[smem:$0x3FAA] =	sst s6  }
0xf: {  	[smem:$0x3FAB] =	sst s7  }
0x10: {  	[smem:$0x3FAC] =	sst s8  }
0x11: {  	[smem:$0x3FAD] =	sst s9;
	s0 =	simm.s32 @!p0 $0x0  }
0x12: {  	s1 =	sld [smem:$0x3F93];
	s0 =	simm.s32 @p0 $0x1  }
0x13: {  	[smem:$0x3FAE] =	sst s0;
	s0 =	simm.s32 @!p1 $0x0  }
0x14: {  	s2 =	sld [smem:$0x3F92];
	s0 =	simm.s32 @p1 $0x1  }
0x15: {  	[smem:$0x3FAF] =	sst s0;
	s0 =	simm.s32 @!p2 $0x0  }
0x16: {  	s3 =	sld [smem:$0x3FDB];
	s0 =	simm.s32 @p2 $0x1  }
0x17: {  	s4 =	simm.s32 $0x1BF5;
	[smem:$0x3FB1] =	sst s0  }
0x18: {  	s0 =	sld [smem:$0x3F94];
	_ =	swait.ge [sflag:s4], $0x0  }
0x19: {  	s7 =	sld [smem:$0x3F95]  }
0x1a: {  	s8 =	sadd.s32 $0xFFFFE003, lr  }
0x1b: {  	s9 =	sadd.s32 $0xFFFFFEF7, lr;
	s5 =	simm.s32 $0xFFFFFFFF;
	p2 =	slt.u32 s8, $0xFFFFF086  }
0x1c: {  	p1 =	slt.u32 s9, $0xF7A;
	s5 =	simm.s32 @!p2 $0x0  }
0x1d: {  	s5 =	simm.s32 @p1 $0x1;
	p0 =	seq.s32 s7, s2  }
0x1e: {  	s7 =	smul.u32 @!p0 $0xF7A, s2;
	p2 =	seq.s32 @!p0 s5, $0x0  }
0x1f: {  	s9 =	smul.u32 $0xF7A, s1;
	s8 =	simm.s32 @!p0 $0x1BF5;
	p2 =	por !p2, p0  }
0x20: {  	[sflag:s8] =	ssyncset.s32 @!p0 $0xFFFFF086;
	s6 =	sadd.s32 @!p0 s3, s7;
	s7 =	simm.s32 @!p0 $0x108  }
0x21: {  	s3 =	sadd.s32 s3, s9;
	s6 =	sadd.s32 @!p0 $0x88, s6;
	s7 =	simm.s32 @p2 $0x1082  }
0x22: {  	[simem:s7], [sflag:s8] =	dma.local @!p0 [hbm:s6], $0xF7A  }
0x23: {  	s9 =	sor.u32 $0xD0000000, s2;
	s6 =	simm.s32 $0x108;
	_ =	swait.ge @!p0 [sflag:s8], $0x0  }
0x24: {  	s3 =	sadd.s32 $0x88, s3;
	s6 =	simm.s32 @!p1 $0x1082;
	[sflag:s4] =	ssyncset.s32 $0xFFFFF086  }
0x25: {  	[simem:s6], [sflag:s4] =	dma.local [hbm:s3], $0xF7A  }
0x26: {  	[smem:$0x3F95] =	sst s1;
	(tag) =	ssettag s2;
	_ =	strace s9  }
0x27: {  	s1 =	sld [smem:$0x3FA5]  }
0x28: {  	s2 =	sld [smem:$0x3FA6]  }
0x29: {  	s4 =	sld [smem:$0x3FA8]  }
0x2a: {  	p0 =	seq.s32 s5, $0x0;
	s5 =	sld [smem:$0x3FA9]  }
0x2b: {  	s6 =	sld [smem:$0x3FAA]  }
0x2c: {  	s7 =	sld [smem:$0x3FAB]  }
0x2d: {  	s3 =	simm.s32 $0x108;
	s8 =	sld [smem:$0x3FAC]  }
0x2e: {  	s3 =	simm.s32 @!p0 $0x1082;
	s9 =	sld [smem:$0x3FAD]  }
0x2f: {  	lr =	sadd.s32 s0, s3;
	s0 =	sld [smem:$0x3FA4]  }
0x30: {  	s3 =	sld [smem:$0x3FA7]  }
0x31: {  	[smem:$0x3FB0] =	sst s10  }
0x32: {  	s10 =	sld [smem:$0x3FAE];
	_ =	sdelay $0x3  }
0x33: {  	p0 =	seq.s32 s10, $0x1;
	s10 =	sld [smem:$0x3FB0];
	_ =	sdelay $0x3  }
0x34: {  	[smem:$0x3FB0] =	sst s10  }
0x35: {  	s10 =	sld [smem:$0x3FAF];
	_ =	sdelay $0x3  }
0x36: {  	p1 =	seq.s32 s10, $0x1;
	s10 =	sld [smem:$0x3FB0];
	_ =	sdelay $0x3  }
0x37: {  	[smem:$0x3FB0] =	sst s10  }
0x38: {  	s10 =	sld [smem:$0x3FB1]  }
0x39: {  	_ = 	snop;
	(pc) =	sbr.ind lr, $3  }
0x3a: {  	_ = 	snop  }
0x3b: {  	_ = 	snop  }
0x3c: {  	p2 =	seq.s32 s10, $0x1;
	s10 =	sld [smem:$0x3FB0]  }
0x3d: {  	_ =	shalt  }
0x3e: {  	_ =	shalt  }
0x3f: {  	_ =	shalt  }
0x40: {  	_ =	shalt  }
0x41: {  	_ =	shalt  }
0x42: {  	_ =	shalt  }
0x43: {  	_ =	shalt  }
0x44: {  	_ =	shalt  }
0x45: {  	_ =	shalt  }
0x46: {  	_ =	shalt  }
0x47: {  	_ =	shalt  }
0x48: {  	_ =	shalt  }
0x49: {  	_ =	shalt  }
0x4a: {  	_ =	shalt  }
0x4b: {  	_ =	shalt  }
0x4c: {  	_ =	shalt  }
0x4d: {  	_ =	shalt  }
0x4e: {  	_ =	shalt  }
0x4f: {  	_ =	shalt  }
0x50: {  	_ =	shalt  }
0x51: {  	_ =	shalt  }
0x52: {  	_ =	shalt  }
0x53: {  	_ =	shalt  }
0x54: {  	_ =	shalt  }
0x55: {  	_ =	shalt  }
0x56: {  	_ =	shalt  }
0x57: {  	_ =	shalt  }
0x58: {  	_ =	shalt  }
0x59: {  	_ =	shalt  }
0x5a: {  	_ =	shalt  }
0x5b: {  	_ =	shalt  }
0x5c: {  	_ =	shalt  }
0x5d: {  	_ =	shalt  }
0x5e: {  	_ =	shalt  }
0x5f: {  	_ =	shalt  }
0x60: {  	_ =	shalt  }
0x61: {  	_ =	shalt  }
0x62: {  	_ =	shalt  }
0x63: {  	_ =	shalt  }
0x64: {  	_ =	shalt  }
0x65: {  	_ =	shalt  }
0x66: {  	_ =	shalt  }
0x67: {  	_ =	shalt  }
0x68: {  	_ =	shalt  }
0x69: {  	_ =	shalt  }
0x6a: {  	_ =	shalt  }
0x6b: {  	_ =	shalt  }
0x6c: {  	_ =	shalt  }
0x6d: {  	_ =	shalt  }
0x6e: {  	_ =	shalt  }
0x6f: {  	_ =	shalt  }
0x70: {  	_ =	shalt  }
0x71: {  	_ =	shalt  }
0x72: {  	_ =	shalt  }
0x73: {  	_ =	shalt  }
0x74: {  	_ =	shalt  }
0x75: {  	_ =	shalt  }
0x76: {  	_ =	shalt  }
0x77: {  	_ =	shalt  }
0x78: {  	_ =	shalt  }
0x79: {  	_ =	shalt  }
0x7a: {  	_ =	shalt  }
0x7b: {  	_ =	shalt  }
0x7c: {  	_ =	shalt  }
0x7d: {  	_ =	shalt  }
0x7e: {  	_ =	shalt  }
0x7f: {  	_ =	shalt  }
0x80: {  	_ =	shalt  }
0x81: {  	_ =	shalt  }
0x82: {  	_ =	shalt  }
0x83: {  	_ =	shalt  }
0x84: {  	_ =	shalt  }
0x85: {  	_ =	shalt  }
0x86: {  	_ =	shalt  }
0x87: {  	_ =	shalt  }
.Lfunc_end0:
.L_simem_size_0:
called_computation.4_lowered:
.L_overlay_start_0:
0x88: {  	s0 =	sld [smem:$0x3FD9]  }
0x89: {  	s1 =	sld [smem:$0x3FFE];
	_ =	sdelay $0x3  }
0x8a: {  	s0 =	sadd.s32 s1, s0  }
0x8b: {  	[smem:$0x3FBC] =	sst s0  }
0x8c: {  	_ = 	snop  }
0x8d: {  	(tm) =	ssettm $0x1  }
0x8e: {  	s15 =	sld [smem:$0x3FFB];
	_ =	sdelay $0x3  }
0x8f: {  	_ =	strace s15  }
0x90: {  	s0 =	sld [smem:$0x3FFC];
	_ =	sdelay $0x3  }
0x91: {  	_ =	strace s0  }
0x92: {  	s0 =	sld [smem:$0x3FFD];
	_ =	sdelay $0x3  }
0x93: {  	_ =	strace s0  }
0x94: {  	_ =	strace $0x8FFFFFFF  }
0x95: {  	s16 =	sld [smem:$0x3FDB];
	_ =	sdelay $0x1  }
0x96: {  	s17 =	simm.s32 $_scs_section_size  }
0x97: {  	s2 =	simm.s32 $_size__tile_overlayer_lowered;
	s3 =	simm.s32 $_tile_overlayer_lowered  }
0x98: {  	s20 =	simm.s32 $0x1BFF;
	s19 =	sshll.u32 s3, $0x1;
	s0 =	sadd.s32 s17, s16  }
0x99: {  	s4 =	simm.s32 $0x0;
	s18 =	sshll.u32 s2, $0x1;
	s2 =	sadd.s32 s19, s0  }
0x9a: {  	[timem:s4], [sflag:s20] =	dma.local [hbm:s2], s18  }
0x9b: {  	_ =	swait.ge [sflag:s20], s18  }
0x9c: {  	s1 =	ssub.s32 $0x0, s18;
	[sflag:s20] =	ssyncset.done $0x0  }
0x9d: {  	[sflag:s20] =	ssyncadd.s32 s1;
	_ =	sdelay $0x1  }
0x9e: {  	s21 =	simm.s32 $0x1B8B  }
0x9f: {  	_ =	swait.ge [sflag:s21], $0x1  }
0xa0: {  	[sflag:s21] =	ssyncset.done $0x0  }
0xa1: {  	s23 =	simm.s32 $0x1B8E;
	s22 =	sld [smem:$0x3FFE];
	[sflag:s21] =	ssyncadd.s32 $0xFFFFFFFF  }
0xa2: {  	s24 =	simm.s32 $execute0_lowered;
	[smem:$0x3FD2] =	sst s23  }
0xa3: {  	s2 =	sshll.u32 s24, $0x1;
	_ =	strace $0x80000069;
	[dreg:$0x1] =	wrdreg $0xFFFFFFFF  }
0xa4: {  	s25 =	simm.s32 $_size_execute0_lowered;
	s0 =	sadd.s32 s0, s2;
	[dreg:$0x0] =	wrdreg $0x0  }
0xa5: {  	s2 =	sshll.u32 s25, $0x1;
	[dreg:$0x2] =	wrdreg s0  }
0xa6: {  	[dreg:$0x3] =	wrdreg s2  }
0xa7: {  	[dreg:$0x4] =	wrdreg $0xC0  }
0xa8: {  	_ =	task [dreg:s4], $0x5FFFF  }
0xa9: {  	[dreg:$0x1] =	wrdreg $0xFFFFFFFF  }
0xaa: {  	[dreg:$0x0] =	wrdreg $0x60  }
0xab: {  	[dreg:$0x2] =	wrdreg s22  }
0xac: {  	[dreg:$0x3] =	wrdreg $0xA  }
0xad: {  	_ =	task.clear_ibuf [dreg:s4], $0x4FFFF;
	_ =	strace $0x90000069  }
0xae: {  	s26 =	simm.s32 $0xA;
	_ =	strace $0x8000006B  }
0xaf: {  	_ =	swait.ge [sflag:s26], $0x1  }
0xb0: {  	[sflag:s26] =	ssyncadd.s32 $0xFFFFFFFF  }
0xb1: {  	_ =	strace $0x9000006B  }
0xb2: {  	_ =	sfence  }
0xb3: {  	s28 =	sld [smem:$0x0];
	_ =	sdelay $0x1  }
0xb4: {  	s29 =	srdreg.scid  }
0xb5: {  	s30 =	sshll.u32 s29, $0xD;
	s31 =	sshrl.u32 s29, $0x2  }
0xb6: {  	s1 =	sand.u32 $0x1, s29;
	s2 =	sand.u32 $0x4000, s30;
	s0 =	sadd.s32 s31, s28  }
0xb7: {  	s1 =	sor.u32 s2, s1;
	s0 =	sshll.u32 s0, $0x11  }
0xb8: {  	s0 =	sor.u32 s0, s1  }
0xb9: {  	s0 =	sadd.s32 $0x8F2B, s0  }
0xba: {  	[sflag:s0] =	ssyncadd.remote.s32 $0x1  }
0xbb: {  	_ =	sfence.sel $0xFFFF  }
0xbc: {  	[dreg:$0x0] =	wrdreg $0xFFFFFFFF;
	(pc) =	sbr.abs _section_cstart, $3  }
0xbd: {  	[dreg:$0x1] =	wrdreg $0xFFFFFFFF  }
0xbe: {  	_ =	task.clear_ibuf [dreg:s4], $0x2FFFF;
	_ =	strace $0x9FFFFFFF  }
0xbf: {  	(tm) =	ssettm $0x7FFFFFFF  }
tec
execute0_lowered:
.L_overlay_start_1:
0x0: {  	(tag) =	ssettag $0x1  }
0x1: {  	s0 =	stileid.u32  }
0x2: {  	s1 =	smin.u32 s0, $0x9  }
0x3: {  	s1 =	sadd.s32 s0, s1  }
0x4: {  	s2 =	simm.s32 $0x190;
	p0 =	slt.u32 s0, $0x9;
	s1 =	smul.u32 $0xC8, s1  }
0x5: {  	s2 =	simm.s32 @!p0 $0xC8  }
0x6: {  	s2 =	sadd.s32 s2, s1  }
0x7: {  	s3 =	smin.u32 s2, $0x1388  }
0x8: {  	s7 =	ssub.s32 s3, s1  }
0x9: {  	p0 =	sgt.s32 s7, $0x0  }
0xa: {  	s7 =	simm.s32 @!p0 $0x0  }
0xb: {  	s31 =	sand.u32 $0xFFF8, s7  }
0xc: {  	s2 =	sshrl.u32 s31, $0x3  }
0xd: {  	s2 =	smul.u32 $0x147B, s2  }
0xe: {  	s9 =	rddreg [dreg:$0x0];
	s6 =	simm.s32 $0x1;
	s11 =	simm.s32 $0x3  }
0xf: {  	s13 =	simm.s32 $0x0;
	s12 =	simm.s32 $0x0;
	s8 =	sshrl.u32 s2, $0x11  }
0x10: {  	s4 =	sadd.s32 $0x1C00, s9;
	s5 =	sadd.s32 $0x28E00, s9;
	s10 =	smul.u32 $0xC8, s8  }
.Ltmp0:
0x11: {  	s9 =	sadd.s32 $0x29200, s9;
	s2 =	rddreg [dreg:$0x1];
	(pc) =	sbr.rel .LBB2_1-.Ltmp0, $4  }
0x12: {  	_ =	strace $0x8000006A;
	p0 =	sne.s32 s7, s10;
	s10 =	simm.s32 $0x1  }
0x13: {  	[sflag:s6] =	ssyncpa.u1 $0x0;
	s7 =	simm.s32 $0x2;
	s10 =	simm.s32 @!p0 $0x0  }
0x14: {  	[sflag:s7] =	ssyncpa.u1 $0x0;
	p0 =	por $0x0, $0x0;
	s8 =	sadd.s32 s8, s10  }
0x15: {  	vm0 =	vmmov $0xff;
	vm1 =	vcmask $0x3F20;
	[sflag:s11] =	ssyncpa.u1 $0x0;
	s11 =	smov.u32 s1;
	s10 =	sadd.s32 $0x1, s8  }
.LBB2_6:
0x16: {  	[hbm:s17] =	stream.linear.scatter [tilespmem:s14], [sflag:$0x3], $0x400, $0x38;
	[tilespmem:$0xC990] =	vst v63  }
.LBB2_7:
0x17: {  	s13 =	sadd.s32 $0xC8, s11  }
0x18: {  	s15 =	smov.u32 s1;
	p2 =	slt.s32 s13, s3  }
0x19: {  	s15 =	smov.u32 @p2 s13;
	p2 =	sne.s32 s12, s10  }
.Ltmp1:
0x1a: {  	p1 =	slt.u32 s12, $0x2;
	(pc) =	sbr.rel @!p2 .LBB2_8-.Ltmp1, $4  }
0x1b: {  	s14 =	simm.s32 @!p1 $0x3  }
0x1c: {  	s16 =	sadd.s32 $0x1, s12;
	_ =	swait.ge @!p1 [sflag:s14], $0x6400  }
0x1d: {  	p0 =	por !p0, !p0;
	s13 =	smov.u32 s11;
	[sflag:s14] =	ssyncset.done @!p1 $0x0  }
0x1e: {  	s12 =	smov.u32 s16;
	s11 =	smov.u32 s15;
	[sflag:s14] =	ssyncadd.s32 @!p1 $0xFFFF9C00  }
.LBB2_1:
0x1f: {  	p1 =	sge.u32 s12, s8  }
0x20: {  	s14 =	sxor.u32 @!p1 $0xFFFFFFFF, s12  }
0x21: {  	s14 =	sand.u32 @!p1 $0x1, s14  }
0x22: {  	s14 =	smul.u32 @!p1 $0x320, s14  }
0x23: {  	s31 =	sadd.s32 $0xFFFFFFFF, s12;
	s15 =	sshrl.u32 @!p1 s11, $0x3  }
0x24: {  	s16 =	sand.u32 @!p1 $0x7, s11;
	s15 =	sadd.s32 @!p1 s5, s15;
	s14 =	sshrl.u32 @!p1 s14, $0x2  }
0x25: {  	[tilespmem:s14], [sflag:$0x2] =	stream.linear.gather @!p1 [hbm4b:s15+s16], $0xC8, $0x38;
	[tilespmem:$0xC990] =	vst v63  }
0x26: {  	p1 =	sge.u32 s31, s8  }
.Ltmp2:
0x27: {  	_ = 	snop;
	(pc) =	sbr.rel @p1 .LBB2_7-.Ltmp2, $1  }
0x28: {  	_ =	sdelay $0x3  }
0x29: {  	s14 =	simm.s32 $0x1  }
0x2a: {  	s14 =	simm.s32 @!p0 $0x0  }
0x2b: {  	s15 =	smul.u32 $0x320, s14  }
0x2c: {  	_ =	swait.ge [sflag:s7], $0xC8  }
0x2d: {  	[sflag:s7] =	ssyncset.done $0x0;
	s16 =	sshrl.u32 s15, $0x2  }
0x2e: {  	[sflag:s7] =	ssyncadd.s32 $0xFFFFFF38;
	s15 =	sadd.s32 $0x0, s16  }
0x2f: {  	v0 =	vld.msk [tilespmem:s15+$0x0 ss:$0x1], $0xffff;
	_ =	sdelay $0x4  }
0x30: {  	vm2 =	vgt.s32 v0, $0x0  }
0x31: {  	v0 =	vnsel vm2, $0x0, v0  }
0x32: {  	v0 =	vmin.u32 v0, $0x270F  }
0x33: {  	v0 =	vshll.u32 v0, $0x4  }
0x34: {  	s14 =	smul.u32 $0x19000, s14  }
0x35: {  	s31 =	sand.u32 $0x1, s12  }
0x36: {  	s17 =	smul.u32 $0x320, s31;
	s14 =	sshrl.u32 s14, $0x2  }
0x37: {  	s19 =	smul.u32 $0x19000, s31;
	s14 =	sor.u32 $0x190, s14  }
0x38: {  	[tilespmem:s14], [sflag:$0x1] =	stream.indirect_vreg.gather [hbm:s4], $0x80, v0, vm0, $0x38;
	[tilespmem:$0xC990] =	vst v63  }
0x39: {  	s18 =	sshrl.u32 s17, $0x2;
	s20 =	sadd.s32 $0x10, s16;
	s15 =	sadd.s32 $0x400, s14  }
0x3a: {  	[tilespmem:s15], [sflag:$0x1] =	stream.indirect_vreg.gather [hbm:s4], $0x80, v0, vm1, $0x38;
	[tilespmem:$0xC990] =	vst v63  }
0x3b: {  	s17 =	sshrl.u32 s19, $0x2;
	s19 =	smov.u32 s14;
	v0 =	vld.msk [tilespmem:s20+$0x0 ss:$0x1], $0xffff;
	s20 =	simm.s32 $0x80  }
.LBB2_3:
0x3c: {  	p1 =	sne.s32 s20, $0x2C0;
	_ =	sdelay $0x4  }
0x3d: {  	vm2 =	vgt.s32 v0, $0x0  }
0x3e: {  	v0 =	vnsel vm2, $0x0, v0  }
0x3f: {  	v0 =	vmin.u32 v0, $0x270F  }
0x40: {  	v0 =	vshll.u32 v0, $0x4;
	_ =	sdelay $0x3  }
.Ltmp3:
0x41: {  	s21 =	sshra.s32 s20, $0x2;
	s19 =	sadd.s32 $0x800, s19;
	(pc) =	sbr.rel @p1 .LBB2_3-.Ltmp3, $4  }
0x42: {  	[tilespmem:s19], [sflag:$0x1] =	stream.indirect_vreg.gather [hbm:s4], $0x80, v0, vm0, $0x38;
	[tilespmem:$0xC990] =	vst v63  }
0x43: {  	s21 =	sadd.s32 s21, s16;
	s22 =	sadd.s32 $0x400, s19  }
0x44: {  	[tilespmem:s22], [sflag:$0x1] =	stream.indirect_vreg.gather [hbm:s4], $0x80, v0, vm1, $0x38;
	[tilespmem:$0xC990] =	vst v63  }
0x45: {  	s20 =	sadd.s32 $0x40, s20;
	v0 =	vld.msk [tilespmem:s21+$0x0 ss:$0x1], $0xffff  }
0x46: {  	_ =	sdelay $0x3  }
0x47: {  	vm2 =	vgt.s32 v0, $0x0  }
0x48: {  	v0 =	vnsel vm2, $0x0, v0  }
0x49: {  	v0 =	vmin.u32 v0, $0x270F  }
0x4a: {  	v0 =	vshll.u32 v0, $0x4;
	_ =	sdelay $0x3  }
0x4b: {  	s16 =	sadd.s32 $0x800, s19  }
0x4c: {  	[tilespmem:s16], [sflag:$0x1] =	stream.indirect_vreg.gather [hbm:s4], $0x80, v0, vm0, $0x38;
	[tilespmem:$0xC990] =	vst v63  }
0x4d: {  	s16 =	sadd.s32 $0x400, s16  }
0x4e: {  	[tilespmem:s16], [sflag:$0x1] =	stream.indirect_vreg.gather [hbm:s4], $0x80, v0, vm1, $0x38;
	[tilespmem:$0xC990] =	vst v63  }
0x4f: {  	v0 =	vld.msk [tilespmem:s18+$0xC0 ss:$0x1], $0xff;
	_ =	sdelay $0x4  }
0x50: {  	vm2 =	vgt.s32 v0, $0x0  }
0x51: {  	v0 =	vnsel vm2, $0x0, v0  }
0x52: {  	v0 =	vmin.u32 v0, $0x270F  }
0x53: {  	v0 =	vshll.u32 v0, $0x4;
	_ =	sdelay $0x3  }
0x54: {  	s31 =	sadd.s32 $0x6190, s17  }
0x55: {  	[tilespmem:s31], [sflag:$0x1] =	stream.indirect_vreg.gather [hbm:s4], $0x80, v0, vm0, $0x38;
	[tilespmem:$0xC990] =	vst v63  }
0x56: {  	s13 =	sshll.u32 s13, $0x4;
	_ =	swait.ge [sflag:s6], $0x6400  }
0x57: {  	s13 =	sadd.s32 s13, s9;
	[sflag:s6] =	ssyncset.done $0x0  }
0x58: {  	s17 =	sadd.s32 $0x0, s13;
	s16 =	simm.s32 $0x80;
	[sflag:s6] =	ssyncadd.s32 $0xFFFF9C00  }
.LBB2_5:
0x59: {  	[hbm:s17] =	stream.linear.scatter [tilespmem:s14], [sflag:$0x3], $0x400, $0x38;
	[tilespmem:$0xC990] =	vst v63  }
0x5a: {  	s17 =	smov.u32 s16;
	s14 =	smov.u32 s15;
	p1 =	sne.s32 s16, $0xC00  }
.Ltmp4:
0x5b: {  	s16 =	sadd.s32 $0x80, s16;
	(pc) =	sbr.rel @p1 .LBB2_5-.Ltmp4, $2  }
0x5c: {  	_ =	sdelay $0x2  }
0x5d: {  	s15 =	sadd.s32 $0x400, s15;
	s17 =	sadd.s32 s17, s13  }
.Ltmp5:
0x5e: {  	_ = 	snop;
	(pc) =	sbr.rel .LBB2_6-.Ltmp5, $1  }
0x5f: {  	_ =	sdelay $0x3  }
.LBB2_8:
0x60: {  	_ =	sfence.sel $0x180000  }
0x61: {  	s1 =	simm.s32 $0x2;
	[bflag:$0x0] =	sbarrier.arrive $0xFFFF  }
0x62: {  	s30 =	simm.s32 $0x3;
	[sflag:s1] =	ssyncpa.u1 $0x1  }
0x63: {  	s31 =	simm.s32 $0x1;
	[sflag:s30] =	ssyncpa.u1 $0x1  }
0x64: {  	[sflag:s31] =	ssyncpa.u1 $0x1  }
0x65: {  	p0 =	sne.s32 s0, $0x0;
	_ =	strace $0x9000006A  }
0x66: {  	s0 =	sadd.s32 @!p0 $0x100000, s2;
	[bflag:$0x2] =	sbarrier.arrive $0xFFFF  }
0x67: {  	[sflag:s0] =	ssyncadd.tile.s32 @!p0 $0x1;
	_ =	shalt  }
.Lfunc_end2:
_tile_overlayer_lowered:
.L_overlay_start_2:
0x68: {  	(tag) =	ssettag $0x2  }
0x69: {  	s0 =	rddreg [dreg:$0x0];
	s2 =	stileid.u32  }
0x6a: {  	s1 =	rddreg [dreg:$0x1];
	p0 =	sne.s32 s2, $0x0  }
0x6b: {  	s3 =	rddreg [dreg:$0x2];
	[bflag:$0x3] =	sbarrier.arrive $0xFFFF;
	s2 =	simm.s32 @!p0 $0x1C01  }
0x6c: {  	[timem:s3], [sflag:s2] =	dma.local @!p0 [hbm:s0], s1  }
0x6d: {  	s0 =	simm.s32 @!p0 $0x1  }
0x6e: {  	_ =	swait.ge @!p0 [sflag:s0], s1  }
0x6f: {  	s1 =	ssub.s32 @!p0 $0x0, s1;
	[sflag:s0] =	ssyncset.done @!p0 $0x0  }
0x70: {  	[sflag:s0] =	ssyncadd.s32 @!p0 s1  }
0x71: {  	[bflag:$0x3] =	sbarrier.arrive $0xFFFF  }
0x72: {  	_ =	shalt  }

// kernel: kernel.11.cloned.1.call-start
scs
__scs_entry_jumppad:
0x0: {  	(pc) =	sbr.rel $0x88, $3  }
0x1: {  	(tag) =	ssettag $0x0;
	lr =	simm.s32 $0x1  }
0x2: {  	[smem:$0x3F95] =	sst lr;
	_ =	strace $0xD0000000  }
0x3: {  	_ = 	snop  }
0x4: {  	_ = 	snop  }
0x5: {  	_ = 	snop  }
0x6: {  	_ = 	snop  }
0x7: {  	_ = 	snop  }
__scs_overlays_trampoline_lowered:
0x8: {  	[smem:$0x3FA4] =	sst s0  }
0x9: {  	[smem:$0x3FA5] =	sst s1  }
0xa: {  	[smem:$0x3FA6] =	sst s2  }
0xb: {  	[smem:$0x3FA7] =	sst s3  }
0xc: {  	[smem:$0x3FA8] =	sst s4  }
0xd: {  	[smem:$0x3FA9] =	sst s5  }
0xe: {  	[smem:$0x3FAA] =	sst s6  }
0xf: {  	[smem:$0x3FAB] =	sst s7  }
0x10: {  	[smem:$0x3FAC] =	sst s8  }
0x11: {  	[smem:$0x3FAD] =	sst s9;
	s0 =	simm.s32 @!p0 $0x0  }
0x12: {  	s1 =	sld [smem:$0x3F93];
	s0 =	simm.s32 @p0 $0x1  }
0x13: {  	[smem:$0x3FAE] =	sst s0;
	s0 =	simm.s32 @!p1 $0x0  }
0x14: {  	s2 =	sld [smem:$0x3F92];
	s0 =	simm.s32 @p1 $0x1  }
0x15: {  	[smem:$0x3FAF] =	sst s0;
	s0 =	simm.s32 @!p2 $0x0  }
0x16: {  	s3 =	sld [smem:$0x3FDB];
	s0 =	simm.s32 @p2 $0x1  }
0x17: {  	s4 =	simm.s32 $0x1BF5;
	[smem:$0x3FB1] =	sst s0  }
0x18: {  	s0 =	sld [smem:$0x3F94];
	_ =	swait.ge [sflag:s4], $0x0  }
0x19: {  	s7 =	sld [smem:$0x3F95]  }
0x1a: {  	s8 =	sadd.s32 $0xFFFFE003, lr  }
0x1b: {  	s9 =	sadd.s32 $0xFFFFFEF7, lr;
	s5 =	simm.s32 $0xFFFFFFFF;
	p2 =	slt.u32 s8, $0xFFFFF086  }
0x1c: {  	p1 =	slt.u32 s9, $0xF7A;
	s5 =	simm.s32 @!p2 $0x0  }
0x1d: {  	s5 =	simm.s32 @p1 $0x1;
	p0 =	seq.s32 s7, s2  }
0x1e: {  	s7 =	smul.u32 @!p0 $0xF7A, s2;
	p2 =	seq.s32 @!p0 s5, $0x0  }
0x1f: {  	s9 =	smul.u32 $0xF7A, s1;
	s8 =	simm.s32 @!p0 $0x1BF5;
	p2 =	por !p2, p0  }
0x20: {  	[sflag:s8] =	ssyncset.s32 @!p0 $0xFFFFF086;
	s6 =	sadd.s32 @!p0 s3, s7;
	s7 =	simm.s32 @!p0 $0x108  }
0x21: {  	s3 =	sadd.s32 s3, s9;
	s6 =	sadd.s32 @!p0 $0x88, s6;
	s7 =	simm.s32 @p2 $0x1082  }
0x22: {  	[simem:s7], [sflag:s8] =	dma.local @!p0 [hbm:s6], $0xF7A  }
0x23: {  	s9 =	sor.u32 $0xD0000000, s2;
	s6 =	simm.s32 $0x108;
	_ =	swait.ge @!p0 [sflag:s8], $0x0  }
0x24: {  	s3 =	sadd.s32 $0x88, s3;
	s6 =	simm.s32 @!p1 $0x1082;
	[sflag:s4] =	ssyncset.s32 $0xFFFFF086  }
0x25: {  	[simem:s6], [sflag:s4] =	dma.local [hbm:s3], $0xF7A  }
0x26: {  	[smem:$0x3F95] =	sst s1;
	(tag) =	ssettag s2;
	_ =	strace s9  }
0x27: {  	s1 =	sld [smem:$0x3FA5]  }
0x28: {  	s2 =	sld [smem:$0x3FA6]  }
0x29: {  	s4 =	sld [smem:$0x3FA8]  }
0x2a: {  	p0 =	seq.s32 s5, $0x0;
	s5 =	sld [smem:$0x3FA9]  }
0x2b: {  	s6 =	sld [smem:$0x3FAA]  }
0x2c: {  	s7 =	sld [smem:$0x3FAB]  }
0x2d: {  	s3 =	simm.s32 $0x108;
	s8 =	sld [smem:$0x3FAC]  }
0x2e: {  	s3 =	simm.s32 @!p0 $0x1082;
	s9 =	sld [smem:$0x3FAD]  }
0x2f: {  	lr =	sadd.s32 s0, s3;
	s0 =	sld [smem:$0x3FA4]  }
0x30: {  	s3 =	sld [smem:$0x3FA7]  }
0x31: {  	[smem:$0x3FB0] =	sst s10  }
0x32: {  	s10 =	sld [smem:$0x3FAE];
	_ =	sdelay $0x3  }
0x33: {  	p0 =	seq.s32 s10, $0x1;
	s10 =	sld [smem:$0x3FB0];
	_ =	sdelay $0x3  }
0x34: {  	[smem:$0x3FB0] =	sst s10  }
0x35: {  	s10 =	sld [smem:$0x3FAF];
	_ =	sdelay $0x3  }
0x36: {  	p1 =	seq.s32 s10, $0x1;
	s10 =	sld [smem:$0x3FB0];
	_ =	sdelay $0x3  }
0x37: {  	[smem:$0x3FB0] =	sst s10  }
0x38: {  	s10 =	sld [smem:$0x3FB1]  }
0x39: {  	_ = 	snop;
	(pc) =	sbr.ind lr, $3  }
0x3a: {  	_ = 	snop  }
0x3b: {  	_ = 	snop  }
0x3c: {  	p2 =	seq.s32 s10, $0x1;
	s10 =	sld [smem:$0x3FB0]  }
0x3d: {  	_ =	shalt  }
0x3e: {  	_ =	shalt  }
0x3f: {  	_ =	shalt  }
0x40: {  	_ =	shalt  }
0x41: {  	_ =	shalt  }
0x42: {  	_ =	shalt  }
0x43: {  	_ =	shalt  }
0x44: {  	_ =	shalt  }
0x45: {  	_ =	shalt  }
0x46: {  	_ =	shalt  }
0x47: {  	_ =	shalt  }
0x48: {  	_ =	shalt  }
0x49: {  	_ =	shalt  }
0x4a: {  	_ =	shalt  }
0x4b: {  	_ =	shalt  }
0x4c: {  	_ =	shalt  }
0x4d: {  	_ =	shalt  }
0x4e: {  	_ =	shalt  }
0x4f: {  	_ =	shalt  }
0x50: {  	_ =	shalt  }
0x51: {  	_ =	shalt  }
0x52: {  	_ =	shalt  }
0x53: {  	_ =	shalt  }
0x54: {  	_ =	shalt  }
0x55: {  	_ =	shalt  }
0x56: {  	_ =	shalt  }
0x57: {  	_ =	shalt  }
0x58: {  	_ =	shalt  }
0x59: {  	_ =	shalt  }
0x5a: {  	_ =	shalt  }
0x5b: {  	_ =	shalt  }
0x5c: {  	_ =	shalt  }
0x5d: {  	_ =	shalt  }
0x5e: {  	_ =	shalt  }
0x5f: {  	_ =	shalt  }
0x60: {  	_ =	shalt  }
0x61: {  	_ =	shalt  }
0x62: {  	_ =	shalt  }
0x63: {  	_ =	shalt  }
0x64: {  	_ =	shalt  }
0x65: {  	_ =	shalt  }
0x66: {  	_ =	shalt  }
0x67: {  	_ =	shalt  }
0x68: {  	_ =	shalt  }
0x69: {  	_ =	shalt  }
0x6a: {  	_ =	shalt  }
0x6b: {  	_ =	shalt  }
0x6c: {  	_ =	shalt  }
0x6d: {  	_ =	shalt  }
0x6e: {  	_ =	shalt  }
0x6f: {  	_ =	shalt  }
0x70: {  	_ =	shalt  }
0x71: {  	_ =	shalt  }
0x72: {  	_ =	shalt  }
0x73: {  	_ =	shalt  }
0x74: {  	_ =	shalt  }
0x75: {  	_ =	shalt  }
0x76: {  	_ =	shalt  }
0x77: {  	_ =	shalt  }
0x78: {  	_ =	shalt  }
0x79: {  	_ =	shalt  }
0x7a: {  	_ =	shalt  }
0x7b: {  	_ =	shalt  }
0x7c: {  	_ =	shalt  }
0x7d: {  	_ =	shalt  }
0x7e: {  	_ =	shalt  }
0x7f: {  	_ =	shalt  }
0x80: {  	_ =	shalt  }
0x81: {  	_ =	shalt  }
0x82: {  	_ =	shalt  }
0x83: {  	_ =	shalt  }
0x84: {  	_ =	shalt  }
0x85: {  	_ =	shalt  }
0x86: {  	_ =	shalt  }
0x87: {  	_ =	shalt  }
.Lfunc_end0:
.L_simem_size_0:
called_computation.9_lowered:
.L_overlay_start_0:
0x88: {  	s2 =	sld [smem:$0x3FD9]  }
0x89: {  	s3 =	sld [smem:$0x3FFE];
	_ =	sdelay $0x1  }
0x8a: {  	s1 =	srdreg.scid  }
0x8b: {  	s0 =	sand.u32 $0x1, s1  }
0x8c: {  	s17 =	sshll.u32 s0, $0xA;
	s2 =	sadd.s32 s3, s2  }
0x8d: {  	s2 =	sadd.s32 s2, s17  }
0x8e: {  	[smem:$0x3FBC] =	sst s2  }
0x8f: {  	_ = 	snop  }
0x90: {  	(tm) =	ssettm $0x1  }
0x91: {  	s18 =	sld [smem:$0x3FFB];
	_ =	sdelay $0x3  }
0x92: {  	_ =	strace s18  }
0x93: {  	s2 =	sld [smem:$0x3FFC];
	_ =	sdelay $0x3  }
0x94: {  	_ =	strace s2  }
0x95: {  	s2 =	sld [smem:$0x3FFD];
	_ =	sdelay $0x3  }
0x96: {  	_ =	strace s2  }
0x97: {  	_ =	strace $0x8FFFFFFF  }
0x98: {  	s19 =	sld [smem:$0x3FDB];
	_ =	sdelay $0x1  }
0x99: {  	s20 =	simm.s32 $_scs_section_size  }
0x9a: {  	s4 =	simm.s32 $_size__tile_overlayer_lowered;
	s5 =	simm.s32 $_tile_overlayer_lowered  }
0x9b: {  	s6 =	simm.s32 $0x1BFF;
	s21 =	sshll.u32 s5, $0x1;
	s3 =	sadd.s32 s20, s19  }
0x9c: {  	s22 =	simm.s32 $0x0;
	s4 =	sshll.u32 s4, $0x1;
	s5 =	sadd.s32 s21, s3  }
0x9d: {  	[timem:s22], [sflag:s6] =	dma.local [hbm:s5], s4  }
0x9e: {  	_ =	swait.ge [sflag:s6], s4  }
0x9f: {  	s4 =	ssub.s32 $0x0, s4;
	[sflag:s6] =	ssyncset.done $0x0  }
0xa0: {  	[sflag:s6] =	ssyncadd.s32 s4;
	_ =	sdelay $0x1  }
0xa1: {  	s23 =	simm.s32 $0x1B8B  }
0xa2: {  	_ =	swait.ge [sflag:s23], $0x1  }
0xa3: {  	[sflag:s23] =	ssyncset.done $0x0  }
0xa4: {  	[sflag:s23] =	ssyncadd.s32 $0xFFFFFFFF  }
0xa5: {  	s4 =	sld [smem:$0x0]  }
0xa6: {  	s5 =	sand.u32 $0xFFFFFFFE, s1  }
0xa7: {  	p0 =	sne.s32 s1, s5  }
0xa8: {  	s5 =	sshll.u32 @p0 s5, $0xE  }
0xa9: {  	s5 =	sadd.s32 @p0 $0x11B8D, s5;
	s6 =	sshll.u32 @p0 s4, $0x11  }
0xaa: {  	s5 =	sor.u32 @p0 s6, s5  }
0xab: {  	[sflag:s5] =	ssyncadd.remote.s32 @p0 $0x1;
	_ =	sdelay $0x1  }
0xac: {  	s5 =	simm.s32 @p0 $0x1B8D  }
0xad: {  	_ =	swait.eq @p0 [sflag:s5], $0x1  }
0xae: {  	[sflag:s5] =	ssyncadd.s32 @p0 $0xFFFFFFFF  }
0xaf: {  	s6 =	sshll.u32 @!p0 s1, $0xE  }
0xb0: {  	s6 =	sor.u32 @!p0 $0x4000, s6;
	s5 =	simm.s32 @!p0 $0x1B8D  }
0xb1: {  	s4 =	sshll.u32 @!p0 s4, $0x11;
	s6 =	sadd.s32 @!p0 $0x11B8D, s6;
	_ =	swait.eq @!p0 [sflag:s5], $0x1  }
0xb2: {  	s4 =	sor.u32 @!p0 s4, s6;
	[sflag:s5] =	ssyncadd.s32 @!p0 $0xFFFFFFFF  }
0xb3: {  	s25 =	simm.s32 $0x1B8E;
	s24 =	sld [smem:$0x3FFE];
	[sflag:s4] =	ssyncadd.remote.s32 @!p0 $0x1  }
0xb4: {  	s26 =	simm.s32 $execute0_lowered;
	[smem:$0x3FD2] =	sst s25  }
0xb5: {  	s5 =	sshll.u32 s26, $0x1;
	_ =	strace $0x80000049;
	[dreg:$0x1] =	wrdreg $0xFFFFFFFF  }
0xb6: {  	s28 =	simm.s32 $_size_execute0_lowered;
	s3 =	sadd.s32 s3, s5;
	[dreg:$0x0] =	wrdreg $0x0  }
0xb7: {  	s5 =	sshll.u32 s28, $0x1;
	[dreg:$0x2] =	wrdreg s3  }
0xb8: {  	[dreg:$0x3] =	wrdreg s5  }
0xb9: {  	[dreg:$0x4] =	wrdreg $0xC0  }
0xba: {  	_ =	task [dreg:s22], $0x5FFFF  }
0xbb: {  	[dreg:$0x1] =	wrdreg $0xFFFFFFFF  }
0xbc: {  	[dreg:$0x0] =	wrdreg $0x60  }
0xbd: {  	[dreg:$0x2] =	wrdreg s24  }
0xbe: {  	[dreg:$0x3] =	wrdreg $0xA  }
0xbf: {  	_ =	task.clear_ibuf [dreg:s22], $0x4FFFF;
	_ =	strace $0x90000049  }
0xc0: {  	s29 =	simm.s32 $0xA;
	_ =	strace $0x80000052  }
0xc1: {  	_ =	swait.ge [sflag:s29], $0x1  }
0xc2: {  	[sflag:s29] =	ssyncadd.s32 $0xFFFFFFFF  }
0xc3: {  	_ =	strace $0x90000052  }
0xc4: {  	_ =	sfence  }
0xc5: {  	s30 =	sld [smem:$0x0];
	_ =	sdelay $0x2  }
0xc6: {  	s31 =	sshll.u32 s1, $0xD;
	s1 =	sshrl.u32 s1, $0x2  }
0xc7: {  	s4 =	sand.u32 $0x4000, s31;
	s1 =	sadd.s32 s1, s30  }
0xc8: {  	s0 =	sor.u32 s4, s0;
	s1 =	sshll.u32 s1, $0x11  }
0xc9: {  	s0 =	sor.u32 s1, s0  }
0xca: {  	s0 =	sadd.s32 $0x8F2B, s0  }
0xcb: {  	[sflag:s0] =	ssyncadd.remote.s32 $0x1  }
0xcc: {  	_ =	sfence.sel $0xFFFF  }
0xcd: {  	[dreg:$0x0] =	wrdreg $0xFFFFFFFF;
	(pc) =	sbr.abs _section_cstart, $3  }
0xce: {  	[dreg:$0x1] =	wrdreg $0xFFFFFFFF  }
0xcf: {  	_ =	task.clear_ibuf [dreg:s22], $0x2FFFF;
	_ =	strace $0x9FFFFFFF  }
0xd0: {  	(tm) =	ssettm $0x7FFFFFFF  }
0xd1: {  	_ =	shalt  }
tec
execute0_lowered:
.L_overlay_start_1:
0x0: {  	(tag) =	ssettag $0x1  }
0x1: {  	s4 =	rddreg [dreg:$0x0];
	s1 =	srdreg.scid  }
0x2: {  	s0 =	rddreg [dreg:$0x1];
	s2 =	simm.s32 $0x0;
	s9 =	simm.s32 $0x1  }
0x3: {  	s10 =	simm.s32 $0x80;
	s11 =	simm.s32 $0x0;
	s5 =	sand.u32 $0x1, s1  }
0x4: {  	s1 =	stileid.u32;
	[smem:$0x7FF] =	sst s2;
	s3 =	sshll.u32 s5, $0x4  }
0x5: {  	s6 =	sadd.s32 $0x50C00, s4;
	s8 =	sadd.s32 $0x77E00, s4;
	s3 =	sor.u32 s1, s3  }
0x6: {  	_ =	strace $0x8000004A;
	[dreg:$0x2] =	wrdreg s6;
	s7 =	smul.u32 $0x9C, s3  }
0x7: {  	s4 =	sadd.s32 $0x15600, s4;
	[dreg:$0x4] =	wrdreg s8;
	s6 =	smul.u32 $0x9D, s3  }
0x8: {  	s29 =	ssub.s32 $0x2, s5;
	p0 =	slt.u32 s3, $0x8;
	s3 =	sadd.s32 $0x8, s7  }
0x9: {  	s5 =	simm.s32 $0x9D;
	[dreg:$0x3] =	wrdreg s10;
	s3 =	smov.u32 @p0 s6  }
0xa: {  	s10 =	simm.s32 $0x5;
	s31 =	sshrl.u32 s29, $0x1;
	s30 =	sshll.u32 s3, $0x4  }
0xb: {  	s8 =	ssub.s32 s29, s31;
	s5 =	simm.s32 @!p0 $0x9C;
	s7 =	sand.u32 $0x1FFFFFF0, s30  }
0xc: {  	s8 =	smax.u32 s8, $0x1;
	s6 =	sadd.s32 s4, s7;
	s7 =	sadd.s32 $0xFFFFFFFF, s5  }
.LBB2_1:
0xd: {  	_ =	strace $0x8000004B;
	p2 =	sne.s32 s5, $0x1  }
.Ltmp0:
0xe: {  	p0 =	seq.s32 s5, $0x1;
	s13 =	simm.s32 $0x1;
	(pc) =	sbr.rel @!p2 .LBB2_2-.Ltmp0, $4  }
0xf: {  	[tilespmem:s2], [sflag:$0x1] =	stream.linear.gather [hbm4b:s6+s2], $0x80, $0x200038;
	[tilespmem:$0x8100] =	vst v63  }
0x10: {  	s12 =	simm.s32 $0x1;
	p1 =	por $0x1, $0x1;
	s13 =	simm.s32 @p0 $0x0  }
0x11: {  	p6 =	sgt.u32 s7, $0x0;
	p4 =	por p1, p1;
	p3 =	sne.s32 s13, $0x0  }
0x12: {  	_ =	strace $0x9000004B;
	p5 =	por !p6, !p3;
	p6 =	por $0x0, $0x0  }
0x13: {  	p2 =	por !p5, !p5  }
0x14: {  	s21 =	sand.u32 $0x1, s2;
	s19 =	simm.s32 $0x2;
	s14 =	sadd.s32 @p2 s3, s13  }
0x15: {  	p1 =	por p3, p3;
	s15 =	sand.u32 @p2 $0x1, s9;
	s14 =	sshll.u32 @p2 s14, $0x4  }
0x16: {  	_ =	strace @p2 $0x8000004C;
	s17 =	simm.s32 @p2 $0x0;
	s14 =	sand.u32 @p2 $0x1FFFFFF0, s14  }
0x17: {  	s16 =	sshll.u32 @p2 s15, $0x7;
	s15 =	sadd.s32 @p2 $0x1, s15;
	s14 =	sadd.s32 @p2 s4, s14  }
0x18: {  	[tilespmem:s16], [sflag:s15] =	stream.linear.gather @p2 [hbm4b:s14+s17], $0x80, $0x200038;
	[tilespmem:$0x8100] =	vst v63  }
0x19: {  	s30 =	simm.s32 $0x0;
	p6 =	por $0x0, $0x0;
	_ =	strace @p2 $0x9000004C  }
0x1a: {  	p0 =	sne.s32 s5, $0x2;
	s29 =	sadd.s32 $0x1, s21;
	_ =	strace $0x8000004D  }
0x1b: {  	s24 =	sadd.s32 $0x0, s3;
	p5 =	sgt.u32 s7, $0x1;
	_ =	swait.ge [sflag:s29], $0x80  }
0x1c: {  	s23 =	simm.s32 $0x1;
	s22 =	sshll.u32 s21, $0xE;
	[sflag:s29] =	ssyncset.done $0x0  }
0x1d: {  	s22 =	sor.u32 $0x100, s22;
	s16 =	sand.u32 @!p4 $0x1, s2;
	[sflag:s29] =	ssyncadd.s32 $0xFFFFFF80  }
0x1e: {  	s15 =	simm.s32 $0x1;
	s17 =	sadd.s32 $0x1, s13;
	_ =	strace $0x9000004D  }
0x1f: {  	s14 =	sand.u32 $0x80, s30;
	s15 =	simm.s32 @!p2 $0x0;
	_ =	strace $0x8000004E  }
0x20: {  	p2 =	por p4, p4;
	p4 =	por p6, p6;
	s20 =	rddreg [dreg:$0x3]  }
0x21: {  	p3 =	seq.s32 s17, s5;
	p6 =	seq.s32 s7, $0x0;
	s31 =	rddreg [dreg:$0x2]  }
0x22: {  	[tilespmem:s22], [sflag:$0x5] =	stream.indirect.gather [hbm4b:s31+s20], $0x80, s14, s20, $0x2000b8;
	[tilespmem:$0x8100] =	vst v63  }
.Ltmp1:
0x23: {  	s18 =	sadd.s32 $0x1, s15;
	s17 =	simm.s32 @p3 $0x0;
	(pc) =	sbr.rel @!p0 .LBB2_4-.Ltmp1, $4  }
0x24: {  	p1 =	por p6, p1;
	p6 =	por $0x0, $0x0;
	_ =	swait.ge [sflag:s10], $0x4000  }
0x25: {  	s15 =	simm.s32 $0x0;
	p3 =	sne.s32 s13, s17;
	[sflag:s10] =	ssyncset.done $0x0  }
0x26: {  	s23 =	simm.s32 @!p6 $0x0;
	p5 =	por !p5, !p3;
	[sflag:s10] =	ssyncadd.s32 $0xFFFFC000  }
0x27: {  	s14 =	simm.s32 $0x0;
	s20 =	simm.s32 $0x0;
	_ =	strace $0x9000004E  }
.LBB2_5:
0x28: {  	_ =	strace @p1 $0x8000004F;
	s14 =	sadd.s32 s23, s14;
	s23 =	smov.u32 s12  }
0x29: {  	s12 =	smov.u32 s19;
	s19 =	sadd.s32 $0x1, s19;
	p0 =	por p3, p3  }
0x2a: {  	s29 =	sshll.u32 @p1 s24, $0xB;
	s21 =	sadd.s32 @p1 $0x3, s21;
	s25 =	simm.s32 @!p0 $0x0  }
0x2b: {  	s26 =	rddreg [dreg:$0x4];
	s29 =	sand.u32 @p1 $0x1FFFF800, s29;
	s25 =	simm.s32 @p0 $0x1  }
0x2c: {  	s26 =	sadd.s32 @p1 s26, s29;
	s29 =	simm.s32 @p1 $0x0;
	p0 =	sne.s32 s5, s19  }
0x2d: {  	[hbm4b:s26+s29] =	stream.linear.scatter @p1 [tilespmem:s22], [sflag:s21], $0x4000, $0x200038;
	[tilespmem:$0x8100] =	vst v63  }
0x2e: {  	s21 =	sadd.s32 @!p2 $0x3, s16;
	s16 =	simm.s32 @!p0 $0x0  }
0x2f: {  	s28 =	simm.s32 $0x1;
	[smem:$0x7FC] =	sst s25;
	s16 =	simm.s32 @p0 $0x1  }
0x30: {  	s28 =	simm.s32 @!p1 $0x0;
	_ =	strace @p1 $0x9000004F;
	[smem:$0x7FD] =	sst s16  }
0x31: {  	s20 =	sadd.s32 s28, s20;
	s25 =	sand.u32 @!p4 $0x1, s14;
	_ =	strace @!p2 $0x80000050  }
0x32: {  	p1 =	por !p5, !p5;
	s16 =	smov.u32 s25;
	_ =	swait.ge @!p2 [sflag:s21], $0x4000  }
0x33: {  	s22 =	sand.u32 @p1 $0x1, s18;
	s25 =	sadd.s32 @p1 s3, s17;
	[sflag:s21] =	ssyncset.done @!p2 $0x0  }
0x34: {  	s26 =	sshll.u32 @p1 s22, $0x7;
	s25 =	sshll.u32 @p1 s25, $0x4;
	[sflag:s21] =	ssyncadd.s32 @!p2 $0xFFFFC000  }
0x35: {  	s21 =	sadd.s32 @p1 $0x1, s22;
	s22 =	sand.u32 @p1 $0x1FFFFFF0, s25;
	_ =	strace @!p2 $0x90000050  }
0x36: {  	s25 =	simm.s32 @p1 $0x0;
	s22 =	sadd.s32 @p1 s4, s22;
	_ =	strace @p1 $0x8000004C  }
0x37: {  	[tilespmem:s26], [sflag:s21] =	stream.linear.gather @p1 [hbm4b:s22+s25], $0x80, $0x200038;
	[tilespmem:$0x8100] =	vst v63  }
0x38: {  	s15 =	sadd.s32 s28, s15;
	s28 =	sand.u32 $0x1, s20;
	_ =	strace @p1 $0x9000004C  }
0x39: {  	s28 =	sadd.s32 $0x1, s28;
	_ =	strace $0x8000004D  }
0x3a: {  	_ =	swait.ge [sflag:s28], $0x80  }
0x3b: {  	[sflag:s28] =	ssyncset.done $0x0  }
0x3c: {  	s21 =	simm.s32 $0x1;
	[sflag:s28] =	ssyncadd.s32 $0xFFFFFF80  }
0x3d: {  	s21 =	simm.s32 @!p1 $0x0;
	_ =	strace $0x9000004D  }
0x3e: {  	s18 =	sadd.s32 s21, s18;
	s21 =	sand.u32 $0x1, s15;
	_ =	strace $0x8000004E  }
0x3f: {  	s31 =	sshll.u32 s20, $0x7;
	s29 =	sshll.u32 s21, $0xE;
	s25 =	rddreg [dreg:$0x3]  }
0x40: {  	s31 =	sand.u32 $0x80, s31;
	s22 =	sor.u32 $0x100, s29;
	s26 =	rddreg [dreg:$0x2]  }
0x41: {  	[tilespmem:s22], [sflag:$0x5] =	stream.indirect.gather [hbm4b:s26+s25], $0x80, s31, s25, $0x2000b8;
	[tilespmem:$0x8100] =	vst v63  }
0x42: {  	_ =	swait.ge [sflag:s10], $0x4000  }
0x43: {  	[sflag:s10] =	ssyncset.done $0x0  }
0x44: {  	[sflag:s10] =	ssyncadd.s32 $0xFFFFC000  }
0x45: {  	s30 =	sadd.s32 $0x1, s17;
	_ =	strace $0x9000004E  }
0x46: {  	s24 =	sadd.s32 s3, s13;
	s13 =	smov.u32 s17;
	s31 =	sld [smem:$0x7FD]  }
0x47: {  	p0 =	sne.s32 s23, $0x0;
	s17 =	smov.u32 s30;
	p1 =	seq.s32 s30, s5  }
0x48: {  	s17 =	simm.s32 @p1 $0x0;
	p1 =	seq.s32 s7, s23;
	s23 =	simm.s32 $0x1  }
0x49: {  	s23 =	simm.s32 @!p0 $0x0;
	p0 =	seq.s32 s31, $0x1  }
.Ltmp2:
0x4a: {  	s30 =	sld [smem:$0x7FC];
	(pc) =	sbr.rel @p0 .LBB2_5-.Ltmp2, $4  }
0x4b: {  	p3 =	seq.s32 s12, $0x0  }
0x4c: {  	p6 =	por p3, p3;
	p5 =	slt.u32 s12, s7  }
0x4d: {  	p2 =	por p4, p4;
	p3 =	sne.s32 s13, s17;
	p4 =	seq.s32 s30, $0x1  }
0x4e: {  	p5 =	por !p5, !p3;
	p1 =	por p1, p4;
	p4 =	por p6, p6  }
0x4f: {  	p6 =	por $0x1, $0x1  }
.LBB2_7:
0x50: {  	p0 =	por !p1, !p6  }
0x51: {  	s25 =	simm.s32 $0x1;
	_ =	strace @!p0 $0x8000004F;
	s24 =	sshll.u32 @!p0 s24, $0xB  }
0x52: {  	p2 =	por p2, !p6;
	s19 =	rddreg [dreg:$0x4];
	s24 =	sand.u32 @!p0 $0x1FFFF800, s24  }
0x53: {  	s21 =	sadd.s32 @!p0 $0x3, s21;
	s19 =	sadd.s32 @!p0 s19, s24;
	s24 =	simm.s32 @!p0 $0x0  }
0x54: {  	[hbm4b:s19+s24] =	stream.linear.scatter @!p0 [tilespmem:s22], [sflag:s21], $0x4000, $0x200038;
	[tilespmem:$0x8100] =	vst v63  }
0x55: {  	p1 =	por !p5, !p5;
	s25 =	simm.s32 @p0 $0x0;
	_ =	strace @!p0 $0x9000004F  }
0x56: {  	s16 =	sadd.s32 @!p2 $0x3, s16;
	s17 =	sadd.s32 @p1 s3, s17;
	_ =	strace @!p2 $0x80000050  }
0x57: {  	s18 =	sand.u32 @p1 $0x1, s18;
	s17 =	sshll.u32 @p1 s17, $0x4;
	_ =	swait.ge @!p2 [sflag:s16], $0x4000  }
0x58: {  	s17 =	sand.u32 @p1 $0x1FFFFFF0, s17;
	s19 =	sadd.s32 @p6 s25, s20;
	[sflag:s16] =	ssyncset.done @!p2 $0x0  }
0x59: {  	s20 =	simm.s32 $0x0;
	s17 =	sadd.s32 @p1 s4, s17;
	[sflag:s16] =	ssyncadd.s32 @!p2 $0xFFFFC000  }
0x5a: {  	s20 =	smov.u32 @p6 s19;
	s19 =	sshll.u32 @p1 s18, $0x7;
	_ =	strace @!p2 $0x90000050  }
0x5b: {  	s16 =	sadd.s32 @p1 $0x1, s18;
	s18 =	simm.s32 @p1 $0x0;
	_ =	strace @p1 $0x8000004C  }
0x5c: {  	[tilespmem:s19], [sflag:s16] =	stream.linear.gather @p1 [hbm4b:s17+s18], $0x80, $0x200038;
	[tilespmem:$0x8100] =	vst v63  }
0x5d: {  	s26 =	sand.u32 $0x1, s20;
	_ =	strace @p1 $0x9000004C  }
0x5e: {  	s16 =	sadd.s32 $0x1, s26;
	_ =	strace $0x8000004D  }
0x5f: {  	_ =	swait.ge [sflag:s16], $0x80  }
0x60: {  	[sflag:s16] =	ssyncset.done $0x0  }
0x61: {  	s15 =	sadd.s32 @p6 s25, s15;
	[sflag:s16] =	ssyncadd.s32 $0xFFFFFF80;
	s16 =	simm.s32 $0x0  }
0x62: {  	_ =	strace $0x9000004D;
	s16 =	smov.u32 @p6 s15  }
0x63: {  	_ =	strace $0x8000004E;
	s16 =	sand.u32 $0x1, s16  }
0x64: {  	s30 =	sshll.u32 s20, $0x7;
	s28 =	rddreg [dreg:$0x3];
	s31 =	sshll.u32 s16, $0xE  }
0x65: {  	s18 =	sand.u32 $0x80, s30;
	s29 =	rddreg [dreg:$0x2];
	s19 =	sor.u32 $0x100, s31  }
0x66: {  	[tilespmem:s19], [sflag:$0x5] =	stream.indirect.gather [hbm4b:s29+s28], $0x80, s18, s28, $0x2000b8;
	[tilespmem:$0x8100] =	vst v63  }
0x67: {  	_ =	swait.ge [sflag:s10], $0x4000  }
0x68: {  	p3 =	por p3, p3;
	[sflag:s10] =	ssyncset.done $0x0  }
0x69: {  	p5 =	seq.s32 s7, s12;
	s13 =	sadd.s32 s3, s13;
	[sflag:s10] =	ssyncadd.s32 $0xFFFFC000  }
0x6a: {  	s14 =	sadd.s32 @p6 s23, s14;
	p1 =	por p5, p3;
	_ =	strace $0x9000004E  }
0x6b: {  	s17 =	simm.s32 $0x0;
	s13 =	sshll.u32 @p1 s13, $0xB;
	_ =	strace @p1 $0x8000004F  }
0x6c: {  	s17 =	smov.u32 @p6 s14;
	s13 =	sand.u32 @p1 $0x1FFFF800, s13;
	s15 =	rddreg [dreg:$0x4]  }
0x6d: {  	s14 =	sadd.s32 @p1 $0x3, s16;
	s13 =	sadd.s32 @p1 s15, s13;
	s15 =	simm.s32 @p1 $0x0  }
0x6e: {  	[hbm4b:s13+s15] =	stream.linear.scatter @p1 [tilespmem:s19], [sflag:s14], $0x4000, $0x200038;
	[tilespmem:$0x8100] =	vst v63  }
0x6f: {  	p0 =	por p4, p4;
	s13 =	sand.u32 @!p4 $0x1, s17;
	_ =	strace @p1 $0x9000004F  }
0x70: {  	s13 =	sadd.s32 @!p0 $0x3, s13;
	_ =	strace @!p0 $0x80000050  }
0x71: {  	p1 =	sne.s32 s12, $0x0;
	s12 =	simm.s32 $0x1;
	_ =	swait.ge @!p0 [sflag:s13], $0x4000  }
0x72: {  	s12 =	simm.s32 @!p1 $0x0;
	[sflag:s13] =	ssyncset.done @!p0 $0x0  }
0x73: {  	s11 =	sadd.s32 $0x1, s11;
	s12 =	sadd.s32 s12, s17;
	[sflag:s13] =	ssyncadd.s32 @!p0 $0xFFFFC000  }
0x74: {  	s12 =	sand.u32 $0x1, s12;
	_ =	strace @!p0 $0x90000050;
	p0 =	sne.s32 s11, s8  }
.Ltmp3:
0x75: {  	s12 =	sadd.s32 $0x3, s12;
	_ =	strace $0x80000051;
	(pc) =	sbr.rel @p0 .LBB2_1-.Ltmp3, $4  }
.Ltmp4:
0x76: {  	_ =	swait.ge [sflag:s12], $0x4000;
	(pc) =	sbr.rel @!p0 .LBB2_8-.Ltmp4, $4  }
0x77: {  	[sflag:s12] =	ssyncset.done $0x0  }
0x78: {  	[sflag:s12] =	ssyncadd.s32 $0xFFFFC000  }
0x79: {  	_ =	strace $0x90000051  }
0x7a: {  	_ = 	snop  }
.LBB2_2:
.Ltmp5:
0x7b: {  	(pc) =	sbr.rel .LBB2_7-.Ltmp5, $4  }
0x7c: {  	_ = 	snop  }
0x7d: {  	s14 =	simm.s32 $0x0  }
0x7e: {  	s12 =	simm.s32 $0x0;
	s15 =	simm.s32 $0x0;
	s17 =	smov.u32 s13  }
0x7f: {  	s20 =	simm.s32 $0x0;
	s18 =	simm.s32 $0x1;
	s13 =	simm.s32 $0x0  }
.LBB2_4:
.Ltmp6:
0x80: {  	(pc) =	sbr.rel .LBB2_7-.Ltmp6, $3  }
0x81: {  	_ =	sdelay $0x1  }
0x82: {  	s14 =	simm.s32 $0x0  }
0x83: {  	s15 =	simm.s32 $0x0;
	s20 =	simm.s32 $0x0;
	p6 =	por $0x1, $0x1  }
.LBB2_8:
0x84: {  	_ =	sfence.sel $0x180000  }
0x85: {  	[bflag:$0x0] =	sbarrier.arrive $0xFFFF  }
0x86: {  	p0 =	sne.s32 s1, $0x0;
	_ =	strace $0x9000004A  }
0x87: {  	s0 =	sadd.s32 @!p0 $0x100000, s0;
	[bflag:$0x2] =	sbarrier.arrive $0xFFFF  }
0x88: {  	[sflag:s0] =	ssyncadd.tile.s32 @!p0 $0x1;
	_ =	shalt  }
.Lfunc_end2:
_tile_overlayer_lowered:
.L_overlay_start_2:
0x89: {  	(tag) =	ssettag $0x2  }
0x8a: {  	s0 =	rddreg [dreg:$0x0];
	s2 =	stileid.u32  }
0x8b: {  	s1 =	rddreg [dreg:$0x1];
	p0 =	sne.s32 s2, $0x0  }
0x8c: {  	s3 =	rddreg [dreg:$0x2];
	[bflag:$0x3] =	sbarrier.arrive $0xFFFF;
	s2 =	simm.s32 @!p0 $0x1C01  }
0x8d: {  	[timem:s3], [sflag:s2] =	dma.local @!p0 [hbm:s0], s1  }
0x8e: {  	s0 =	simm.s32 @!p0 $0x1  }
0x8f: {  	_ =	swait.ge @!p0 [sflag:s0], s1  }
0x90: {  	s1 =	ssub.s32 @!p0 $0x0, s1;
	[sflag:s0] =	ssyncset.done @!p0 $0x0  }
0x91: {  	[sflag:s0] =	ssyncadd.s32 @!p0 s1  }
0x92: {  	[bflag:$0x3] =	sbarrier.arrive $0xFFFF  }
0x93: {  	_ =	shalt  }

// kernel: kernel.14.cloned.1.call-start
scs
__scs_entry_jumppad:
0x0: {  	(pc) =	sbr.rel $0x88, $3  }
0x1: {  	(tag) =	ssettag $0x0;
	lr =	simm.s32 $0x1  }
0x2: {  	[smem:$0x3F95] =	sst lr;
	_ =	strace $0xD0000000  }
0x3: {  	_ = 	snop  }
0x4: {  	_ = 	snop  }
0x5: {  	_ = 	snop  }
0x6: {  	_ = 	snop  }
0x7: {  	_ = 	snop  }
__scs_overlays_trampoline_lowered:
0x8: {  	[smem:$0x3FA4] =	sst s0  }
0x9: {  	[smem:$0x3FA5] =	sst s1  }
0xa: {  	[smem:$0x3FA6] =	sst s2  }
0xb: {  	[smem:$0x3FA7] =	sst s3  }
0xc: {  	[smem:$0x3FA8] =	sst s4  }
0xd: {  	[smem:$0x3FA9] =	sst s5  }
0xe: {  	[smem:$0x3FAA] =	sst s6  }
0xf: {  	[smem:$0x3FAB] =	sst s7  }
0x10: {  	[smem:$0x3FAC] =	sst s8  }
0x11: {  	[smem:$0x3FAD] =	sst s9;
	s0 =	simm.s32 @!p0 $0x0  }
0x12: {  	s1 =	sld [smem:$0x3F93];
	s0 =	simm.s32 @p0 $0x1  }
0x13: {  	[smem:$0x3FAE] =	sst s0;
	s0 =	simm.s32 @!p1 $0x0  }
0x14: {  	s2 =	sld [smem:$0x3F92];
	s0 =	simm.s32 @p1 $0x1  }
0x15: {  	[smem:$0x3FAF] =	sst s0;
	s0 =	simm.s32 @!p2 $0x0  }
0x16: {  	s3 =	sld [smem:$0x3FDB];
	s0 =	simm.s32 @p2 $0x1  }
0x17: {  	s4 =	simm.s32 $0x1BF5;
	[smem:$0x3FB1] =	sst s0  }
0x18: {  	s0 =	sld [smem:$0x3F94];
	_ =	swait.ge [sflag:s4], $0x0  }
0x19: {  	s7 =	sld [smem:$0x3F95]  }
0x1a: {  	s8 =	sadd.s32 $0xFFFFE003, lr  }
0x1b: {  	s9 =	sadd.s32 $0xFFFFFEF7, lr;
	s5 =	simm.s32 $0xFFFFFFFF;
	p2 =	slt.u32 s8, $0xFFFFF086  }
0x1c: {  	p1 =	slt.u32 s9, $0xF7A;
	s5 =	simm.s32 @!p2 $0x0  }
0x1d: {  	s5 =	simm.s32 @p1 $0x1;
	p0 =	seq.s32 s7, s2  }
0x1e: {  	s7 =	smul.u32 @!p0 $0xF7A, s2;
	p2 =	seq.s32 @!p0 s5, $0x0  }
0x1f: {  	s9 =	smul.u32 $0xF7A, s1;
	s8 =	simm.s32 @!p0 $0x1BF5;
	p2 =	por !p2, p0  }
0x20: {  	[sflag:s8] =	ssyncset.s32 @!p0 $0xFFFFF086;
	s6 =	sadd.s32 @!p0 s3, s7;
	s7 =	simm.s32 @!p0 $0x108  }
0x21: {  	s3 =	sadd.s32 s3, s9;
	s6 =	sadd.s32 @!p0 $0x88, s6;
	s7 =	simm.s32 @p2 $0x1082  }
0x22: {  	[simem:s7], [sflag:s8] =	dma.local @!p0 [hbm:s6], $0xF7A  }
0x23: {  	s9 =	sor.u32 $0xD0000000, s2;
	s6 =	simm.s32 $0x108;
	_ =	swait.ge @!p0 [sflag:s8], $0x0  }
0x24: {  	s3 =	sadd.s32 $0x88, s3;
	s6 =	simm.s32 @!p1 $0x1082;
	[sflag:s4] =	ssyncset.s32 $0xFFFFF086  }
0x25: {  	[simem:s6], [sflag:s4] =	dma.local [hbm:s3], $0xF7A  }
0x26: {  	[smem:$0x3F95] =	sst s1;
	(tag) =	ssettag s2;
	_ =	strace s9  }
0x27: {  	s1 =	sld [smem:$0x3FA5]  }
0x28: {  	s2 =	sld [smem:$0x3FA6]  }
0x29: {  	s4 =	sld [smem:$0x3FA8]  }
0x2a: {  	p0 =	seq.s32 s5, $0x0;
	s5 =	sld [smem:$0x3FA9]  }
0x2b: {  	s6 =	sld [smem:$0x3FAA]  }
0x2c: {  	s7 =	sld [smem:$0x3FAB]  }
0x2d: {  	s3 =	simm.s32 $0x108;
	s8 =	sld [smem:$0x3FAC]  }
0x2e: {  	s3 =	simm.s32 @!p0 $0x1082;
	s9 =	sld [smem:$0x3FAD]  }
0x2f: {  	lr =	sadd.s32 s0, s3;
	s0 =	sld [smem:$0x3FA4]  }
0x30: {  	s3 =	sld [smem:$0x3FA7]  }
0x31: {  	[smem:$0x3FB0] =	sst s10  }
0x32: {  	s10 =	sld [smem:$0x3FAE];
	_ =	sdelay $0x3  }
0x33: {  	p0 =	seq.s32 s10, $0x1;
	s10 =	sld [smem:$0x3FB0];
	_ =	sdelay $0x3  }
0x34: {  	[smem:$0x3FB0] =	sst s10  }
0x35: {  	s10 =	sld [smem:$0x3FAF];
	_ =	sdelay $0x3  }
0x36: {  	p1 =	seq.s32 s10, $0x1;
	s10 =	sld [smem:$0x3FB0];
	_ =	sdelay $0x3  }
0x37: {  	[smem:$0x3FB0] =	sst s10  }
0x38: {  	s10 =	sld [smem:$0x3FB1]  }
0x39: {  	_ = 	snop;
	(pc) =	sbr.ind lr, $3  }
0x3a: {  	_ = 	snop  }
0x3b: {  	_ = 	snop  }
0x3c: {  	p2 =	seq.s32 s10, $0x1;
	s10 =	sld [smem:$0x3FB0]  }
0x3d: {  	_ =	shalt  }
0x3e: {  	_ =	shalt  }
0x3f: {  	_ =	shalt  }
0x40: {  	_ =	shalt  }
0x41: {  	_ =	shalt  }
0x42: {  	_ =	shalt  }
0x43: {  	_ =	shalt  }
0x44: {  	_ =	shalt  }
0x45: {  	_ =	shalt  }
0x46: {  	_ =	shalt  }
0x47: {  	_ =	shalt  }
0x48: {  	_ =	shalt  }
0x49: {  	_ =	shalt  }
0x4a: {  	_ =	shalt  }
0x4b: {  	_ =	shalt  }
0x4c: {  	_ =	shalt  }
0x4d: {  	_ =	shalt  }
0x4e: {  	_ =	shalt  }
0x4f: {  	_ =	shalt  }
0x50: {  	_ =	shalt  }
0x51: {  	_ =	shalt  }
0x52: {  	_ =	shalt  }
0x53: {  	_ =	shalt  }
0x54: {  	_ =	shalt  }
0x55: {  	_ =	shalt  }
0x56: {  	_ =	shalt  }
0x57: {  	_ =	shalt  }
0x58: {  	_ =	shalt  }
0x59: {  	_ =	shalt  }
0x5a: {  	_ =	shalt  }
0x5b: {  	_ =	shalt  }
0x5c: {  	_ =	shalt  }
0x5d: {  	_ =	shalt  }
0x5e: {  	_ =	shalt  }
0x5f: {  	_ =	shalt  }
0x60: {  	_ =	shalt  }
0x61: {  	_ =	shalt  }
0x62: {  	_ =	shalt  }
0x63: {  	_ =	shalt  }
0x64: {  	_ =	shalt  }
0x65: {  	_ =	shalt  }
0x66: {  	_ =	shalt  }
0x67: {  	_ =	shalt  }
0x68: {  	_ =	shalt  }
0x69: {  	_ =	shalt  }
0x6a: {  	_ =	shalt  }
0x6b: {  	_ =	shalt  }
0x6c: {  	_ =	shalt  }
0x6d: {  	_ =	shalt  }
0x6e: {  	_ =	shalt  }
0x6f: {  	_ =	shalt  }
0x70: {  	_ =	shalt  }
0x71: {  	_ =	shalt  }
0x72: {  	_ =	shalt  }
0x73: {  	_ =	shalt  }
0x74: {  	_ =	shalt  }
0x75: {  	_ =	shalt  }
0x76: {  	_ =	shalt  }
0x77: {  	_ =	shalt  }
0x78: {  	_ =	shalt  }
0x79: {  	_ =	shalt  }
0x7a: {  	_ =	shalt  }
0x7b: {  	_ =	shalt  }
0x7c: {  	_ =	shalt  }
0x7d: {  	_ =	shalt  }
0x7e: {  	_ =	shalt  }
0x7f: {  	_ =	shalt  }
0x80: {  	_ =	shalt  }
0x81: {  	_ =	shalt  }
0x82: {  	_ =	shalt  }
0x83: {  	_ =	shalt  }
0x84: {  	_ =	shalt  }
0x85: {  	_ =	shalt  }
0x86: {  	_ =	shalt  }
0x87: {  	_ =	shalt  }
.Lfunc_end0:
.L_simem_size_0:
called_computation.10_lowered:
.L_overlay_start_0:
0x88: {  	s2 =	sld [smem:$0x3FD9]  }
0x89: {  	s3 =	sld [smem:$0x3FFE];
	_ =	sdelay $0x1  }
0x8a: {  	s1 =	srdreg.scid  }
0x8b: {  	s0 =	sand.u32 $0x1, s1  }
0x8c: {  	s16 =	sshll.u32 s0, $0xA;
	s2 =	sadd.s32 s3, s2  }
0x8d: {  	s2 =	sadd.s32 s2, s16  }
0x8e: {  	[smem:$0x3FBC] =	sst s2  }
0x8f: {  	_ = 	snop  }
0x90: {  	(tm) =	ssettm $0x1  }
0x91: {  	s17 =	sld [smem:$0x3FFB];
	_ =	sdelay $0x3  }
0x92: {  	_ =	strace s17  }
0x93: {  	s2 =	sld [smem:$0x3FFC];
	_ =	sdelay $0x3  }
0x94: {  	_ =	strace s2  }
0x95: {  	s2 =	sld [smem:$0x3FFD];
	_ =	sdelay $0x3  }
0x96: {  	_ =	strace s2  }
0x97: {  	_ =	strace $0x8FFFFFFF  }
0x98: {  	s18 =	sld [smem:$0x3FDB];
	_ =	sdelay $0x1  }
0x99: {  	s19 =	simm.s32 $_scs_section_size  }
0x9a: {  	s4 =	simm.s32 $_size__tile_overlayer_lowered;
	s5 =	simm.s32 $_tile_overlayer_lowered  }
0x9b: {  	s22 =	simm.s32 $0x1BFF;
	s21 =	sshll.u32 s5, $0x1;
	s2 =	sadd.s32 s19, s18  }
0x9c: {  	s6 =	simm.s32 $0x0;
	s20 =	sshll.u32 s4, $0x1;
	s4 =	sadd.s32 s21, s2  }
0x9d: {  	[timem:s6], [sflag:s22] =	dma.local [hbm:s4], s20  }
0x9e: {  	_ =	swait.ge [sflag:s22], s20  }
0x9f: {  	s3 =	ssub.s32 $0x0, s20;
	[sflag:s22] =	ssyncset.done $0x0  }
0xa0: {  	[sflag:s22] =	ssyncadd.s32 s3;
	_ =	sdelay $0x1  }
0xa1: {  	s23 =	simm.s32 $0x1B8B  }
0xa2: {  	_ =	swait.ge [sflag:s23], $0x1  }
0xa3: {  	[sflag:s23] =	ssyncset.done $0x0  }
0xa4: {  	s25 =	simm.s32 $0x1B8E;
	s24 =	sld [smem:$0x3FFE];
	[sflag:s23] =	ssyncadd.s32 $0xFFFFFFFF  }
0xa5: {  	s26 =	simm.s32 $execute0_lowered;
	[smem:$0x3FD2] =	sst s25  }
0xa6: {  	s4 =	sshll.u32 s26, $0x1;
	_ =	strace $0x80000056;
	[dreg:$0x1] =	wrdreg $0xFFFFFFFF  }
0xa7: {  	s28 =	simm.s32 $_size_execute0_lowered;
	s2 =	sadd.s32 s2, s4;
	[dreg:$0x0] =	wrdreg $0x0  }
0xa8: {  	s4 =	sshll.u32 s28, $0x1;
	[dreg:$0x2] =	wrdreg s2  }
0xa9: {  	[dreg:$0x3] =	wrdreg s4  }
0xaa: {  	[dreg:$0x4] =	wrdreg $0xC0  }
0xab: {  	_ =	task [dreg:s6], $0x5FFFF  }
0xac: {  	[dreg:$0x1] =	wrdreg $0xFFFFFFFF  }
0xad: {  	[dreg:$0x0] =	wrdreg $0x60  }
0xae: {  	[dreg:$0x2] =	wrdreg s24  }
0xaf: {  	[dreg:$0x3] =	wrdreg $0x9  }
0xb0: {  	_ =	task.clear_ibuf [dreg:s6], $0x4FFFF;
	_ =	strace $0x90000056  }
0xb1: {  	s29 =	simm.s32 $0x9;
	_ =	strace $0x8000005F  }
0xb2: {  	_ =	swait.ge [sflag:s29], $0x1  }
0xb3: {  	[sflag:s29] =	ssyncadd.s32 $0xFFFFFFFF  }
0xb4: {  	_ =	strace $0x9000005F  }
0xb5: {  	_ =	sfence  }
0xb6: {  	s30 =	sld [smem:$0x0];
	_ =	sdelay $0x2  }
0xb7: {  	s31 =	sshll.u32 s1, $0xD;
	s1 =	sshrl.u32 s1, $0x2  }
0xb8: {  	s3 =	sand.u32 $0x4000, s31;
	s1 =	sadd.s32 s1, s30  }
0xb9: {  	s0 =	sor.u32 s3, s0;
	s1 =	sshll.u32 s1, $0x11  }
0xba: {  	s0 =	sor.u32 s1, s0  }
0xbb: {  	s0 =	sadd.s32 $0x8F2B, s0  }
0xbc: {  	[sflag:s0] =	ssyncadd.remote.s32 $0x1  }
0xbd: {  	_ =	sfence.sel $0xFFFF  }
0xbe: {  	[dreg:$0x0] =	wrdreg $0xFFFFFFFF;
	(pc) =	sbr.abs _section_cstart, $3  }
0xbf: {  	[dreg:$0x1] =	wrdreg $0xFFFFFFFF  }
0xc0: {  	_ =	task.clear_ibuf [dreg:s6], $0x2FFFF;
	_ =	strace $0x9FFFFFFF  }
0xc1: {  	(tm) =	ssettm $0x7FFFFFFF  }
tec
execute0_lowered:
.L_overlay_start_1:
0x0: {  	(tag) =	ssettag $0x1  }
0x1: {  	s4 =	rddreg [dreg:$0x0];
	s1 =	srdreg.scid  }
0x2: {  	s0 =	rddreg [dreg:$0x1];
	s2 =	simm.s32 $0x0;
	s9 =	simm.s32 $0x1  }
0x3: {  	s10 =	simm.s32 $0x80;
	s11 =	simm.s32 $0x0;
	s5 =	sand.u32 $0x1, s1  }
0x4: {  	s1 =	stileid.u32;
	[smem:$0x7FF] =	sst s2;
	s3 =	sshll.u32 s5, $0x4  }
0x5: {  	s6 =	sadd.s32 $0x50200, s4;
	s8 =	sadd.s32 $0x77400, s4;
	s3 =	sor.u32 s1, s3  }
0x6: {  	_ =	strace $0x80000057;
	[dreg:$0x2] =	wrdreg s6;
	s7 =	smul.u32 $0x9C, s3  }
0x7: {  	s4 =	sadd.s32 $0x15600, s4;
	[dreg:$0x4] =	wrdreg s8;
	s6 =	smul.u32 $0x9D, s3  }
0x8: {  	s29 =	ssub.s32 $0x2, s5;
	p0 =	slt.u32 s3, $0x8;
	s3 =	sadd.s32 $0x8, s7  }
0x9: {  	s5 =	simm.s32 $0x9D;
	[dreg:$0x3] =	wrdreg s10;
	s3 =	smov.u32 @p0 s6  }
0xa: {  	s10 =	simm.s32 $0x5;
	s31 =	sshrl.u32 s29, $0x1;
	s30 =	sshll.u32 s3, $0x4  }
0xb: {  	s8 =	ssub.s32 s29, s31;
	s5 =	simm.s32 @!p0 $0x9C;
	s7 =	sand.u32 $0x1FFFFFF0, s30  }
0xc: {  	s8 =	smax.u32 s8, $0x1;
	s6 =	sadd.s32 s4, s7;
	s7 =	sadd.s32 $0xFFFFFFFF, s5  }
.LBB2_1:
0xd: {  	_ =	strace $0x80000058;
	p2 =	sne.s32 s5, $0x1  }
.Ltmp0:
0xe: {  	p0 =	seq.s32 s5, $0x1;
	s13 =	simm.s32 $0x1;
	(pc) =	sbr.rel @!p2 .LBB2_2-.Ltmp0, $4  }
0xf: {  	[tilespmem:s2], [sflag:$0x1] =	stream.linear.gather [hbm4b:s6+s2], $0x80, $0x200038;
	[tilespmem:$0x8100] =	vst v63  }
0x10: {  	s12 =	simm.s32 $0x1;
	p1 =	por $0x1, $0x1;
	s13 =	simm.s32 @p0 $0x0  }
0x11: {  	p6 =	sgt.u32 s7, $0x0;
	p4 =	por p1, p1;
	p3 =	sne.s32 s13, $0x0  }
0x12: {  	_ =	strace $0x90000058;
	p5 =	por !p6, !p3;
	p6 =	por $0x0, $0x0  }
0x13: {  	p2 =	por !p5, !p5  }
0x14: {  	s21 =	sand.u32 $0x1, s2;
	s19 =	simm.s32 $0x2;
	s14 =	sadd.s32 @p2 s3, s13  }
0x15: {  	p1 =	por p3, p3;
	s15 =	sand.u32 @p2 $0x1, s9;
	s14 =	sshll.u32 @p2 s14, $0x4  }
0x16: {  	_ =	strace @p2 $0x80000059;
	s17 =	simm.s32 @p2 $0x0;
	s14 =	sand.u32 @p2 $0x1FFFFFF0, s14  }
0x17: {  	s16 =	sshll.u32 @p2 s15, $0x7;
	s15 =	sadd.s32 @p2 $0x1, s15;
	s14 =	sadd.s32 @p2 s4, s14  }
0x18: {  	[tilespmem:s16], [sflag:s15] =	stream.linear.gather @p2 [hbm4b:s14+s17], $0x80, $0x200038;
	[tilespmem:$0x8100] =	vst v63  }
0x19: {  	s30 =	simm.s32 $0x0;
	p6 =	por $0x0, $0x0;
	_ =	strace @p2 $0x90000059  }
0x1a: {  	p0 =	sne.s32 s5, $0x2;
	s29 =	sadd.s32 $0x1, s21;
	_ =	strace $0x8000005A  }
0x1b: {  	s24 =	sadd.s32 $0x0, s3;
	p5 =	sgt.u32 s7, $0x1;
	_ =	swait.ge [sflag:s29], $0x80  }
0x1c: {  	s23 =	simm.s32 $0x1;
	s22 =	sshll.u32 s21, $0xE;
	[sflag:s29] =	ssyncset.done $0x0  }
0x1d: {  	s22 =	sor.u32 $0x100, s22;
	s16 =	sand.u32 @!p4 $0x1, s2;
	[sflag:s29] =	ssyncadd.s32 $0xFFFFFF80  }
0x1e: {  	s15 =	simm.s32 $0x1;
	s17 =	sadd.s32 $0x1, s13;
	_ =	strace $0x9000005A  }
0x1f: {  	s14 =	sand.u32 $0x80, s30;
	s15 =	simm.s32 @!p2 $0x0;
	_ =	strace $0x8000005B  }
0x20: {  	p2 =	por p4, p4;
	p4 =	por p6, p6;
	s20 =	rddreg [dreg:$0x3]  }
0x21: {  	p3 =	seq.s32 s17, s5;
	p6 =	seq.s32 s7, $0x0;
	s31 =	rddreg [dreg:$0x2]  }
0x22: {  	[tilespmem:s22], [sflag:$0x5] =	stream.indirect.gather [hbm4b:s31+s20], $0x80, s14, s20, $0x2000b8;
	[tilespmem:$0x8100] =	vst v63  }
.Ltmp1:
0x23: {  	s18 =	sadd.s32 $0x1, s15;
	s17 =	simm.s32 @p3 $0x0;
	(pc) =	sbr.rel @!p0 .LBB2_4-.Ltmp1, $4  }
0x24: {  	p1 =	por p6, p1;
	p6 =	por $0x0, $0x0;
	_ =	swait.ge [sflag:s10], $0x4000  }
0x25: {  	s15 =	simm.s32 $0x0;
	p3 =	sne.s32 s13, s17;
	[sflag:s10] =	ssyncset.done $0x0  }
0x26: {  	s23 =	simm.s32 @!p6 $0x0;
	p5 =	por !p5, !p3;
	[sflag:s10] =	ssyncadd.s32 $0xFFFFC000  }
0x27: {  	s14 =	simm.s32 $0x0;
	s20 =	simm.s32 $0x0;
	_ =	strace $0x9000005B  }
.LBB2_5:
0x28: {  	_ =	strace @p1 $0x8000005C;
	s14 =	sadd.s32 s23, s14;
	s23 =	smov.u32 s12  }
0x29: {  	s12 =	smov.u32 s19;
	s19 =	sadd.s32 $0x1, s19;
	p0 =	por p3, p3  }
0x2a: {  	s29 =	sshll.u32 @p1 s24, $0xB;
	s21 =	sadd.s32 @p1 $0x3, s21;
	s25 =	simm.s32 @!p0 $0x0  }
0x2b: {  	s26 =	rddreg [dreg:$0x4];
	s29 =	sand.u32 @p1 $0x1FFFF800, s29;
	s25 =	simm.s32 @p0 $0x1  }
0x2c: {  	s26 =	sadd.s32 @p1 s26, s29;
	s29 =	simm.s32 @p1 $0x0;
	p0 =	sne.s32 s5, s19  }
0x2d: {  	[hbm4b:s26+s29] =	stream.linear.scatter @p1 [tilespmem:s22], [sflag:s21], $0x4000, $0x200038;
	[tilespmem:$0x8100] =	vst v63  }
0x2e: {  	s21 =	sadd.s32 @!p2 $0x3, s16;
	s16 =	simm.s32 @!p0 $0x0  }
0x2f: {  	s28 =	simm.s32 $0x1;
	[smem:$0x7FC] =	sst s25;
	s16 =	simm.s32 @p0 $0x1  }
0x30: {  	s28 =	simm.s32 @!p1 $0x0;
	_ =	strace @p1 $0x9000005C;
	[smem:$0x7FD] =	sst s16  }
0x31: {  	s20 =	sadd.s32 s28, s20;
	s25 =	sand.u32 @!p4 $0x1, s14;
	_ =	strace @!p2 $0x8000005D  }
0x32: {  	p1 =	por !p5, !p5;
	s16 =	smov.u32 s25;
	_ =	swait.ge @!p2 [sflag:s21], $0x4000  }
0x33: {  	s22 =	sand.u32 @p1 $0x1, s18;
	s25 =	sadd.s32 @p1 s3, s17;
	[sflag:s21] =	ssyncset.done @!p2 $0x0  }
0x34: {  	s26 =	sshll.u32 @p1 s22, $0x7;
	s25 =	sshll.u32 @p1 s25, $0x4;
	[sflag:s21] =	ssyncadd.s32 @!p2 $0xFFFFC000  }
0x35: {  	s21 =	sadd.s32 @p1 $0x1, s22;
	s22 =	sand.u32 @p1 $0x1FFFFFF0, s25;
	_ =	strace @!p2 $0x9000005D  }
0x36: {  	s25 =	simm.s32 @p1 $0x0;
	s22 =	sadd.s32 @p1 s4, s22;
	_ =	strace @p1 $0x80000059  }
0x37: {  	[tilespmem:s26], [sflag:s21] =	stream.linear.gather @p1 [hbm4b:s22+s25], $0x80, $0x200038;
	[tilespmem:$0x8100] =	vst v63  }
0x38: {  	s15 =	sadd.s32 s28, s15;
	s28 =	sand.u32 $0x1, s20;
	_ =	strace @p1 $0x90000059  }
0x39: {  	s28 =	sadd.s32 $0x1, s28;
	_ =	strace $0x8000005A  }
0x3a: {  	_ =	swait.ge [sflag:s28], $0x80  }
0x3b: {  	[sflag:s28] =	ssyncset.done $0x0  }
0x3c: {  	s21 =	simm.s32 $0x1;
	[sflag:s28] =	ssyncadd.s32 $0xFFFFFF80  }
0x3d: {  	s21 =	simm.s32 @!p1 $0x0;
	_ =	strace $0x9000005A  }
0x3e: {  	s18 =	sadd.s32 s21, s18;
	s21 =	sand.u32 $0x1, s15;
	_ =	strace $0x8000005B  }
0x3f: {  	s31 =	sshll.u32 s20, $0x7;
	s29 =	sshll.u32 s21, $0xE;
	s25 =	rddreg [dreg:$0x3]  }
0x40: {  	s31 =	sand.u32 $0x80, s31;
	s22 =	sor.u32 $0x100, s29;
	s26 =	rddreg [dreg:$0x2]  }
0x41: {  	[tilespmem:s22], [sflag:$0x5] =	stream.indirect.gather [hbm4b:s26+s25], $0x80, s31, s25, $0x2000b8;
	[tilespmem:$0x8100] =	vst v63  }
0x42: {  	_ =	swait.ge [sflag:s10], $0x4000  }
0x43: {  	[sflag:s10] =	ssyncset.done $0x0  }
0x44: {  	[sflag:s10] =	ssyncadd.s32 $0xFFFFC000  }
0x45: {  	s30 =	sadd.s32 $0x1, s17;
	_ =	strace $0x9000005B  }
0x46: {  	s24 =	sadd.s32 s3, s13;
	s13 =	smov.u32 s17;
	s31 =	sld [smem:$0x7FD]  }
0x47: {  	p0 =	sne.s32 s23, $0x0;
	s17 =	smov.u32 s30;
	p1 =	seq.s32 s30, s5  }
0x48: {  	s17 =	simm.s32 @p1 $0x0;
	p1 =	seq.s32 s7, s23;
	s23 =	simm.s32 $0x1  }
0x49: {  	s23 =	simm.s32 @!p0 $0x0;
	p0 =	seq.s32 s31, $0x1  }
.Ltmp2:
0x4a: {  	s30 =	sld [smem:$0x7FC];
	(pc) =	sbr.rel @p0 .LBB2_5-.Ltmp2, $4  }
0x4b: {  	p3 =	seq.s32 s12, $0x0  }
0x4c: {  	p6 =	por p3, p3;
	p5 =	slt.u32 s12, s7  }
0x4d: {  	p2 =	por p4, p4;
	p3 =	sne.s32 s13, s17;
	p4 =	seq.s32 s30, $0x1  }
0x4e: {  	p5 =	por !p5, !p3;
	p1 =	por p1, p4;
	p4 =	por p6, p6  }
0x4f: {  	p6 =	por $0x1, $0x1  }
.LBB2_7:
0x50: {  	p0 =	por !p1, !p6  }
0x51: {  	s25 =	simm.s32 $0x1;
	_ =	strace @!p0 $0x8000005C;
	s24 =	sshll.u32 @!p0 s24, $0xB  }
0x52: {  	p2 =	por p2, !p6;
	s19 =	rddreg [dreg:$0x4];
	s24 =	sand.u32 @!p0 $0x1FFFF800, s24  }
0x53: {  	s21 =	sadd.s32 @!p0 $0x3, s21;
	s19 =	sadd.s32 @!p0 s19, s24;
	s24 =	simm.s32 @!p0 $0x0  }
0x54: {  	[hbm4b:s19+s24] =	stream.linear.scatter @!p0 [tilespmem:s22], [sflag:s21], $0x4000, $0x200038;
	[tilespmem:$0x8100] =	vst v63  }
0x55: {  	p1 =	por !p5, !p5;
	s25 =	simm.s32 @p0 $0x0;
	_ =	strace @!p0 $0x9000005C  }
0x56: {  	s16 =	sadd.s32 @!p2 $0x3, s16;
	s17 =	sadd.s32 @p1 s3, s17;
	_ =	strace @!p2 $0x8000005D  }
0x57: {  	s18 =	sand.u32 @p1 $0x1, s18;
	s17 =	sshll.u32 @p1 s17, $0x4;
	_ =	swait.ge @!p2 [sflag:s16], $0x4000  }
0x58: {  	s17 =	sand.u32 @p1 $0x1FFFFFF0, s17;
	s19 =	sadd.s32 @p6 s25, s20;
	[sflag:s16] =	ssyncset.done @!p2 $0x0  }
0x59: {  	s20 =	simm.s32 $0x0;
	s17 =	sadd.s32 @p1 s4, s17;
	[sflag:s16] =	ssyncadd.s32 @!p2 $0xFFFFC000  }
0x5a: {  	s20 =	smov.u32 @p6 s19;
	s19 =	sshll.u32 @p1 s18, $0x7;
	_ =	strace @!p2 $0x9000005D  }
0x5b: {  	s16 =	sadd.s32 @p1 $0x1, s18;
	s18 =	simm.s32 @p1 $0x0;
	_ =	strace @p1 $0x80000059  }
0x5c: {  	[tilespmem:s19], [sflag:s16] =	stream.linear.gather @p1 [hbm4b:s17+s18], $0x80, $0x200038;
	[tilespmem:$0x8100] =	vst v63  }
0x5d: {  	s26 =	sand.u32 $0x1, s20;
	_ =	strace @p1 $0x90000059  }
0x5e: {  	s16 =	sadd.s32 $0x1, s26;
	_ =	strace $0x8000005A  }
0x5f: {  	_ =	swait.ge [sflag:s16], $0x80  }
0x60: {  	[sflag:s16] =	ssyncset.done $0x0  }
0x61: {  	s15 =	sadd.s32 @p6 s25, s15;
	[sflag:s16] =	ssyncadd.s32 $0xFFFFFF80;
	s16 =	simm.s32 $0x0  }
0x62: {  	_ =	strace $0x9000005A;
	s16 =	smov.u32 @p6 s15  }
0x63: {  	_ =	strace $0x8000005B;
	s16 =	sand.u32 $0x1, s16  }
0x64: {  	s30 =	sshll.u32 s20, $0x7;
	s28 =	rddreg [dreg:$0x3];
	s31 =	sshll.u32 s16, $0xE  }
0x65: {  	s18 =	sand.u32 $0x80, s30;
	s29 =	rddreg [dreg:$0x2];
	s19 =	sor.u32 $0x100, s31  }
0x66: {  	[tilespmem:s19], [sflag:$0x5] =	stream.indirect.gather [hbm4b:s29+s28], $0x80, s18, s28, $0x2000b8;
	[tilespmem:$0x8100] =	vst v63  }
0x67: {  	_ =	swait.ge [sflag:s10], $0x4000  }
0x68: {  	p3 =	por p3, p3;
	[sflag:s10] =	ssyncset.done $0x0  }
0x69: {  	p5 =	seq.s32 s7, s12;
	s13 =	sadd.s32 s3, s13;
	[sflag:s10] =	ssyncadd.s32 $0xFFFFC000  }
0x6a: {  	s14 =	sadd.s32 @p6 s23, s14;
	p1 =	por p5, p3;
	_ =	strace $0x9000005B  }
0x6b: {  	s17 =	simm.s32 $0x0;
	s13 =	sshll.u32 @p1 s13, $0xB;
	_ =	strace @p1 $0x8000005C  }
0x6c: {  	s17 =	smov.u32 @p6 s14;
	s13 =	sand.u32 @p1 $0x1FFFF800, s13;
	s15 =	rddreg [dreg:$0x4]  }
0x6d: {  	s14 =	sadd.s32 @p1 $0x3, s16;
	s13 =	sadd.s32 @p1 s15, s13;
	s15 =	simm.s32 @p1 $0x0  }
0x6e: {  	[hbm4b:s13+s15] =	stream.linear.scatter @p1 [tilespmem:s19], [sflag:s14], $0x4000, $0x200038;
	[tilespmem:$0x8100] =	vst v63  }
0x6f: {  	p0 =	por p4, p4;
	s13 =	sand.u32 @!p4 $0x1, s17;
	_ =	strace @p1 $0x9000005C  }
0x70: {  	s13 =	sadd.s32 @!p0 $0x3, s13;
	_ =	strace @!p0 $0x8000005D  }
0x71: {  	p1 =	sne.s32 s12, $0x0;
	s12 =	simm.s32 $0x1;
	_ =	swait.ge @!p0 [sflag:s13], $0x4000  }
0x72: {  	s12 =	simm.s32 @!p1 $0x0;
	[sflag:s13] =	ssyncset.done @!p0 $0x0  }
0x73: {  	s11 =	sadd.s32 $0x1, s11;
	s12 =	sadd.s32 s12, s17;
	[sflag:s13] =	ssyncadd.s32 @!p0 $0xFFFFC000  }
0x74: {  	s12 =	sand.u32 $0x1, s12;
	_ =	strace @!p0 $0x9000005D;
	p0 =	sne.s32 s11, s8  }
.Ltmp3:
0x75: {  	s12 =	sadd.s32 $0x3, s12;
	_ =	strace $0x8000005E;
	(pc) =	sbr.rel @p0 .LBB2_1-.Ltmp3, $4  }
.Ltmp4:
0x76: {  	_ =	swait.ge [sflag:s12], $0x4000;
	(pc) =	sbr.rel @!p0 .LBB2_8-.Ltmp4, $4  }
0x77: {  	[sflag:s12] =	ssyncset.done $0x0  }
0x78: {  	[sflag:s12] =	ssyncadd.s32 $0xFFFFC000  }
0x79: {  	_ =	strace $0x9000005E  }
0x7a: {  	_ = 	snop  }
.LBB2_2:
.Ltmp5:
0x7b: {  	(pc) =	sbr.rel .LBB2_7-.Ltmp5, $4  }
0x7c: {  	_ = 	snop  }
0x7d: {  	s14 =	simm.s32 $0x0  }
0x7e: {  	s12 =	simm.s32 $0x0;
	s15 =	simm.s32 $0x0;
	s17 =	smov.u32 s13  }
0x7f: {  	s20 =	simm.s32 $0x0;
	s18 =	simm.s32 $0x1;
	s13 =	simm.s32 $0x0  }
.LBB2_4:
.Ltmp6:
0x80: {  	(pc) =	sbr.rel .LBB2_7-.Ltmp6, $3  }
0x81: {  	_ =	sdelay $0x1  }
0x82: {  	s14 =	simm.s32 $0x0  }
0x83: {  	s15 =	simm.s32 $0x0;
	s20 =	simm.s32 $0x0;
	p6 =	por $0x1, $0x1  }
.LBB2_8:
0x84: {  	_ =	sfence.sel $0x180000  }
0x85: {  	[bflag:$0x0] =	sbarrier.arrive $0xFFFF  }
0x86: {  	p0 =	sne.s32 s1, $0x0;
	_ =	strace $0x90000057  }
0x87: {  	s0 =	sadd.s32 @!p0 $0x100000, s0;
	[bflag:$0x2] =	sbarrier.arrive $0xFFFF  }
0x88: {  	[sflag:s0] =	ssyncadd.tile.s32 @!p0 $0x1;
	_ =	shalt  }
.Lfunc_end2:
_tile_overlayer_lowered:
.L_overlay_start_2:
0x89: {  	(tag) =	ssettag $0x2  }
0x8a: {  	s0 =	rddreg [dreg:$0x0];
	s2 =	stileid.u32  }
0x8b: {  	s1 =	rddreg [dreg:$0x1];
	p0 =	sne.s32 s2, $0x0  }
0x8c: {  	s3 =	rddreg [dreg:$0x2];
	[bflag:$0x3] =	sbarrier.arrive $0xFFFF;
	s2 =	simm.s32 @!p0 $0x1C01  }
0x8d: {  	[timem:s3], [sflag:s2] =	dma.local @!p0 [hbm:s0], s1  }
0x8e: {  	s0 =	simm.s32 @!p0 $0x1  }
0x8f: {  	_ =	swait.ge @!p0 [sflag:s0], s1  }
0x90: {  	s1 =	ssub.s32 @!p0 $0x0, s1;
	[sflag:s0] =	ssyncset.done @!p0 $0x0  }
0x91: {  	[sflag:s0] =	ssyncadd.s32 @!p0 s1  }
0x92: {  	[bflag:$0x3] =	sbarrier.arrive $0xFFFF  }
0x93: {  	_ =	shalt  }

// kernel: scatter_offload_async_start.1
scs
__scs_entry_jumppad:
0x0: {  	(pc) =	sbr.rel $0x88, $3  }
0x1: {  	(tag) =	ssettag $0x0;
	lr =	simm.s32 $0x1  }
0x2: {  	[smem:$0x3F95] =	sst lr;
	_ =	strace $0xD0000000  }
0x3: {  	_ = 	snop  }
0x4: {  	_ = 	snop  }
0x5: {  	_ = 	snop  }
0x6: {  	_ = 	snop  }
0x7: {  	_ = 	snop  }
__scs_overlays_trampoline_lowered:
0x8: {  	[smem:$0x3FA4] =	sst s0  }
0x9: {  	[smem:$0x3FA5] =	sst s1  }
0xa: {  	[smem:$0x3FA6] =	sst s2  }
0xb: {  	[smem:$0x3FA7] =	sst s3  }
0xc: {  	[smem:$0x3FA8] =	sst s4  }
0xd: {  	[smem:$0x3FA9] =	sst s5  }
0xe: {  	[smem:$0x3FAA] =	sst s6  }
0xf: {  	[smem:$0x3FAB] =	sst s7  }
0x10: {  	[smem:$0x3FAC] =	sst s8  }
0x11: {  	[smem:$0x3FAD] =	sst s9;
	s0 =	simm.s32 @!p0 $0x0  }
0x12: {  	s1 =	sld [smem:$0x3F93];
	s0 =	simm.s32 @p0 $0x1  }
0x13: {  	[smem:$0x3FAE] =	sst s0;
	s0 =	simm.s32 @!p1 $0x0  }
0x14: {  	s2 =	sld [smem:$0x3F92];
	s0 =	simm.s32 @p1 $0x1  }
0x15: {  	[smem:$0x3FAF] =	sst s0;
	s0 =	simm.s32 @!p2 $0x0  }
0x16: {  	s3 =	sld [smem:$0x3FDB];
	s0 =	simm.s32 @p2 $0x1  }
0x17: {  	s4 =	simm.s32 $0x1BF5;
	[smem:$0x3FB1] =	sst s0  }
0x18: {  	s0 =	sld [smem:$0x3F94];
	_ =	swait.ge [sflag:s4], $0x0  }
0x19: {  	s7 =	sld [smem:$0x3F95]  }
0x1a: {  	s8 =	sadd.s32 $0xFFFFE003, lr  }
0x1b: {  	s9 =	sadd.s32 $0xFFFFFEF7, lr;
	s5 =	simm.s32 $0xFFFFFFFF;
	p2 =	slt.u32 s8, $0xFFFFF086  }
0x1c: {  	p1 =	slt.u32 s9, $0xF7A;
	s5 =	simm.s32 @!p2 $0x0  }
0x1d: {  	s5 =	simm.s32 @p1 $0x1;
	p0 =	seq.s32 s7, s2  }
0x1e: {  	s7 =	smul.u32 @!p0 $0xF7A, s2;
	p2 =	seq.s32 @!p0 s5, $0x0  }
0x1f: {  	s9 =	smul.u32 $0xF7A, s1;
	s8 =	simm.s32 @!p0 $0x1BF5;
	p2 =	por !p2, p0  }
0x20: {  	[sflag:s8] =	ssyncset.s32 @!p0 $0xFFFFF086;
	s6 =	sadd.s32 @!p0 s3, s7;
	s7 =	simm.s32 @!p0 $0x108  }
0x21: {  	s3 =	sadd.s32 s3, s9;
	s6 =	sadd.s32 @!p0 $0x88, s6;
	s7 =	simm.s32 @p2 $0x1082  }
0x22: {  	[simem:s7], [sflag:s8] =	dma.local @!p0 [hbm:s6], $0xF7A  }
0x23: {  	s9 =	sor.u32 $0xD0000000, s2;
	s6 =	simm.s32 $0x108;
	_ =	swait.ge @!p0 [sflag:s8], $0x0  }
0x24: {  	s3 =	sadd.s32 $0x88, s3;
	s6 =	simm.s32 @!p1 $0x1082;
	[sflag:s4] =	ssyncset.s32 $0xFFFFF086  }
0x25: {  	[simem:s6], [sflag:s4] =	dma.local [hbm:s3], $0xF7A  }
0x26: {  	[smem:$0x3F95] =	sst s1;
	(tag) =	ssettag s2;
	_ =	strace s9  }
0x27: {  	s1 =	sld [smem:$0x3FA5]  }
0x28: {  	s2 =	sld [smem:$0x3FA6]  }
0x29: {  	s4 =	sld [smem:$0x3FA8]  }
0x2a: {  	p0 =	seq.s32 s5, $0x0;
	s5 =	sld [smem:$0x3FA9]  }
0x2b: {  	s6 =	sld [smem:$0x3FAA]  }
0x2c: {  	s7 =	sld [smem:$0x3FAB]  }
0x2d: {  	s3 =	simm.s32 $0x108;
	s8 =	sld [smem:$0x3FAC]  }
0x2e: {  	s3 =	simm.s32 @!p0 $0x1082;
	s9 =	sld [smem:$0x3FAD]  }
0x2f: {  	lr =	sadd.s32 s0, s3;
	s0 =	sld [smem:$0x3FA4]  }
0x30: {  	s3 =	sld [smem:$0x3FA7]  }
0x31: {  	[smem:$0x3FB0] =	sst s10  }
0x32: {  	s10 =	sld [smem:$0x3FAE];
	_ =	sdelay $0x3  }
0x33: {  	p0 =	seq.s32 s10, $0x1;
	s10 =	sld [smem:$0x3FB0];
	_ =	sdelay $0x3  }
0x34: {  	[smem:$0x3FB0] =	sst s10  }
0x35: {  	s10 =	sld [smem:$0x3FAF];
	_ =	sdelay $0x3  }
0x36: {  	p1 =	seq.s32 s10, $0x1;
	s10 =	sld [smem:$0x3FB0];
	_ =	sdelay $0x3  }
0x37: {  	[smem:$0x3FB0] =	sst s10  }
0x38: {  	s10 =	sld [smem:$0x3FB1]  }
0x39: {  	_ = 	snop;
	(pc) =	sbr.ind lr, $3  }
0x3a: {  	_ = 	snop  }
0x3b: {  	_ = 	snop  }
0x3c: {  	p2 =	seq.s32 s10, $0x1;
	s10 =	sld [smem:$0x3FB0]  }
0x3d: {  	_ =	shalt  }
0x3e: {  	_ =	shalt  }
0x3f: {  	_ =	shalt  }
0x40: {  	_ =	shalt  }
0x41: {  	_ =	shalt  }
0x42: {  	_ =	shalt  }
0x43: {  	_ =	shalt  }
0x44: {  	_ =	shalt  }
0x45: {  	_ =	shalt  }
0x46: {  	_ =	shalt  }
0x47: {  	_ =	shalt  }
0x48: {  	_ =	shalt  }
0x49: {  	_ =	shalt  }
0x4a: {  	_ =	shalt  }
0x4b: {  	_ =	shalt  }
0x4c: {  	_ =	shalt  }
0x4d: {  	_ =	shalt  }
0x4e: {  	_ =	shalt  }
0x4f: {  	_ =	shalt  }
0x50: {  	_ =	shalt  }
0x51: {  	_ =	shalt  }
0x52: {  	_ =	shalt  }
0x53: {  	_ =	shalt  }
0x54: {  	_ =	shalt  }
0x55: {  	_ =	shalt  }
0x56: {  	_ =	shalt  }
0x57: {  	_ =	shalt  }
0x58: {  	_ =	shalt  }
0x59: {  	_ =	shalt  }
0x5a: {  	_ =	shalt  }
0x5b: {  	_ =	shalt  }
0x5c: {  	_ =	shalt  }
0x5d: {  	_ =	shalt  }
0x5e: {  	_ =	shalt  }
0x5f: {  	_ =	shalt  }
0x60: {  	_ =	shalt  }
0x61: {  	_ =	shalt  }
0x62: {  	_ =	shalt  }
0x63: {  	_ =	shalt  }
0x64: {  	_ =	shalt  }
0x65: {  	_ =	shalt  }
0x66: {  	_ =	shalt  }
0x67: {  	_ =	shalt  }
0x68: {  	_ =	shalt  }
0x69: {  	_ =	shalt  }
0x6a: {  	_ =	shalt  }
0x6b: {  	_ =	shalt  }
0x6c: {  	_ =	shalt  }
0x6d: {  	_ =	shalt  }
0x6e: {  	_ =	shalt  }
0x6f: {  	_ =	shalt  }
0x70: {  	_ =	shalt  }
0x71: {  	_ =	shalt  }
0x72: {  	_ =	shalt  }
0x73: {  	_ =	shalt  }
0x74: {  	_ =	shalt  }
0x75: {  	_ =	shalt  }
0x76: {  	_ =	shalt  }
0x77: {  	_ =	shalt  }
0x78: {  	_ =	shalt  }
0x79: {  	_ =	shalt  }
0x7a: {  	_ =	shalt  }
0x7b: {  	_ =	shalt  }
0x7c: {  	_ =	shalt  }
0x7d: {  	_ =	shalt  }
0x7e: {  	_ =	shalt  }
0x7f: {  	_ =	shalt  }
0x80: {  	_ =	shalt  }
0x81: {  	_ =	shalt  }
0x82: {  	_ =	shalt  }
0x83: {  	_ =	shalt  }
0x84: {  	_ =	shalt  }
0x85: {  	_ =	shalt  }
0x86: {  	_ =	shalt  }
0x87: {  	_ =	shalt  }
.Lfunc_end0:
.L_simem_size_0:
called_computation.1_lowered:
.L_overlay_start_0:
0x88: {  	s0 =	sld [smem:$0x3FD9]  }
0x89: {  	s1 =	sld [smem:$0x3FFE];
	_ =	sdelay $0x3  }
0x8a: {  	s0 =	sadd.s32 s1, s0  }
0x8b: {  	[smem:$0x3FBC] =	sst s0  }
0x8c: {  	_ = 	snop  }
0x8d: {  	(tm) =	ssettm $0x1  }
0x8e: {  	s15 =	sld [smem:$0x3FFB];
	_ =	sdelay $0x3  }
0x8f: {  	_ =	strace s15  }
0x90: {  	s0 =	sld [smem:$0x3FFC];
	_ =	sdelay $0x3  }
0x91: {  	_ =	strace s0  }
0x92: {  	s0 =	sld [smem:$0x3FFD];
	_ =	sdelay $0x3  }
0x93: {  	_ =	strace s0  }
0x94: {  	_ =	strace $0x8FFFFFFF  }
0x95: {  	s16 =	sld [smem:$0x3FDB];
	_ =	sdelay $0x1  }
0x96: {  	s17 =	simm.s32 $_scs_section_size  }
0x97: {  	s2 =	simm.s32 $_size__tile_overlayer_lowered;
	s3 =	simm.s32 $_tile_overlayer_lowered  }
0x98: {  	s20 =	simm.s32 $0x1BFF;
	s19 =	sshll.u32 s3, $0x1;
	s0 =	sadd.s32 s17, s16  }
0x99: {  	s4 =	simm.s32 $0x0;
	s18 =	sshll.u32 s2, $0x1;
	s2 =	sadd.s32 s19, s0  }
0x9a: {  	[timem:s4], [sflag:s20] =	dma.local [hbm:s2], s18  }
0x9b: {  	_ =	swait.ge [sflag:s20], s18  }
0x9c: {  	s1 =	ssub.s32 $0x0, s18;
	[sflag:s20] =	ssyncset.done $0x0  }
0x9d: {  	[sflag:s20] =	ssyncadd.s32 s1;
	_ =	sdelay $0x1  }
0x9e: {  	s21 =	simm.s32 $0x1B8B  }
0x9f: {  	_ =	swait.ge [sflag:s21], $0x1  }
0xa0: {  	[sflag:s21] =	ssyncset.done $0x0  }
0xa1: {  	s23 =	simm.s32 $0x1B8E;
	s22 =	sld [smem:$0x3FFE];
	[sflag:s21] =	ssyncadd.s32 $0xFFFFFFFF  }
0xa2: {  	s24 =	simm.s32 $execute0_lowered;
	[smem:$0x3FD2] =	sst s23  }
0xa3: {  	s2 =	sshll.u32 s24, $0x1;
	_ =	strace $0x80000053;
	[dreg:$0x1] =	wrdreg $0xFFFFFFFF  }
0xa4: {  	s25 =	simm.s32 $_size_execute0_lowered;
	s0 =	sadd.s32 s0, s2;
	[dreg:$0x0] =	wrdreg $0x0  }
0xa5: {  	s2 =	sshll.u32 s25, $0x1;
	[dreg:$0x2] =	wrdreg s0  }
0xa6: {  	[dreg:$0x3] =	wrdreg s2  }
0xa7: {  	[dreg:$0x4] =	wrdreg $0xC0  }
0xa8: {  	_ =	task [dreg:s4], $0x5FFFF  }
0xa9: {  	[dreg:$0x1] =	wrdreg $0xFFFFFFFF  }
0xaa: {  	[dreg:$0x0] =	wrdreg $0x60  }
0xab: {  	[dreg:$0x2] =	wrdreg s22  }
0xac: {  	[dreg:$0x3] =	wrdreg $0x9  }
0xad: {  	_ =	task.clear_ibuf [dreg:s4], $0x4FFFF;
	_ =	strace $0x90000053  }
0xae: {  	s26 =	simm.s32 $0x9;
	_ =	strace $0x80000055  }
0xaf: {  	_ =	swait.ge [sflag:s26], $0x1  }
0xb0: {  	[sflag:s26] =	ssyncadd.s32 $0xFFFFFFFF  }
0xb1: {  	_ =	strace $0x90000055  }
0xb2: {  	_ =	sfence  }
0xb3: {  	s28 =	sld [smem:$0x0];
	_ =	sdelay $0x1  }
0xb4: {  	s29 =	srdreg.scid  }
0xb5: {  	s30 =	sshll.u32 s29, $0xD;
	s31 =	sshrl.u32 s29, $0x2  }
0xb6: {  	s1 =	sand.u32 $0x1, s29;
	s2 =	sand.u32 $0x4000, s30;
	s0 =	sadd.s32 s31, s28  }
0xb7: {  	s1 =	sor.u32 s2, s1;
	s0 =	sshll.u32 s0, $0x11  }
0xb8: {  	s0 =	sor.u32 s0, s1  }
0xb9: {  	s0 =	sadd.s32 $0x8F2B, s0  }
0xba: {  	[sflag:s0] =	ssyncadd.remote.s32 $0x1  }
0xbb: {  	_ =	sfence.sel $0xFFFF  }
0xbc: {  	[dreg:$0x0] =	wrdreg $0xFFFFFFFF;
	(pc) =	sbr.abs _section_cstart, $3  }
0xbd: {  	[dreg:$0x1] =	wrdreg $0xFFFFFFFF  }
0xbe: {  	_ =	task.clear_ibuf [dreg:s4], $0x2FFFF;
	_ =	strace $0x9FFFFFFF  }
0xbf: {  	(tm) =	ssettm $0x7FFFFFFF  }
tec
execute0_lowered:
.L_overlay_start_1:
0x0: {  	(tag) =	ssettag $0x1  }
0x1: {  	s0 =	rddreg [dreg:$0x0];
	_ =	strace $0x80000054;
	s1 =	simm.s32 $0x1  }
0x2: {  	s8 =	simm.s32 $0x108;
	v0 =	vimm.s32 $0x0;
	[sflag:s1] =	ssyncpa.u1 $0x0  }
0x3: {  	[tilespmem:s8+$0x70] =	vst v0  }
0x4: {  	[tilespmem:s8+$0x60] =	vst v0  }
0x5: {  	[tilespmem:s8+$0x50] =	vst v0  }
0x6: {  	[tilespmem:s8+$0x40] =	vst v0  }
0x7: {  	[tilespmem:s8+$0x30] =	vst v0  }
0x8: {  	s1 =	sadd.s32 $0x1427A00, s0;
	s3 =	sadd.s32 $0xA3BE00, s0;
	[tilespmem:s8+$0x20] =	vst v0  }
0x9: {  	s2 =	simm.s32 $0x40;
	s4 =	sadd.s32 $0x50200, s0;
	s5 =	sadd.s32 $0xA4FC00, s0;
	[tilespmem:s8+$0x10] =	vst v0  }
.LBB2_1:
0xa: {  	s2 =	sadd.s32 $0x40, s2;
	[tilespmem:s8+$0x0] =	vst v0;
	s8 =	sadd.s32 $0x80, s8  }
0xb: {  	p0 =	slt.u32 s2, $0x3C40;
	[tilespmem:s8+$0x70] =	vst v0  }
0xc: {  	[tilespmem:s8+$0x60] =	vst v0  }
.Ltmp0:
0xd: {  	[tilespmem:s8+$0x50] =	vst v0;
	(pc) =	sbr.rel @p0 .LBB2_1-.Ltmp0, $4  }
0xe: {  	[tilespmem:s8+$0x40] =	vst v0  }
0xf: {  	[tilespmem:s8+$0x30] =	vst v0  }
0x10: {  	[tilespmem:s8+$0x20] =	vst v0  }
0x11: {  	[tilespmem:s8+$0x10] =	vst v0  }
0x12: {  	s13 =	stileid.u32  }
0x13: {  	s0 =	smul.u32 $0xA9, s13  }
0x14: {  	s2 =	smin.u32 s13, $0x5  }
0x15: {  	s0 =	sadd.s32 s2, s0  }
0x16: {  	p0 =	slt.u32 s13, $0x5;
	s6 =	smul.u32 $0xF0, s0;
	s0 =	simm.s32 $0x9F60  }
0x17: {  	s0 =	simm.s32 @!p0 $0x9E70  }
0x18: {  	s0 =	sadd.s32 s0, s6  }
0x19: {  	s7 =	smin.u32 s0, $0x9EB10  }
0x1a: {  	s0 =	ssub.s32 s7, s6  }
0x1b: {  	p0 =	sgt.s32 s0, $0x0  }
0x1c: {  	s0 =	simm.s32 @!p0 $0x0  }
0x1d: {  	s31 =	smulhi.u32 $0x88888889, s0  }
0x1e: {  	s30 =	simm.s32 $0x2;
	s9 =	simm.s32 $0x7;
	s10 =	simm.s32 $0x8  }
0x1f: {  	s19 =	simm.s32 $0x0;
	s15 =	simm.s32 $0xA;
	s2 =	sshrl.u32 s31, $0x7  }
0x20: {  	s17 =	simm.s32 $0x0;
	s18 =	simm.s32 $0x0;
	s11 =	smul.u32 $0xF0, s2  }
.Ltmp1:
0x21: {  	[tilespmem:s8+$0x0] =	vst v0;
	v0 =	vimm.s32 $0xFFFFFFFF;
	[sflag:s30] =	ssyncpa.u1 $0x0;
	s13 =	sshll.u32 s13, $0x8;
	(pc) =	sbr.rel .LBB2_3-.Ltmp1, $4  }
0x22: {  	[tilespmem:$0xF208] =	vst v0;
	[sflag:s9] =	ssyncpa.u1 $0x0;
	p0 =	sne.s32 s0, s11;
	s0 =	simm.s32 $0x1  }
0x23: {  	[sflag:s10] =	ssyncpa.u1 $0x0;
	s10 =	simm.s32 $0x9;
	s0 =	simm.s32 @!p0 $0x0  }
0x24: {  	[sflag:s10] =	ssyncpa.u1 $0x0;
	s16 =	smov.u32 s6;
	s12 =	sadd.s32 s0, s2  }
0x25: {  	v0 =	vlaneseq.u32;
	s11 =	simm.s32 $0x1;
	p0 =	por $0x0, $0x0;
	s14 =	sadd.s32 $0x1, s12  }
.LBB2_18:
0x26: {  	s0 =	sshrl.u32 s28, $0x2  }
.LBB2_20:
0x27: {  	_ =	swait.ge [sflag:s15], s0  }
0x28: {  	s31 =	ssub.s32 $0x0, s0;
	v1 =	vmov s21;
	vm0 =	veq.s32 v0, $0x0;
	[sflag:s15] =	ssyncset.done $0x0  }
0x29: {  	vm15 =	veq.s32 v0, $0x2;
	v1 =	vsel vm0, s26, v1;
	[sflag:s15] =	ssyncadd.s32 s31  }
0x2a: {  	v1 =	vsel vm15, s19, v1;
	[sflag:s15] =	ssyncpa.u1 $0x1  }
0x2b: {  	[tilespmem:$0xF208] =	vst v1  }
.LBB2_21:
0x2c: {  	s0 =	sadd.s32 $0xF0, s16  }
0x2d: {  	s2 =	smov.u32 s6;
	p1 =	slt.s32 s0, s7  }
0x2e: {  	s2 =	smov.u32 @p1 s0;
	p1 =	sne.s32 s18, s14  }
.Ltmp2:
0x2f: {  	_ = 	snop;
	(pc) =	sbr.rel @!p1 .LBB2_22-.Ltmp2, $3  }
0x30: {  	_ =	sdelay $0x1  }
0x31: {  	s19 =	smov.u32 s17;
	s31 =	sadd.s32 $0x1, s18;
	s17 =	smov.u32 s16  }
0x32: {  	p0 =	por !p0, !p0;
	s18 =	smov.u32 s31;
	s16 =	smov.u32 s2  }
.LBB2_3:
0x33: {  	p1 =	sge.u32 s18, s12  }
0x34: {  	s0 =	smulhi.u32 @!p1 $0xAAAAAAAB, s18  }
0x35: {  	s2 =	smov.u32 s16;
	p2 =	sgt.s32 @!p1 s16, $0x9EA20  }
0x36: {  	s20 =	sshra.s32 @!p1 s16, $0x1F;
	p2 =	por !p2, p1;
	s0 =	sshrl.u32 @!p1 s0, $0x1  }
0x37: {  	s20 =	sand.u32 @!p1 s20, s16;
	s2 =	simm.s32 @p2 $0x9EA20;
	s0 =	smul.u32 @!p1 $0x3, s0  }
0x38: {  	s2 =	ssub.s32 @!p1 s2, s20  }
0x39: {  	s2 =	sadd.s32 @!p1 $0xFFF615E0, s2;
	s0 =	ssub.s32 @!p1 s18, s0  }
0x3a: {  	s20 =	sshll.u32 @!p1 s2, $0x2;
	p2 =	sgt.s32 @!p1 s2, $0xEF;
	s0 =	smul.u32 @!p1 $0x3C0, s0  }
0x3b: {  	s21 =	sand.u32 @!p1 $0x7, s16;
	s2 =	ssub.s32 @!p1 $0x3C0, s20;
	p2 =	por !p2, p1  }
0x3c: {  	s20 =	sshrl.u32 @!p1 s16, $0x3;
	s2 =	sshrl.u32 @!p1 s2, $0x2;
	s0 =	sshrl.u32 @!p1 s0, $0x2  }
0x3d: {  	s20 =	sadd.s32 @!p1 s5, s20;
	s2 =	simm.s32 @!p2 $0x0;
	s0 =	sadd.s32 @!p1 $0x10238, s0  }
0x3e: {  	[tilespmem:s0], [sflag:$0x8] =	stream.linear.gather @!p1 [hbm4b:s20+s21], s2, $0x38;
	[tilespmem:$0x1F6E8] =	vst v63  }
0x3f: {  	s0 =	sadd.s32 $0xFFFFFFFF, s18  }
0x40: {  	p1 =	sge.u32 s0, s12  }
0x41: {  	p2 =	sgt.s32 @!p1 s17, $0x9EA20  }
0x42: {  	s2 =	smov.u32 s17;
	s20 =	sshra.s32 @!p1 s17, $0x1F;
	p2 =	por !p2, p1  }
0x43: {  	s20 =	sand.u32 @!p1 s20, s17;
	s2 =	simm.s32 @p2 $0x9EA20  }
0x44: {  	s2 =	ssub.s32 @!p1 s2, s20  }
0x45: {  	s2 =	sadd.s32 @!p1 $0xFFF615E0, s2  }
0x46: {  	s21 =	sand.u32 @!p1 $0x1, s0;
	s20 =	sshll.u32 @!p1 s2, $0x2  }
0x47: {  	p2 =	sgt.s32 @!p1 s2, $0xEF;
	s2 =	ssub.s32 @!p1 $0x3C0, s20;
	s20 =	smulhi.u32 @!p1 $0xAAAAAAAB, s0  }
0x48: {  	s23 =	smul.u32 @!p1 $0x3C0, s21;
	p2 =	por !p2, p1;
	s2 =	sshrl.u32 @!p1 s2, $0x2  }
0x49: {  	s22 =	simm.s32 @!p1 $0x8;
	s2 =	simm.s32 @!p2 $0x0;
	s20 =	sshrl.u32 @!p1 s20, $0x1  }
0x4a: {  	s23 =	sshrl.u32 @!p1 s23, $0x2;
	_ =	swait.ge @!p1 [sflag:s22], s2;
	s20 =	smul.u32 @!p1 $0x3, s20  }
0x4b: {  	s23 =	sor.u32 @!p1 $0x10508, s23;
	s24 =	ssub.s32 @!p1 $0x0, s2;
	[sflag:s22] =	ssyncset.done @!p1 $0x0  }
0x4c: {  	[sflag:s22] =	ssyncadd.s32 @!p1 s24;
	s22 =	sshrl.u32 @!p1 s17, $0x3;
	s0 =	ssub.s32 @!p1 s0, s20  }
0x4d: {  	s24 =	sand.u32 @!p1 $0x7, s17;
	s22 =	sadd.s32 @!p1 s3, s22;
	s0 =	smul.u32 @!p1 $0x3C0, s0  }
0x4e: {  	[tilespmem:s23], [sflag:$0x9] =	stream.linear.gather @!p1 [hbm4b:s22+s24], s2, $0x38;
	[tilespmem:$0x1F6E8] =	vst v63  }
0x4f: {  	s20 =	ssub.s32 @!p1 $0x9EB10, s17;
	s2 =	smul.u32 @!p1 $0x1E000, s21  }
0x50: {  	p2 =	slt.s32 @!p1 s20, $0xF0  }
0x51: {  	p2 =	por !p2, p1;
	s0 =	sshrl.u32 @!p1 s0, $0x2;
	s2 =	sshrl.u32 @!p1 s2, $0x2  }
0x52: {  	s20 =	simm.s32 @p2 $0xF0;
	s0 =	sadd.s32 @!p1 $0x10238, s0;
	s2 =	sor.u32 @!p1 $0x106E8, s2  }
0x53: {  	[tilespmem:s2], [sflag:$0x7] =	stream.indirect.gather @!p1 [hbm4b:s4+s20], $0x80, s0, s20, $0xb8;
	[tilespmem:$0x1F6E8] =	vst v63  }
0x54: {  	p1 =	slt.u32 s18, $0x2  }
.Ltmp3:
0x55: {  	_ = 	snop;
	(pc) =	sbr.rel @p1 .LBB2_21-.Ltmp3, $1  }
0x56: {  	_ =	sdelay $0x3  }
0x57: {  	p1 =	sgt.s32 s19, $0x9EA20;
	s0 =	smov.u32 s19  }
0x58: {  	s2 =	sshra.s32 s19, $0x1F;
	s20 =	ssub.s32 $0x9EB10, s19;
	s0 =	simm.s32 @!p1 $0x9EA20  }
0x59: {  	s2 =	sand.u32 s2, s19;
	p1 =	slt.s32 s20, $0xF0;
	s21 =	smov.u32 s20  }
0x5a: {  	s0 =	ssub.s32 s0, s2;
	s21 =	simm.s32 @!p1 $0xF0  }
0x5b: {  	s0 =	sadd.s32 $0xFFF615E0, s0;
	s28 =	sshll.u32 s21, $0x7  }
0x5c: {  	s29 =	sshll.u32 s0, $0x2;
	s2 =	sand.u32 $0x3FFFFF80, s28  }
0x5d: {  	p1 =	sgt.s32 s0, $0xEF;
	s30 =	ssub.s32 $0x3C0, s29;
	_ =	swait.ge [sflag:s9], s2  }
0x5e: {  	s2 =	ssub.s32 $0x0, s2;
	[sflag:s9] =	ssyncset.done $0x0;
	s0 =	sshrl.u32 s30, $0x2  }
0x5f: {  	[sflag:s9] =	ssyncadd.s32 s2;
	s0 =	simm.s32 @p1 $0x0  }
0x60: {  	_ =	swait.ge [sflag:s10], s0  }
0x61: {  	s0 =	ssub.s32 $0x0, s0;
	[sflag:s10] =	ssyncset.done $0x0  }
0x62: {  	[sflag:s10] =	ssyncadd.s32 s0  }
0x63: {  	v1 =	vld [tilespmem:$0xF208];
	_ =	sdelay $0x4  }
0x64: {  	(v2sf) =	vpush v1, $0x0  }
0x65: {  	(v2sf) =	vpush v1, $0x1  }
0x66: {  	(v2sf) =	vpush v1, $0x2;
	_ =	sdelay $0x3  }
0x67: {  	s0 =	sadd.s32 $0xF0, s19  }
0x68: {  	p1 =	slt.s32 s7, s0  }
0x69: {  	s0 =	smov.u32 @p1 s7;
	p1 =	sgt.s32 s20, $0x0  }
0x6a: {  	s23 =	ssub.s32 s0, s19;
	s20 =	simm.s32 @!p1 $0x0  }
0x6b: {  	p1 =	slt.s32 s20, s23  }
0x6c: {  	s23 =	smov.u32 @p1 s20  }
0x6d: {  	s22 =	simm.s32 $0x1;
	p1 =	slt.s32 s23, $0x1  }
.Ltmp4:
0x6e: {  	s22 =	simm.s32 @!p0 $0x0;
	(pc) =	sbr.rel @p1 .LBB2_8-.Ltmp4, $4  }
0x6f: {  	s31 =	smul.u32 $0x3C0, s22  }
0x70: {  	s24 =	spop (v2sf)  }
0x71: {  	s0 =	sshrl.u32 s31, $0x2;
	s26 =	spop (v2sf)  }
0x72: {  	s20 =	sor.u32 $0x10508, s0;
	s19 =	spop (v2sf)  }
0x73: {  	s0 =	smin.u32 s23, $0x10  }
0x74: {  	v1 =	vmov s0  }
0x75: {  	p2 =	sgt.s32 s23, $0x10;
	vm1 =	vgt.u32 v1, v0  }
.Ltmp5:
0x76: {  	_ = 	snop;
	(pc) =	sbr.rel @!p2 .LBB2_7-.Ltmp5, $2  }
0x77: {  	_ =	sdelay $0x2  }
0x78: {  	s25 =	simm.s32 $0x10;
	s28 =	sadd.s32 $0xFFFFFFF0, s23;
	s21 =	smov.u32 s20;
	vm0 =	vmmov vm1  }
.LBB2_6:
0x79: {  	s0 =	smin.u32 s28, $0x10;
	s25 =	sadd.s32 $0x10, s25;
	v1 =	vld.msk [tilespmem:s21+$0x0 ss:$0x1], vm1  }
0x7a: {  	v2 =	vmov s0;
	p2 =	slt.s32 s25, s23  }
0x7b: {  	vm1 =	vgt.u32 v2, v0  }
.Ltmp6:
0x7c: {  	(pc) =	sbr.rel @p2 .LBB2_6-.Ltmp6, $3  }
0x7d: {  	_ =	sdelay $0x1  }
0x7e: {  	v1 =	vshll.u32 v1, $0x4  }
0x7f: {  	s28 =	sadd.s32 $0xFFFFFFF0, s28;
	[tilespmem:s21+$0x0] =	vst.msk vm0, v1;
	s21 =	sadd.s32 $0x10, s21;
	vm0 =	vmmov vm1  }
.LBB2_7:
0x80: {  	_ =	sdelay $0x4  }
0x81: {  	v1 =	vld.msk [tilespmem:s21+$0x0 ss:$0x1], vm1;
	_ =	sdelay $0x4  }
0x82: {  	v1 =	vshll.u32 v1, $0x4  }
0x83: {  	[tilespmem:s21+$0x0] =	vst.msk vm0, v1  }
.LBB2_8:
0x84: {  	s0 =	sand.u32 $0x1, s18  }
0x85: {  	s0 =	smul.u32 $0xF0, s0  }
0x86: {  	p2 =	sne.s32 s26, $0xFFFFFFFF  }
0x87: {  	v1 =	vld.msk @!p2 [tilespmem:s0+$0x10508], $0x1;
	_ =	sdelay $0x4  }
0x88: {  	(v2sf) =	vpush @!p2 v1, $0x0;
	_ =	sdelay $0xc  }
.Ltmp7:
0x89: {  	_ = 	snop;
	(pc) =	sbr.rel @p1 .LBB2_19-.Ltmp7, $4  }
0x8a: {  	_ = 	snop  }
0x8b: {  	s25 =	spop @!p2 (v2sf)  }
0x8c: {  	s19 =	simm.s32 @!p2 $0x0;
	s21 =	smov.u32 s25  }
0x8d: {  	[sflag:s15] =	ssyncpa.u1 $0x0;
	s25 =	smov.u32 @p2 s24;
	s21 =	smov.u32 @p2 s26  }
0x8e: {  	v1 =	vld.msk [tilespmem:s20+$0x0], $0x1;
	_ =	sdelay $0x4  }
0x8f: {  	(v2sf) =	vpush v1, $0x0;
	_ =	sdelay $0xe  }
0x90: {  	s0 =	smul.u32 $0x1E000, s22;
	s29 =	spop (v2sf)  }
0x91: {  	s23 =	ssub.s32 $0x0, s23;
	p1 =	seq.s32 s25, s29  }
0x92: {  	s26 =	sadd.s32 $0x1, s23;
	s0 =	sshrl.u32 s0, $0x2;
	p2 =	sgt.s32 @!p1 s25, $0x0  }
0x93: {  	s22 =	sor.u32 $0x10728, s0;
	s0 =	smov.u32 s25;
	p2 =	por !p2, p1  }
0x94: {  	s0 =	simm.s32 @p2 $0x0;
	p2 =	seq.s32 s26, $0x0  }
.Ltmp8:
0x95: {  	_ = 	snop;
	(pc) =	sbr.rel @p2 .LBB2_11-.Ltmp8, $4  }
0x96: {  	_ = 	snop  }
0x97: {  	s24 =	simm.s32 $0x0;
	s28 =	sadd.s32 $0x1, s20;
	s0 =	smin.u32 @!p1 s0, $0x270F0  }
0x98: {  	s30 =	simm.s32 @!p1 $0x1;
	s31 =	simm.s32 @!p1 $0x7988;
	s2 =	sand.u32 @!p1 $0x3FFF8, s0  }
0x99: {  	s30 =	smov.u32 @p1 s24;
	s0 =	sand.u32 @!p1 $0x7, s0;
	s2 =	sadd.s32 @!p1 s1, s2  }
.LBB2_10:
0x9a: {  	s8 =	smov.u32 s30  }
0x9b: {  	[tilespmem:s31], [sflag:$0x2] =	stream.linear.gather @!p1 [hbm4b:s2+s0], $0x80, $0x38;
	[tilespmem:$0x1F6E8] =	vst v63  }
0x9c: {  	s26 =	sadd.s32 $0x1, s26;
	s0 =	smov.u32 s29;
	v1 =	vld.msk [tilespmem:s28+$0x0], $0x1  }
0x9d: {  	p2 =	seq.s32 s26, $0x0;
	_ =	sdelay $0x3  }
0x9e: {  	(v2sf) =	vpush v1, $0x0;
	_ =	sdelay $0xe  }
0x9f: {  	s29 =	spop (v2sf)  }
0xa0: {  	p1 =	seq.s32 s0, s29  }
0xa1: {  	p3 =	sgt.s32 @!p1 s0, $0x0;
	s2 =	sshll.u32 @!p1 s30, $0x9;
	s30 =	sadd.s32 @!p1 $0x1, s30  }
.Ltmp9:
0xa2: {  	p3 =	por !p3, p1;
	s2 =	sshra.s32 @!p1 s2, $0x2;
	(pc) =	sbr.rel @!p2 .LBB2_10-.Ltmp9, $4  }
0xa3: {  	s30 =	smov.u32 @p1 s8;
	s0 =	simm.s32 @p3 $0x0;
	s31 =	sadd.s32 @!p1 $0x7988, s2  }
0xa4: {  	s0 =	smin.u32 @!p1 s0, $0x270F0  }
0xa5: {  	s2 =	sand.u32 @!p1 $0x3FFF8, s0;
	s0 =	sand.u32 @!p1 $0x7, s0  }
0xa6: {  	s28 =	sadd.s32 $0x1, s28;
	s2 =	sadd.s32 @!p1 s1, s2  }
.LBB2_11:
0xa7: {  	[tilespmem:s31], [sflag:$0x2] =	stream.linear.gather @!p1 [hbm4b:s2+s0], $0x80, $0x38;
	[tilespmem:$0x1F6E8] =	vst v63  }
.Ltmp10:
0xa8: {  	s30 =	sshll.u32 s30, $0x7;
	(pc) =	sbr.rel .LBB2_12-.Ltmp10, $4  }
0xa9: {  	s31 =	simm.s32 $0x2;
	s0 =	sand.u32 $0x3FFFFF80, s30  }
0xaa: {  	_ =	swait.ge [sflag:s31], s0  }
0xab: {  	s0 =	ssub.s32 $0x0, s0;
	[sflag:s31] =	ssyncset.done $0x0  }
0xac: {  	s28 =	simm.s32 $0x0;
	[sflag:s31] =	ssyncadd.s32 s0  }
.LBB2_13:
0xad: {  	v1 =	vld [tilespmem:s22+$0xFFFFFFC0];
	_ =	sdelay $0x3  }
0xae: {  	s0 =	sshra.s32 s0, $0x2  }
0xaf: {  	[tilespmem:s0+$0x108] =	vst.add.f32.msk $0xffff, v1  }
0xb0: {  	v1 =	vld [tilespmem:s22+$0xFFFFFFD0];
	_ =	sdelay $0x4  }
0xb1: {  	[tilespmem:s0+$0x118] =	vst.add.f32.msk $0xffff, v1  }
0xb2: {  	v1 =	vld [tilespmem:s22+$0xFFFFFFE0];
	_ =	sdelay $0x4  }
0xb3: {  	[tilespmem:s0+$0x128] =	vst.add.f32.msk $0xffff, v1  }
0xb4: {  	v1 =	vld [tilespmem:s22+$0xFFFFFFF0];
	_ =	sdelay $0x4  }
0xb5: {  	[tilespmem:s0+$0x138] =	vst.add.f32.msk $0xffff, v1  }
0xb6: {  	v1 =	vld [tilespmem:s22+$0x0];
	_ =	sdelay $0x4  }
0xb7: {  	[tilespmem:s0+$0x148] =	vst.add.f32.msk $0xffff, v1  }
0xb8: {  	v1 =	vld [tilespmem:s22+$0x10];
	_ =	sdelay $0x4  }
0xb9: {  	[tilespmem:s0+$0x158] =	vst.add.f32.msk $0xffff, v1  }
0xba: {  	v1 =	vld [tilespmem:s22+$0x20];
	_ =	sdelay $0x4  }
0xbb: {  	[tilespmem:s0+$0x168] =	vst.add.f32.msk $0xffff, v1  }
0xbc: {  	v1 =	vld [tilespmem:s22+$0x30];
	_ =	sdelay $0x4  }
0xbd: {  	[tilespmem:s0+$0x178] =	vst.add.f32.msk $0xffff, v1  }
.LBB2_17:
0xbe: {  	s23 =	sadd.s32 $0x1, s23  }
0xbf: {  	p1 =	seq.s32 s23, $0x0  }
.Ltmp11:
0xc0: {  	_ = 	snop;
	(pc) =	sbr.rel @p1 .LBB2_18-.Ltmp11, $2  }
0xc1: {  	_ =	sdelay $0x2  }
0xc2: {  	s20 =	sadd.s32 $0x1, s20;
	s22 =	sadd.s32 $0x80, s22;
	s25 =	smov.u32 s26  }
.LBB2_12:
0xc3: {  	v1 =	vld.msk [tilespmem:s20+$0x0], $0x1;
	_ =	sdelay $0x4  }
0xc4: {  	(v2sf) =	vpush v1, $0x0;
	_ =	sdelay $0xe  }
0xc5: {  	s26 =	spop (v2sf)  }
0xc6: {  	p1 =	sne.s32 s25, s26  }
.Ltmp12:
0xc7: {  	_ = 	snop;
	(pc) =	sbr.rel @!p1 .LBB2_13-.Ltmp12, $2  }
0xc8: {  	_ =	sdelay $0x2  }
0xc9: {  	s0 =	sshll.u32 s19, $0x9  }
0xca: {  	p1 =	seq.s32 s25, s21  }
.Ltmp13:
0xcb: {  	_ = 	snop;
	(pc) =	sbr.rel @!p1 .LBB2_15-.Ltmp13, $1  }
0xcc: {  	_ =	sdelay $0x3  }
0xcd: {  	s0 =	sshra.s32 s0, $0x2  }
.Ltmp14:
0xce: {  	s0 =	sadd.s32 $0x108, s0;
	(pc) =	sbr.rel .LBB2_16-.Ltmp14, $4  }
0xcf: {  	[spmem:s13] =	stream.linear.scatter [tilespmem:s0], [sflag:$0x1], $0x80, $0x38;
	[tilespmem:$0x1F6E8] =	vst v63  }
0xd0: {  	_ =	swait.ge [sflag:s11], $0x80  }
0xd1: {  	[sflag:s11] =	ssyncset.done $0x0  }
0xd2: {  	[sflag:s11] =	ssyncadd.s32 $0xFFFFFF80  }
.LBB2_15:
0xd3: {  	s2 =	sshll.u32 s24, $0x9  }
0xd4: {  	s2 =	sshra.s32 s2, $0x2  }
0xd5: {  	v1 =	vld [tilespmem:s2+$0x7988];
	_ =	sdelay $0x3  }
0xd6: {  	s0 =	sshra.s32 s0, $0x2  }
0xd7: {  	[tilespmem:s0+$0x108] =	vst.add.f32.msk $0xffff, v1  }
0xd8: {  	v1 =	vld [tilespmem:s2+$0x7998];
	_ =	sdelay $0x4  }
0xd9: {  	[tilespmem:s0+$0x118] =	vst.add.f32.msk $0xffff, v1  }
0xda: {  	v1 =	vld [tilespmem:s2+$0x79A8];
	_ =	sdelay $0x4  }
0xdb: {  	[tilespmem:s0+$0x128] =	vst.add.f32.msk $0xffff, v1  }
0xdc: {  	v1 =	vld [tilespmem:s2+$0x79B8];
	_ =	sdelay $0x4  }
0xdd: {  	[tilespmem:s0+$0x138] =	vst.add.f32.msk $0xffff, v1  }
0xde: {  	v1 =	vld [tilespmem:s2+$0x79C8];
	_ =	sdelay $0x4  }
0xdf: {  	[tilespmem:s0+$0x148] =	vst.add.f32.msk $0xffff, v1  }
0xe0: {  	v1 =	vld [tilespmem:s2+$0x79D8];
	_ =	sdelay $0x4  }
0xe1: {  	[tilespmem:s0+$0x158] =	vst.add.f32.msk $0xffff, v1  }
0xe2: {  	v1 =	vld [tilespmem:s2+$0x79E8];
	_ =	sdelay $0x4  }
0xe3: {  	[tilespmem:s0+$0x168] =	vst.add.f32.msk $0xffff, v1  }
0xe4: {  	v1 =	vld [tilespmem:s2+$0x79F8];
	_ =	sdelay $0x2  }
0xe5: {  	p1 =	sgt.u32 s25, $0x270F0  }
0xe6: {  	s2 =	sand.u32 @!p1 $0x3FFF8, s25  }
0xe7: {  	s8 =	sadd.s32 $0x108, s0;
	[tilespmem:s0+$0x178] =	vst.add.f32.msk $0xffff, v1;
	s0 =	sadd.s32 @!p1 s1, s2;
	s2 =	sand.u32 @!p1 $0x7, s25  }
0xe8: {  	[hbm4b:s0+s2] =	stream.linear.scatter @!p1 [tilespmem:s8], [sflag:$0xA], $0x80, $0x38;
	[tilespmem:$0x1F6E8] =	vst v63  }
0xe9: {  	s0 =	simm.s32 $0x0  }
0xea: {  	s0 =	simm.s32 @!p1 $0x200  }
0xeb: {  	s28 =	sadd.s32 s0, s28  }
.LBB2_16:
0xec: {  	s0 =	sadd.s32 $0x1, s19  }
0xed: {  	s2 =	smulhi.u32 $0x88888889, s0;
	_ =	sdelay $0x1  }
0xee: {  	v1 =	vld [tilespmem:s22+$0xFFFFFFC0];
	s2 =	sshrl.u32 s2, $0x7  }
0xef: {  	s2 =	smul.u32 $0xF0, s2;
	_ =	sdelay $0x1  }
0xf0: {  	s19 =	ssub.s32 s0, s2  }
0xf1: {  	s0 =	sshll.u32 s19, $0x7  }
0xf2: {  	[tilespmem:s0+$0x108] =	vst v1  }
0xf3: {  	v1 =	vld [tilespmem:s22+$0xFFFFFFD0];
	_ =	sdelay $0x4  }
0xf4: {  	[tilespmem:s0+$0x118] =	vst v1  }
0xf5: {  	v1 =	vld [tilespmem:s22+$0xFFFFFFE0];
	_ =	sdelay $0x4  }
0xf6: {  	[tilespmem:s0+$0x128] =	vst v1  }
0xf7: {  	v1 =	vld [tilespmem:s22+$0xFFFFFFF0];
	_ =	sdelay $0x4  }
0xf8: {  	[tilespmem:s0+$0x138] =	vst v1  }
0xf9: {  	v1 =	vld [tilespmem:s22+$0x0];
	_ =	sdelay $0x4  }
0xfa: {  	[tilespmem:s0+$0x148] =	vst v1  }
0xfb: {  	v1 =	vld [tilespmem:s22+$0x10];
	_ =	sdelay $0x4  }
0xfc: {  	[tilespmem:s0+$0x158] =	vst v1  }
0xfd: {  	v1 =	vld [tilespmem:s22+$0x20];
	_ =	sdelay $0x4  }
0xfe: {  	[tilespmem:s0+$0x168] =	vst v1  }
0xff: {  	v1 =	vld [tilespmem:s22+$0x30]  }
.Ltmp15:
0x100: {  	_ = 	snop;
	(pc) =	sbr.rel .LBB2_17-.Ltmp15, $2  }
0x101: {  	_ =	sdelay $0x2  }
0x102: {  	s24 =	sadd.s32 $0x1, s24;
	[tilespmem:s0+$0x178] =	vst v1  }
.LBB2_19:
.Ltmp16:
0x103: {  	(pc) =	sbr.rel .LBB2_20-.Ltmp16, $4  }
0x104: {  	_ = 	snop  }
0x105: {  	s0 =	simm.s32 $0x2  }
0x106: {  	_ =	swait.ge [sflag:s0], $0x0  }
0x107: {  	s26 =	smov.u32 s25;
	[sflag:s0] =	ssyncset.done $0x0;
	s0 =	simm.s32 $0x0  }
.LBB2_22:
0x108: {  	_ =	sfence.sel $0x180000  }
0x109: {  	s0 =	simm.s32 $0x7;
	[bflag:$0x0] =	sbarrier.arrive $0xFFFF  }
0x10a: {  	s25 =	simm.s32 $0x8;
	[sflag:s0] =	ssyncpa.u1 $0x1  }
0x10b: {  	s26 =	simm.s32 $0x9;
	[sflag:s25] =	ssyncpa.u1 $0x1  }
0x10c: {  	s28 =	simm.s32 $0x2;
	[sflag:s26] =	ssyncpa.u1 $0x1  }
0x10d: {  	[sflag:s28] =	ssyncpa.u1 $0x1  }
0x10e: {  	v0 =	vld [tilespmem:$0xF208];
	_ =	sdelay $0x4  }
0x10f: {  	(v2sf) =	vpush v0, $0x0  }
0x110: {  	(v2sf) =	vpush v0, $0x1;
	_ =	sdelay $0x1  }
0x111: {  	(v2sf) =	vpush v0, $0x2;
	_ =	sdelay $0xb  }
0x112: {  	s0 =	spop (v2sf)  }
0x113: {  	s2 =	spop (v2sf)  }
0x114: {  	s3 =	smov.u32 s0;
	p0 =	sne.s32 s0, s2  }
0x115: {  	s4 =	spop (v2sf);
	s3 =	simm.s32 @!p0 $0xFFFFFFFF  }
0x116: {  	v2 =	vimm.s32 $0x1;
	v3 =	vlaneseq.u32;
	p0 =	seq.s32 s4, $0xFFFFFFFF;
	v1 =	vmov s3  }
0x117: {  	s7 =	stileid.u32;
	v0 =	vperm.xlane v0, v2;
	p1 =	sne.s32 @!p0 s0, s2;
	v1 =	vperm.xlane v1, v3  }
0x118: {  	vm0 =	vcmask $0x3F04;
	s6 =	simm.s32 $0xF208;
	s0 =	simm.s32 @!p0 $0x1;
	p1 =	por !p1, p0  }
0x119: {  	s3 =	sshll.u32 s7, $0x1;
	s2 =	sshll.u32 @!p0 s4, $0x9;
	s0 =	simm.s32 @p1 $0x0;
	v0 =	vsel vm0, v1, v0  }
0x11a: {  	s5 =	sor.u32 $0x1000, s3;
	s2 =	sshra.s32 @!p0 s2, $0x2;
	s0 =	sor.u32 @!p0 s0, s3;
	[tilespmem:$0xF208] =	vst v0  }
0x11b: {  	[spmem:s5] =	stream.linear.scatter [tilespmem:s6], [sflag:$0x1], $0x2, $0x38;
	[tilespmem:$0x1F6E8] =	vst v63  }
0x11c: {  	s2 =	sadd.s32 @!p0 $0x108, s2;
	s0 =	sshll.u32 @!p0 s0, $0x7  }
0x11d: {  	[spmem:s0] =	stream.linear.scatter @!p0 [tilespmem:s2], [sflag:$0x1], $0x80, $0x38;
	[tilespmem:$0x1F6E8] =	vst v63  }
0x11e: {  	s0 =	simm.s32 @!p0 $0x82  }
0x11f: {  	s3 =	simm.s32 $0x1;
	s0 =	simm.s32 @p0 $0x2  }
0x120: {  	_ =	swait.ge [sflag:s3], s0  }
0x121: {  	s0 =	ssub.s32 $0x0, s0;
	[sflag:s3] =	ssyncset.done $0x0  }
0x122: {  	[sflag:s3] =	ssyncadd.s32 s0  }
0x123: {  	_ =	sfence.stream.spmem  }
0x124: {  	s29 =	simm.s32 $0x3;
	[bflag:$0x0] =	sbarrier.arrive $0xFFFF  }
0x125: {  	s30 =	simm.s32 $0x4;
	[sflag:s29] =	ssyncpa.u1 $0x1  }
0x126: {  	s31 =	simm.s32 $0x3C;
	[sflag:s30] =	ssyncpa.u1 $0x1  }
0x127: {  	p0 =	sne.s32 s7, $0x0;
	[sflag:s31] =	ssyncpa.u1 $0x1  }
0x128: {  	_ =	sfence @p0  }
0x129: {  	[sflag:s3] =	ssyncpa.u1 @p0 $0x1  }
0x12a: {  	_ =	strace @p0 $0x90000054  }
0x12b: {  	[bflag:$0x2] =	sbarrier.arrive @p0 $0xFFFF  }
0x12c: {  	_ =	shalt @p0  }
.LBB2_23:
0x12d: {  	_ =	sfence.stream.spmem;
	s0 =	simm.s32 $0x5  }
0x12e: {  	s2 =	simm.s32 $0x1000;
	s3 =	simm.s32 $0xF218;
	[sflag:s0] =	ssyncpa.u1 $0x0  }
0x12f: {  	[tilespmem:s3], [sflag:$0x5] =	stream.linear.gather [spmem:s2], $0x20, $0x38;
	[tilespmem:$0x1F6E8] =	vst v63  }
0x130: {  	s30 =	simm.s32 $0xF238;
	s2 =	simm.s32 $0x0  }
0x131: {  	[tilespmem:s30], [sflag:$0x5] =	stream.linear.gather [spmem:s2], $0x1000, $0x38;
	[tilespmem:$0x1F6E8] =	vst v63  }
.Ltmp17:
0x132: {  	_ = 	snop;
	(pc) =	sbr.rel .LBB2_24-.Ltmp17, $4  }
0x133: {  	_ =	swait.ge [sflag:s0], $0x1020  }
0x134: {  	[sflag:s0] =	ssyncset.done $0x0  }
0x135: {  	s31 =	simm.s32 $0x6;
	[sflag:s0] =	ssyncadd.s32 $0xFFFFEFE0  }
0x136: {  	s3 =	simm.s32 $0x0;
	[sflag:s31] =	ssyncpa.u1 $0x0  }
.LBB2_30:
0x137: {  	p0 =	slt.u32 s4, $0x270F1  }
0x138: {  	s0 =	sand.u32 @p0 $0x3FFF8, s4  }
0x139: {  	s4 =	sand.u32 @p0 $0x7, s4;
	s5 =	simm.s32 @p0 $0xF188;
	s0 =	sadd.s32 @p0 s1, s0  }
0x13a: {  	[tilespmem:s5], [sflag:$0x6] =	stream.linear.gather @p0 [hbm4b:s0+s4], $0x80, $0x38;
	[tilespmem:$0x1F6E8] =	vst v63  }
0x13b: {  	s0 =	simm.s32 @p0 $0x6  }
0x13c: {  	_ =	swait.ge @p0 [sflag:s0], $0x80  }
0x13d: {  	[sflag:s0] =	ssyncset.done @p0 $0x0  }
0x13e: {  	[sflag:s0] =	ssyncadd.s32 @p0 $0xFFFFFF80  }
0x13f: {  	v1 =	vld @p0 [tilespmem:$0xF188];
	_ =	sdelay $0x2  }
0x140: {  	s0 =	sshll.u32 @p0 s3, $0x9  }
0x141: {  	s4 =	sshrl.u32 @p0 s0, $0x2  }
0x142: {  	[tilespmem:s4+$0xF238] =	vst.add.f32.msk @p0 $0xffff, v1  }
0x143: {  	v1 =	vld @p0 [tilespmem:$0xF198];
	_ =	sdelay $0x4  }
0x144: {  	[tilespmem:s4+$0xF248] =	vst.add.f32.msk @p0 $0xffff, v1  }
0x145: {  	v1 =	vld @p0 [tilespmem:$0xF1A8];
	_ =	sdelay $0x4  }
0x146: {  	[tilespmem:s4+$0xF258] =	vst.add.f32.msk @p0 $0xffff, v1  }
0x147: {  	v1 =	vld @p0 [tilespmem:$0xF1B8];
	_ =	sdelay $0x4  }
0x148: {  	[tilespmem:s4+$0xF268] =	vst.add.f32.msk @p0 $0xffff, v1  }
0x149: {  	v1 =	vld @p0 [tilespmem:$0xF1C8];
	_ =	sdelay $0x4  }
0x14a: {  	[tilespmem:s4+$0xF278] =	vst.add.f32.msk @p0 $0xffff, v1  }
0x14b: {  	v1 =	vld @p0 [tilespmem:$0xF1D8];
	_ =	sdelay $0x4  }
0x14c: {  	[tilespmem:s4+$0xF288] =	vst.add.f32.msk @p0 $0xffff, v1  }
0x14d: {  	v1 =	vld @p0 [tilespmem:$0xF1E8];
	_ =	sdelay $0x4  }
0x14e: {  	[tilespmem:s4+$0xF298] =	vst.add.f32.msk @p0 $0xffff, v1  }
0x14f: {  	v1 =	vld @p0 [tilespmem:$0xF1F8];
	_ =	sdelay $0x3  }
0x150: {  	s5 =	sshll.u32 @!p0 s3, $0x9  }
0x151: {  	s5 =	smov.u32 @p0 s0;
	[tilespmem:s4+$0xF2A8] =	vst.add.f32.msk @p0 $0xffff, v1  }
0x152: {  	s0 =	sshrl.u32 s5, $0x2;
	[tilespmem:s2+$0xF218] =	vst.msk $0x1, v0  }
0x153: {  	v0 =	vld [tilespmem:s0+$0xF238];
	_ =	sdelay $0x2  }
0x154: {  	s31 =	sshll.u32 s2, $0x9  }
0x155: {  	s4 =	sshra.s32 s31, $0x2  }
0x156: {  	[tilespmem:s4+$0xF238] =	vst v0  }
0x157: {  	v0 =	vld [tilespmem:s0+$0xF248];
	_ =	sdelay $0x4  }
0x158: {  	[tilespmem:s4+$0xF248] =	vst v0  }
0x159: {  	v0 =	vld [tilespmem:s0+$0xF258];
	_ =	sdelay $0x4  }
0x15a: {  	[tilespmem:s4+$0xF258] =	vst v0  }
0x15b: {  	v0 =	vld [tilespmem:s0+$0xF268];
	_ =	sdelay $0x4  }
0x15c: {  	[tilespmem:s4+$0xF268] =	vst v0  }
0x15d: {  	v0 =	vld [tilespmem:s0+$0xF278];
	_ =	sdelay $0x4  }
0x15e: {  	[tilespmem:s4+$0xF278] =	vst v0  }
0x15f: {  	v0 =	vld [tilespmem:s0+$0xF288];
	_ =	sdelay $0x4  }
0x160: {  	[tilespmem:s4+$0xF288] =	vst v0  }
0x161: {  	v0 =	vld [tilespmem:s0+$0xF298];
	_ =	sdelay $0x4  }
0x162: {  	[tilespmem:s4+$0xF298] =	vst v0  }
0x163: {  	v0 =	vld [tilespmem:s0+$0xF2A8];
	_ =	sdelay $0x4  }
0x164: {  	s2 =	sadd.s32 $0x1, s2;
	[tilespmem:s4+$0xF2A8] =	vst v0  }
.LBB2_31:
0x165: {  	s3 =	sadd.s32 $0x1, s3  }
0x166: {  	p0 =	sne.s32 s3, $0x20  }
.Ltmp18:
0x167: {  	_ = 	snop;
	(pc) =	sbr.rel @!p0 .LBB2_32-.Ltmp18, $1  }
0x168: {  	_ =	sdelay $0x3  }
.LBB2_24:
0x169: {  	v0 =	vld.msk [tilespmem:s3+$0xF218], $0x1;
	_ =	sdelay $0x4  }
0x16a: {  	(v2sf) =	vpush v0, $0x0;
	_ =	sdelay $0xe  }
0x16b: {  	s4 =	spop (v2sf)  }
0x16c: {  	p0 =	seq.s32 s4, $0xFFFFFFFF  }
.Ltmp19:
0x16d: {  	_ = 	snop;
	(pc) =	sbr.rel @p0 .LBB2_31-.Ltmp19, $1  }
0x16e: {  	_ =	sdelay $0x3  }
0x16f: {  	p0 =	slt.s32 s2, $0x1  }
.Ltmp20:
0x170: {  	_ = 	snop;
	(pc) =	sbr.rel @p0 .LBB2_30-.Ltmp20, $1  }
0x171: {  	_ =	sdelay $0x3  }
0x172: {  	s5 =	simm.s32 $0xF218;
	p0 =	por $0x0, $0x0  }
0x173: {  	v1 =	vld.msk @!p0 [tilespmem:s5+$0x0], $0x1;
	_ =	sdelay $0x4  }
0x174: {  	(v2sf) =	vpush @!p0 v1, $0x0;
	_ =	sdelay $0xd  }
0x175: {  	p2 =	sne.s32 s2, $0x1  }
.Ltmp21:
0x176: {  	s0 =	spop @!p0 (v2sf);
	(pc) =	sbr.rel @!p2 .LBB2_28-.Ltmp21, $4  }
0x177: {  	p1 =	seq.s32 @!p0 s4, s0  }
0x178: {  	s6 =	simm.s32 $0x0;
	p1 =	por !p1, p0  }
0x179: {  	s0 =	simm.s32 $0xFFFFFFFF;
	s6 =	simm.s32 @p1 $0xFFFFFFFF  }
0x17a: {  	s7 =	simm.s32 $0x1;
	s6 =	smov.u32 @p0 s0  }
.LBB2_27:
0x17b: {  	s0 =	smov.u32 s6;
	p0 =	sne.s32 s6, $0xFFFFFFFF  }
0x17c: {  	s5 =	sadd.s32 $0x1, s5;
	s6 =	smov.u32 s7;
	s7 =	sadd.s32 $0x1, s7  }
0x17d: {  	p1 =	sne.s32 s2, s7;
	v1 =	vld.msk @!p0 [tilespmem:s5+$0x0], $0x1;
	_ =	sdelay $0x4  }
0x17e: {  	(v2sf) =	vpush @!p0 v1, $0x0;
	_ =	sdelay $0xe  }
.Ltmp22:
0x17f: {  	s8 =	spop @!p0 (v2sf);
	(pc) =	sbr.rel @p1 .LBB2_27-.Ltmp22, $4  }
0x180: {  	p2 =	seq.s32 @!p0 s4, s8  }
0x181: {  	p2 =	por !p2, p0  }
0x182: {  	s6 =	simm.s32 @p2 $0xFFFFFFFF  }
0x183: {  	s6 =	smov.u32 @p0 s0  }
.LBB2_28:
0x184: {  	p0 =	seq.s32 s6, $0xFFFFFFFF  }
.Ltmp23:
0x185: {  	_ = 	snop;
	(pc) =	sbr.rel @p0 .LBB2_30-.Ltmp23, $1  }
0x186: {  	_ =	sdelay $0x3  }
0x187: {  	s0 =	sshll.u32 s3, $0x7  }
0x188: {  	s0 =	sand.u32 $0x3FFFFF80, s0  }
0x189: {  	v0 =	vld [tilespmem:s0+$0xF238];
	_ =	sdelay $0x2  }
0x18a: {  	s4 =	sshll.u32 s6, $0x9  }
0x18b: {  	s4 =	sshra.s32 s4, $0x2  }
0x18c: {  	[tilespmem:s4+$0xF238] =	vst.add.f32.msk $0xffff, v0  }
0x18d: {  	v0 =	vld [tilespmem:s0+$0xF248];
	_ =	sdelay $0x4  }
0x18e: {  	[tilespmem:s4+$0xF248] =	vst.add.f32.msk $0xffff, v0  }
0x18f: {  	v0 =	vld [tilespmem:s0+$0xF258];
	_ =	sdelay $0x4  }
0x190: {  	[tilespmem:s4+$0xF258] =	vst.add.f32.msk $0xffff, v0  }
0x191: {  	v0 =	vld [tilespmem:s0+$0xF268];
	_ =	sdelay $0x4  }
0x192: {  	[tilespmem:s4+$0xF268] =	vst.add.f32.msk $0xffff, v0  }
0x193: {  	v0 =	vld [tilespmem:s0+$0xF278];
	_ =	sdelay $0x4  }
0x194: {  	[tilespmem:s4+$0xF278] =	vst.add.f32.msk $0xffff, v0  }
0x195: {  	v0 =	vld [tilespmem:s0+$0xF288];
	_ =	sdelay $0x4  }
0x196: {  	[tilespmem:s4+$0xF288] =	vst.add.f32.msk $0xffff, v0  }
0x197: {  	v0 =	vld [tilespmem:s0+$0xF298];
	_ =	sdelay $0x4  }
0x198: {  	[tilespmem:s4+$0xF298] =	vst.add.f32.msk $0xffff, v0  }
0x199: {  	v0 =	vld [tilespmem:s0+$0xF2A8]  }
.Ltmp24:
0x19a: {  	_ = 	snop;
	(pc) =	sbr.rel .LBB2_31-.Ltmp24, $2  }
0x19b: {  	_ =	sdelay $0x2  }
0x19c: {  	[tilespmem:s4+$0xF2A8] =	vst.add.f32.msk $0xffff, v0  }
.LBB2_32:
0x19d: {  	p0 =	slt.s32 s2, $0x1  }
.Ltmp25:
0x19e: {  	_ = 	snop;
	(pc) =	sbr.rel @p0 .LBB2_36-.Ltmp25, $3  }
0x19f: {  	_ =	sdelay $0x1  }
0x1a0: {  	s0 =	simm.s32 $0x6  }
0x1a1: {  	s3 =	simm.s32 $0x0;
	[sflag:s0] =	ssyncpa.u1 $0x1  }
0x1a2: {  	s0 =	simm.s32 $0xF218  }
0x1a3: {  	v0 =	vld.msk [tilespmem:s0+$0x0], $0x1;
	_ =	sdelay $0x4  }
0x1a4: {  	(v2sf) =	vpush v0, $0x0;
	_ =	sdelay $0xd  }
0x1a5: {  	s2 =	sadd.s32 $0xFFFFFFFF, s2  }
0x1a6: {  	p1 =	sne.s32 s2, $0x0;
	s0 =	spop (v2sf)  }
.Ltmp26:
0x1a7: {  	p0 =	sgt.u32 s0, $0x270F0;
	(pc) =	sbr.rel @!p1 .LBB2_35-.Ltmp26, $4  }
0x1a8: {  	s4 =	simm.s32 $0xF238;
	s5 =	sand.u32 @!p0 $0x3FFF8, s0  }
0x1a9: {  	s6 =	simm.s32 $0x0;
	s0 =	sand.u32 @!p0 $0x7, s0;
	s5 =	sadd.s32 @!p0 s1, s5  }
0x1aa: {  	[hbm4b:s5+s0] =	stream.linear.scatter @!p0 [tilespmem:s4], [sflag:$0x5], $0x80, $0x38;
	[tilespmem:$0x1F6E8] =	vst v63  }
0x1ab: {  	s6 =	simm.s32 @!p0 $0x200;
	s5 =	simm.s32 $0xF219  }
.LBB2_34:
0x1ac: {  	v0 =	vld.msk [tilespmem:s5+$0x0], $0x1;
	s2 =	sadd.s32 $0xFFFFFFFF, s2;
	s3 =	sadd.s32 s3, s6  }
0x1ad: {  	p0 =	sne.s32 s2, $0x0;
	_ =	sdelay $0x3  }
0x1ae: {  	(v2sf) =	vpush v0, $0x0;
	_ =	sdelay $0xe  }
.Ltmp27:
0x1af: {  	s0 =	spop (v2sf);
	(pc) =	sbr.rel @p0 .LBB2_34-.Ltmp27, $4  }
0x1b0: {  	s6 =	simm.s32 $0x0;
	p1 =	sgt.u32 s0, $0x270F0  }
0x1b1: {  	s4 =	sadd.s32 $0x80, s4;
	s6 =	simm.s32 @!p1 $0x200;
	s7 =	sand.u32 @!p1 $0x3FFF8, s0  }
0x1b2: {  	s5 =	sadd.s32 $0x1, s5;
	s0 =	sand.u32 @!p1 $0x7, s0;
	s7 =	sadd.s32 @!p1 s1, s7  }
0x1b3: {  	[hbm4b:s7+s0] =	stream.linear.scatter @!p1 [tilespmem:s4], [sflag:$0x5], $0x80, $0x38;
	[tilespmem:$0x1F6E8] =	vst v63  }
.LBB2_35:
0x1b4: {  	s0 =	sadd.s32 s3, s6  }
0x1b5: {  	s3 =	sshrl.u32 s0, $0x2  }
.LBB2_36:
0x1b6: {  	s0 =	simm.s32 $0x5  }
0x1b7: {  	_ =	swait.ge [sflag:s0], s3  }
0x1b8: {  	s1 =	ssub.s32 $0x0, s3;
	[sflag:s0] =	ssyncset.done $0x0  }
0x1b9: {  	[sflag:s0] =	ssyncadd.s32 s1  }
0x1ba: {  	[sflag:s0] =	ssyncpa.u1 $0x1  }
0x1bb: {  	s30 =	simm.s32 $0x1;
	_ =	sfence  }
0x1bc: {  	[sflag:s30] =	ssyncpa.u1 $0x1  }
0x1bd: {  	_ =	strace $0x90000054  }
0x1be: {  	[bflag:$0x2] =	sbarrier.arrive $0xFFFF  }
0x1bf: {  	s31 =	rddreg [dreg:$0x1]  }
0x1c0: {  	s0 =	sadd.s32 $0x100000, s31  }
0x1c1: {  	[sflag:s0] =	ssyncadd.tile.s32 $0x1;
	_ =	shalt  }
.Lfunc_end2:
_tile_overlayer_lowered:
.L_overlay_start_2:
0x1c2: {  	(tag) =	ssettag $0x2  }
0x1c3: {  	s0 =	rddreg [dreg:$0x0];
	s2 =	stileid.u32  }
0x1c4: {  	s1 =	rddreg [dreg:$0x1];
	p0 =	sne.s32 s2, $0x0  }
0x1c5: {  	s3 =	rddreg [dreg:$0x2];
	[bflag:$0x3] =	sbarrier.arrive $0xFFFF;
	s2 =	simm.s32 @!p0 $0x1C01  }
0x1c6: {  	[timem:s3], [sflag:s2] =	dma.local @!p0 [hbm:s0], s1  }
0x1c7: {  	s0 =	simm.s32 @!p0 $0x1  }
0x1c8: {  	_ =	swait.ge @!p0 [sflag:s0], s1  }
0x1c9: {  	s1 =	ssub.s32 @!p0 $0x0, s1;
	[sflag:s0] =	ssyncset.done @!p0 $0x0  }
0x1ca: {  	[sflag:s0] =	ssyncadd.s32 @!p0 s1  }
0x1cb: {  	[bflag:$0x3] =	sbarrier.arrive $0xFFFF  }
0x1cc: {  	_ =	shalt  }

// kernel: scatter_offload_async_start.2
scs
__scs_entry_jumppad:
0x0: {  	(pc) =	sbr.rel $0x88, $3  }
0x1: {  	(tag) =	ssettag $0x0;
	lr =	simm.s32 $0x1  }
0x2: {  	[smem:$0x3F95] =	sst lr;
	_ =	strace $0xD0000000  }
0x3: {  	_ = 	snop  }
0x4: {  	_ = 	snop  }
0x5: {  	_ = 	snop  }
0x6: {  	_ = 	snop  }
0x7: {  	_ = 	snop  }
__scs_overlays_trampoline_lowered:
0x8: {  	[smem:$0x3FA4] =	sst s0  }
0x9: {  	[smem:$0x3FA5] =	sst s1  }
0xa: {  	[smem:$0x3FA6] =	sst s2  }
0xb: {  	[smem:$0x3FA7] =	sst s3  }
0xc: {  	[smem:$0x3FA8] =	sst s4  }
0xd: {  	[smem:$0x3FA9] =	sst s5  }
0xe: {  	[smem:$0x3FAA] =	sst s6  }
0xf: {  	[smem:$0x3FAB] =	sst s7  }
0x10: {  	[smem:$0x3FAC] =	sst s8  }
0x11: {  	[smem:$0x3FAD] =	sst s9;
	s0 =	simm.s32 @!p0 $0x0  }
0x12: {  	s1 =	sld [smem:$0x3F93];
	s0 =	simm.s32 @p0 $0x1  }
0x13: {  	[smem:$0x3FAE] =	sst s0;
	s0 =	simm.s32 @!p1 $0x0  }
0x14: {  	s2 =	sld [smem:$0x3F92];
	s0 =	simm.s32 @p1 $0x1  }
0x15: {  	[smem:$0x3FAF] =	sst s0;
	s0 =	simm.s32 @!p2 $0x0  }
0x16: {  	s3 =	sld [smem:$0x3FDB];
	s0 =	simm.s32 @p2 $0x1  }
0x17: {  	s4 =	simm.s32 $0x1BF5;
	[smem:$0x3FB1] =	sst s0  }
0x18: {  	s0 =	sld [smem:$0x3F94];
	_ =	swait.ge [sflag:s4], $0x0  }
0x19: {  	s7 =	sld [smem:$0x3F95]  }
0x1a: {  	s8 =	sadd.s32 $0xFFFFE003, lr  }
0x1b: {  	s9 =	sadd.s32 $0xFFFFFEF7, lr;
	s5 =	simm.s32 $0xFFFFFFFF;
	p2 =	slt.u32 s8, $0xFFFFF086  }
0x1c: {  	p1 =	slt.u32 s9, $0xF7A;
	s5 =	simm.s32 @!p2 $0x0  }
0x1d: {  	s5 =	simm.s32 @p1 $0x1;
	p0 =	seq.s32 s7, s2  }
0x1e: {  	s7 =	smul.u32 @!p0 $0xF7A, s2;
	p2 =	seq.s32 @!p0 s5, $0x0  }
0x1f: {  	s9 =	smul.u32 $0xF7A, s1;
	s8 =	simm.s32 @!p0 $0x1BF5;
	p2 =	por !p2, p0  }
0x20: {  	[sflag:s8] =	ssyncset.s32 @!p0 $0xFFFFF086;
	s6 =	sadd.s32 @!p0 s3, s7;
	s7 =	simm.s32 @!p0 $0x108  }
0x21: {  	s3 =	sadd.s32 s3, s9;
	s6 =	sadd.s32 @!p0 $0x88, s6;
	s7 =	simm.s32 @p2 $0x1082  }
0x22: {  	[simem:s7], [sflag:s8] =	dma.local @!p0 [hbm:s6], $0xF7A  }
0x23: {  	s9 =	sor.u32 $0xD0000000, s2;
	s6 =	simm.s32 $0x108;
	_ =	swait.ge @!p0 [sflag:s8], $0x0  }
0x24: {  	s3 =	sadd.s32 $0x88, s3;
	s6 =	simm.s32 @!p1 $0x1082;
	[sflag:s4] =	ssyncset.s32 $0xFFFFF086  }
0x25: {  	[simem:s6], [sflag:s4] =	dma.local [hbm:s3], $0xF7A  }
0x26: {  	[smem:$0x3F95] =	sst s1;
	(tag) =	ssettag s2;
	_ =	strace s9  }
0x27: {  	s1 =	sld [smem:$0x3FA5]  }
0x28: {  	s2 =	sld [smem:$0x3FA6]  }
0x29: {  	s4 =	sld [smem:$0x3FA8]  }
0x2a: {  	p0 =	seq.s32 s5, $0x0;
	s5 =	sld [smem:$0x3FA9]  }
0x2b: {  	s6 =	sld [smem:$0x3FAA]  }
0x2c: {  	s7 =	sld [smem:$0x3FAB]  }
0x2d: {  	s3 =	simm.s32 $0x108;
	s8 =	sld [smem:$0x3FAC]  }
0x2e: {  	s3 =	simm.s32 @!p0 $0x1082;
	s9 =	sld [smem:$0x3FAD]  }
0x2f: {  	lr =	sadd.s32 s0, s3;
	s0 =	sld [smem:$0x3FA4]  }
0x30: {  	s3 =	sld [smem:$0x3FA7]  }
0x31: {  	[smem:$0x3FB0] =	sst s10  }
0x32: {  	s10 =	sld [smem:$0x3FAE];
	_ =	sdelay $0x3  }
0x33: {  	p0 =	seq.s32 s10, $0x1;
	s10 =	sld [smem:$0x3FB0];
	_ =	sdelay $0x3  }
0x34: {  	[smem:$0x3FB0] =	sst s10  }
0x35: {  	s10 =	sld [smem:$0x3FAF];
	_ =	sdelay $0x3  }
0x36: {  	p1 =	seq.s32 s10, $0x1;
	s10 =	sld [smem:$0x3FB0];
	_ =	sdelay $0x3  }
0x37: {  	[smem:$0x3FB0] =	sst s10  }
0x38: {  	s10 =	sld [smem:$0x3FB1]  }
0x39: {  	_ = 	snop;
	(pc) =	sbr.ind lr, $3  }
0x3a: {  	_ = 	snop  }
0x3b: {  	_ = 	snop  }
0x3c: {  	p2 =	seq.s32 s10, $0x1;
	s10 =	sld [smem:$0x3FB0]  }
0x3d: {  	_ =	shalt  }
0x3e: {  	_ =	shalt  }
0x3f: {  	_ =	shalt  }
0x40: {  	_ =	shalt  }
0x41: {  	_ =	shalt  }
0x42: {  	_ =	shalt  }
0x43: {  	_ =	shalt  }
0x44: {  	_ =	shalt  }
0x45: {  	_ =	shalt  }
0x46: {  	_ =	shalt  }
0x47: {  	_ =	shalt  }
0x48: {  	_ =	shalt  }
0x49: {  	_ =	shalt  }
0x4a: {  	_ =	shalt  }
0x4b: {  	_ =	shalt  }
0x4c: {  	_ =	shalt  }
0x4d: {  	_ =	shalt  }
0x4e: {  	_ =	shalt  }
0x4f: {  	_ =	shalt  }
0x50: {  	_ =	shalt  }
0x51: {  	_ =	shalt  }
0x52: {  	_ =	shalt  }
0x53: {  	_ =	shalt  }
0x54: {  	_ =	shalt  }
0x55: {  	_ =	shalt  }
0x56: {  	_ =	shalt  }
0x57: {  	_ =	shalt  }
0x58: {  	_ =	shalt  }
0x59: {  	_ =	shalt  }
0x5a: {  	_ =	shalt  }
0x5b: {  	_ =	shalt  }
0x5c: {  	_ =	shalt  }
0x5d: {  	_ =	shalt  }
0x5e: {  	_ =	shalt  }
0x5f: {  	_ =	shalt  }
0x60: {  	_ =	shalt  }
0x61: {  	_ =	shalt  }
0x62: {  	_ =	shalt  }
0x63: {  	_ =	shalt  }
0x64: {  	_ =	shalt  }
0x65: {  	_ =	shalt  }
0x66: {  	_ =	shalt  }
0x67: {  	_ =	shalt  }
0x68: {  	_ =	shalt  }
0x69: {  	_ =	shalt  }
0x6a: {  	_ =	shalt  }
0x6b: {  	_ =	shalt  }
0x6c: {  	_ =	shalt  }
0x6d: {  	_ =	shalt  }
0x6e: {  	_ =	shalt  }
0x6f: {  	_ =	shalt  }
0x70: {  	_ =	shalt  }
0x71: {  	_ =	shalt  }
0x72: {  	_ =	shalt  }
0x73: {  	_ =	shalt  }
0x74: {  	_ =	shalt  }
0x75: {  	_ =	shalt  }
0x76: {  	_ =	shalt  }
0x77: {  	_ =	shalt  }
0x78: {  	_ =	shalt  }
0x79: {  	_ =	shalt  }
0x7a: {  	_ =	shalt  }
0x7b: {  	_ =	shalt  }
0x7c: {  	_ =	shalt  }
0x7d: {  	_ =	shalt  }
0x7e: {  	_ =	shalt  }
0x7f: {  	_ =	shalt  }
0x80: {  	_ =	shalt  }
0x81: {  	_ =	shalt  }
0x82: {  	_ =	shalt  }
0x83: {  	_ =	shalt  }
0x84: {  	_ =	shalt  }
0x85: {  	_ =	shalt  }
0x86: {  	_ =	shalt  }
0x87: {  	_ =	shalt  }
.Lfunc_end0:
.L_simem_size_0:
called_computation.2_lowered:
.L_overlay_start_0:
0x88: {  	s0 =	sld [smem:$0x3FD9]  }
0x89: {  	s1 =	sld [smem:$0x3FFE];
	_ =	sdelay $0x3  }
0x8a: {  	s0 =	sadd.s32 s1, s0  }
0x8b: {  	[smem:$0x3FBC] =	sst s0  }
0x8c: {  	_ = 	snop  }
0x8d: {  	(tm) =	ssettm $0x1  }
0x8e: {  	s15 =	sld [smem:$0x3FFB];
	_ =	sdelay $0x3  }
0x8f: {  	_ =	strace s15  }
0x90: {  	s0 =	sld [smem:$0x3FFC];
	_ =	sdelay $0x3  }
0x91: {  	_ =	strace s0  }
0x92: {  	s0 =	sld [smem:$0x3FFD];
	_ =	sdelay $0x3  }
0x93: {  	_ =	strace s0  }
0x94: {  	_ =	strace $0x8FFFFFFF  }
0x95: {  	s16 =	sld [smem:$0x3FDB];
	_ =	sdelay $0x1  }
0x96: {  	s17 =	simm.s32 $_scs_section_size  }
0x97: {  	s2 =	simm.s32 $_size__tile_overlayer_lowered;
	s3 =	simm.s32 $_tile_overlayer_lowered  }
0x98: {  	s20 =	simm.s32 $0x1BFF;
	s19 =	sshll.u32 s3, $0x1;
	s0 =	sadd.s32 s17, s16  }
0x99: {  	s4 =	simm.s32 $0x0;
	s18 =	sshll.u32 s2, $0x1;
	s2 =	sadd.s32 s19, s0  }
0x9a: {  	[timem:s4], [sflag:s20] =	dma.local [hbm:s2], s18  }
0x9b: {  	_ =	swait.ge [sflag:s20], s18  }
0x9c: {  	s1 =	ssub.s32 $0x0, s18;
	[sflag:s20] =	ssyncset.done $0x0  }
0x9d: {  	[sflag:s20] =	ssyncadd.s32 s1;
	_ =	sdelay $0x1  }
0x9e: {  	s21 =	simm.s32 $0x1B8B  }
0x9f: {  	_ =	swait.ge [sflag:s21], $0x1  }
0xa0: {  	[sflag:s21] =	ssyncset.done $0x0  }
0xa1: {  	s23 =	simm.s32 $0x1B8E;
	s22 =	sld [smem:$0x3FFE];
	[sflag:s21] =	ssyncadd.s32 $0xFFFFFFFF  }
0xa2: {  	s24 =	simm.s32 $execute0_lowered;
	[smem:$0x3FD2] =	sst s23  }
0xa3: {  	s2 =	sshll.u32 s24, $0x1;
	_ =	strace $0x80000063;
	[dreg:$0x1] =	wrdreg $0xFFFFFFFF  }
0xa4: {  	s25 =	simm.s32 $_size_execute0_lowered;
	s0 =	sadd.s32 s0, s2;
	[dreg:$0x0] =	wrdreg $0x0  }
0xa5: {  	s2 =	sshll.u32 s25, $0x1;
	[dreg:$0x2] =	wrdreg s0  }
0xa6: {  	[dreg:$0x3] =	wrdreg s2  }
0xa7: {  	[dreg:$0x4] =	wrdreg $0xC0  }
0xa8: {  	_ =	task [dreg:s4], $0x5FFFF  }
0xa9: {  	[dreg:$0x1] =	wrdreg $0xFFFFFFFF  }
0xaa: {  	[dreg:$0x0] =	wrdreg $0x60  }
0xab: {  	[dreg:$0x2] =	wrdreg s22  }
0xac: {  	[dreg:$0x3] =	wrdreg $0x9  }
0xad: {  	_ =	task.clear_ibuf [dreg:s4], $0x4FFFF;
	_ =	strace $0x90000063  }
0xae: {  	s26 =	simm.s32 $0x9;
	_ =	strace $0x80000065  }
0xaf: {  	_ =	swait.ge [sflag:s26], $0x1  }
0xb0: {  	[sflag:s26] =	ssyncadd.s32 $0xFFFFFFFF  }
0xb1: {  	_ =	strace $0x90000065  }
0xb2: {  	_ =	sfence  }
0xb3: {  	s28 =	sld [smem:$0x0];
	_ =	sdelay $0x1  }
0xb4: {  	s29 =	srdreg.scid  }
0xb5: {  	s30 =	sshll.u32 s29, $0xD;
	s31 =	sshrl.u32 s29, $0x2  }
0xb6: {  	s1 =	sand.u32 $0x1, s29;
	s2 =	sand.u32 $0x4000, s30;
	s0 =	sadd.s32 s31, s28  }
0xb7: {  	s1 =	sor.u32 s2, s1;
	s0 =	sshll.u32 s0, $0x11  }
0xb8: {  	s0 =	sor.u32 s0, s1  }
0xb9: {  	s0 =	sadd.s32 $0x8F2B, s0  }
0xba: {  	[sflag:s0] =	ssyncadd.remote.s32 $0x1  }
0xbb: {  	_ =	sfence.sel $0xFFFF  }
0xbc: {  	[dreg:$0x0] =	wrdreg $0xFFFFFFFF;
	(pc) =	sbr.abs _section_cstart, $3  }
0xbd: {  	[dreg:$0x1] =	wrdreg $0xFFFFFFFF  }
0xbe: {  	_ =	task.clear_ibuf [dreg:s4], $0x2FFFF;
	_ =	strace $0x9FFFFFFF  }
0xbf: {  	(tm) =	ssettm $0x7FFFFFFF  }
tec
execute0_lowered:
.L_overlay_start_1:
0x0: {  	(tag) =	ssettag $0x1  }
0x1: {  	s0 =	rddreg [dreg:$0x0];
	_ =	strace $0x80000064;
	s1 =	simm.s32 $0x1  }
0x2: {  	s8 =	simm.s32 $0x88;
	v0 =	vimm.s32 $0x0;
	[sflag:s1] =	ssyncpa.u1 $0x0  }
0x3: {  	[tilespmem:s8+$0x30] =	vst v0  }
0x4: {  	s1 =	sadd.s32 $0xA8AC00, s0;
	s3 =	sadd.s32 $0xA3BE00, s0;
	[tilespmem:s8+$0x20] =	vst v0  }
0x5: {  	s4 =	sadd.s32 $0x1E39E00, s0;
	s5 =	sadd.s32 $0xA4FC00, s0;
	s0 =	simm.s32 $0x40;
	[tilespmem:s8+$0x10] =	vst v0  }
.LBB2_1:
0x6: {  	s0 =	sadd.s32 $0x40, s0  }
0x7: {  	[tilespmem:s8+$0x0] =	vst v0;
	s8 =	sadd.s32 $0x40, s8;
	p0 =	slt.u32 s0, $0x5040  }
.Ltmp0:
0x8: {  	(pc) =	sbr.rel @p0 .LBB2_1-.Ltmp0, $4  }
0x9: {  	_ = 	snop  }
0xa: {  	[tilespmem:s8+$0x30] =	vst v0  }
0xb: {  	[tilespmem:s8+$0x20] =	vst v0  }
0xc: {  	[tilespmem:s8+$0x10] =	vst v0  }
0xd: {  	s9 =	stileid.u32  }
0xe: {  	s6 =	smul.u32 $0x9EC0, s9;
	_ =	sdelay $0x1  }
0xf: {  	s0 =	smin.u32 s6, $0x94C50  }
0x10: {  	s7 =	sadd.s32 $0x9EC0, s0  }
0x11: {  	s0 =	ssub.s32 s7, s6  }
0x12: {  	p0 =	sgt.s32 s0, $0x0  }
0x13: {  	s29 =	simm.s32 $0x2;
	s10 =	simm.s32 $0x7;
	s0 =	simm.s32 @!p0 $0x0  }
0x14: {  	s31 =	simm.s32 $0x8;
	s11 =	simm.s32 $0x1;
	s2 =	smulhi.u32 $0xCCCCCD, s0  }
0x15: {  	s15 =	simm.s32 $0x0;
	p1 =	por $0x0, $0x0;
	s16 =	simm.s32 $0xA  }
0x16: {  	s20 =	simm.s32 $0x0;
	s17 =	simm.s32 $0x0;
	s30 =	smul.u32 $0x140, s2  }
.Ltmp1:
0x17: {  	[tilespmem:s8+$0x0] =	vst v0;
	s19 =	simm.s32 $0x0;
	[sflag:s29] =	ssyncpa.u1 $0x0;
	(pc) =	sbr.rel .LBB2_3-.Ltmp1, $4  }
0x18: {  	v0 =	vimm.s32 $0xFFFFFFFF;
	s13 =	sshll.u32 s9, $0x7;
	p0 =	sne.s32 s0, s30;
	s0 =	simm.s32 $0x1  }
0x19: {  	[tilespmem:$0xA108] =	vst v0;
	[sflag:s10] =	ssyncpa.u1 $0x0;
	s10 =	simm.s32 $0x9;
	s0 =	simm.s32 @!p0 $0x0  }
0x1a: {  	[sflag:s31] =	ssyncpa.u1 $0x0;
	s18 =	smov.u32 s6;
	s12 =	sadd.s32 s0, s2  }
0x1b: {  	v0 =	vlaneseq.u32;
	[sflag:s10] =	ssyncpa.u1 $0x0;
	p0 =	por $0x1, $0x1;
	s14 =	sadd.s32 $0x1, s12  }
.LBB2_24:
0x1c: {  	s0 =	sshrl.u32 s29, $0x2  }
.LBB2_26:
0x1d: {  	_ =	swait.ge [sflag:s16], s0  }
0x1e: {  	s31 =	ssub.s32 $0x0, s0;
	v1 =	vmov s22;
	vm0 =	veq.s32 v0, $0x0;
	[sflag:s16] =	ssyncset.done $0x0  }
0x1f: {  	vm15 =	veq.s32 v0, $0x2;
	v1 =	vsel vm0, s28, v1;
	[sflag:s16] =	ssyncadd.s32 s31  }
0x20: {  	v1 =	vsel vm15, s20, v1;
	[sflag:s16] =	ssyncpa.u1 $0x1  }
0x21: {  	[tilespmem:$0xA108] =	vst v1  }
.LBB2_27:
0x22: {  	s0 =	sadd.s32 $0x140, s18  }
0x23: {  	s2 =	smov.u32 s6;
	p2 =	slt.s32 s0, s7  }
0x24: {  	s2 =	smov.u32 @p2 s0;
	p2 =	sne.s32 s19, s14  }
.Ltmp2:
0x25: {  	_ = 	snop;
	(pc) =	sbr.rel @!p2 .LBB2_28-.Ltmp2, $4  }
0x26: {  	_ = 	snop  }
0x27: {  	s20 =	smov.u32 s17  }
0x28: {  	s31 =	sadd.s32 $0x1, s19;
	s17 =	smov.u32 s18;
	p0 =	por !p0, !p0  }
0x29: {  	p1 =	por !p1, !p1;
	s19 =	smov.u32 s31;
	s18 =	smov.u32 s2  }
.LBB2_3:
0x2a: {  	p2 =	sge.u32 s19, s12  }
0x2b: {  	s0 =	smulhi.u32 @!p2 $0xAAAAAAAB, s19  }
0x2c: {  	s2 =	smov.u32 s18;
	p3 =	sgt.s32 @!p2 s18, $0x9E9D0  }
0x2d: {  	s8 =	sshra.s32 @!p2 s18, $0x1F;
	p3 =	por !p3, p2;
	s0 =	sshrl.u32 @!p2 s0, $0x1  }
0x2e: {  	s8 =	sand.u32 @!p2 s8, s18;
	s2 =	simm.s32 @p3 $0x9E9D0;
	s0 =	smul.u32 @!p2 $0x3, s0  }
0x2f: {  	s2 =	ssub.s32 @!p2 s2, s8  }
0x30: {  	s22 =	sadd.s32 $0xFFFFFFFF, s19;
	s2 =	sadd.s32 @!p2 $0xFFF61630, s2;
	s0 =	ssub.s32 @!p2 s19, s0  }
0x31: {  	s8 =	sshll.u32 @!p2 s2, $0x2;
	p3 =	sgt.s32 @!p2 s2, $0x13F;
	s0 =	smul.u32 @!p2 $0x500, s0  }
0x32: {  	s21 =	sand.u32 @!p2 $0x7, s18;
	s2 =	ssub.s32 @!p2 $0x500, s8;
	p3 =	por !p3, p2  }
0x33: {  	s8 =	sshrl.u32 @!p2 s18, $0x3;
	s2 =	sshrl.u32 @!p2 s2, $0x2;
	s0 =	sshrl.u32 @!p2 s0, $0x2  }
0x34: {  	s8 =	sadd.s32 @!p2 s5, s8;
	s2 =	simm.s32 @!p3 $0x0;
	s0 =	sadd.s32 @!p2 $0xA938, s0  }
0x35: {  	[tilespmem:s0], [sflag:$0x8] =	stream.linear.gather @!p2 [hbm4b:s8+s21], s2, $0x38;
	[tilespmem:$0x1EF78] =	vst v63  }
0x36: {  	p2 =	sge.u32 s22, s12  }
0x37: {  	p3 =	sgt.s32 @!p2 s17, $0x9E9D0  }
0x38: {  	s0 =	smov.u32 s17;
	s2 =	sshra.s32 @!p2 s17, $0x1F;
	p3 =	por !p3, p2  }
0x39: {  	s2 =	sand.u32 @!p2 s2, s17;
	s0 =	simm.s32 @p3 $0x9E9D0  }
0x3a: {  	s0 =	ssub.s32 @!p2 s0, s2  }
0x3b: {  	s0 =	sadd.s32 @!p2 $0xFFF61630, s0  }
0x3c: {  	s2 =	sshll.u32 @!p2 s0, $0x2  }
0x3d: {  	p3 =	sgt.s32 @!p2 s0, $0x13F;
	s0 =	ssub.s32 @!p2 $0x500, s2  }
0x3e: {  	p3 =	por !p3, p2;
	s0 =	sshrl.u32 @!p2 s0, $0x2  }
0x3f: {  	s8 =	simm.s32 @!p2 $0x8;
	s2 =	sand.u32 @!p2 $0x1, s22;
	s0 =	simm.s32 @!p3 $0x0  }
0x40: {  	s2 =	smul.u32 @!p2 $0x500, s2;
	_ =	swait.ge @!p2 [sflag:s8], s0  }
0x41: {  	s21 =	ssub.s32 @!p2 $0x0, s0;
	[sflag:s8] =	ssyncset.done @!p2 $0x0  }
0x42: {  	s2 =	sshrl.u32 @!p2 s2, $0x2;
	[sflag:s8] =	ssyncadd.s32 @!p2 s21;
	s8 =	sshrl.u32 @!p2 s17, $0x3  }
0x43: {  	s2 =	sadd.s32 @!p2 $0xACF8, s2;
	s21 =	sand.u32 @!p2 $0x7, s17;
	s8 =	sadd.s32 @!p2 s3, s8  }
0x44: {  	[tilespmem:s2], [sflag:$0x9] =	stream.linear.gather @!p2 [hbm4b:s8+s21], s0, $0x38;
	[tilespmem:$0x1EF78] =	vst v63  }
0x45: {  	s21 =	ssub.s32 @!p2 $0x9EB10, s17  }
0x46: {  	p3 =	slt.s32 @!p2 s21, $0x1  }
0x47: {  	p3 =	por p2, p3  }
.Ltmp3:
0x48: {  	_ = 	snop;
	(pc) =	sbr.rel @p3 .LBB2_9-.Ltmp3, $1  }
0x49: {  	_ =	sdelay $0x3  }
0x4a: {  	s0 =	smulhi.u32 $0xAAAAAAAB, s22;
	_ =	sdelay $0x1  }
0x4b: {  	s0 =	sshrl.u32 s0, $0x1  }
0x4c: {  	s0 =	smul.u32 $0x3, s0;
	_ =	sdelay $0x1  }
0x4d: {  	s0 =	ssub.s32 s22, s0  }
0x4e: {  	s2 =	simm.s32 $0x1;
	s0 =	smul.u32 $0x500, s0  }
.Ltmp4:
0x4f: {  	s2 =	simm.s32 @!p0 $0x0;
	(pc) =	sbr.rel .LBB2_6-.Ltmp4, $4  }
0x50: {  	s2 =	smul.u32 $0x28000, s2  }
0x51: {  	p3 =	slt.s32 @!p2 s21, $0x140;
	s0 =	sshrl.u32 s0, $0x2  }
0x52: {  	p2 =	por !p3, p2;
	s2 =	sshrl.u32 s2, $0x2;
	s0 =	sadd.s32 $0xA938, s0  }
0x53: {  	s23 =	simm.s32 $0x0;
	s21 =	simm.s32 @p2 $0x140;
	s22 =	sadd.s32 $0xAF78, s2;
	v1 =	vmov s0  }
.LBB2_5:
0x54: {  	p2 =	sge.s32 s23, s21  }
.Ltmp5:
0x55: {  	_ = 	snop;
	(pc) =	sbr.rel @p2 .LBB2_9-.Ltmp5, $2  }
0x56: {  	_ =	sdelay $0x2  }
0x57: {  	s22 =	sadd.s32 $0x800, s22  }
.LBB2_6:
0x58: {  	p2 =	sle.s32 s21, s23  }
.Ltmp6:
0x59: {  	_ = 	snop;
	(pc) =	sbr.rel @p2 .LBB2_5-.Ltmp6, $2  }
0x5a: {  	_ =	sdelay $0x2  }
0x5b: {  	s24 =	smov.u32 s23;
	s23 =	sadd.s32 $0x10, s23  }
0x5c: {  	s0 =	ssub.s32 s21, s24  }
0x5d: {  	p2 =	slt.s32 s0, $0x10  }
0x5e: {  	s0 =	simm.s32 @!p2 $0x10  }
0x5f: {  	v2 =	vmov s0  }
0x60: {  	vm0 =	vgt.s32 v2, v0;
	_ =	sdelay $0x5  }
0x61: {  	v2 =	vld.idx.msk [tilespmem:v1+s24+$0x0 ss:$0x1], vm0;
	_ =	sdelay $0x2  }
0x62: {  	p2 =	slt.s32 s23, s21;
	s0 =	smov.u32 s21  }
0x63: {  	s2 =	smov.u32 s22;
	s25 =	simm.s32 $0x0;
	s0 =	smov.u32 @p2 s23  }
.LBB2_8:
0x64: {  	(v2sf) =	vpush v2, s25;
	_ =	sdelay $0xc  }
0x65: {  	s25 =	sadd.s32 $0x1, s25  }
0x66: {  	s31 =	sadd.s32 s25, s24  }
0x67: {  	p2 =	slt.s32 s31, s0;
	s8 =	spop (v2sf)  }
.Ltmp7:
0x68: {  	s8 =	sshll.u32 s8, $0x4;
	(pc) =	sbr.rel @p2 .LBB2_8-.Ltmp7, $4  }
0x69: {  	s8 =	sand.u32 $0x1FFFFFF0, s8  }
0x6a: {  	s8 =	sadd.s32 s4, s8  }
0x6b: {  	[tilespmem:s2], [sflag:$0x7] =	stream.linear.gather [hbm4b:s8+s15], $0x40, $0x38;
	[tilespmem:$0x1EF78] =	vst v63  }
0x6c: {  	s2 =	sadd.s32 $0x80, s2  }
.Ltmp8:
0x6d: {  	_ = 	snop;
	(pc) =	sbr.rel .LBB2_5-.Ltmp8, $1  }
0x6e: {  	_ =	sdelay $0x3  }
.LBB2_9:
0x6f: {  	p2 =	slt.u32 s19, $0x2  }
.Ltmp9:
0x70: {  	_ = 	snop;
	(pc) =	sbr.rel @p2 .LBB2_27-.Ltmp9, $1  }
0x71: {  	_ =	sdelay $0x3  }
0x72: {  	p2 =	sgt.s32 s20, $0x9E9D0;
	s0 =	smov.u32 s20  }
0x73: {  	s2 =	sshra.s32 s20, $0x1F;
	s8 =	ssub.s32 $0x9EB10, s20;
	s0 =	simm.s32 @!p2 $0x9E9D0  }
0x74: {  	s2 =	sand.u32 s2, s20;
	p2 =	slt.s32 s8, $0x140;
	s21 =	smov.u32 s8  }
0x75: {  	s0 =	ssub.s32 s0, s2;
	s21 =	simm.s32 @!p2 $0x140  }
0x76: {  	s0 =	sadd.s32 $0xFFF61630, s0;
	s26 =	sshll.u32 s21, $0x6  }
0x77: {  	s9 =	simm.s32 $0x7;
	s29 =	sshll.u32 s0, $0x2;
	s2 =	sand.u32 $0x3FFFFFC0, s26  }
0x78: {  	p2 =	sgt.s32 s0, $0x13F;
	s30 =	ssub.s32 $0x500, s29;
	_ =	swait.ge [sflag:s9], s2  }
0x79: {  	s2 =	ssub.s32 $0x0, s2;
	[sflag:s9] =	ssyncset.done $0x0;
	s0 =	sshrl.u32 s30, $0x2  }
0x7a: {  	[sflag:s9] =	ssyncadd.s32 s2;
	s0 =	simm.s32 @p2 $0x0  }
0x7b: {  	_ =	swait.ge [sflag:s10], s0  }
0x7c: {  	s0 =	ssub.s32 $0x0, s0;
	[sflag:s10] =	ssyncset.done $0x0  }
0x7d: {  	[sflag:s10] =	ssyncadd.s32 s0  }
0x7e: {  	v1 =	vld [tilespmem:$0xA108];
	_ =	sdelay $0x4  }
0x7f: {  	(v2sf) =	vpush v1, $0x0  }
0x80: {  	(v2sf) =	vpush v1, $0x1  }
0x81: {  	(v2sf) =	vpush v1, $0x2;
	_ =	sdelay $0x3  }
0x82: {  	s0 =	sadd.s32 $0x140, s20  }
0x83: {  	p2 =	slt.s32 s7, s0  }
0x84: {  	s0 =	smov.u32 @p2 s7;
	p2 =	sgt.s32 s8, $0x0  }
0x85: {  	s24 =	ssub.s32 s0, s20;
	s8 =	simm.s32 @!p2 $0x0  }
0x86: {  	p2 =	slt.s32 s8, s24  }
0x87: {  	s24 =	smov.u32 @p2 s8  }
0x88: {  	s23 =	simm.s32 $0x1;
	p2 =	slt.s32 s24, $0x1  }
.Ltmp10:
0x89: {  	s23 =	simm.s32 @!p1 $0x0;
	(pc) =	sbr.rel @p2 .LBB2_14-.Ltmp10, $4  }
0x8a: {  	s31 =	smul.u32 $0x500, s23  }
0x8b: {  	s25 =	spop (v2sf)  }
0x8c: {  	s0 =	sshrl.u32 s31, $0x2;
	s28 =	spop (v2sf)  }
0x8d: {  	s21 =	sadd.s32 $0xACF8, s0;
	s20 =	spop (v2sf)  }
0x8e: {  	s0 =	smin.u32 s24, $0x10  }
0x8f: {  	v1 =	vmov s0  }
0x90: {  	p3 =	sgt.s32 s24, $0x10;
	vm1 =	vgt.u32 v1, v0  }
.Ltmp11:
0x91: {  	_ = 	snop;
	(pc) =	sbr.rel @!p3 .LBB2_13-.Ltmp11, $2  }
0x92: {  	_ =	sdelay $0x2  }
0x93: {  	s26 =	simm.s32 $0x10;
	s29 =	sadd.s32 $0xFFFFFFF0, s24;
	s22 =	smov.u32 s21;
	vm0 =	vmmov vm1  }
.LBB2_12:
0x94: {  	s0 =	smin.u32 s29, $0x10;
	s26 =	sadd.s32 $0x10, s26;
	v1 =	vld.msk [tilespmem:s22+$0x0 ss:$0x1], vm1  }
0x95: {  	v2 =	vmov s0;
	p3 =	slt.s32 s26, s24  }
0x96: {  	vm1 =	vgt.u32 v2, v0  }
.Ltmp12:
0x97: {  	(pc) =	sbr.rel @p3 .LBB2_12-.Ltmp12, $3  }
0x98: {  	_ =	sdelay $0x1  }
0x99: {  	v1 =	vshll.u32 v1, $0x4  }
0x9a: {  	s29 =	sadd.s32 $0xFFFFFFF0, s29;
	[tilespmem:s22+$0x0] =	vst.msk vm0, v1;
	s22 =	sadd.s32 $0x10, s22;
	vm0 =	vmmov vm1  }
.LBB2_13:
0x9b: {  	_ =	sdelay $0x4  }
0x9c: {  	v1 =	vld.msk [tilespmem:s22+$0x0 ss:$0x1], vm1;
	_ =	sdelay $0x4  }
0x9d: {  	v1 =	vshll.u32 v1, $0x4  }
0x9e: {  	[tilespmem:s22+$0x0] =	vst.msk vm0, v1  }
.LBB2_14:
0x9f: {  	s0 =	sand.u32 $0x1, s19  }
0xa0: {  	s0 =	smul.u32 $0x140, s0  }
0xa1: {  	p3 =	sne.s32 s28, $0xFFFFFFFF  }
0xa2: {  	v1 =	vld.msk @!p3 [tilespmem:s0+$0xACF8], $0x1;
	_ =	sdelay $0x4  }
0xa3: {  	(v2sf) =	vpush @!p3 v1, $0x0;
	_ =	sdelay $0xc  }
.Ltmp13:
0xa4: {  	_ = 	snop;
	(pc) =	sbr.rel @p2 .LBB2_25-.Ltmp13, $4  }
0xa5: {  	_ = 	snop  }
0xa6: {  	s26 =	spop @!p3 (v2sf)  }
0xa7: {  	s20 =	simm.s32 @!p3 $0x0;
	s22 =	smov.u32 s26  }
0xa8: {  	[sflag:s16] =	ssyncpa.u1 $0x0;
	s26 =	smov.u32 @p3 s25;
	s22 =	smov.u32 @p3 s28  }
0xa9: {  	v1 =	vld.msk [tilespmem:s21+$0x0], $0x1;
	_ =	sdelay $0x4  }
0xaa: {  	(v2sf) =	vpush v1, $0x0;
	_ =	sdelay $0xe  }
0xab: {  	s0 =	smul.u32 $0x28000, s23;
	s30 =	spop (v2sf)  }
0xac: {  	s24 =	ssub.s32 $0x0, s24;
	p2 =	seq.s32 s26, s30  }
0xad: {  	s28 =	sadd.s32 $0x1, s24;
	s0 =	sshrl.u32 s0, $0x2;
	p3 =	sgt.s32 @!p2 s26, $0x0  }
0xae: {  	s23 =	sadd.s32 $0xAF98, s0;
	s0 =	smov.u32 s26;
	p3 =	por !p3, p2  }
0xaf: {  	s0 =	simm.s32 @p3 $0x0;
	p3 =	seq.s32 s28, $0x0  }
.Ltmp14:
0xb0: {  	_ = 	snop;
	(pc) =	sbr.rel @p3 .LBB2_17-.Ltmp14, $4  }
0xb1: {  	_ = 	snop  }
0xb2: {  	s25 =	simm.s32 $0x0;
	s31 =	simm.s32 @!p2 $0x1;
	s2 =	smin.u32 @!p2 s0, $0x270F8  }
0xb3: {  	s29 =	sadd.s32 $0x1, s21;
	s31 =	smov.u32 @p2 s25;
	s8 =	sand.u32 @!p2 $0x3FFF8, s2  }
0xb4: {  	s0 =	simm.s32 @!p2 $0x50C8;
	s2 =	sand.u32 @!p2 $0x7, s2;
	s8 =	sadd.s32 @!p2 s1, s8  }
.LBB2_16:
0xb5: {  	s9 =	smov.u32 s31  }
0xb6: {  	[tilespmem:s0], [sflag:$0x2] =	stream.linear.gather @!p2 [hbm4b:s8+s2], $0x40, $0x38;
	[tilespmem:$0x1EF78] =	vst v63  }
0xb7: {  	s28 =	sadd.s32 $0x1, s28;
	s2 =	smov.u32 s30;
	v1 =	vld.msk [tilespmem:s29+$0x0], $0x1  }
0xb8: {  	p3 =	seq.s32 s28, $0x0;
	_ =	sdelay $0x3  }
0xb9: {  	(v2sf) =	vpush v1, $0x0;
	_ =	sdelay $0xe  }
0xba: {  	s30 =	spop (v2sf)  }
0xbb: {  	p2 =	seq.s32 s2, s30  }
0xbc: {  	p4 =	sgt.s32 @!p2 s2, $0x0;
	s0 =	sshll.u32 @!p2 s31, $0x8;
	s31 =	sadd.s32 @!p2 $0x1, s31  }
.Ltmp15:
0xbd: {  	p4 =	por !p4, p2;
	s0 =	sshra.s32 @!p2 s0, $0x2;
	(pc) =	sbr.rel @!p3 .LBB2_16-.Ltmp15, $4  }
0xbe: {  	s31 =	smov.u32 @p2 s9;
	s2 =	simm.s32 @p4 $0x0;
	s0 =	sadd.s32 @!p2 $0x50C8, s0  }
0xbf: {  	s2 =	smin.u32 @!p2 s2, $0x270F8  }
0xc0: {  	s8 =	sand.u32 @!p2 $0x3FFF8, s2;
	s2 =	sand.u32 @!p2 $0x7, s2  }
0xc1: {  	s29 =	sadd.s32 $0x1, s29;
	s8 =	sadd.s32 @!p2 s1, s8  }
.LBB2_17:
0xc2: {  	[tilespmem:s0], [sflag:$0x2] =	stream.linear.gather @!p2 [hbm4b:s8+s2], $0x40, $0x38;
	[tilespmem:$0x1EF78] =	vst v63  }
.Ltmp16:
0xc3: {  	s30 =	sshll.u32 s31, $0x6;
	(pc) =	sbr.rel .LBB2_18-.Ltmp16, $4  }
0xc4: {  	s31 =	simm.s32 $0x2;
	s0 =	sand.u32 $0x3FFFFFC0, s30  }
0xc5: {  	_ =	swait.ge [sflag:s31], s0  }
0xc6: {  	s0 =	ssub.s32 $0x0, s0;
	[sflag:s31] =	ssyncset.done $0x0  }
0xc7: {  	s29 =	simm.s32 $0x0;
	[sflag:s31] =	ssyncadd.s32 s0  }
.LBB2_19:
0xc8: {  	v1 =	vld [tilespmem:s23+$0xFFFFFFE0];
	_ =	sdelay $0x4  }
0xc9: {  	[tilespmem:s30+$0x88] =	vst.add.f32.msk $0xffff, v1  }
0xca: {  	v1 =	vld [tilespmem:s23+$0xFFFFFFF0];
	_ =	sdelay $0x4  }
0xcb: {  	[tilespmem:s30+$0x98] =	vst.add.f32.msk $0xffff, v1  }
0xcc: {  	v1 =	vld [tilespmem:s23+$0x0];
	_ =	sdelay $0x4  }
0xcd: {  	[tilespmem:s30+$0xA8] =	vst.add.f32.msk $0xffff, v1  }
0xce: {  	v1 =	vld [tilespmem:s23+$0x10];
	_ =	sdelay $0x4  }
0xcf: {  	[tilespmem:s30+$0xB8] =	vst.add.f32.msk $0xffff, v1  }
.LBB2_23:
0xd0: {  	s24 =	sadd.s32 $0x1, s24  }
0xd1: {  	p2 =	seq.s32 s24, $0x0  }
.Ltmp17:
0xd2: {  	_ = 	snop;
	(pc) =	sbr.rel @p2 .LBB2_24-.Ltmp17, $2  }
0xd3: {  	_ =	sdelay $0x2  }
0xd4: {  	s23 =	sadd.s32 $0x80, s23;
	s21 =	sadd.s32 $0x1, s21;
	s26 =	smov.u32 s28  }
.LBB2_18:
0xd5: {  	v1 =	vld.msk [tilespmem:s21+$0x0], $0x1;
	_ =	sdelay $0x4  }
0xd6: {  	(v2sf) =	vpush v1, $0x0;
	_ =	sdelay $0xe  }
0xd7: {  	s28 =	spop (v2sf)  }
0xd8: {  	p2 =	sne.s32 s26, s28  }
.Ltmp18:
0xd9: {  	_ = 	snop;
	(pc) =	sbr.rel @!p2 .LBB2_19-.Ltmp18, $3  }
0xda: {  	_ =	sdelay $0x1  }
0xdb: {  	s0 =	sshll.u32 s20, $0x8  }
0xdc: {  	s30 =	sshra.s32 s0, $0x2  }
0xdd: {  	p2 =	seq.s32 s26, s22  }
.Ltmp19:
0xde: {  	_ = 	snop;
	(pc) =	sbr.rel @!p2 .LBB2_21-.Ltmp19, $1  }
0xdf: {  	_ =	sdelay $0x3  }
.Ltmp20:
0xe0: {  	s0 =	sadd.s32 $0x88, s30;
	(pc) =	sbr.rel .LBB2_22-.Ltmp20, $4  }
0xe1: {  	[spmem:s13] =	stream.linear.scatter [tilespmem:s0], [sflag:$0x1], $0x40, $0x38;
	[tilespmem:$0x1EF78] =	vst v63  }
0xe2: {  	_ =	swait.ge [sflag:s11], $0x40  }
0xe3: {  	[sflag:s11] =	ssyncset.done $0x0  }
0xe4: {  	[sflag:s11] =	ssyncadd.s32 $0xFFFFFFC0  }
.LBB2_21:
0xe5: {  	s0 =	sshll.u32 s25, $0x8  }
0xe6: {  	s0 =	sshra.s32 s0, $0x2  }
0xe7: {  	v1 =	vld [tilespmem:s0+$0x50C8];
	_ =	sdelay $0x4  }
0xe8: {  	[tilespmem:s30+$0x88] =	vst.add.f32.msk $0xffff, v1  }
0xe9: {  	v1 =	vld [tilespmem:s0+$0x50D8];
	_ =	sdelay $0x4  }
0xea: {  	[tilespmem:s30+$0x98] =	vst.add.f32.msk $0xffff, v1  }
0xeb: {  	v1 =	vld [tilespmem:s0+$0x50E8];
	_ =	sdelay $0x4  }
0xec: {  	[tilespmem:s30+$0xA8] =	vst.add.f32.msk $0xffff, v1  }
0xed: {  	v1 =	vld [tilespmem:s0+$0x50F8];
	_ =	sdelay $0x2  }
0xee: {  	p2 =	sgt.u32 s26, $0x270F8  }
0xef: {  	s0 =	sand.u32 @!p2 $0x3FFF8, s26  }
0xf0: {  	s2 =	sadd.s32 $0x88, s30;
	s8 =	sand.u32 @!p2 $0x7, s26;
	s0 =	sadd.s32 @!p2 s1, s0;
	[tilespmem:s30+$0xB8] =	vst.add.f32.msk $0xffff, v1  }
0xf1: {  	[hbm4b:s0+s8] =	stream.linear.scatter @!p2 [tilespmem:s2], [sflag:$0xA], $0x40, $0x38;
	[tilespmem:$0x1EF78] =	vst v63  }
0xf2: {  	s0 =	simm.s32 $0x0  }
0xf3: {  	s0 =	simm.s32 @!p2 $0x100  }
0xf4: {  	s29 =	sadd.s32 s0, s29  }
.LBB2_22:
0xf5: {  	s0 =	sadd.s32 $0x1, s20  }
0xf6: {  	s2 =	smulhi.u32 $0xCCCCCCCD, s0;
	_ =	sdelay $0x1  }
0xf7: {  	v1 =	vld [tilespmem:s23+$0xFFFFFFE0];
	s2 =	sshrl.u32 s2, $0x8  }
0xf8: {  	s2 =	smul.u32 $0x140, s2;
	_ =	sdelay $0x1  }
0xf9: {  	s20 =	ssub.s32 s0, s2  }
0xfa: {  	s0 =	sshll.u32 s20, $0x6  }
0xfb: {  	[tilespmem:s0+$0x88] =	vst v1  }
0xfc: {  	v1 =	vld [tilespmem:s23+$0xFFFFFFF0];
	_ =	sdelay $0x4  }
0xfd: {  	[tilespmem:s0+$0x98] =	vst v1  }
0xfe: {  	v1 =	vld [tilespmem:s23+$0x0];
	_ =	sdelay $0x4  }
0xff: {  	[tilespmem:s0+$0xA8] =	vst v1  }
0x100: {  	v1 =	vld [tilespmem:s23+$0x10]  }
.Ltmp21:
0x101: {  	_ = 	snop;
	(pc) =	sbr.rel .LBB2_23-.Ltmp21, $2  }
0x102: {  	_ =	sdelay $0x2  }
0x103: {  	s25 =	sadd.s32 $0x1, s25;
	[tilespmem:s0+$0xB8] =	vst v1  }
.LBB2_25:
.Ltmp22:
0x104: {  	(pc) =	sbr.rel .LBB2_26-.Ltmp22, $4  }
0x105: {  	_ = 	snop  }
0x106: {  	s0 =	simm.s32 $0x2  }
0x107: {  	_ =	swait.ge [sflag:s0], $0x0  }
0x108: {  	s28 =	smov.u32 s26;
	[sflag:s0] =	ssyncset.done $0x0;
	s0 =	simm.s32 $0x0  }
.LBB2_28:
0x109: {  	_ =	sfence.sel $0x180000  }
0x10a: {  	s0 =	simm.s32 $0x7;
	[bflag:$0x0] =	sbarrier.arrive $0xFFFF  }
0x10b: {  	s25 =	simm.s32 $0x8;
	[sflag:s0] =	ssyncpa.u1 $0x1  }
0x10c: {  	s26 =	simm.s32 $0x9;
	[sflag:s25] =	ssyncpa.u1 $0x1  }
0x10d: {  	s28 =	simm.s32 $0x2;
	[sflag:s26] =	ssyncpa.u1 $0x1  }
0x10e: {  	[sflag:s28] =	ssyncpa.u1 $0x1  }
0x10f: {  	v0 =	vld [tilespmem:$0xA108];
	_ =	sdelay $0x4  }
0x110: {  	(v2sf) =	vpush v0, $0x0  }
0x111: {  	(v2sf) =	vpush v0, $0x1;
	_ =	sdelay $0x1  }
0x112: {  	(v2sf) =	vpush v0, $0x2;
	_ =	sdelay $0xb  }
0x113: {  	s0 =	spop (v2sf)  }
0x114: {  	s2 =	spop (v2sf)  }
0x115: {  	s3 =	smov.u32 s0;
	p0 =	sne.s32 s0, s2  }
0x116: {  	s4 =	spop (v2sf);
	s3 =	simm.s32 @!p0 $0xFFFFFFFF  }
0x117: {  	v2 =	vimm.s32 $0x1;
	v3 =	vlaneseq.u32;
	p0 =	seq.s32 s4, $0xFFFFFFFF;
	v1 =	vmov s3  }
0x118: {  	s7 =	stileid.u32;
	v0 =	vperm.xlane v0, v2;
	p1 =	sne.s32 @!p0 s0, s2;
	v1 =	vperm.xlane v1, v3  }
0x119: {  	vm0 =	vcmask $0x3F04;
	s6 =	simm.s32 $0xA108;
	s0 =	simm.s32 @!p0 $0x1;
	p1 =	por !p1, p0  }
0x11a: {  	s3 =	sshll.u32 s7, $0x1;
	s2 =	sshll.u32 @!p0 s4, $0x8;
	s0 =	simm.s32 @p1 $0x0;
	v0 =	vsel vm0, v1, v0  }
0x11b: {  	s5 =	sor.u32 $0x800, s3;
	s2 =	sshra.s32 @!p0 s2, $0x2;
	s0 =	sor.u32 @!p0 s0, s3;
	[tilespmem:$0xA108] =	vst v0  }
0x11c: {  	[spmem:s5] =	stream.linear.scatter [tilespmem:s6], [sflag:$0x1], $0x2, $0x38;
	[tilespmem:$0x1EF78] =	vst v63  }
0x11d: {  	s2 =	sadd.s32 @!p0 $0x88, s2;
	s0 =	sshll.u32 @!p0 s0, $0x6  }
0x11e: {  	[spmem:s0] =	stream.linear.scatter @!p0 [tilespmem:s2], [sflag:$0x1], $0x40, $0x38;
	[tilespmem:$0x1EF78] =	vst v63  }
0x11f: {  	s2 =	simm.s32 @!p0 $0x42  }
0x120: {  	s0 =	simm.s32 $0x1;
	s2 =	simm.s32 @p0 $0x2  }
0x121: {  	_ =	swait.ge [sflag:s0], s2  }
0x122: {  	s2 =	ssub.s32 $0x0, s2;
	[sflag:s0] =	ssyncset.done $0x0  }
0x123: {  	[sflag:s0] =	ssyncadd.s32 s2  }
0x124: {  	_ =	sfence.stream.spmem  }
0x125: {  	s29 =	simm.s32 $0x3;
	[bflag:$0x0] =	sbarrier.arrive $0xFFFF  }
0x126: {  	s30 =	simm.s32 $0x4;
	[sflag:s29] =	ssyncpa.u1 $0x1  }
0x127: {  	s31 =	simm.s32 $0x3C;
	[sflag:s30] =	ssyncpa.u1 $0x1  }
0x128: {  	p0 =	sne.s32 s7, $0x0;
	[sflag:s31] =	ssyncpa.u1 $0x1  }
0x129: {  	_ =	sfence @p0  }
0x12a: {  	[sflag:s0] =	ssyncpa.u1 @p0 $0x1  }
0x12b: {  	_ =	strace @p0 $0x90000064  }
0x12c: {  	[bflag:$0x2] =	sbarrier.arrive @p0 $0xFFFF  }
0x12d: {  	_ =	shalt @p0  }
.LBB2_29:
0x12e: {  	_ =	sfence.stream.spmem;
	s0 =	simm.s32 $0x5  }
0x12f: {  	s2 =	simm.s32 $0x800;
	s3 =	simm.s32 $0xA118;
	[sflag:s0] =	ssyncpa.u1 $0x0  }
0x130: {  	[tilespmem:s3], [sflag:$0x5] =	stream.linear.gather [spmem:s2], $0x20, $0x38;
	[tilespmem:$0x1EF78] =	vst v63  }
0x131: {  	s30 =	simm.s32 $0xA138;
	s2 =	simm.s32 $0x0  }
0x132: {  	[tilespmem:s30], [sflag:$0x5] =	stream.linear.gather [spmem:s2], $0x800, $0x38;
	[tilespmem:$0x1EF78] =	vst v63  }
.Ltmp23:
0x133: {  	_ = 	snop;
	(pc) =	sbr.rel .LBB2_30-.Ltmp23, $4  }
0x134: {  	_ =	swait.ge [sflag:s0], $0x820  }
0x135: {  	[sflag:s0] =	ssyncset.done $0x0  }
0x136: {  	s31 =	simm.s32 $0x6;
	[sflag:s0] =	ssyncadd.s32 $0xFFFFF7E0  }
0x137: {  	s3 =	simm.s32 $0x0;
	[sflag:s31] =	ssyncpa.u1 $0x0  }
.LBB2_36:
0x138: {  	p0 =	slt.u32 s4, $0x270F9  }
0x139: {  	s0 =	sand.u32 @p0 $0x3FFF8, s4  }
0x13a: {  	s4 =	sand.u32 @p0 $0x7, s4;
	s5 =	simm.s32 @p0 $0xA0C8;
	s0 =	sadd.s32 @p0 s1, s0  }
0x13b: {  	[tilespmem:s5], [sflag:$0x6] =	stream.linear.gather @p0 [hbm4b:s0+s4], $0x40, $0x38;
	[tilespmem:$0x1EF78] =	vst v63  }
0x13c: {  	s0 =	simm.s32 @p0 $0x6  }
0x13d: {  	_ =	swait.ge @p0 [sflag:s0], $0x40  }
0x13e: {  	[sflag:s0] =	ssyncset.done @p0 $0x0  }
0x13f: {  	[sflag:s0] =	ssyncadd.s32 @p0 $0xFFFFFFC0  }
0x140: {  	v1 =	vld @p0 [tilespmem:$0xA0C8];
	_ =	sdelay $0x2  }
0x141: {  	s0 =	sshll.u32 @p0 s3, $0x8  }
0x142: {  	s4 =	sshrl.u32 @p0 s0, $0x2  }
0x143: {  	[tilespmem:s4+$0xA138] =	vst.add.f32.msk @p0 $0xffff, v1  }
0x144: {  	v1 =	vld @p0 [tilespmem:$0xA0D8];
	_ =	sdelay $0x4  }
0x145: {  	[tilespmem:s4+$0xA148] =	vst.add.f32.msk @p0 $0xffff, v1  }
0x146: {  	v1 =	vld @p0 [tilespmem:$0xA0E8];
	_ =	sdelay $0x4  }
0x147: {  	[tilespmem:s4+$0xA158] =	vst.add.f32.msk @p0 $0xffff, v1  }
0x148: {  	v1 =	vld @p0 [tilespmem:$0xA0F8];
	_ =	sdelay $0x3  }
0x149: {  	s5 =	sshll.u32 @!p0 s3, $0x8  }
0x14a: {  	s5 =	smov.u32 @p0 s0;
	[tilespmem:s4+$0xA168] =	vst.add.f32.msk @p0 $0xffff, v1  }
0x14b: {  	s0 =	sshrl.u32 s5, $0x2;
	[tilespmem:s2+$0xA118] =	vst.msk $0x1, v0  }
0x14c: {  	v0 =	vld [tilespmem:s0+$0xA138];
	_ =	sdelay $0x2  }
0x14d: {  	s31 =	sshll.u32 s2, $0x8  }
0x14e: {  	s4 =	sshra.s32 s31, $0x2  }
0x14f: {  	[tilespmem:s4+$0xA138] =	vst v0  }
0x150: {  	v0 =	vld [tilespmem:s0+$0xA148];
	_ =	sdelay $0x4  }
0x151: {  	[tilespmem:s4+$0xA148] =	vst v0  }
0x152: {  	v0 =	vld [tilespmem:s0+$0xA158];
	_ =	sdelay $0x4  }
0x153: {  	[tilespmem:s4+$0xA158] =	vst v0  }
0x154: {  	v0 =	vld [tilespmem:s0+$0xA168];
	_ =	sdelay $0x4  }
0x155: {  	s2 =	sadd.s32 $0x1, s2;
	[tilespmem:s4+$0xA168] =	vst v0  }
.LBB2_37:
0x156: {  	s3 =	sadd.s32 $0x1, s3  }
0x157: {  	p0 =	sne.s32 s3, $0x20  }
.Ltmp24:
0x158: {  	_ = 	snop;
	(pc) =	sbr.rel @!p0 .LBB2_38-.Ltmp24, $1  }
0x159: {  	_ =	sdelay $0x3  }
.LBB2_30:
0x15a: {  	v0 =	vld.msk [tilespmem:s3+$0xA118], $0x1;
	_ =	sdelay $0x4  }
0x15b: {  	(v2sf) =	vpush v0, $0x0;
	_ =	sdelay $0xe  }
0x15c: {  	s4 =	spop (v2sf)  }
0x15d: {  	p0 =	seq.s32 s4, $0xFFFFFFFF  }
.Ltmp25:
0x15e: {  	_ = 	snop;
	(pc) =	sbr.rel @p0 .LBB2_37-.Ltmp25, $1  }
0x15f: {  	_ =	sdelay $0x3  }
0x160: {  	p0 =	slt.s32 s2, $0x1  }
.Ltmp26:
0x161: {  	_ = 	snop;
	(pc) =	sbr.rel @p0 .LBB2_36-.Ltmp26, $1  }
0x162: {  	_ =	sdelay $0x3  }
0x163: {  	s5 =	simm.s32 $0xA118;
	p0 =	por $0x0, $0x0  }
0x164: {  	v1 =	vld.msk @!p0 [tilespmem:s5+$0x0], $0x1;
	_ =	sdelay $0x4  }
0x165: {  	(v2sf) =	vpush @!p0 v1, $0x0;
	_ =	sdelay $0xd  }
0x166: {  	p2 =	sne.s32 s2, $0x1  }
.Ltmp27:
0x167: {  	s0 =	spop @!p0 (v2sf);
	(pc) =	sbr.rel @!p2 .LBB2_34-.Ltmp27, $4  }
0x168: {  	p1 =	seq.s32 @!p0 s4, s0  }
0x169: {  	s6 =	simm.s32 $0x0;
	p1 =	por !p1, p0  }
0x16a: {  	s0 =	simm.s32 $0xFFFFFFFF;
	s6 =	simm.s32 @p1 $0xFFFFFFFF  }
0x16b: {  	s7 =	simm.s32 $0x1;
	s6 =	smov.u32 @p0 s0  }
.LBB2_33:
0x16c: {  	s0 =	smov.u32 s6;
	p0 =	sne.s32 s6, $0xFFFFFFFF  }
0x16d: {  	s5 =	sadd.s32 $0x1, s5;
	s6 =	smov.u32 s7;
	s7 =	sadd.s32 $0x1, s7  }
0x16e: {  	p1 =	sne.s32 s2, s7;
	v1 =	vld.msk @!p0 [tilespmem:s5+$0x0], $0x1;
	_ =	sdelay $0x4  }
0x16f: {  	(v2sf) =	vpush @!p0 v1, $0x0;
	_ =	sdelay $0xe  }
.Ltmp28:
0x170: {  	s8 =	spop @!p0 (v2sf);
	(pc) =	sbr.rel @p1 .LBB2_33-.Ltmp28, $4  }
0x171: {  	p2 =	seq.s32 @!p0 s4, s8  }
0x172: {  	p2 =	por !p2, p0  }
0x173: {  	s6 =	simm.s32 @p2 $0xFFFFFFFF  }
0x174: {  	s6 =	smov.u32 @p0 s0  }
.LBB2_34:
0x175: {  	p0 =	seq.s32 s6, $0xFFFFFFFF  }
.Ltmp29:
0x176: {  	_ = 	snop;
	(pc) =	sbr.rel @p0 .LBB2_36-.Ltmp29, $1  }
0x177: {  	_ =	sdelay $0x3  }
0x178: {  	s0 =	sshll.u32 s3, $0x6  }
0x179: {  	s0 =	sand.u32 $0x3FFFFFC0, s0  }
0x17a: {  	v0 =	vld [tilespmem:s0+$0xA138];
	_ =	sdelay $0x2  }
0x17b: {  	s4 =	sshll.u32 s6, $0x8  }
0x17c: {  	s4 =	sshra.s32 s4, $0x2  }
0x17d: {  	[tilespmem:s4+$0xA138] =	vst.add.f32.msk $0xffff, v0  }
0x17e: {  	v0 =	vld [tilespmem:s0+$0xA148];
	_ =	sdelay $0x4  }
0x17f: {  	[tilespmem:s4+$0xA148] =	vst.add.f32.msk $0xffff, v0  }
0x180: {  	v0 =	vld [tilespmem:s0+$0xA158];
	_ =	sdelay $0x4  }
0x181: {  	[tilespmem:s4+$0xA158] =	vst.add.f32.msk $0xffff, v0  }
0x182: {  	v0 =	vld [tilespmem:s0+$0xA168]  }
.Ltmp30:
0x183: {  	_ = 	snop;
	(pc) =	sbr.rel .LBB2_37-.Ltmp30, $2  }
0x184: {  	_ =	sdelay $0x2  }
0x185: {  	[tilespmem:s4+$0xA168] =	vst.add.f32.msk $0xffff, v0  }
.LBB2_38:
0x186: {  	p0 =	slt.s32 s2, $0x1  }
.Ltmp31:
0x187: {  	_ = 	snop;
	(pc) =	sbr.rel @p0 .LBB2_42-.Ltmp31, $3  }
0x188: {  	_ =	sdelay $0x1  }
0x189: {  	s0 =	simm.s32 $0x6  }
0x18a: {  	s3 =	simm.s32 $0x0;
	[sflag:s0] =	ssyncpa.u1 $0x1  }
0x18b: {  	s0 =	simm.s32 $0xA118  }
0x18c: {  	v0 =	vld.msk [tilespmem:s0+$0x0], $0x1;
	_ =	sdelay $0x4  }
0x18d: {  	(v2sf) =	vpush v0, $0x0;
	_ =	sdelay $0xe  }
0x18e: {  	s2 =	sadd.s32 $0xFFFFFFFF, s2;
	s0 =	spop (v2sf)  }
0x18f: {  	p1 =	sne.s32 s2, $0x0;
	p0 =	sgt.u32 s0, $0x270F8  }
.Ltmp32:
0x190: {  	s5 =	sand.u32 @!p0 $0x3FFF8, s0;
	(pc) =	sbr.rel @!p1 .LBB2_41-.Ltmp32, $4  }
0x191: {  	s4 =	simm.s32 $0xA138;
	s0 =	sand.u32 @!p0 $0x7, s0;
	s5 =	sadd.s32 @!p0 s1, s5  }
0x192: {  	[hbm4b:s5+s0] =	stream.linear.scatter @!p0 [tilespmem:s4], [sflag:$0x5], $0x40, $0x38;
	[tilespmem:$0x1EF78] =	vst v63  }
0x193: {  	s0 =	simm.s32 $0x0  }
0x194: {  	s5 =	simm.s32 $0xA119;
	s0 =	simm.s32 @!p0 $0x100  }
.LBB2_40:
0x195: {  	v0 =	vld.msk [tilespmem:s5+$0x0], $0x1;
	s2 =	sadd.s32 $0xFFFFFFFF, s2;
	s3 =	sadd.s32 s3, s0  }
0x196: {  	p0 =	sne.s32 s2, $0x0;
	_ =	sdelay $0x3  }
0x197: {  	(v2sf) =	vpush v0, $0x0;
	_ =	sdelay $0xe  }
.Ltmp33:
0x198: {  	s6 =	spop (v2sf);
	(pc) =	sbr.rel @p0 .LBB2_40-.Ltmp33, $4  }
0x199: {  	s0 =	simm.s32 $0x0;
	p1 =	sgt.u32 s6, $0x270F8  }
0x19a: {  	s4 =	sadd.s32 $0x40, s4;
	s0 =	simm.s32 @!p1 $0x100;
	s7 =	sand.u32 @!p1 $0x3FFF8, s6  }
0x19b: {  	s5 =	sadd.s32 $0x1, s5;
	s6 =	sand.u32 @!p1 $0x7, s6;
	s7 =	sadd.s32 @!p1 s1, s7  }
0x19c: {  	[hbm4b:s7+s6] =	stream.linear.scatter @!p1 [tilespmem:s4], [sflag:$0x5], $0x40, $0x38;
	[tilespmem:$0x1EF78] =	vst v63  }
.LBB2_41:
0x19d: {  	s0 =	sadd.s32 s3, s0  }
0x19e: {  	s3 =	sshrl.u32 s0, $0x2  }
.LBB2_42:
0x19f: {  	s0 =	simm.s32 $0x5  }
0x1a0: {  	_ =	swait.ge [sflag:s0], s3  }
0x1a1: {  	s1 =	ssub.s32 $0x0, s3;
	[sflag:s0] =	ssyncset.done $0x0  }
0x1a2: {  	[sflag:s0] =	ssyncadd.s32 s1  }
0x1a3: {  	[sflag:s0] =	ssyncpa.u1 $0x1  }
0x1a4: {  	s30 =	simm.s32 $0x1;
	_ =	sfence  }
0x1a5: {  	[sflag:s30] =	ssyncpa.u1 $0x1  }
0x1a6: {  	_ =	strace $0x90000064  }
0x1a7: {  	[bflag:$0x2] =	sbarrier.arrive $0xFFFF  }
0x1a8: {  	s31 =	rddreg [dreg:$0x1]  }
0x1a9: {  	s0 =	sadd.s32 $0x100000, s31  }
0x1aa: {  	[sflag:s0] =	ssyncadd.tile.s32 $0x1;
	_ =	shalt  }
.Lfunc_end2:
_tile_overlayer_lowered:
.L_overlay_start_2:
0x1ab: {  	(tag) =	ssettag $0x2  }
0x1ac: {  	s0 =	rddreg [dreg:$0x0];
	s2 =	stileid.u32  }
0x1ad: {  	s1 =	rddreg [dreg:$0x1];
	p0 =	sne.s32 s2, $0x0  }
0x1ae: {  	s3 =	rddreg [dreg:$0x2];
	[bflag:$0x3] =	sbarrier.arrive $0xFFFF;
	s2 =	simm.s32 @!p0 $0x1C01  }
0x1af: {  	[timem:s3], [sflag:s2] =	dma.local @!p0 [hbm:s0], s1  }
0x1b0: {  	s0 =	simm.s32 @!p0 $0x1  }
0x1b1: {  	_ =	swait.ge @!p0 [sflag:s0], s1  }
0x1b2: {  	s1 =	ssub.s32 @!p0 $0x0, s1;
	[sflag:s0] =	ssyncset.done @!p0 $0x0  }
0x1b3: {  	[sflag:s0] =	ssyncadd.s32 @!p0 s1  }
0x1b4: {  	[bflag:$0x3] =	sbarrier.arrive $0xFFFF  }
0x1b5: {  	_ =	shalt  }

// kernel: scatter_offload_async_start.3
scs
__scs_entry_jumppad:
0x0: {  	(pc) =	sbr.rel $0x88, $3  }
0x1: {  	(tag) =	ssettag $0x0;
	lr =	simm.s32 $0x1  }
0x2: {  	[smem:$0x3F95] =	sst lr;
	_ =	strace $0xD0000000  }
0x3: {  	_ = 	snop  }
0x4: {  	_ = 	snop  }
0x5: {  	_ = 	snop  }
0x6: {  	_ = 	snop  }
0x7: {  	_ = 	snop  }
__scs_overlays_trampoline_lowered:
0x8: {  	[smem:$0x3FA4] =	sst s0  }
0x9: {  	[smem:$0x3FA5] =	sst s1  }
0xa: {  	[smem:$0x3FA6] =	sst s2  }
0xb: {  	[smem:$0x3FA7] =	sst s3  }
0xc: {  	[smem:$0x3FA8] =	sst s4  }
0xd: {  	[smem:$0x3FA9] =	sst s5  }
0xe: {  	[smem:$0x3FAA] =	sst s6  }
0xf: {  	[smem:$0x3FAB] =	sst s7  }
0x10: {  	[smem:$0x3FAC] =	sst s8  }
0x11: {  	[smem:$0x3FAD] =	sst s9;
	s0 =	simm.s32 @!p0 $0x0  }
0x12: {  	s1 =	sld [smem:$0x3F93];
	s0 =	simm.s32 @p0 $0x1  }
0x13: {  	[smem:$0x3FAE] =	sst s0;
	s0 =	simm.s32 @!p1 $0x0  }
0x14: {  	s2 =	sld [smem:$0x3F92];
	s0 =	simm.s32 @p1 $0x1  }
0x15: {  	[smem:$0x3FAF] =	sst s0;
	s0 =	simm.s32 @!p2 $0x0  }
0x16: {  	s3 =	sld [smem:$0x3FDB];
	s0 =	simm.s32 @p2 $0x1  }
0x17: {  	s4 =	simm.s32 $0x1BF5;
	[smem:$0x3FB1] =	sst s0  }
0x18: {  	s0 =	sld [smem:$0x3F94];
	_ =	swait.ge [sflag:s4], $0x0  }
0x19: {  	s7 =	sld [smem:$0x3F95]  }
0x1a: {  	s8 =	sadd.s32 $0xFFFFE003, lr  }
0x1b: {  	s9 =	sadd.s32 $0xFFFFFEF7, lr;
	s5 =	simm.s32 $0xFFFFFFFF;
	p2 =	slt.u32 s8, $0xFFFFF086  }
0x1c: {  	p1 =	slt.u32 s9, $0xF7A;
	s5 =	simm.s32 @!p2 $0x0  }
0x1d: {  	s5 =	simm.s32 @p1 $0x1;
	p0 =	seq.s32 s7, s2  }
0x1e: {  	s7 =	smul.u32 @!p0 $0xF7A, s2;
	p2 =	seq.s32 @!p0 s5, $0x0  }
0x1f: {  	s9 =	smul.u32 $0xF7A, s1;
	s8 =	simm.s32 @!p0 $0x1BF5;
	p2 =	por !p2, p0  }
0x20: {  	[sflag:s8] =	ssyncset.s32 @!p0 $0xFFFFF086;
	s6 =	sadd.s32 @!p0 s3, s7;
	s7 =	simm.s32 @!p0 $0x108  }
0x21: {  	s3 =	sadd.s32 s3, s9;
	s6 =	sadd.s32 @!p0 $0x88, s6;
	s7 =	simm.s32 @p2 $0x1082  }
0x22: {  	[simem:s7], [sflag:s8] =	dma.local @!p0 [hbm:s6], $0xF7A  }
0x23: {  	s9 =	sor.u32 $0xD0000000, s2;
	s6 =	simm.s32 $0x108;
	_ =	swait.ge @!p0 [sflag:s8], $0x0  }
0x24: {  	s3 =	sadd.s32 $0x88, s3;
	s6 =	simm.s32 @!p1 $0x1082;
	[sflag:s4] =	ssyncset.s32 $0xFFFFF086  }
0x25: {  	[simem:s6], [sflag:s4] =	dma.local [hbm:s3], $0xF7A  }
0x26: {  	[smem:$0x3F95] =	sst s1;
	(tag) =	ssettag s2;
	_ =	strace s9  }
0x27: {  	s1 =	sld [smem:$0x3FA5]  }
0x28: {  	s2 =	sld [smem:$0x3FA6]  }
0x29: {  	s4 =	sld [smem:$0x3FA8]  }
0x2a: {  	p0 =	seq.s32 s5, $0x0;
	s5 =	sld [smem:$0x3FA9]  }
0x2b: {  	s6 =	sld [smem:$0x3FAA]  }
0x2c: {  	s7 =	sld [smem:$0x3FAB]  }
0x2d: {  	s3 =	simm.s32 $0x108;
	s8 =	sld [smem:$0x3FAC]  }
0x2e: {  	s3 =	simm.s32 @!p0 $0x1082;
	s9 =	sld [smem:$0x3FAD]  }
0x2f: {  	lr =	sadd.s32 s0, s3;
	s0 =	sld [smem:$0x3FA4]  }
0x30: {  	s3 =	sld [smem:$0x3FA7]  }
0x31: {  	[smem:$0x3FB0] =	sst s10  }
0x32: {  	s10 =	sld [smem:$0x3FAE];
	_ =	sdelay $0x3  }
0x33: {  	p0 =	seq.s32 s10, $0x1;
	s10 =	sld [smem:$0x3FB0];
	_ =	sdelay $0x3  }
0x34: {  	[smem:$0x3FB0] =	sst s10  }
0x35: {  	s10 =	sld [smem:$0x3FAF];
	_ =	sdelay $0x3  }
0x36: {  	p1 =	seq.s32 s10, $0x1;
	s10 =	sld [smem:$0x3FB0];
	_ =	sdelay $0x3  }
0x37: {  	[smem:$0x3FB0] =	sst s10  }
0x38: {  	s10 =	sld [smem:$0x3FB1]  }
0x39: {  	_ = 	snop;
	(pc) =	sbr.ind lr, $3  }
0x3a: {  	_ = 	snop  }
0x3b: {  	_ = 	snop  }
0x3c: {  	p2 =	seq.s32 s10, $0x1;
	s10 =	sld [smem:$0x3FB0]  }
0x3d: {  	_ =	shalt  }
0x3e: {  	_ =	shalt  }
0x3f: {  	_ =	shalt  }
0x40: {  	_ =	shalt  }
0x41: {  	_ =	shalt  }
0x42: {  	_ =	shalt  }
0x43: {  	_ =	shalt  }
0x44: {  	_ =	shalt  }
0x45: {  	_ =	shalt  }
0x46: {  	_ =	shalt  }
0x47: {  	_ =	shalt  }
0x48: {  	_ =	shalt  }
0x49: {  	_ =	shalt  }
0x4a: {  	_ =	shalt  }
0x4b: {  	_ =	shalt  }
0x4c: {  	_ =	shalt  }
0x4d: {  	_ =	shalt  }
0x4e: {  	_ =	shalt  }
0x4f: {  	_ =	shalt  }
0x50: {  	_ =	shalt  }
0x51: {  	_ =	shalt  }
0x52: {  	_ =	shalt  }
0x53: {  	_ =	shalt  }
0x54: {  	_ =	shalt  }
0x55: {  	_ =	shalt  }
0x56: {  	_ =	shalt  }
0x57: {  	_ =	shalt  }
0x58: {  	_ =	shalt  }
0x59: {  	_ =	shalt  }
0x5a: {  	_ =	shalt  }
0x5b: {  	_ =	shalt  }
0x5c: {  	_ =	shalt  }
0x5d: {  	_ =	shalt  }
0x5e: {  	_ =	shalt  }
0x5f: {  	_ =	shalt  }
0x60: {  	_ =	shalt  }
0x61: {  	_ =	shalt  }
0x62: {  	_ =	shalt  }
0x63: {  	_ =	shalt  }
0x64: {  	_ =	shalt  }
0x65: {  	_ =	shalt  }
0x66: {  	_ =	shalt  }
0x67: {  	_ =	shalt  }
0x68: {  	_ =	shalt  }
0x69: {  	_ =	shalt  }
0x6a: {  	_ =	shalt  }
0x6b: {  	_ =	shalt  }
0x6c: {  	_ =	shalt  }
0x6d: {  	_ =	shalt  }
0x6e: {  	_ =	shalt  }
0x6f: {  	_ =	shalt  }
0x70: {  	_ =	shalt  }
0x71: {  	_ =	shalt  }
0x72: {  	_ =	shalt  }
0x73: {  	_ =	shalt  }
0x74: {  	_ =	shalt  }
0x75: {  	_ =	shalt  }
0x76: {  	_ =	shalt  }
0x77: {  	_ =	shalt  }
0x78: {  	_ =	shalt  }
0x79: {  	_ =	shalt  }
0x7a: {  	_ =	shalt  }
0x7b: {  	_ =	shalt  }
0x7c: {  	_ =	shalt  }
0x7d: {  	_ =	shalt  }
0x7e: {  	_ =	shalt  }
0x7f: {  	_ =	shalt  }
0x80: {  	_ =	shalt  }
0x81: {  	_ =	shalt  }
0x82: {  	_ =	shalt  }
0x83: {  	_ =	shalt  }
0x84: {  	_ =	shalt  }
0x85: {  	_ =	shalt  }
0x86: {  	_ =	shalt  }
0x87: {  	_ =	shalt  }
.Lfunc_end0:
.L_simem_size_0:
called_computation.3_lowered:
.L_overlay_start_0:
0x88: {  	s0 =	sld [smem:$0x3FD9]  }
0x89: {  	s1 =	sld [smem:$0x3FFE];
	_ =	sdelay $0x3  }
0x8a: {  	s0 =	sadd.s32 s1, s0  }
0x8b: {  	[smem:$0x3FBC] =	sst s0  }
0x8c: {  	_ = 	snop  }
0x8d: {  	(tm) =	ssettm $0x1  }
0x8e: {  	s15 =	sld [smem:$0x3FFB];
	_ =	sdelay $0x3  }
0x8f: {  	_ =	strace s15  }
0x90: {  	s0 =	sld [smem:$0x3FFC];
	_ =	sdelay $0x3  }
0x91: {  	_ =	strace s0  }
0x92: {  	s0 =	sld [smem:$0x3FFD];
	_ =	sdelay $0x3  }
0x93: {  	_ =	strace s0  }
0x94: {  	_ =	strace $0x8FFFFFFF  }
0x95: {  	s16 =	sld [smem:$0x3FDB];
	_ =	sdelay $0x1  }
0x96: {  	s17 =	simm.s32 $_scs_section_size  }
0x97: {  	s2 =	simm.s32 $_size__tile_overlayer_lowered;
	s3 =	simm.s32 $_tile_overlayer_lowered  }
0x98: {  	s20 =	simm.s32 $0x1BFF;
	s19 =	sshll.u32 s3, $0x1;
	s0 =	sadd.s32 s17, s16  }
0x99: {  	s4 =	simm.s32 $0x0;
	s18 =	sshll.u32 s2, $0x1;
	s2 =	sadd.s32 s19, s0  }
0x9a: {  	[timem:s4], [sflag:s20] =	dma.local [hbm:s2], s18  }
0x9b: {  	_ =	swait.ge [sflag:s20], s18  }
0x9c: {  	s1 =	ssub.s32 $0x0, s18;
	[sflag:s20] =	ssyncset.done $0x0  }
0x9d: {  	[sflag:s20] =	ssyncadd.s32 s1;
	_ =	sdelay $0x1  }
0x9e: {  	s21 =	simm.s32 $0x1B8B  }
0x9f: {  	_ =	swait.ge [sflag:s21], $0x1  }
0xa0: {  	[sflag:s21] =	ssyncset.done $0x0  }
0xa1: {  	s23 =	simm.s32 $0x1B8E;
	s22 =	sld [smem:$0x3FFE];
	[sflag:s21] =	ssyncadd.s32 $0xFFFFFFFF  }
0xa2: {  	s24 =	simm.s32 $execute0_lowered;
	[smem:$0x3FD2] =	sst s23  }
0xa3: {  	s2 =	sshll.u32 s24, $0x1;
	_ =	strace $0x80000060;
	[dreg:$0x1] =	wrdreg $0xFFFFFFFF  }
0xa4: {  	s25 =	simm.s32 $_size_execute0_lowered;
	s0 =	sadd.s32 s0, s2;
	[dreg:$0x0] =	wrdreg $0x0  }
0xa5: {  	s2 =	sshll.u32 s25, $0x1;
	[dreg:$0x2] =	wrdreg s0  }
0xa6: {  	[dreg:$0x3] =	wrdreg s2  }
0xa7: {  	[dreg:$0x4] =	wrdreg $0xC0  }
0xa8: {  	_ =	task [dreg:s4], $0x5FFFF  }
0xa9: {  	[dreg:$0x1] =	wrdreg $0xFFFFFFFF  }
0xaa: {  	[dreg:$0x0] =	wrdreg $0x60  }
0xab: {  	[dreg:$0x2] =	wrdreg s22  }
0xac: {  	[dreg:$0x3] =	wrdreg $0xA  }
0xad: {  	_ =	task.clear_ibuf [dreg:s4], $0x4FFFF;
	_ =	strace $0x90000060  }
0xae: {  	s26 =	simm.s32 $0xA;
	_ =	strace $0x80000062  }
0xaf: {  	_ =	swait.ge [sflag:s26], $0x1  }
0xb0: {  	[sflag:s26] =	ssyncadd.s32 $0xFFFFFFFF  }
0xb1: {  	_ =	strace $0x90000062  }
0xb2: {  	_ =	sfence  }
0xb3: {  	s28 =	sld [smem:$0x0];
	_ =	sdelay $0x1  }
0xb4: {  	s29 =	srdreg.scid  }
0xb5: {  	s30 =	sshll.u32 s29, $0xD;
	s31 =	sshrl.u32 s29, $0x2  }
0xb6: {  	s1 =	sand.u32 $0x1, s29;
	s2 =	sand.u32 $0x4000, s30;
	s0 =	sadd.s32 s31, s28  }
0xb7: {  	s1 =	sor.u32 s2, s1;
	s0 =	sshll.u32 s0, $0x11  }
0xb8: {  	s0 =	sor.u32 s0, s1  }
0xb9: {  	s0 =	sadd.s32 $0x8F2B, s0  }
0xba: {  	[sflag:s0] =	ssyncadd.remote.s32 $0x1  }
0xbb: {  	_ =	sfence.sel $0xFFFF  }
0xbc: {  	[dreg:$0x0] =	wrdreg $0xFFFFFFFF;
	(pc) =	sbr.abs _section_cstart, $3  }
0xbd: {  	[dreg:$0x1] =	wrdreg $0xFFFFFFFF  }
0xbe: {  	_ =	task.clear_ibuf [dreg:s4], $0x2FFFF;
	_ =	strace $0x9FFFFFFF  }
0xbf: {  	(tm) =	ssettm $0x7FFFFFFF  }
tec
execute0_lowered:
.L_overlay_start_1:
0x0: {  	(tag) =	ssettag $0x1  }
0x1: {  	s0 =	rddreg [dreg:$0x0];
	_ =	strace $0x80000061;
	s1 =	simm.s32 $0x1  }
0x2: {  	s8 =	simm.s32 $0x88;
	v0 =	vimm.s32 $0x0;
	[sflag:s1] =	ssyncpa.u1 $0x0  }
0x3: {  	[tilespmem:s8+$0x30] =	vst v0  }
0x4: {  	s1 =	sadd.s32 $0xA63A00, s0;
	s3 =	sadd.s32 $0xA3BE00, s0;
	[tilespmem:s8+$0x20] =	vst v0  }
0x5: {  	s4 =	sadd.s32 $0x144EC00, s0;
	s5 =	sadd.s32 $0xA4FC00, s0;
	s0 =	simm.s32 $0x40;
	[tilespmem:s8+$0x10] =	vst v0  }
.LBB2_1:
0x6: {  	s0 =	sadd.s32 $0x40, s0  }
0x7: {  	[tilespmem:s8+$0x0] =	vst v0;
	s8 =	sadd.s32 $0x40, s8;
	p0 =	slt.u32 s0, $0x5040  }
.Ltmp0:
0x8: {  	(pc) =	sbr.rel @p0 .LBB2_1-.Ltmp0, $4  }
0x9: {  	_ = 	snop  }
0xa: {  	[tilespmem:s8+$0x30] =	vst v0  }
0xb: {  	[tilespmem:s8+$0x20] =	vst v0  }
0xc: {  	[tilespmem:s8+$0x10] =	vst v0  }
0xd: {  	s9 =	stileid.u32  }
0xe: {  	s6 =	smul.u32 $0x9EC0, s9;
	_ =	sdelay $0x1  }
0xf: {  	s0 =	smin.u32 s6, $0x94C50  }
0x10: {  	s7 =	sadd.s32 $0x9EC0, s0  }
0x11: {  	s0 =	ssub.s32 s7, s6  }
0x12: {  	p0 =	sgt.s32 s0, $0x0  }
0x13: {  	s29 =	simm.s32 $0x2;
	s10 =	simm.s32 $0x7;
	s0 =	simm.s32 @!p0 $0x0  }
0x14: {  	s31 =	simm.s32 $0x8;
	s11 =	simm.s32 $0x1;
	s2 =	smulhi.u32 $0xCCCCCD, s0  }
0x15: {  	s15 =	simm.s32 $0x0;
	p1 =	por $0x0, $0x0;
	s16 =	simm.s32 $0xA  }
0x16: {  	s20 =	simm.s32 $0x0;
	s17 =	simm.s32 $0x0;
	s30 =	smul.u32 $0x140, s2  }
.Ltmp1:
0x17: {  	[tilespmem:s8+$0x0] =	vst v0;
	s19 =	simm.s32 $0x0;
	[sflag:s29] =	ssyncpa.u1 $0x0;
	(pc) =	sbr.rel .LBB2_3-.Ltmp1, $4  }
0x18: {  	v0 =	vimm.s32 $0xFFFFFFFF;
	s13 =	sshll.u32 s9, $0x7;
	p0 =	sne.s32 s0, s30;
	s0 =	simm.s32 $0x1  }
0x19: {  	[tilespmem:$0xA108] =	vst v0;
	[sflag:s10] =	ssyncpa.u1 $0x0;
	s10 =	simm.s32 $0x9;
	s0 =	simm.s32 @!p0 $0x0  }
0x1a: {  	[sflag:s31] =	ssyncpa.u1 $0x0;
	s18 =	smov.u32 s6;
	s12 =	sadd.s32 s0, s2  }
0x1b: {  	v0 =	vlaneseq.u32;
	[sflag:s10] =	ssyncpa.u1 $0x0;
	p0 =	por $0x1, $0x1;
	s14 =	sadd.s32 $0x1, s12  }
.LBB2_24:
0x1c: {  	s0 =	sshrl.u32 s29, $0x2  }
.LBB2_26:
0x1d: {  	_ =	swait.ge [sflag:s16], s0  }
0x1e: {  	s31 =	ssub.s32 $0x0, s0;
	v1 =	vmov s22;
	vm0 =	veq.s32 v0, $0x0;
	[sflag:s16] =	ssyncset.done $0x0  }
0x1f: {  	vm15 =	veq.s32 v0, $0x2;
	v1 =	vsel vm0, s28, v1;
	[sflag:s16] =	ssyncadd.s32 s31  }
0x20: {  	v1 =	vsel vm15, s20, v1;
	[sflag:s16] =	ssyncpa.u1 $0x1  }
0x21: {  	[tilespmem:$0xA108] =	vst v1  }
.LBB2_27:
0x22: {  	s0 =	sadd.s32 $0x140, s18  }
0x23: {  	s2 =	smov.u32 s6;
	p2 =	slt.s32 s0, s7  }
0x24: {  	s2 =	smov.u32 @p2 s0;
	p2 =	sne.s32 s19, s14  }
.Ltmp2:
0x25: {  	_ = 	snop;
	(pc) =	sbr.rel @!p2 .LBB2_28-.Ltmp2, $4  }
0x26: {  	_ = 	snop  }
0x27: {  	s20 =	smov.u32 s17  }
0x28: {  	s31 =	sadd.s32 $0x1, s19;
	s17 =	smov.u32 s18;
	p0 =	por !p0, !p0  }
0x29: {  	p1 =	por !p1, !p1;
	s19 =	smov.u32 s31;
	s18 =	smov.u32 s2  }
.LBB2_3:
0x2a: {  	p2 =	sge.u32 s19, s12  }
0x2b: {  	s0 =	smulhi.u32 @!p2 $0xAAAAAAAB, s19  }
0x2c: {  	s2 =	smov.u32 s18;
	p3 =	sgt.s32 @!p2 s18, $0x9E9D0  }
0x2d: {  	s8 =	sshra.s32 @!p2 s18, $0x1F;
	p3 =	por !p3, p2;
	s0 =	sshrl.u32 @!p2 s0, $0x1  }
0x2e: {  	s8 =	sand.u32 @!p2 s8, s18;
	s2 =	simm.s32 @p3 $0x9E9D0;
	s0 =	smul.u32 @!p2 $0x3, s0  }
0x2f: {  	s2 =	ssub.s32 @!p2 s2, s8  }
0x30: {  	s22 =	sadd.s32 $0xFFFFFFFF, s19;
	s2 =	sadd.s32 @!p2 $0xFFF61630, s2;
	s0 =	ssub.s32 @!p2 s19, s0  }
0x31: {  	s8 =	sshll.u32 @!p2 s2, $0x2;
	p3 =	sgt.s32 @!p2 s2, $0x13F;
	s0 =	smul.u32 @!p2 $0x500, s0  }
0x32: {  	s21 =	sand.u32 @!p2 $0x7, s18;
	s2 =	ssub.s32 @!p2 $0x500, s8;
	p3 =	por !p3, p2  }
0x33: {  	s8 =	sshrl.u32 @!p2 s18, $0x3;
	s2 =	sshrl.u32 @!p2 s2, $0x2;
	s0 =	sshrl.u32 @!p2 s0, $0x2  }
0x34: {  	s8 =	sadd.s32 @!p2 s5, s8;
	s2 =	simm.s32 @!p3 $0x0;
	s0 =	sadd.s32 @!p2 $0xA938, s0  }
0x35: {  	[tilespmem:s0], [sflag:$0x8] =	stream.linear.gather @!p2 [hbm4b:s8+s21], s2, $0x38;
	[tilespmem:$0x1EF78] =	vst v63  }
0x36: {  	p2 =	sge.u32 s22, s12  }
0x37: {  	p3 =	sgt.s32 @!p2 s17, $0x9E9D0  }
0x38: {  	s0 =	smov.u32 s17;
	s2 =	sshra.s32 @!p2 s17, $0x1F;
	p3 =	por !p3, p2  }
0x39: {  	s2 =	sand.u32 @!p2 s2, s17;
	s0 =	simm.s32 @p3 $0x9E9D0  }
0x3a: {  	s0 =	ssub.s32 @!p2 s0, s2  }
0x3b: {  	s0 =	sadd.s32 @!p2 $0xFFF61630, s0  }
0x3c: {  	s2 =	sshll.u32 @!p2 s0, $0x2  }
0x3d: {  	p3 =	sgt.s32 @!p2 s0, $0x13F;
	s0 =	ssub.s32 @!p2 $0x500, s2  }
0x3e: {  	p3 =	por !p3, p2;
	s0 =	sshrl.u32 @!p2 s0, $0x2  }
0x3f: {  	s8 =	simm.s32 @!p2 $0x8;
	s2 =	sand.u32 @!p2 $0x1, s22;
	s0 =	simm.s32 @!p3 $0x0  }
0x40: {  	s2 =	smul.u32 @!p2 $0x500, s2;
	_ =	swait.ge @!p2 [sflag:s8], s0  }
0x41: {  	s21 =	ssub.s32 @!p2 $0x0, s0;
	[sflag:s8] =	ssyncset.done @!p2 $0x0  }
0x42: {  	s2 =	sshrl.u32 @!p2 s2, $0x2;
	[sflag:s8] =	ssyncadd.s32 @!p2 s21;
	s8 =	sshrl.u32 @!p2 s17, $0x3  }
0x43: {  	s2 =	sadd.s32 @!p2 $0xACF8, s2;
	s21 =	sand.u32 @!p2 $0x7, s17;
	s8 =	sadd.s32 @!p2 s3, s8  }
0x44: {  	[tilespmem:s2], [sflag:$0x9] =	stream.linear.gather @!p2 [hbm4b:s8+s21], s0, $0x38;
	[tilespmem:$0x1EF78] =	vst v63  }
0x45: {  	s21 =	ssub.s32 @!p2 $0x9EB10, s17  }
0x46: {  	p3 =	slt.s32 @!p2 s21, $0x1  }
0x47: {  	p3 =	por p2, p3  }
.Ltmp3:
0x48: {  	_ = 	snop;
	(pc) =	sbr.rel @p3 .LBB2_9-.Ltmp3, $1  }
0x49: {  	_ =	sdelay $0x3  }
0x4a: {  	s0 =	smulhi.u32 $0xAAAAAAAB, s22;
	_ =	sdelay $0x1  }
0x4b: {  	s0 =	sshrl.u32 s0, $0x1  }
0x4c: {  	s0 =	smul.u32 $0x3, s0;
	_ =	sdelay $0x1  }
0x4d: {  	s0 =	ssub.s32 s22, s0  }
0x4e: {  	s2 =	simm.s32 $0x1;
	s0 =	smul.u32 $0x500, s0  }
.Ltmp4:
0x4f: {  	s2 =	simm.s32 @!p0 $0x0;
	(pc) =	sbr.rel .LBB2_6-.Ltmp4, $4  }
0x50: {  	s2 =	smul.u32 $0x28000, s2  }
0x51: {  	p3 =	slt.s32 @!p2 s21, $0x140;
	s0 =	sshrl.u32 s0, $0x2  }
0x52: {  	p2 =	por !p3, p2;
	s2 =	sshrl.u32 s2, $0x2;
	s0 =	sadd.s32 $0xA938, s0  }
0x53: {  	s23 =	simm.s32 $0x0;
	s21 =	simm.s32 @p2 $0x140;
	s22 =	sadd.s32 $0xAF78, s2;
	v1 =	vmov s0  }
.LBB2_5:
0x54: {  	p2 =	sge.s32 s23, s21  }
.Ltmp5:
0x55: {  	_ = 	snop;
	(pc) =	sbr.rel @p2 .LBB2_9-.Ltmp5, $2  }
0x56: {  	_ =	sdelay $0x2  }
0x57: {  	s22 =	sadd.s32 $0x800, s22  }
.LBB2_6:
0x58: {  	p2 =	sle.s32 s21, s23  }
.Ltmp6:
0x59: {  	_ = 	snop;
	(pc) =	sbr.rel @p2 .LBB2_5-.Ltmp6, $2  }
0x5a: {  	_ =	sdelay $0x2  }
0x5b: {  	s24 =	smov.u32 s23;
	s23 =	sadd.s32 $0x10, s23  }
0x5c: {  	s0 =	ssub.s32 s21, s24  }
0x5d: {  	p2 =	slt.s32 s0, $0x10  }
0x5e: {  	s0 =	simm.s32 @!p2 $0x10  }
0x5f: {  	v2 =	vmov s0  }
0x60: {  	vm0 =	vgt.s32 v2, v0;
	_ =	sdelay $0x5  }
0x61: {  	v2 =	vld.idx.msk [tilespmem:v1+s24+$0x0 ss:$0x1], vm0;
	_ =	sdelay $0x2  }
0x62: {  	p2 =	slt.s32 s23, s21;
	s0 =	smov.u32 s21  }
0x63: {  	s2 =	smov.u32 s22;
	s25 =	simm.s32 $0x0;
	s0 =	smov.u32 @p2 s23  }
.LBB2_8:
0x64: {  	(v2sf) =	vpush v2, s25;
	_ =	sdelay $0xc  }
0x65: {  	s25 =	sadd.s32 $0x1, s25  }
0x66: {  	s31 =	sadd.s32 s25, s24  }
0x67: {  	p2 =	slt.s32 s31, s0;
	s8 =	spop (v2sf)  }
.Ltmp7:
0x68: {  	s8 =	sshll.u32 s8, $0x4;
	(pc) =	sbr.rel @p2 .LBB2_8-.Ltmp7, $4  }
0x69: {  	s8 =	sand.u32 $0x1FFFFFF0, s8  }
0x6a: {  	s8 =	sadd.s32 s4, s8  }
0x6b: {  	[tilespmem:s2], [sflag:$0x7] =	stream.linear.gather [hbm4b:s8+s15], $0x40, $0x38;
	[tilespmem:$0x1EF78] =	vst v63  }
0x6c: {  	s2 =	sadd.s32 $0x80, s2  }
.Ltmp8:
0x6d: {  	_ = 	snop;
	(pc) =	sbr.rel .LBB2_5-.Ltmp8, $1  }
0x6e: {  	_ =	sdelay $0x3  }
.LBB2_9:
0x6f: {  	p2 =	slt.u32 s19, $0x2  }
.Ltmp9:
0x70: {  	_ = 	snop;
	(pc) =	sbr.rel @p2 .LBB2_27-.Ltmp9, $1  }
0x71: {  	_ =	sdelay $0x3  }
0x72: {  	p2 =	sgt.s32 s20, $0x9E9D0;
	s0 =	smov.u32 s20  }
0x73: {  	s2 =	sshra.s32 s20, $0x1F;
	s8 =	ssub.s32 $0x9EB10, s20;
	s0 =	simm.s32 @!p2 $0x9E9D0  }
0x74: {  	s2 =	sand.u32 s2, s20;
	p2 =	slt.s32 s8, $0x140;
	s21 =	smov.u32 s8  }
0x75: {  	s0 =	ssub.s32 s0, s2;
	s21 =	simm.s32 @!p2 $0x140  }
0x76: {  	s0 =	sadd.s32 $0xFFF61630, s0;
	s26 =	sshll.u32 s21, $0x6  }
0x77: {  	s9 =	simm.s32 $0x7;
	s29 =	sshll.u32 s0, $0x2;
	s2 =	sand.u32 $0x3FFFFFC0, s26  }
0x78: {  	p2 =	sgt.s32 s0, $0x13F;
	s30 =	ssub.s32 $0x500, s29;
	_ =	swait.ge [sflag:s9], s2  }
0x79: {  	s2 =	ssub.s32 $0x0, s2;
	[sflag:s9] =	ssyncset.done $0x0;
	s0 =	sshrl.u32 s30, $0x2  }
0x7a: {  	[sflag:s9] =	ssyncadd.s32 s2;
	s0 =	simm.s32 @p2 $0x0  }
0x7b: {  	_ =	swait.ge [sflag:s10], s0  }
0x7c: {  	s0 =	ssub.s32 $0x0, s0;
	[sflag:s10] =	ssyncset.done $0x0  }
0x7d: {  	[sflag:s10] =	ssyncadd.s32 s0  }
0x7e: {  	v1 =	vld [tilespmem:$0xA108];
	_ =	sdelay $0x4  }
0x7f: {  	(v2sf) =	vpush v1, $0x0  }
0x80: {  	(v2sf) =	vpush v1, $0x1  }
0x81: {  	(v2sf) =	vpush v1, $0x2;
	_ =	sdelay $0x3  }
0x82: {  	s0 =	sadd.s32 $0x140, s20  }
0x83: {  	p2 =	slt.s32 s7, s0  }
0x84: {  	s0 =	smov.u32 @p2 s7;
	p2 =	sgt.s32 s8, $0x0  }
0x85: {  	s24 =	ssub.s32 s0, s20;
	s8 =	simm.s32 @!p2 $0x0  }
0x86: {  	p2 =	slt.s32 s8, s24  }
0x87: {  	s24 =	smov.u32 @p2 s8  }
0x88: {  	s23 =	simm.s32 $0x1;
	p2 =	slt.s32 s24, $0x1  }
.Ltmp10:
0x89: {  	s23 =	simm.s32 @!p1 $0x0;
	(pc) =	sbr.rel @p2 .LBB2_14-.Ltmp10, $4  }
0x8a: {  	s31 =	smul.u32 $0x500, s23  }
0x8b: {  	s25 =	spop (v2sf)  }
0x8c: {  	s0 =	sshrl.u32 s31, $0x2;
	s28 =	spop (v2sf)  }
0x8d: {  	s21 =	sadd.s32 $0xACF8, s0;
	s20 =	spop (v2sf)  }
0x8e: {  	s0 =	smin.u32 s24, $0x10  }
0x8f: {  	v1 =	vmov s0  }
0x90: {  	p3 =	sgt.s32 s24, $0x10;
	vm1 =	vgt.u32 v1, v0  }
.Ltmp11:
0x91: {  	_ = 	snop;
	(pc) =	sbr.rel @!p3 .LBB2_13-.Ltmp11, $2  }
0x92: {  	_ =	sdelay $0x2  }
0x93: {  	s26 =	simm.s32 $0x10;
	s29 =	sadd.s32 $0xFFFFFFF0, s24;
	s22 =	smov.u32 s21;
	vm0 =	vmmov vm1  }
.LBB2_12:
0x94: {  	s0 =	smin.u32 s29, $0x10;
	s26 =	sadd.s32 $0x10, s26;
	v1 =	vld.msk [tilespmem:s22+$0x0 ss:$0x1], vm1  }
0x95: {  	v2 =	vmov s0;
	p3 =	slt.s32 s26, s24  }
0x96: {  	vm1 =	vgt.u32 v2, v0  }
.Ltmp12:
0x97: {  	(pc) =	sbr.rel @p3 .LBB2_12-.Ltmp12, $3  }
0x98: {  	_ =	sdelay $0x1  }
0x99: {  	v1 =	vshll.u32 v1, $0x4  }
0x9a: {  	s29 =	sadd.s32 $0xFFFFFFF0, s29;
	[tilespmem:s22+$0x0] =	vst.msk vm0, v1;
	s22 =	sadd.s32 $0x10, s22;
	vm0 =	vmmov vm1  }
.LBB2_13:
0x9b: {  	_ =	sdelay $0x4  }
0x9c: {  	v1 =	vld.msk [tilespmem:s22+$0x0 ss:$0x1], vm1;
	_ =	sdelay $0x4  }
0x9d: {  	v1 =	vshll.u32 v1, $0x4  }
0x9e: {  	[tilespmem:s22+$0x0] =	vst.msk vm0, v1  }
.LBB2_14:
0x9f: {  	s0 =	sand.u32 $0x1, s19  }
0xa0: {  	s0 =	smul.u32 $0x140, s0  }
0xa1: {  	p3 =	sne.s32 s28, $0xFFFFFFFF  }
0xa2: {  	v1 =	vld.msk @!p3 [tilespmem:s0+$0xACF8], $0x1;
	_ =	sdelay $0x4  }
0xa3: {  	(v2sf) =	vpush @!p3 v1, $0x0;
	_ =	sdelay $0xc  }
.Ltmp13:
0xa4: {  	_ = 	snop;
	(pc) =	sbr.rel @p2 .LBB2_25-.Ltmp13, $4  }
0xa5: {  	_ = 	snop  }
0xa6: {  	s26 =	spop @!p3 (v2sf)  }
0xa7: {  	s20 =	simm.s32 @!p3 $0x0;
	s22 =	smov.u32 s26  }
0xa8: {  	[sflag:s16] =	ssyncpa.u1 $0x0;
	s26 =	smov.u32 @p3 s25;
	s22 =	smov.u32 @p3 s28  }
0xa9: {  	v1 =	vld.msk [tilespmem:s21+$0x0], $0x1;
	_ =	sdelay $0x4  }
0xaa: {  	(v2sf) =	vpush v1, $0x0;
	_ =	sdelay $0xe  }
0xab: {  	s0 =	smul.u32 $0x28000, s23;
	s30 =	spop (v2sf)  }
0xac: {  	s24 =	ssub.s32 $0x0, s24;
	p2 =	seq.s32 s26, s30  }
0xad: {  	s28 =	sadd.s32 $0x1, s24;
	s0 =	sshrl.u32 s0, $0x2;
	p3 =	sgt.s32 @!p2 s26, $0x0  }
0xae: {  	s23 =	sadd.s32 $0xAF98, s0;
	s0 =	smov.u32 s26;
	p3 =	por !p3, p2  }
0xaf: {  	s0 =	simm.s32 @p3 $0x0;
	p3 =	seq.s32 s28, $0x0  }
.Ltmp14:
0xb0: {  	_ = 	snop;
	(pc) =	sbr.rel @p3 .LBB2_17-.Ltmp14, $4  }
0xb1: {  	_ = 	snop  }
0xb2: {  	s25 =	simm.s32 $0x0;
	s31 =	simm.s32 @!p2 $0x1;
	s2 =	smin.u32 @!p2 s0, $0x270F8  }
0xb3: {  	s29 =	sadd.s32 $0x1, s21;
	s31 =	smov.u32 @p2 s25;
	s8 =	sand.u32 @!p2 $0x3FFF8, s2  }
0xb4: {  	s0 =	simm.s32 @!p2 $0x50C8;
	s2 =	sand.u32 @!p2 $0x7, s2;
	s8 =	sadd.s32 @!p2 s1, s8  }
.LBB2_16:
0xb5: {  	s9 =	smov.u32 s31  }
0xb6: {  	[tilespmem:s0], [sflag:$0x2] =	stream.linear.gather @!p2 [hbm4b:s8+s2], $0x40, $0x38;
	[tilespmem:$0x1EF78] =	vst v63  }
0xb7: {  	s28 =	sadd.s32 $0x1, s28;
	s2 =	smov.u32 s30;
	v1 =	vld.msk [tilespmem:s29+$0x0], $0x1  }
0xb8: {  	p3 =	seq.s32 s28, $0x0;
	_ =	sdelay $0x3  }
0xb9: {  	(v2sf) =	vpush v1, $0x0;
	_ =	sdelay $0xe  }
0xba: {  	s30 =	spop (v2sf)  }
0xbb: {  	p2 =	seq.s32 s2, s30  }
0xbc: {  	p4 =	sgt.s32 @!p2 s2, $0x0;
	s0 =	sshll.u32 @!p2 s31, $0x8;
	s31 =	sadd.s32 @!p2 $0x1, s31  }
.Ltmp15:
0xbd: {  	p4 =	por !p4, p2;
	s0 =	sshra.s32 @!p2 s0, $0x2;
	(pc) =	sbr.rel @!p3 .LBB2_16-.Ltmp15, $4  }
0xbe: {  	s31 =	smov.u32 @p2 s9;
	s2 =	simm.s32 @p4 $0x0;
	s0 =	sadd.s32 @!p2 $0x50C8, s0  }
0xbf: {  	s2 =	smin.u32 @!p2 s2, $0x270F8  }
0xc0: {  	s8 =	sand.u32 @!p2 $0x3FFF8, s2;
	s2 =	sand.u32 @!p2 $0x7, s2  }
0xc1: {  	s29 =	sadd.s32 $0x1, s29;
	s8 =	sadd.s32 @!p2 s1, s8  }
.LBB2_17:
0xc2: {  	[tilespmem:s0], [sflag:$0x2] =	stream.linear.gather @!p2 [hbm4b:s8+s2], $0x40, $0x38;
	[tilespmem:$0x1EF78] =	vst v63  }
.Ltmp16:
0xc3: {  	s30 =	sshll.u32 s31, $0x6;
	(pc) =	sbr.rel .LBB2_18-.Ltmp16, $4  }
0xc4: {  	s31 =	simm.s32 $0x2;
	s0 =	sand.u32 $0x3FFFFFC0, s30  }
0xc5: {  	_ =	swait.ge [sflag:s31], s0  }
0xc6: {  	s0 =	ssub.s32 $0x0, s0;
	[sflag:s31] =	ssyncset.done $0x0  }
0xc7: {  	s29 =	simm.s32 $0x0;
	[sflag:s31] =	ssyncadd.s32 s0  }
.LBB2_19:
0xc8: {  	v1 =	vld [tilespmem:s23+$0xFFFFFFE0];
	_ =	sdelay $0x4  }
0xc9: {  	[tilespmem:s30+$0x88] =	vst.add.f32.msk $0xffff, v1  }
0xca: {  	v1 =	vld [tilespmem:s23+$0xFFFFFFF0];
	_ =	sdelay $0x4  }
0xcb: {  	[tilespmem:s30+$0x98] =	vst.add.f32.msk $0xffff, v1  }
0xcc: {  	v1 =	vld [tilespmem:s23+$0x0];
	_ =	sdelay $0x4  }
0xcd: {  	[tilespmem:s30+$0xA8] =	vst.add.f32.msk $0xffff, v1  }
0xce: {  	v1 =	vld [tilespmem:s23+$0x10];
	_ =	sdelay $0x4  }
0xcf: {  	[tilespmem:s30+$0xB8] =	vst.add.f32.msk $0xffff, v1  }
.LBB2_23:
0xd0: {  	s24 =	sadd.s32 $0x1, s24  }
0xd1: {  	p2 =	seq.s32 s24, $0x0  }
.Ltmp17:
0xd2: {  	_ = 	snop;
	(pc) =	sbr.rel @p2 .LBB2_24-.Ltmp17, $2  }
0xd3: {  	_ =	sdelay $0x2  }
0xd4: {  	s23 =	sadd.s32 $0x80, s23;
	s21 =	sadd.s32 $0x1, s21;
	s26 =	smov.u32 s28  }
.LBB2_18:
0xd5: {  	v1 =	vld.msk [tilespmem:s21+$0x0], $0x1;
	_ =	sdelay $0x4  }
0xd6: {  	(v2sf) =	vpush v1, $0x0;
	_ =	sdelay $0xe  }
0xd7: {  	s28 =	spop (v2sf)  }
0xd8: {  	p2 =	sne.s32 s26, s28  }
.Ltmp18:
0xd9: {  	_ = 	snop;
	(pc) =	sbr.rel @!p2 .LBB2_19-.Ltmp18, $3  }
0xda: {  	_ =	sdelay $0x1  }
0xdb: {  	s0 =	sshll.u32 s20, $0x8  }
0xdc: {  	s30 =	sshra.s32 s0, $0x2  }
0xdd: {  	p2 =	seq.s32 s26, s22  }
.Ltmp19:
0xde: {  	_ = 	snop;
	(pc) =	sbr.rel @!p2 .LBB2_21-.Ltmp19, $1  }
0xdf: {  	_ =	sdelay $0x3  }
.Ltmp20:
0xe0: {  	s0 =	sadd.s32 $0x88, s30;
	(pc) =	sbr.rel .LBB2_22-.Ltmp20, $4  }
0xe1: {  	[spmem:s13] =	stream.linear.scatter [tilespmem:s0], [sflag:$0x1], $0x40, $0x38;
	[tilespmem:$0x1EF78] =	vst v63  }
0xe2: {  	_ =	swait.ge [sflag:s11], $0x40  }
0xe3: {  	[sflag:s11] =	ssyncset.done $0x0  }
0xe4: {  	[sflag:s11] =	ssyncadd.s32 $0xFFFFFFC0  }
.LBB2_21:
0xe5: {  	s0 =	sshll.u32 s25, $0x8  }
0xe6: {  	s0 =	sshra.s32 s0, $0x2  }
0xe7: {  	v1 =	vld [tilespmem:s0+$0x50C8];
	_ =	sdelay $0x4  }
0xe8: {  	[tilespmem:s30+$0x88] =	vst.add.f32.msk $0xffff, v1  }
0xe9: {  	v1 =	vld [tilespmem:s0+$0x50D8];
	_ =	sdelay $0x4  }
0xea: {  	[tilespmem:s30+$0x98] =	vst.add.f32.msk $0xffff, v1  }
0xeb: {  	v1 =	vld [tilespmem:s0+$0x50E8];
	_ =	sdelay $0x4  }
0xec: {  	[tilespmem:s30+$0xA8] =	vst.add.f32.msk $0xffff, v1  }
0xed: {  	v1 =	vld [tilespmem:s0+$0x50F8];
	_ =	sdelay $0x2  }
0xee: {  	p2 =	sgt.u32 s26, $0x270F8  }
0xef: {  	s0 =	sand.u32 @!p2 $0x3FFF8, s26  }
0xf0: {  	s2 =	sadd.s32 $0x88, s30;
	s8 =	sand.u32 @!p2 $0x7, s26;
	s0 =	sadd.s32 @!p2 s1, s0;
	[tilespmem:s30+$0xB8] =	vst.add.f32.msk $0xffff, v1  }
0xf1: {  	[hbm4b:s0+s8] =	stream.linear.scatter @!p2 [tilespmem:s2], [sflag:$0xA], $0x40, $0x38;
	[tilespmem:$0x1EF78] =	vst v63  }
0xf2: {  	s0 =	simm.s32 $0x0  }
0xf3: {  	s0 =	simm.s32 @!p2 $0x100  }
0xf4: {  	s29 =	sadd.s32 s0, s29  }
.LBB2_22:
0xf5: {  	s0 =	sadd.s32 $0x1, s20  }
0xf6: {  	s2 =	smulhi.u32 $0xCCCCCCCD, s0;
	_ =	sdelay $0x1  }
0xf7: {  	v1 =	vld [tilespmem:s23+$0xFFFFFFE0];
	s2 =	sshrl.u32 s2, $0x8  }
0xf8: {  	s2 =	smul.u32 $0x140, s2;
	_ =	sdelay $0x1  }
0xf9: {  	s20 =	ssub.s32 s0, s2  }
0xfa: {  	s0 =	sshll.u32 s20, $0x6  }
0xfb: {  	[tilespmem:s0+$0x88] =	vst v1  }
0xfc: {  	v1 =	vld [tilespmem:s23+$0xFFFFFFF0];
	_ =	sdelay $0x4  }
0xfd: {  	[tilespmem:s0+$0x98] =	vst v1  }
0xfe: {  	v1 =	vld [tilespmem:s23+$0x0];
	_ =	sdelay $0x4  }
0xff: {  	[tilespmem:s0+$0xA8] =	vst v1  }
0x100: {  	v1 =	vld [tilespmem:s23+$0x10]  }
.Ltmp21:
0x101: {  	_ = 	snop;
	(pc) =	sbr.rel .LBB2_23-.Ltmp21, $2  }
0x102: {  	_ =	sdelay $0x2  }
0x103: {  	s25 =	sadd.s32 $0x1, s25;
	[tilespmem:s0+$0xB8] =	vst v1  }
.LBB2_25:
.Ltmp22:
0x104: {  	(pc) =	sbr.rel .LBB2_26-.Ltmp22, $4  }
0x105: {  	_ = 	snop  }
0x106: {  	s0 =	simm.s32 $0x2  }
0x107: {  	_ =	swait.ge [sflag:s0], $0x0  }
0x108: {  	s28 =	smov.u32 s26;
	[sflag:s0] =	ssyncset.done $0x0;
	s0 =	simm.s32 $0x0  }
.LBB2_28:
0x109: {  	_ =	sfence.sel $0x180000  }
0x10a: {  	s0 =	simm.s32 $0x7;
	[bflag:$0x0] =	sbarrier.arrive $0xFFFF  }
0x10b: {  	s25 =	simm.s32 $0x8;
	[sflag:s0] =	ssyncpa.u1 $0x1  }
0x10c: {  	s26 =	simm.s32 $0x9;
	[sflag:s25] =	ssyncpa.u1 $0x1  }
0x10d: {  	s28 =	simm.s32 $0x2;
	[sflag:s26] =	ssyncpa.u1 $0x1  }
0x10e: {  	[sflag:s28] =	ssyncpa.u1 $0x1  }
0x10f: {  	v0 =	vld [tilespmem:$0xA108];
	_ =	sdelay $0x4  }
0x110: {  	(v2sf) =	vpush v0, $0x0  }
0x111: {  	(v2sf) =	vpush v0, $0x1;
	_ =	sdelay $0x1  }
0x112: {  	(v2sf) =	vpush v0, $0x2;
	_ =	sdelay $0xb  }
0x113: {  	s0 =	spop (v2sf)  }
0x114: {  	s2 =	spop (v2sf)  }
0x115: {  	s3 =	smov.u32 s0;
	p0 =	sne.s32 s0, s2  }
0x116: {  	s4 =	spop (v2sf);
	s3 =	simm.s32 @!p0 $0xFFFFFFFF  }
0x117: {  	v2 =	vimm.s32 $0x1;
	v3 =	vlaneseq.u32;
	p0 =	seq.s32 s4, $0xFFFFFFFF;
	v1 =	vmov s3  }
0x118: {  	s7 =	stileid.u32;
	v0 =	vperm.xlane v0, v2;
	p1 =	sne.s32 @!p0 s0, s2;
	v1 =	vperm.xlane v1, v3  }
0x119: {  	vm0 =	vcmask $0x3F04;
	s6 =	simm.s32 $0xA108;
	s0 =	simm.s32 @!p0 $0x1;
	p1 =	por !p1, p0  }
0x11a: {  	s3 =	sshll.u32 s7, $0x1;
	s2 =	sshll.u32 @!p0 s4, $0x8;
	s0 =	simm.s32 @p1 $0x0;
	v0 =	vsel vm0, v1, v0  }
0x11b: {  	s5 =	sor.u32 $0x800, s3;
	s2 =	sshra.s32 @!p0 s2, $0x2;
	s0 =	sor.u32 @!p0 s0, s3;
	[tilespmem:$0xA108] =	vst v0  }
0x11c: {  	[spmem:s5] =	stream.linear.scatter [tilespmem:s6], [sflag:$0x1], $0x2, $0x38;
	[tilespmem:$0x1EF78] =	vst v63  }
0x11d: {  	s2 =	sadd.s32 @!p0 $0x88, s2;
	s0 =	sshll.u32 @!p0 s0, $0x6  }
0x11e: {  	[spmem:s0] =	stream.linear.scatter @!p0 [tilespmem:s2], [sflag:$0x1], $0x40, $0x38;
	[tilespmem:$0x1EF78] =	vst v63  }
0x11f: {  	s2 =	simm.s32 @!p0 $0x42  }
0x120: {  	s0 =	simm.s32 $0x1;
	s2 =	simm.s32 @p0 $0x2  }
0x121: {  	_ =	swait.ge [sflag:s0], s2  }
0x122: {  	s2 =	ssub.s32 $0x0, s2;
	[sflag:s0] =	ssyncset.done $0x0  }
0x123: {  	[sflag:s0] =	ssyncadd.s32 s2  }
0x124: {  	_ =	sfence.stream.spmem  }
0x125: {  	s29 =	simm.s32 $0x3;
	[bflag:$0x0] =	sbarrier.arrive $0xFFFF  }
0x126: {  	s30 =	simm.s32 $0x4;
	[sflag:s29] =	ssyncpa.u1 $0x1  }
0x127: {  	s31 =	simm.s32 $0x3C;
	[sflag:s30] =	ssyncpa.u1 $0x1  }
0x128: {  	p0 =	sne.s32 s7, $0x0;
	[sflag:s31] =	ssyncpa.u1 $0x1  }
0x129: {  	_ =	sfence @p0  }
0x12a: {  	[sflag:s0] =	ssyncpa.u1 @p0 $0x1  }
0x12b: {  	_ =	strace @p0 $0x90000061  }
0x12c: {  	[bflag:$0x2] =	sbarrier.arrive @p0 $0xFFFF  }
0x12d: {  	_ =	shalt @p0  }
.LBB2_29:
0x12e: {  	_ =	sfence.stream.spmem;
	s0 =	simm.s32 $0x5  }
0x12f: {  	s2 =	simm.s32 $0x800;
	s3 =	simm.s32 $0xA118;
	[sflag:s0] =	ssyncpa.u1 $0x0  }
0x130: {  	[tilespmem:s3], [sflag:$0x5] =	stream.linear.gather [spmem:s2], $0x20, $0x38;
	[tilespmem:$0x1EF78] =	vst v63  }
0x131: {  	s30 =	simm.s32 $0xA138;
	s2 =	simm.s32 $0x0  }
0x132: {  	[tilespmem:s30], [sflag:$0x5] =	stream.linear.gather [spmem:s2], $0x800, $0x38;
	[tilespmem:$0x1EF78] =	vst v63  }
.Ltmp23:
0x133: {  	_ = 	snop;
	(pc) =	sbr.rel .LBB2_30-.Ltmp23, $4  }
0x134: {  	_ =	swait.ge [sflag:s0], $0x820  }
0x135: {  	[sflag:s0] =	ssyncset.done $0x0  }
0x136: {  	s31 =	simm.s32 $0x6;
	[sflag:s0] =	ssyncadd.s32 $0xFFFFF7E0  }
0x137: {  	s3 =	simm.s32 $0x0;
	[sflag:s31] =	ssyncpa.u1 $0x0  }
.LBB2_36:
0x138: {  	p0 =	slt.u32 s4, $0x270F9  }
0x139: {  	s0 =	sand.u32 @p0 $0x3FFF8, s4  }
0x13a: {  	s4 =	sand.u32 @p0 $0x7, s4;
	s5 =	simm.s32 @p0 $0xA0C8;
	s0 =	sadd.s32 @p0 s1, s0  }
0x13b: {  	[tilespmem:s5], [sflag:$0x6] =	stream.linear.gather @p0 [hbm4b:s0+s4], $0x40, $0x38;
	[tilespmem:$0x1EF78] =	vst v63  }
0x13c: {  	s0 =	simm.s32 @p0 $0x6  }
0x13d: {  	_ =	swait.ge @p0 [sflag:s0], $0x40  }
0x13e: {  	[sflag:s0] =	ssyncset.done @p0 $0x0  }
0x13f: {  	[sflag:s0] =	ssyncadd.s32 @p0 $0xFFFFFFC0  }
0x140: {  	v1 =	vld @p0 [tilespmem:$0xA0C8];
	_ =	sdelay $0x2  }
0x141: {  	s0 =	sshll.u32 @p0 s3, $0x8  }
0x142: {  	s4 =	sshrl.u32 @p0 s0, $0x2  }
0x143: {  	[tilespmem:s4+$0xA138] =	vst.add.f32.msk @p0 $0xffff, v1  }
0x144: {  	v1 =	vld @p0 [tilespmem:$0xA0D8];
	_ =	sdelay $0x4  }
0x145: {  	[tilespmem:s4+$0xA148] =	vst.add.f32.msk @p0 $0xffff, v1  }
0x146: {  	v1 =	vld @p0 [tilespmem:$0xA0E8];
	_ =	sdelay $0x4  }
0x147: {  	[tilespmem:s4+$0xA158] =	vst.add.f32.msk @p0 $0xffff, v1  }
0x148: {  	v1 =	vld @p0 [tilespmem:$0xA0F8];
	_ =	sdelay $0x3  }
0x149: {  	s5 =	sshll.u32 @!p0 s3, $0x8  }
0x14a: {  	s5 =	smov.u32 @p0 s0;
	[tilespmem:s4+$0xA168] =	vst.add.f32.msk @p0 $0xffff, v1  }
0x14b: {  	s0 =	sshrl.u32 s5, $0x2;
	[tilespmem:s2+$0xA118] =	vst.msk $0x1, v0  }
0x14c: {  	v0 =	vld [tilespmem:s0+$0xA138];
	_ =	sdelay $0x2  }
0x14d: {  	s31 =	sshll.u32 s2, $0x8  }
0x14e: {  	s4 =	sshra.s32 s31, $0x2  }
0x14f: {  	[tilespmem:s4+$0xA138] =	vst v0  }
0x150: {  	v0 =	vld [tilespmem:s0+$0xA148];
	_ =	sdelay $0x4  }
0x151: {  	[tilespmem:s4+$0xA148] =	vst v0  }
0x152: {  	v0 =	vld [tilespmem:s0+$0xA158];
	_ =	sdelay $0x4  }
0x153: {  	[tilespmem:s4+$0xA158] =	vst v0  }
0x154: {  	v0 =	vld [tilespmem:s0+$0xA168];
	_ =	sdelay $0x4  }
0x155: {  	s2 =	sadd.s32 $0x1, s2;
	[tilespmem:s4+$0xA168] =	vst v0  }
.LBB2_37:
0x156: {  	s3 =	sadd.s32 $0x1, s3  }
0x157: {  	p0 =	sne.s32 s3, $0x20  }
.Ltmp24:
0x158: {  	_ = 	snop;
	(pc) =	sbr.rel @!p0 .LBB2_38-.Ltmp24, $1  }
0x159: {  	_ =	sdelay $0x3  }
.LBB2_30:
0x15a: {  	v0 =	vld.msk [tilespmem:s3+$0xA118], $0x1;
	_ =	sdelay $0x4  }
0x15b: {  	(v2sf) =	vpush v0, $0x0;
	_ =	sdelay $0xe  }
0x15c: {  	s4 =	spop (v2sf)  }
0x15d: {  	p0 =	seq.s32 s4, $0xFFFFFFFF  }
.Ltmp25:
0x15e: {  	_ = 	snop;
	(pc) =	sbr.rel @p0 .LBB2_37-.Ltmp25, $1  }
0x15f: {  	_ =	sdelay $0x3  }
0x160: {  	p0 =	slt.s32 s2, $0x1  }
.Ltmp26:
0x161: {  	_ = 	snop;
	(pc) =	sbr.rel @p0 .LBB2_36-.Ltmp26, $1  }
0x162: {  	_ =	sdelay $0x3  }
0x163: {  	s5 =	simm.s32 $0xA118;
	p0 =	por $0x0, $0x0  }
0x164: {  	v1 =	vld.msk @!p0 [tilespmem:s5+$0x0], $0x1;
	_ =	sdelay $0x4  }
0x165: {  	(v2sf) =	vpush @!p0 v1, $0x0;
	_ =	sdelay $0xd  }
0x166: {  	p2 =	sne.s32 s2, $0x1  }
.Ltmp27:
0x167: {  	s0 =	spop @!p0 (v2sf);
	(pc) =	sbr.rel @!p2 .LBB2_34-.Ltmp27, $4  }
0x168: {  	p1 =	seq.s32 @!p0 s4, s0  }
0x169: {  	s6 =	simm.s32 $0x0;
	p1 =	por !p1, p0  }
0x16a: {  	s0 =	simm.s32 $0xFFFFFFFF;
	s6 =	simm.s32 @p1 $0xFFFFFFFF  }
0x16b: {  	s7 =	simm.s32 $0x1;
	s6 =	smov.u32 @p0 s0  }
.LBB2_33:
0x16c: {  	s0 =	smov.u32 s6;
	p0 =	sne.s32 s6, $0xFFFFFFFF  }
0x16d: {  	s5 =	sadd.s32 $0x1, s5;
	s6 =	smov.u32 s7;
	s7 =	sadd.s32 $0x1, s7  }
0x16e: {  	p1 =	sne.s32 s2, s7;
	v1 =	vld.msk @!p0 [tilespmem:s5+$0x0], $0x1;
	_ =	sdelay $0x4  }
0x16f: {  	(v2sf) =	vpush @!p0 v1, $0x0;
	_ =	sdelay $0xe  }
.Ltmp28:
0x170: {  	s8 =	spop @!p0 (v2sf);
	(pc) =	sbr.rel @p1 .LBB2_33-.Ltmp28, $4  }
0x171: {  	p2 =	seq.s32 @!p0 s4, s8  }
0x172: {  	p2 =	por !p2, p0  }
0x173: {  	s6 =	simm.s32 @p2 $0xFFFFFFFF  }
0x174: {  	s6 =	smov.u32 @p0 s0  }
.LBB2_34:
0x175: {  	p0 =	seq.s32 s6, $0xFFFFFFFF  }
.Ltmp29:
0x176: {  	_ = 	snop;
	(pc) =	sbr.rel @p0 .LBB2_36-.Ltmp29, $1  }
0x177: {  	_ =	sdelay $0x3  }
0x178: {  	s0 =	sshll.u32 s3, $0x6  }
0x179: {  	s0 =	sand.u32 $0x3FFFFFC0, s0  }
0x17a: {  	v0 =	vld [tilespmem:s0+$0xA138];
	_ =	sdelay $0x2  }
0x17b: {  	s4 =	sshll.u32 s6, $0x8  }
0x17c: {  	s4 =	sshra.s32 s4, $0x2  }
0x17d: {  	[tilespmem:s4+$0xA138] =	vst.add.f32.msk $0xffff, v0  }
0x17e: {  	v0 =	vld [tilespmem:s0+$0xA148];
	_ =	sdelay $0x4  }
0x17f: {  	[tilespmem:s4+$0xA148] =	vst.add.f32.msk $0xffff, v0  }
0x180: {  	v0 =	vld [tilespmem:s0+$0xA158];
	_ =	sdelay $0x4  }
0x181: {  	[tilespmem:s4+$0xA158] =	vst.add.f32.msk $0xffff, v0  }
0x182: {  	v0 =	vld [tilespmem:s0+$0xA168]  }
.Ltmp30:
0x183: {  	_ = 	snop;
	(pc) =	sbr.rel .LBB2_37-.Ltmp30, $2  }
0x184: {  	_ =	sdelay $0x2  }
0x185: {  	[tilespmem:s4+$0xA168] =	vst.add.f32.msk $0xffff, v0  }
.LBB2_38:
0x186: {  	p0 =	slt.s32 s2, $0x1  }
.Ltmp31:
0x187: {  	_ = 	snop;
	(pc) =	sbr.rel @p0 .LBB2_42-.Ltmp31, $3  }
0x188: {  	_ =	sdelay $0x1  }
0x189: {  	s0 =	simm.s32 $0x6  }
0x18a: {  	s3 =	simm.s32 $0x0;
	[sflag:s0] =	ssyncpa.u1 $0x1  }
0x18b: {  	s0 =	simm.s32 $0xA118  }
0x18c: {  	v0 =	vld.msk [tilespmem:s0+$0x0], $0x1;
	_ =	sdelay $0x4  }
0x18d: {  	(v2sf) =	vpush v0, $0x0;
	_ =	sdelay $0xe  }
0x18e: {  	s2 =	sadd.s32 $0xFFFFFFFF, s2;
	s0 =	spop (v2sf)  }
0x18f: {  	p1 =	sne.s32 s2, $0x0;
	p0 =	sgt.u32 s0, $0x270F8  }
.Ltmp32:
0x190: {  	s5 =	sand.u32 @!p0 $0x3FFF8, s0;
	(pc) =	sbr.rel @!p1 .LBB2_41-.Ltmp32, $4  }
0x191: {  	s4 =	simm.s32 $0xA138;
	s0 =	sand.u32 @!p0 $0x7, s0;
	s5 =	sadd.s32 @!p0 s1, s5  }
0x192: {  	[hbm4b:s5+s0] =	stream.linear.scatter @!p0 [tilespmem:s4], [sflag:$0x5], $0x40, $0x38;
	[tilespmem:$0x1EF78] =	vst v63  }
0x193: {  	s0 =	simm.s32 $0x0  }
0x194: {  	s5 =	simm.s32 $0xA119;
	s0 =	simm.s32 @!p0 $0x100  }
.LBB2_40:
0x195: {  	v0 =	vld.msk [tilespmem:s5+$0x0], $0x1;
	s2 =	sadd.s32 $0xFFFFFFFF, s2;
	s3 =	sadd.s32 s3, s0  }
0x196: {  	p0 =	sne.s32 s2, $0x0;
	_ =	sdelay $0x3  }
0x197: {  	(v2sf) =	vpush v0, $0x0;
	_ =	sdelay $0xe  }
.Ltmp33:
0x198: {  	s6 =	spop (v2sf);
	(pc) =	sbr.rel @p0 .LBB2_40-.Ltmp33, $4  }
0x199: {  	s0 =	simm.s32 $0x0;
	p1 =	sgt.u32 s6, $0x270F8  }
0x19a: {  	s4 =	sadd.s32 $0x40, s4;
	s0 =	simm.s32 @!p1 $0x100;
	s7 =	sand.u32 @!p1 $0x3FFF8, s6  }
0x19b: {  	s5 =	sadd.s32 $0x1, s5;
	s6 =	sand.u32 @!p1 $0x7, s6;
	s7 =	sadd.s32 @!p1 s1, s7  }
0x19c: {  	[hbm4b:s7+s6] =	stream.linear.scatter @!p1 [tilespmem:s4], [sflag:$0x5], $0x40, $0x38;
	[tilespmem:$0x1EF78] =	vst v63  }
.LBB2_41:
0x19d: {  	s0 =	sadd.s32 s3, s0  }
0x19e: {  	s3 =	sshrl.u32 s0, $0x2  }
.LBB2_42:
0x19f: {  	s0 =	simm.s32 $0x5  }
0x1a0: {  	_ =	swait.ge [sflag:s0], s3  }
0x1a1: {  	s1 =	ssub.s32 $0x0, s3;
	[sflag:s0] =	ssyncset.done $0x0  }
0x1a2: {  	[sflag:s0] =	ssyncadd.s32 s1  }
0x1a3: {  	[sflag:s0] =	ssyncpa.u1 $0x1  }
0x1a4: {  	s30 =	simm.s32 $0x1;
	_ =	sfence  }
0x1a5: {  	[sflag:s30] =	ssyncpa.u1 $0x1  }
0x1a6: {  	_ =	strace $0x90000061  }
0x1a7: {  	[bflag:$0x2] =	sbarrier.arrive $0xFFFF  }
0x1a8: {  	s31 =	rddreg [dreg:$0x1]  }
0x1a9: {  	s0 =	sadd.s32 $0x100000, s31  }
0x1aa: {  	[sflag:s0] =	ssyncadd.tile.s32 $0x1;
	_ =	shalt  }
.Lfunc_end2:
_tile_overlayer_lowered:
.L_overlay_start_2:
0x1ab: {  	(tag) =	ssettag $0x2  }
0x1ac: {  	s0 =	rddreg [dreg:$0x0];
	s2 =	stileid.u32  }
0x1ad: {  	s1 =	rddreg [dreg:$0x1];
	p0 =	sne.s32 s2, $0x0  }
0x1ae: {  	s3 =	rddreg [dreg:$0x2];
	[bflag:$0x3] =	sbarrier.arrive $0xFFFF;
	s2 =	simm.s32 @!p0 $0x1C01  }
0x1af: {  	[timem:s3], [sflag:s2] =	dma.local @!p0 [hbm:s0], s1  }
0x1b0: {  	s0 =	simm.s32 @!p0 $0x1  }
0x1b1: {  	_ =	swait.ge @!p0 [sflag:s0], s1  }
0x1b2: {  	s1 =	ssub.s32 @!p0 $0x0, s1;
	[sflag:s0] =	ssyncset.done @!p0 $0x0  }
0x1b3: {  	[sflag:s0] =	ssyncadd.s32 @!p0 s1  }
0x1b4: {  	[bflag:$0x3] =	sbarrier.arrive $0xFFFF  }
0x1b5: {  	_ =	shalt  }

// kernel: scatter_offload_async_start
scs
__scs_entry_jumppad:
0x0: {  	(pc) =	sbr.rel $0x88, $3  }
0x1: {  	(tag) =	ssettag $0x0;
	lr =	simm.s32 $0x1  }
0x2: {  	[smem:$0x3F95] =	sst lr;
	_ =	strace $0xD0000000  }
0x3: {  	_ = 	snop  }
0x4: {  	_ = 	snop  }
0x5: {  	_ = 	snop  }
0x6: {  	_ = 	snop  }
0x7: {  	_ = 	snop  }
__scs_overlays_trampoline_lowered:
0x8: {  	[smem:$0x3FA4] =	sst s0  }
0x9: {  	[smem:$0x3FA5] =	sst s1  }
0xa: {  	[smem:$0x3FA6] =	sst s2  }
0xb: {  	[smem:$0x3FA7] =	sst s3  }
0xc: {  	[smem:$0x3FA8] =	sst s4  }
0xd: {  	[smem:$0x3FA9] =	sst s5  }
0xe: {  	[smem:$0x3FAA] =	sst s6  }
0xf: {  	[smem:$0x3FAB] =	sst s7  }
0x10: {  	[smem:$0x3FAC] =	sst s8  }
0x11: {  	[smem:$0x3FAD] =	sst s9;
	s0 =	simm.s32 @!p0 $0x0  }
0x12: {  	s1 =	sld [smem:$0x3F93];
	s0 =	simm.s32 @p0 $0x1  }
0x13: {  	[smem:$0x3FAE] =	sst s0;
	s0 =	simm.s32 @!p1 $0x0  }
0x14: {  	s2 =	sld [smem:$0x3F92];
	s0 =	simm.s32 @p1 $0x1  }
0x15: {  	[smem:$0x3FAF] =	sst s0;
	s0 =	simm.s32 @!p2 $0x0  }
0x16: {  	s3 =	sld [smem:$0x3FDB];
	s0 =	simm.s32 @p2 $0x1  }
0x17: {  	s4 =	simm.s32 $0x1BF5;
	[smem:$0x3FB1] =	sst s0  }
0x18: {  	s0 =	sld [smem:$0x3F94];
	_ =	swait.ge [sflag:s4], $0x0  }
0x19: {  	s7 =	sld [smem:$0x3F95]  }
0x1a: {  	s8 =	sadd.s32 $0xFFFFE003, lr  }
0x1b: {  	s9 =	sadd.s32 $0xFFFFFEF7, lr;
	s5 =	simm.s32 $0xFFFFFFFF;
	p2 =	slt.u32 s8, $0xFFFFF086  }
0x1c: {  	p1 =	slt.u32 s9, $0xF7A;
	s5 =	simm.s32 @!p2 $0x0  }
0x1d: {  	s5 =	simm.s32 @p1 $0x1;
	p0 =	seq.s32 s7, s2  }
0x1e: {  	s7 =	smul.u32 @!p0 $0xF7A, s2;
	p2 =	seq.s32 @!p0 s5, $0x0  }
0x1f: {  	s9 =	smul.u32 $0xF7A, s1;
	s8 =	simm.s32 @!p0 $0x1BF5;
	p2 =	por !p2, p0  }
0x20: {  	[sflag:s8] =	ssyncset.s32 @!p0 $0xFFFFF086;
	s6 =	sadd.s32 @!p0 s3, s7;
	s7 =	simm.s32 @!p0 $0x108  }
0x21: {  	s3 =	sadd.s32 s3, s9;
	s6 =	sadd.s32 @!p0 $0x88, s6;
	s7 =	simm.s32 @p2 $0x1082  }
0x22: {  	[simem:s7], [sflag:s8] =	dma.local @!p0 [hbm:s6], $0xF7A  }
0x23: {  	s9 =	sor.u32 $0xD0000000, s2;
	s6 =	simm.s32 $0x108;
	_ =	swait.ge @!p0 [sflag:s8], $0x0  }
0x24: {  	s3 =	sadd.s32 $0x88, s3;
	s6 =	simm.s32 @!p1 $0x1082;
	[sflag:s4] =	ssyncset.s32 $0xFFFFF086  }
0x25: {  	[simem:s6], [sflag:s4] =	dma.local [hbm:s3], $0xF7A  }
0x26: {  	[smem:$0x3F95] =	sst s1;
	(tag) =	ssettag s2;
	_ =	strace s9  }
0x27: {  	s1 =	sld [smem:$0x3FA5]  }
0x28: {  	s2 =	sld [smem:$0x3FA6]  }
0x29: {  	s4 =	sld [smem:$0x3FA8]  }
0x2a: {  	p0 =	seq.s32 s5, $0x0;
	s5 =	sld [smem:$0x3FA9]  }
0x2b: {  	s6 =	sld [smem:$0x3FAA]  }
0x2c: {  	s7 =	sld [smem:$0x3FAB]  }
0x2d: {  	s3 =	simm.s32 $0x108;
	s8 =	sld [smem:$0x3FAC]  }
0x2e: {  	s3 =	simm.s32 @!p0 $0x1082;
	s9 =	sld [smem:$0x3FAD]  }
0x2f: {  	lr =	sadd.s32 s0, s3;
	s0 =	sld [smem:$0x3FA4]  }
0x30: {  	s3 =	sld [smem:$0x3FA7]  }
0x31: {  	[smem:$0x3FB0] =	sst s10  }
0x32: {  	s10 =	sld [smem:$0x3FAE];
	_ =	sdelay $0x3  }
0x33: {  	p0 =	seq.s32 s10, $0x1;
	s10 =	sld [smem:$0x3FB0];
	_ =	sdelay $0x3  }
0x34: {  	[smem:$0x3FB0] =	sst s10  }
0x35: {  	s10 =	sld [smem:$0x3FAF];
	_ =	sdelay $0x3  }
0x36: {  	p1 =	seq.s32 s10, $0x1;
	s10 =	sld [smem:$0x3FB0];
	_ =	sdelay $0x3  }
0x37: {  	[smem:$0x3FB0] =	sst s10  }
0x38: {  	s10 =	sld [smem:$0x3FB1]  }
0x39: {  	_ = 	snop;
	(pc) =	sbr.ind lr, $3  }
0x3a: {  	_ = 	snop  }
0x3b: {  	_ = 	snop  }
0x3c: {  	p2 =	seq.s32 s10, $0x1;
	s10 =	sld [smem:$0x3FB0]  }
0x3d: {  	_ =	shalt  }
0x3e: {  	_ =	shalt  }
0x3f: {  	_ =	shalt  }
0x40: {  	_ =	shalt  }
0x41: {  	_ =	shalt  }
0x42: {  	_ =	shalt  }
0x43: {  	_ =	shalt  }
0x44: {  	_ =	shalt  }
0x45: {  	_ =	shalt  }
0x46: {  	_ =	shalt  }
0x47: {  	_ =	shalt  }
0x48: {  	_ =	shalt  }
0x49: {  	_ =	shalt  }
0x4a: {  	_ =	shalt  }
0x4b: {  	_ =	shalt  }
0x4c: {  	_ =	shalt  }
0x4d: {  	_ =	shalt  }
0x4e: {  	_ =	shalt  }
0x4f: {  	_ =	shalt  }
0x50: {  	_ =	shalt  }
0x51: {  	_ =	shalt  }
0x52: {  	_ =	shalt  }
0x53: {  	_ =	shalt  }
0x54: {  	_ =	shalt  }
0x55: {  	_ =	shalt  }
0x56: {  	_ =	shalt  }
0x57: {  	_ =	shalt  }
0x58: {  	_ =	shalt  }
0x59: {  	_ =	shalt  }
0x5a: {  	_ =	shalt  }
0x5b: {  	_ =	shalt  }
0x5c: {  	_ =	shalt  }
0x5d: {  	_ =	shalt  }
0x5e: {  	_ =	shalt  }
0x5f: {  	_ =	shalt  }
0x60: {  	_ =	shalt  }
0x61: {  	_ =	shalt  }
0x62: {  	_ =	shalt  }
0x63: {  	_ =	shalt  }
0x64: {  	_ =	shalt  }
0x65: {  	_ =	shalt  }
0x66: {  	_ =	shalt  }
0x67: {  	_ =	shalt  }
0x68: {  	_ =	shalt  }
0x69: {  	_ =	shalt  }
0x6a: {  	_ =	shalt  }
0x6b: {  	_ =	shalt  }
0x6c: {  	_ =	shalt  }
0x6d: {  	_ =	shalt  }
0x6e: {  	_ =	shalt  }
0x6f: {  	_ =	shalt  }
0x70: {  	_ =	shalt  }
0x71: {  	_ =	shalt  }
0x72: {  	_ =	shalt  }
0x73: {  	_ =	shalt  }
0x74: {  	_ =	shalt  }
0x75: {  	_ =	shalt  }
0x76: {  	_ =	shalt  }
0x77: {  	_ =	shalt  }
0x78: {  	_ =	shalt  }
0x79: {  	_ =	shalt  }
0x7a: {  	_ =	shalt  }
0x7b: {  	_ =	shalt  }
0x7c: {  	_ =	shalt  }
0x7d: {  	_ =	shalt  }
0x7e: {  	_ =	shalt  }
0x7f: {  	_ =	shalt  }
0x80: {  	_ =	shalt  }
0x81: {  	_ =	shalt  }
0x82: {  	_ =	shalt  }
0x83: {  	_ =	shalt  }
0x84: {  	_ =	shalt  }
0x85: {  	_ =	shalt  }
0x86: {  	_ =	shalt  }
0x87: {  	_ =	shalt  }
.Lfunc_end0:
.L_simem_size_0:
called_computation_lowered:
.L_overlay_start_0:
0x88: {  	s0 =	sld [smem:$0x3FD9]  }
0x89: {  	s1 =	sld [smem:$0x3FFE];
	_ =	sdelay $0x3  }
0x8a: {  	s0 =	sadd.s32 s1, s0  }
0x8b: {  	[smem:$0x3FBC] =	sst s0  }
0x8c: {  	_ = 	snop  }
0x8d: {  	s0 =	sld [smem:$0x3FD0];
	_ =	sdelay $0x2  }
0x8e: {  	s13 =	simm.s32 $0xD;
	s2 =	simm.s32 $0x10  }
0x8f: {  	[smem:s2], [sflag:s13] =	dma.local [hbm:s0], $0x1  }
0x90: {  	_ =	swait.eq [sflag:s13], $0x1  }
0x91: {  	[sflag:s13] =	ssyncset.done $0x0  }
0x92: {  	[sflag:s13] =	ssyncadd.s32 $0xFFFFFFFF  }
0x93: {  	s14 =	sld [smem:$0x12];
	(tm) =	ssettm $0x1  }
0x94: {  	s15 =	sld [smem:$0x3FFB];
	_ =	sdelay $0x3  }
0x95: {  	_ =	strace s15  }
0x96: {  	s1 =	sld [smem:$0x3FFC];
	_ =	sdelay $0x3  }
0x97: {  	_ =	strace s1  }
0x98: {  	s1 =	sld [smem:$0x3FFD];
	_ =	sdelay $0x3  }
0x99: {  	_ =	strace s1  }
0x9a: {  	_ =	strace $0x8FFFFFFF  }
0x9b: {  	s16 =	sld [smem:$0x3FDB];
	_ =	sdelay $0x1  }
0x9c: {  	s17 =	simm.s32 $_scs_section_size  }
0x9d: {  	s3 =	simm.s32 $_size__tile_overlayer_lowered;
	s4 =	simm.s32 $_tile_overlayer_lowered  }
0x9e: {  	s20 =	simm.s32 $0x1BFF;
	s19 =	sshll.u32 s4, $0x1;
	s1 =	sadd.s32 s17, s16  }
0x9f: {  	s5 =	simm.s32 $0x0;
	s18 =	sshll.u32 s3, $0x1;
	s3 =	sadd.s32 s19, s1  }
0xa0: {  	[timem:s5], [sflag:s20] =	dma.local [hbm:s3], s18  }
0xa1: {  	_ =	swait.ge [sflag:s20], s18  }
0xa2: {  	s2 =	ssub.s32 $0x0, s18;
	[sflag:s20] =	ssyncset.done $0x0  }
0xa3: {  	[sflag:s20] =	ssyncadd.s32 s2;
	_ =	sdelay $0x1  }
0xa4: {  	s21 =	simm.s32 $0x1B8B  }
0xa5: {  	_ =	swait.ge [sflag:s21], $0x1  }
0xa6: {  	[sflag:s21] =	ssyncset.done $0x0  }
0xa7: {  	s23 =	simm.s32 $0x1B8E;
	s22 =	sld [smem:$0x3FFE];
	[sflag:s21] =	ssyncadd.s32 $0xFFFFFFFF  }
0xa8: {  	s24 =	simm.s32 $execute0_lowered;
	[smem:$0x3FD2] =	sst s23  }
0xa9: {  	s3 =	sshll.u32 s24, $0x1;
	_ =	strace $0x80000046;
	[dreg:$0x1] =	wrdreg $0xFFFFFFFF  }
0xaa: {  	s25 =	simm.s32 $_size_execute0_lowered;
	s1 =	sadd.s32 s1, s3;
	[dreg:$0x0] =	wrdreg $0x0  }
0xab: {  	s3 =	sshll.u32 s25, $0x1;
	[dreg:$0x2] =	wrdreg s1  }
0xac: {  	[dreg:$0x3] =	wrdreg s3  }
0xad: {  	[dreg:$0x4] =	wrdreg $0xC0  }
0xae: {  	_ =	task [dreg:s5], $0x5FFFF  }
0xaf: {  	[dreg:$0x1] =	wrdreg $0xFFFFFFFF  }
0xb0: {  	[dreg:$0x0] =	wrdreg $0x60  }
0xb1: {  	[dreg:$0x2] =	wrdreg s14  }
0xb2: {  	[dreg:$0x3] =	wrdreg s22  }
0xb3: {  	[dreg:$0x4] =	wrdreg $0x9  }
0xb4: {  	_ =	task.clear_ibuf [dreg:s5], $0x5FFFF;
	_ =	strace $0x90000046  }
0xb5: {  	s26 =	simm.s32 $0x9;
	_ =	strace $0x80000048  }
0xb6: {  	_ =	swait.ge [sflag:s26], $0x1  }
0xb7: {  	[sflag:s26] =	ssyncadd.s32 $0xFFFFFFFF  }
0xb8: {  	_ =	strace $0x90000048  }
0xb9: {  	_ =	sfence  }
0xba: {  	s28 =	sld [smem:$0x0];
	_ =	sdelay $0x1  }
0xbb: {  	s29 =	srdreg.scid  }
0xbc: {  	s30 =	sshll.u32 s29, $0xD;
	s31 =	sshrl.u32 s29, $0x2  }
0xbd: {  	s2 =	sand.u32 $0x4000, s30;
	s1 =	sand.u32 $0x1, s29;
	s0 =	sadd.s32 s31, s28  }
0xbe: {  	s1 =	sor.u32 s2, s1;
	s0 =	sshll.u32 s0, $0x11  }
0xbf: {  	s0 =	sor.u32 s0, s1  }
0xc0: {  	s0 =	sadd.s32 $0x8F2B, s0  }
0xc1: {  	[sflag:s0] =	ssyncadd.remote.s32 $0x1  }
0xc2: {  	_ =	sfence.sel $0xFFFF  }
0xc3: {  	[dreg:$0x0] =	wrdreg $0xFFFFFFFF;
	(pc) =	sbr.abs _section_cstart, $3  }
0xc4: {  	[dreg:$0x1] =	wrdreg $0xFFFFFFFF  }
0xc5: {  	_ =	task.clear_ibuf [dreg:s5], $0x2FFFF;
	_ =	strace $0x9FFFFFFF  }
0xc6: {  	(tm) =	ssettm $0x7FFFFFFF  }
0xc7: {  	_ =	shalt  }
tec
execute0_lowered:
.L_overlay_start_1:
0x0: {  	(tag) =	ssettag $0x1  }
0x1: {  	s1 =	rddreg [dreg:$0x0]  }
0x2: {  	s0 =	rddreg [dreg:$0x1];
	s6 =	stileid.u32  }
0x3: {  	_ =	strace $0x80000047;
	s9 =	simm.s32 $0x1;
	s2 =	smul.u32 $0x7, s6  }
0x4: {  	v1 =	vimm.s32 $0xFFFFFFFF;
	s3 =	smin.u32 s6, $0xD;
	[sflag:s9] =	ssyncpa.u1 $0x0  }
0x5: {  	[tilespmem:$0x10] =	vst v1;
	s2 =	sadd.s32 s3, s2  }
0x6: {  	v0 =	vimm.f32 $0.0e+00;
	p0 =	slt.u32 s6, $0xD;
	[tilespmem:$0x20] =	vst v1;
	s3 =	smul.u32 $0x1450, s2;
	s2 =	simm.s32 $0xA280  }
0x7: {  	[tilespmem:$0x30] =	vst v0;
	s2 =	simm.s32 @!p0 $0x8E30  }
0x8: {  	[tilespmem:$0x40] =	vst v0;
	s2 =	sadd.s32 s2, s3  }
0x9: {  	[tilespmem:$0x50] =	vst v0;
	s4 =	smin.u32 s2, $0x9EB10  }
0xa: {  	[tilespmem:$0x60] =	vst v1;
	s2 =	ssub.s32 s4, s3  }
0xb: {  	s7 =	simm.s32 $0x2;
	s8 =	simm.s32 $0x8;
	[tilespmem:$0x70] =	vst v1;
	p0 =	sgt.s32 s2, $0x0  }
0xc: {  	s31 =	simm.s32 $0x9;
	s16 =	simm.s32 $0x0;
	[tilespmem:$0x80] =	vst v1;
	s2 =	simm.s32 @!p0 $0x0  }
0xd: {  	s17 =	simm.s32 $0xF0;
	s18 =	simm.s32 $0xFFFFFFFF;
	v1 =	vimm.s32 $0x0;
	[tilespmem:$0xB0] =	vst v0;
	s5 =	smulhi.u32 $0x64D319FF, s2  }
0xe: {  	s19 =	simm.s32 $0xFFFFD860;
	s20 =	simm.s32 $0xFFFFFFFE;
	s21 =	simm.s32 $0xF;
	[tilespmem:$0x90] =	vst v1  }
0xf: {  	[tilespmem:$0xA0] =	vst v1;
	[sflag:s7] =	ssyncpa.u1 $0x0;
	s7 =	simm.s32 $0x7;
	s10 =	sshrl.u32 s5, $0xB  }
0x10: {  	s25 =	simm.s32 $0x0;
	[sflag:s7] =	ssyncpa.u1 $0x0;
	s11 =	smul.u32 $0x1450, s10  }
0x11: {  	s24 =	simm.s32 $0x0;
	s14 =	sshllo.u32 s6, $0x1;
	[sflag:s8] =	ssyncpa.u1 $0x0  }
.Ltmp0:
0x12: {  	[sflag:s31] =	ssyncpa.u1 $0x0;
	p0 =	sne.s32 s2, s11;
	(pc) =	sbr.rel .LBB2_1-.Ltmp0, $4  }
0x13: {  	s5 =	sadd.s32 $0x29000, s0;
	s0 =	sadd.s32 $0x3CE00, s0;
	s9 =	simm.s32 @!p0 $0x0  }
0x14: {  	s23 =	smov.u32 s3;
	[dreg:$0x3] =	wrdreg s0;
	s9 =	sadd.s32 s9, s10  }
0x15: {  	vm0 =	vmmov $0xffff;
	v2 =	vlaneseq.u32;
	p0 =	por $0x0, $0x0;
	s10 =	sshll.u32 s6, $0x1;
	s11 =	sadd.s32 $0x1, s9  }
0x16: {  	vm1 =	vmxor vm1, vm1;
	vm2 =	vmmov $0x1;
	vm3 =	vcmask $0x3F3C;
	s12 =	sadd.s32 $0x2, s9;
	s13 =	sor.u32 $0x81, s10;
	s15 =	sor.u32 $0x80, s10  }
.LBB2_9:
0x17: {  	p1 =	slt.u32 s24, $0x3  }
0x18: {  	s0 =	simm.s32 @!p1 $0x2  }
0x19: {  	_ =	swait.ge @!p1 [sflag:s0], $0x1450  }
0x1a: {  	[sflag:s0] =	ssyncset.done @!p1 $0x0  }
0x1b: {  	[sflag:s0] =	ssyncadd.s32 @!p1 $0xFFFFEBB0;
	s0 =	simm.s32 @!p1 $0x9  }
0x1c: {  	_ =	swait.ge @!p1 [sflag:s0], $0x10  }
0x1d: {  	[sflag:s0] =	ssyncset.done @!p1 $0x0  }
0x1e: {  	[sflag:s0] =	ssyncadd.s32 @!p1 $0xFFFFFFF0;
	p1 =	sne.s32 s24, s12  }
.Ltmp1:
0x1f: {  	s2 =	sadd.s32 $0x1450, s23;
	(pc) =	sbr.rel @!p1 .LBB2_10-.Ltmp1, $4  }
0x20: {  	s6 =	smov.u32 s3;
	s31 =	sadd.s32 $0x1, s24;
	s17 =	sadd.s32 $0x1450, s17  }
0x21: {  	s18 =	sadd.s32 $0x1, s18;
	s25 =	smov.u32 s23;
	p2 =	slt.s32 s2, s4  }
0x22: {  	p0 =	por !p0, !p0;
	s19 =	sadd.s32 $0x1450, s19;
	s6 =	smov.u32 @p2 s2  }
0x23: {  	s20 =	sadd.s32 $0x1, s20;
	s23 =	smov.u32 s6;
	s24 =	smov.u32 s31  }
.LBB2_1:
0x24: {  	p1 =	sge.u32 s24, s9  }
0x25: {  	s0 =	smulhi.u32 @!p1 $0xAAAAAAAB, s24;
	_ =	sdelay $0x1  }
0x26: {  	s0 =	sshrl.u32 @!p1 s0, $0x1  }
0x27: {  	s0 =	smul.u32 @!p1 $0x3, s0;
	_ =	sdelay $0x1  }
0x28: {  	s0 =	ssub.s32 @!p1 s24, s0  }
0x29: {  	s0 =	smul.u32 @!p1 $0x5140, s0;
	_ =	sdelay $0x1  }
0x2a: {  	s2 =	sshrl.u32 @!p1 s23, $0x3;
	s0 =	sshrl.u32 @!p1 s0, $0x2  }
0x2b: {  	s22 =	sand.u32 @!p1 $0x7, s23;
	s2 =	sadd.s32 @!p1 s5, s2;
	s0 =	sadd.s32 @!p1 $0x100, s0  }
0x2c: {  	[tilespmem:s0], [sflag:$0x7] =	stream.linear.gather @!p1 [hbm4b:s2+s22], $0x1450, $0x38;
	[tilespmem:$0xB7F0] =	vst v63  }
0x2d: {  	s0 =	sadd.s32 $0xFFFFFFFF, s24  }
0x2e: {  	p1 =	sge.u32 s0, s9  }
.Ltmp2:
0x2f: {  	_ = 	snop;
	(pc) =	sbr.rel @p1 .LBB2_5-.Ltmp2, $1  }
0x30: {  	_ =	sdelay $0x3  }
0x31: {  	s2 =	smulhi.u32 $0xAAAAAAAB, s0;
	_ =	sdelay $0x1  }
0x32: {  	s2 =	sshrl.u32 s2, $0x1  }
0x33: {  	s2 =	smul.u32 $0x3, s2;
	_ =	sdelay $0x1  }
0x34: {  	s2 =	ssub.s32 s0, s2  }
0x35: {  	s2 =	smul.u32 $0x5140, s2  }
0x36: {  	_ =	swait.ge [sflag:s7], $0x1450  }
0x37: {  	[sflag:s7] =	ssyncset.done $0x0;
	s2 =	sshrl.u32 s2, $0x2  }
0x38: {  	[sflag:s7] =	ssyncadd.s32 $0xFFFFEBB0;
	(ifvalue) =	ssetifvalue $0xFFFFFFFF;
	v3 =	vld.msk [tilespmem:s2+$0x100 ss:$0x1], $0xffff;
	_ =	sdelay $0x2  }
0x39: {  	s30 =	smulhi.u32 $0xAAAAAAAB, s18;
	p1 =	sne.s32 s24, $0x1  }
0x3a: {  	v4 =	vimm.s32 @!p1 $0x0  }
0x3b: {  	s2 =	sshrl.u32 s30, $0x1;
	v4 =	vperm.xlane @!p1 v3, v4  }
0x3c: {  	s22 =	sshll.u32 s24, $0x4;
	s2 =	smul.u32 $0xFFFF0C40, s2;
	vm4 =	vlt.u32 v3, $0x2800  }
0x3d: {  	s22 =	sand.u32 $0x10, s22;
	v3 =	vnsel vm4, $0xFFFFFFFE, v3;
	vm4 =	vlt.u32 @!p1 v4, $0x2800  }
0x3e: {  	s2 =	sshra.s32 s2, $0x2;
	[tilespmem:s22+$0x60] =	vst v3;
	v3 =	vnsel @!p1 vm4, $0xFFFFFFFE, v4  }
0x3f: {  	s28 =	sadd.s32 s2, s17;
	[tilespmem:$0x80] =	vst @!p1 v3  }
0x40: {  	v3 =	vld.msk [tilespmem:s28+$0x0 ss:$0x1], $0xffff;
	_ =	sdelay $0x4  }
0x41: {  	(xrf1) =	vunique.msk.u32 $0xffff, v3;
	_ =	sdelay $0xd  }
0x42: {  	v4 =	vimm.s32 $0xFFFFFFFF;
	v5, _, _ =	vpop (xrf1)  }
0x43: {  	vm5 =	vne.s32 v3, v4;
	vm4 =	veq.s32 v5, v2  }
0x44: {  	vm6 =	vlt.u32 v3, $0x2800;
	vm4 =	vmand vm5, vm4  }
0x45: {  	vm4 =	vmand vm6, vm4  }
0x46: {  	v4 =	vnsel vm4, $0xFFFFFFFF, v3  }
0x47: {  	s31 =	sand.u32 $0x1, s0  }
0x48: {  	s0 =	simm.s32 $0x1450;
	p1 =	seq.s32 s31, $0x1  }
0x49: {  	s0 =	simm.s32 @!p1 $0x0  }
0x4a: {  	s26 =	sadd.s32 $0x5230, s0;
	(ifvalue) =	ssetifvalue $0xFFFFFFFF  }
0x4b: {  	v3 =	vperm.xlane v3, v1;
	[tilespmem:s26], [sflag:$0x8] =	stream.indirect_vreg.gather [hbm4b:s1+s16], $0x1, v4, vm0, $0x4038;
	v4 =	vnsel vm6, $0xFFFFFFFE, v4;
	[tilespmem:$0xB7F0] =	vst v63  }
0x4c: {  	s2 =	simm.s32 $0x0;
	s22 =	sadd.s32 $0xFFFFFFF0, s28;
	[tilespmem:s28+$0x0] =	vst v4  }
.LBB2_3:
0x4d: {  	v4 =	vld.msk [tilespmem:s22+$0x0 ss:$0x1], $0xffff;
	s2 =	sadd.s32 $0x10, s2;
	v5 =	vmov v3;
	s28 =	smov.u32 s22  }
0x4e: {  	p1 =	slt.u32 s2, $0x1440;
	_ =	sdelay $0x4  }
0x4f: {  	v3 =	vperm.xlane v4, v1;
	(xrf1) =	vunique.msk.u32 $0xffff, v4;
	_ =	sdelay $0xd  }
0x50: {  	v6, _, _ =	vpop (xrf1)  }
0x51: {  	vm5 =	vne.s32 v4, v5;
	vm4 =	veq.s32 v6, v2  }
0x52: {  	vm6 =	vlt.u32 v4, $0x2800;
	vm4 =	vmand vm5, vm4  }
0x53: {  	vm4 =	vmand vm6, vm4  }
0x54: {  	v4 =	vnsel vm4, $0xFFFFFFFF, v4  }
.Ltmp3:
0x55: {  	v5 =	vnsel vm6, $0xFFFFFFFE, v4;
	(pc) =	sbr.rel @p1 .LBB2_3-.Ltmp3, $3  }
0x56: {  	_ =	sdelay $0x1  }
0x57: {  	s22 =	sadd.s32 $0xFFFFFFF0, s22;
	s26 =	sadd.s32 $0xFFFFFFF0, s26;
	(ifvalue) =	ssetifvalue $0xFFFFFFFF  }
0x58: {  	[tilespmem:s26], [sflag:$0x8] =	stream.indirect_vreg.gather [hbm4b:s1+s16], $0x1, v4, vm0, $0x4038;
	[tilespmem:s28+$0x0] =	vst v5  }
0x59: {  	s2 =	sshrl.u32 s25, $0x3;
	s6 =	rddreg [dreg:$0x3]  }
0x5a: {  	s0 =	sadd.s32 $0x6690, s0;
	s2 =	sadd.s32 s6, s2  }
0x5b: {  	[tilespmem:s0], [sflag:$0x8] =	stream.linear.gather [hbm:s2], $0x1450, $0x38;
	[tilespmem:$0xB7F0] =	vst v63  }
.LBB2_5:
0x5c: {  	p1 =	slt.u32 s24, $0x2  }
0x5d: {  	p2 =	sge.u32 @!p1 s24, s12  }
0x5e: {  	p1 =	por p1, p2  }
.Ltmp4:
0x5f: {  	_ = 	snop;
	(pc) =	sbr.rel @p1 .LBB2_9-.Ltmp4, $1  }
0x60: {  	_ =	sdelay $0x3  }
0x61: {  	s0 =	sadd.s32 $0xFFFFFFFE, s24  }
0x62: {  	s2 =	smulhi.u32 $0xAAAAAAAB, s0;
	_ =	sdelay $0x1  }
0x63: {  	s2 =	sshrl.u32 s2, $0x1  }
0x64: {  	s2 =	smul.u32 $0x3, s2;
	_ =	sdelay $0x1  }
0x65: {  	s0 =	ssub.s32 s0, s2  }
0x66: {  	_ =	swait.ge [sflag:s8], $0x28A0;
	s0 =	smul.u32 $0x1450, s0  }
0x67: {  	p1 =	sne.s32 s24, s11;
	[sflag:s8] =	ssyncset.done $0x0  }
0x68: {  	[sflag:s8] =	ssyncadd.s32 $0xFFFFD760;
	s2 =	sadd.s32 @!p1 $0x154F, s0  }
0x69: {  	[spmem:s13] =	stream.linear.scatter @!p1 [tilespmem:s2], [sflag:$0x1], $0x1, $0x38;
	[tilespmem:$0xB7F0] =	vst v63  }
0x6a: {  	s2 =	simm.s32 @!p1 $0x1  }
0x6b: {  	_ =	swait.ge @!p1 [sflag:s2], $0x1  }
0x6c: {  	s22 =	sshll.u32 s24, $0x4;
	[sflag:s2] =	ssyncset.done @!p1 $0x0  }
0x6d: {  	s25 =	sand.u32 $0x10, s22;
	[sflag:s2] =	ssyncadd.s32 @!p1 $0xFFFFFFFF  }
0x6e: {  	s2 =	sxor.u32 $0x10, s25;
	v4 =	vld [tilespmem:s25+$0x10]  }
0x6f: {  	v5 =	vld [tilespmem:s2+$0x60]  }
0x70: {  	v3 =	vld [tilespmem:$0x80];
	_ =	sdelay $0x2  }
0x71: {  	(v2sf) =	vpush v4, $0x0  }
0x72: {  	(v2sf) =	vpush v5, $0x0  }
0x73: {  	(v2sf) =	vpush v3, $0x0;
	_ =	sdelay $0xc  }
0x74: {  	s6 =	spop (v2sf)  }
0x75: {  	s28 =	spop (v2sf)  }
0x76: {  	s26 =	spop (v2sf)  }
0x77: {  	p2 =	seq.s32 s6, s28;
	p3 =	seq.s32 s26, s6  }
0x78: {  	p3 =	por p2, p3  }
0x79: {  	s6 =	sand.u32 $0x1, s24;
	v4 =	vpsel p3, $0xFFFFFFFF, v4  }
0x7a: {  	s28 =	smul.u32 $0x1450, s6;
	[tilespmem:s25+$0x10] =	vst.msk $0x1, v4  }
0x7b: {  	v4 =	vld [tilespmem:$0x30]  }
0x7c: {  	v5 =	vld [tilespmem:s28+$0x6690]  }
0x7d: {  	v6 =	vld [tilespmem:s25+$0x40];
	_ =	sdelay $0x3  }
0x7e: {  	vm4 =	vmmov vm1;
	v5 =	vadd.f32 v5, v4  }
0x7f: {  	vm5 =	vmmov vm2;
	vm4 =	vmmov @p2 vm2;
	v4 =	vadd.f32 v6, v4  }
0x80: {  	s22 =	sshll.u32 s6, $0x4;
	vm5 =	vmmov @p3 vm1;
	[tilespmem:s28+$0x6690] =	vst.msk vm4, v5  }
0x81: {  	[tilespmem:s22+$0xB7D0] =	vst.msk vm5, v4  }
0x82: {  	v4 =	vld [tilespmem:s28+$0x5230];
	_ =	sdelay $0x3  }
0x83: {  	v5 =	vimm.f32 $0.0e+00  }
0x84: {  	v4 =	vshift.insert v4, v5, s21  }
0x85: {  	s29 =	sor.u32 $0x40, s2  }
0x86: {  	[tilespmem:s29+$0x0] =	vst.msk $0x1, v4  }
0x87: {  	[tilespmem:s28+$0x523F] =	vst.msk $0x1, v5  }
0x88: {  	v4 =	vld [tilespmem:s0+$0x1540];
	_ =	sdelay $0x1  }
0x89: {  	s29 =	smulhi.u32 $0xAAAAAAAB, s20;
	s0 =	simm.s32 $0x1  }
0x8a: {  	s0 =	simm.s32 @!p0 $0x0  }
0x8b: {  	s29 =	sshrl.u32 s29, $0x1;
	s0 =	smul.u32 $0x5140, s0  }
0x8c: {  	s29 =	smul.u32 $0xFFFF0C40, s29;
	v4 =	vshift.insert v4, v1, s21  }
0x8d: {  	s0 =	sshrl.u32 s0, $0x2  }
0x8e: {  	s29 =	sshra.s32 s29, $0x2;
	s30 =	sadd.s32 $0x6690, s0;
	[tilespmem:s2+$0x10] =	vst.msk $0x1, v4  }
0x8f: {  	s6 =	sadd.s32 s29, s19;
	v6 =	vld [tilespmem:s30+$0x0]  }
0x90: {  	v7 =	vld [tilespmem:s6+$0x0];
	_ =	sdelay $0x3  }
0x91: {  	v5 =	vadd.f32 v6, v5  }
0x92: {  	vm4 =	vne.s32 v7, $0xFFFFFFFF  }
0x93: {  	(xrf2) =	vadd.seg.scan.f32 vm4, v5;
	_ =	sdelay $0x3  }
0x94: {  	s31 =	sadd.s32 $0x3DF0, s0;
	v5 =	vperm.xlane v4, v1  }
0x95: {  	v6 =	vld [tilespmem:s31+$0x0]  }
0x96: {  	vm5 =	veq.s32 v7, v3;
	vm6 =	veq.s32 v7, v5  }
0x97: {  	vm7 =	vgt.u32 v7, $0xFFFFFFFD;
	vm6 =	vmor vm6, vm5  }
0x98: {  	vm6 =	vmor vm6, vm7  }
0x99: {  	v9 =	vld [tilespmem:$0xA0];
	v7 =	vsel vm6, $0xFFFFFFFF, v7  }
0x9a: {  	v10 =	vld [tilespmem:$0x90];
	v6 =	vsel vm5, $0x0, v6;
	v8, _, _ =	vpop (xrf2)  }
0x9b: {  	v6 =	vadd.f32 v8, v6  }
0x9c: {  	s0 =	sadd.s32 $0x8F30, s0  }
0x9d: {  	vm4 =	vmand vm4, vm3;
	[tilespmem:s0+$0x0] =	vst v6;
	(ifvalue) =	ssetifvalue $0xFFFFFFFF  }
0x9e: {  	vm6 =	veq.s32 v9, $0x1;
	[hbm4b:s1+s16] =	stream.indirect_vreg.scatter [tilespmem:s0], [sflag:$0x2], $0x1, v7, vm0, $0x4038;
	v7 =	vsel vm4, $0x0, v8;
	[tilespmem:$0xB7F0] =	vst v63  }
0x9f: {  	s29 =	sadd.s32 $0xB7D0, s22;
	s22 =	sadd.s32 $0x10, s6;
	s2 =	simm.s32 $0x0;
	vm4 =	vmor vm6, vm5;
	v6 =	vsel vm5, v8, v10;
	v7 =	vshift.insert v7, v0, s21  }
.LBB2_7:
0xa0: {  	v8 =	vld [tilespmem:s22+$0x0];
	s30 =	sadd.s32 $0x10, s30  }
0xa1: {  	s31 =	sadd.s32 $0x10, s31;
	v9 =	vld [tilespmem:s30+$0x0]  }
0xa2: {  	s2 =	sadd.s32 $0x10, s2;
	v10 =	vld [tilespmem:s31+$0x0]  }
0xa3: {  	p2 =	slt.u32 s2, $0x1440;
	_ =	sdelay $0x2  }
0xa4: {  	v7 =	vadd.f32 v9, v7  }
0xa5: {  	vm5 =	vne.s32 v8, $0xFFFFFFFF  }
0xa6: {  	vm6 =	vmand vm5, vm3;
	(xrf2) =	vadd.seg.scan.f32 vm5, v7;
	_ =	sdelay $0x5  }
0xa7: {  	vm7 =	veq.s32 v8, v5;
	vm5 =	veq.s32 v8, v3  }
0xa8: {  	vm8 =	vgt.u32 v8, $0xFFFFFFFD;
	vm4 =	vmor vm4, vm5;
	vm7 =	vmor vm7, vm5  }
0xa9: {  	vm7 =	vmor vm7, vm8  }
0xaa: {  	v8 =	vsel vm7, $0xFFFFFFFF, v8  }
.Ltmp5:
0xab: {  	v7 =	vsel vm5, $0x0, v10;
	v9, _, _ =	vpop (xrf2);
	(pc) =	sbr.rel @p2 .LBB2_7-.Ltmp5, $4  }
0xac: {  	v6 =	vsel vm5, v9, v6;
	v10 =	vadd.f32 v9, v7;
	v7 =	vsel vm6, $0x0, v9  }
0xad: {  	s0 =	sadd.s32 $0x10, s0;
	v7 =	vshift.insert v7, v0, s21  }
0xae: {  	s22 =	sadd.s32 $0x10, s22;
	[tilespmem:s0+$0x0] =	vst v10;
	(ifvalue) =	ssetifvalue $0xFFFFFFFF  }
0xaf: {  	[hbm4b:s1+s16] =	stream.indirect_vreg.scatter [tilespmem:s0], [sflag:$0x2], $0x1, v8, vm0, $0x4038;
	[tilespmem:$0xB7F0] =	vst v63  }
0xb0: {  	v3 =	vld [tilespmem:s28+$0xA370];
	_ =	sdelay $0x4  }
0xb1: {  	v3 =	vshift.insert v3, v0, s21  }
0xb2: {  	s0 =	simm.s32 $0x30  }
0xb3: {  	[tilespmem:s0+$0x0] =	vst.msk $0x1, v3  }
0xb4: {  	v3 =	vsel vm4, $0x1, v1;
	[tilespmem:$0x90] =	vst v6  }
0xb5: {  	s0 =	sadd.s32 @!p1 $0xA37F, s28;
	[tilespmem:$0xA0] =	vst v3  }
0xb6: {  	[spmem:s14] =	stream.linear.scatter @!p1 [tilespmem:s0], [sflag:$0x1], $0x1, $0x38;
	[tilespmem:$0xB7F0] =	vst v63  }
0xb7: {  	s0 =	simm.s32 @!p1 $0x1  }
0xb8: {  	v3 =	vmctz.xlane @!p1 vm4;
	_ =	swait.ge @!p1 [sflag:s0], $0x1  }
0xb9: {  	(v2sf) =	vpush @!p1 v4, $0x0  }
0xba: {  	(v2sf) =	vpush @!p1 v3, $0x0;
	_ =	sdelay $0xd  }
0xbb: {  	s2 =	spop @!p1 (v2sf)  }
0xbc: {  	s6 =	spop @!p1 (v2sf)  }
0xbd: {  	p2 =	sne.s32 @!p1 s26, s2;
	p3 =	slt.s32 @!p1 s6, $0xF  }
0xbe: {  	[sflag:s0] =	ssyncset.done @!p1 $0x0;
	p2 =	por p2, p1;
	p3 =	por !p3, p1  }
0xbf: {  	[sflag:s0] =	ssyncadd.s32 @!p1 $0xFFFFFFFF;
	v3 =	vimm.s32 @!p2 $0xFFFFFFFF;
	s6 =	simm.s32 @p3 $0xF  }
0xc0: {  	[tilespmem:$0x80] =	vst @!p2 v3;
	s2 =	sadd.s32 @!p1 $0x90, s6  }
0xc1: {  	[spmem:s10] =	stream.linear.scatter @!p1 [tilespmem:s2], [sflag:$0x1], $0x1, $0x38;
	[tilespmem:$0xB7F0] =	vst v63  }
0xc2: {  	_ =	swait.ge @!p1 [sflag:s0], $0x1  }
0xc3: {  	[sflag:s0] =	ssyncset.done @!p1 $0x0  }
0xc4: {  	s2 =	simm.s32 @!p1 $0x80;
	[sflag:s0] =	ssyncadd.s32 @!p1 $0xFFFFFFFF  }
0xc5: {  	[spmem:s15] =	stream.linear.scatter @!p1 [tilespmem:s2], [sflag:$0x1], $0x1, $0x38;
	[tilespmem:$0xB7F0] =	vst v63  }
0xc6: {  	_ =	swait.ge @!p1 [sflag:s0], $0x1  }
0xc7: {  	[sflag:s0] =	ssyncset.done @!p1 $0x0  }
0xc8: {  	[sflag:s0] =	ssyncadd.s32 @!p1 $0xFFFFFFFF;
	(ifvalue) =	ssetifvalue $0xFFFFFFFF;
	v3 =	vld [tilespmem:s25+$0x10];
	_ =	sdelay $0x3  }
.Ltmp6:
0xc9: {  	_ = 	snop;
	(pc) =	sbr.rel .LBB2_9-.Ltmp6, $3  }
0xca: {  	_ =	sdelay $0x1  }
0xcb: {  	(ifvalue) =	ssetifvalue $0xFFFFFFFF  }
0xcc: {  	[hbm4b:s1+s16] =	stream.indirect_vreg.scatter [tilespmem:s29], [sflag:$0x9], $0x1, v3, vm0, $0x4038;
	[tilespmem:$0xB7F0] =	vst v63  }
.LBB2_10:
0xcd: {  	_ =	sfence.sel $0x180000  }
0xce: {  	s0 =	simm.s32 $0x7;
	[bflag:$0x0] =	sbarrier.arrive $0xFFFF  }
0xcf: {  	s26 =	simm.s32 $0x8;
	[sflag:s0] =	ssyncpa.u1 $0x1  }
0xd0: {  	s28 =	simm.s32 $0x9;
	[sflag:s26] =	ssyncpa.u1 $0x1  }
0xd1: {  	[sflag:s28] =	ssyncpa.u1 $0x1  }
0xd2: {  	_ =	sfence.stream.spmem  }
0xd3: {  	s29 =	simm.s32 $0x3;
	[bflag:$0x0] =	sbarrier.arrive $0xFFFF  }
0xd4: {  	s30 =	simm.s32 $0x4;
	[sflag:s29] =	ssyncpa.u1 $0x1  }
0xd5: {  	s31 =	simm.s32 $0x3C;
	s2 =	stileid.u32;
	[sflag:s30] =	ssyncpa.u1 $0x1  }
0xd6: {  	p0 =	sne.s32 s2, $0x0;
	[sflag:s31] =	ssyncpa.u1 $0x1  }
0xd7: {  	s0 =	simm.s32 @p0 $0x1;
	_ =	sfence @p0  }
0xd8: {  	[sflag:s0] =	ssyncpa.u1 @p0 $0x1;
	s0 =	simm.s32 @p0 $0x2  }
0xd9: {  	[sflag:s0] =	ssyncpa.u1 @p0 $0x1  }
0xda: {  	_ =	strace @p0 $0x90000047  }
0xdb: {  	[bflag:$0x2] =	sbarrier.arrive @p0 $0xFFFF  }
0xdc: {  	_ =	shalt @p0  }
.LBB2_11:
0xdd: {  	_ =	sfence.stream.spmem;
	s0 =	simm.s32 $0x5  }
0xde: {  	s2 =	simm.s32 $0x80;
	s3 =	simm.s32 $0xC0;
	[sflag:s0] =	ssyncpa.u1 $0x0  }
0xdf: {  	[tilespmem:s3], [sflag:$0x5] =	stream.linear.gather [spmem:s2], $0x20, $0x38;
	[tilespmem:$0xB7F0] =	vst v63  }
0xe0: {  	s2 =	simm.s32 $0x0;
	s3 =	simm.s32 $0xE0  }
0xe1: {  	[tilespmem:s3], [sflag:$0x5] =	stream.linear.gather [spmem:s2], $0x20, $0x38;
	[tilespmem:$0xB7F0] =	vst v63  }
.Ltmp7:
0xe2: {  	_ = 	snop;
	(pc) =	sbr.rel .LBB2_12-.Ltmp7, $4  }
0xe3: {  	_ =	swait.ge [sflag:s0], $0x40  }
0xe4: {  	[sflag:s0] =	ssyncset.done $0x0  }
0xe5: {  	s31 =	simm.s32 $0x6;
	[sflag:s0] =	ssyncadd.s32 $0xFFFFFFC0  }
0xe6: {  	s4 =	simm.s32 $0x0;
	[sflag:s31] =	ssyncpa.u1 $0x0  }
.LBB2_17:
0xe7: {  	p0 =	sgt.u32 s5, $0x27FF  }
0xe8: {  	s0 =	sshrl.u32 @!p0 s5, $0x3  }
0xe9: {  	s5 =	sand.u32 @!p0 $0x7, s5;
	s6 =	simm.s32 @!p0 $0xB0;
	s0 =	sadd.s32 @!p0 s1, s0  }
0xea: {  	[tilespmem:s6], [sflag:$0x6] =	stream.linear.gather @!p0 [hbm4b:s0+s5], $0x1, $0x38;
	[tilespmem:$0xB7F0] =	vst v63  }
0xeb: {  	s0 =	simm.s32 @!p0 $0x6  }
0xec: {  	_ =	swait.ge @!p0 [sflag:s0], $0x1  }
0xed: {  	[sflag:s0] =	ssyncset.done @!p0 $0x0  }
0xee: {  	[sflag:s0] =	ssyncadd.s32 @!p0 $0xFFFFFFFF  }
0xef: {  	v2 =	vmov @!p0 s4;
	v1 =	vld.msk @!p0 [tilespmem:$0xB0], $0x1;
	_ =	sdelay $0x3  }
0xf0: {  	s0 =	simm.s32 @!p0 $0xE0  }
0xf1: {  	[tilespmem:v2+s0+$0x0], v1 =	vst.idx.ret.add.f32.msk @!p0 $0x1, v1  }
0xf2: {  	[tilespmem:s2+$0xC0] =	vst.msk $0x1, v0  }
0xf3: {  	v0 =	vld.msk [tilespmem:s4+$0xE0], $0x1;
	_ =	sdelay $0x4  }
0xf4: {  	[tilespmem:s2+$0xE0] =	vst.msk $0x1, v0;
	s2 =	sadd.s32 $0x1, s2  }
.LBB2_19:
0xf5: {  	s4 =	sadd.s32 $0x1, s4  }
0xf6: {  	p0 =	sne.s32 s4, $0x20  }
.Ltmp8:
0xf7: {  	_ = 	snop;
	(pc) =	sbr.rel @!p0 .LBB2_20-.Ltmp8, $1  }
0xf8: {  	_ =	sdelay $0x3  }
.LBB2_12:
0xf9: {  	v0 =	vld.msk [tilespmem:s4+$0xC0], $0x1;
	_ =	sdelay $0x4  }
0xfa: {  	(v2sf) =	vpush v0, $0x0;
	_ =	sdelay $0xe  }
0xfb: {  	s5 =	spop (v2sf)  }
0xfc: {  	p0 =	seq.s32 s5, $0xFFFFFFFF  }
.Ltmp9:
0xfd: {  	_ = 	snop;
	(pc) =	sbr.rel @p0 .LBB2_19-.Ltmp9, $1  }
0xfe: {  	_ =	sdelay $0x3  }
0xff: {  	p0 =	slt.s32 s2, $0x1  }
.Ltmp10:
0x100: {  	_ = 	snop;
	(pc) =	sbr.rel @p0 .LBB2_17-.Ltmp10, $1  }
0x101: {  	_ =	sdelay $0x3  }
0x102: {  	s0 =	simm.s32 $0xC0;
	p0 =	por $0x0, $0x0  }
0x103: {  	v1 =	vld.msk @!p0 [tilespmem:s0+$0x0], $0x1;
	_ =	sdelay $0x4  }
0x104: {  	(v2sf) =	vpush @!p0 v1, $0x0;
	_ =	sdelay $0xd  }
0x105: {  	p2 =	sne.s32 s2, $0x1  }
.Ltmp11:
0x106: {  	s6 =	spop @!p0 (v2sf);
	(pc) =	sbr.rel @!p2 .LBB2_16-.Ltmp11, $4  }
0x107: {  	p1 =	seq.s32 @!p0 s5, s6  }
0x108: {  	s6 =	simm.s32 $0x0;
	p1 =	por !p1, p0  }
0x109: {  	s8 =	simm.s32 $0xFFFFFFFF;
	s6 =	simm.s32 @p1 $0xFFFFFFFF  }
0x10a: {  	s7 =	simm.s32 $0x1;
	s6 =	smov.u32 @p0 s8  }
.LBB2_15:
0x10b: {  	s8 =	smov.u32 s6;
	p0 =	sne.s32 s6, $0xFFFFFFFF  }
0x10c: {  	s0 =	sadd.s32 $0x1, s0;
	s6 =	smov.u32 s7;
	s7 =	sadd.s32 $0x1, s7  }
0x10d: {  	p1 =	sne.s32 s2, s7;
	v1 =	vld.msk @!p0 [tilespmem:s0+$0x0], $0x1;
	_ =	sdelay $0x4  }
0x10e: {  	(v2sf) =	vpush @!p0 v1, $0x0;
	_ =	sdelay $0xe  }
.Ltmp12:
0x10f: {  	s9 =	spop @!p0 (v2sf);
	(pc) =	sbr.rel @p1 .LBB2_15-.Ltmp12, $4  }
0x110: {  	p2 =	seq.s32 @!p0 s5, s9  }
0x111: {  	p2 =	por !p2, p0  }
0x112: {  	s6 =	simm.s32 @p2 $0xFFFFFFFF  }
0x113: {  	s6 =	smov.u32 @p0 s8  }
.LBB2_16:
0x114: {  	p0 =	sne.s32 s6, $0xFFFFFFFF  }
.Ltmp13:
0x115: {  	_ = 	snop;
	(pc) =	sbr.rel @!p0 .LBB2_17-.Ltmp13, $1  }
0x116: {  	_ =	sdelay $0x3  }
0x117: {  	v0 =	vld.msk [tilespmem:s4+$0xE0], $0x1;
	v1 =	vmov s6  }
.Ltmp14:
0x118: {  	_ = 	snop;
	(pc) =	sbr.rel .LBB2_19-.Ltmp14, $2  }
0x119: {  	_ =	sdelay $0x2  }
0x11a: {  	[tilespmem:v1+s3+$0x0], v0 =	vst.idx.ret.add.f32.msk $0x1, v0  }
.LBB2_20:
0x11b: {  	p0 =	slt.s32 s2, $0x1  }
.Ltmp15:
0x11c: {  	_ = 	snop;
	(pc) =	sbr.rel @p0 .LBB2_24-.Ltmp15, $3  }
0x11d: {  	_ =	sdelay $0x1  }
0x11e: {  	s0 =	simm.s32 $0x6  }
0x11f: {  	s3 =	simm.s32 $0x0;
	[sflag:s0] =	ssyncpa.u1 $0x1  }
0x120: {  	s0 =	simm.s32 $0xC0  }
0x121: {  	v0 =	vld.msk [tilespmem:s0+$0x0], $0x1;
	_ =	sdelay $0x4  }
0x122: {  	(v2sf) =	vpush v0, $0x0;
	_ =	sdelay $0xe  }
0x123: {  	s2 =	sadd.s32 $0xFFFFFFFF, s2;
	s4 =	spop (v2sf)  }
0x124: {  	p1 =	sne.s32 s2, $0x0;
	p0 =	sgt.u32 s4, $0x27FF  }
.Ltmp16:
0x125: {  	s5 =	sshrl.u32 @!p0 s4, $0x3;
	(pc) =	sbr.rel @!p1 .LBB2_23-.Ltmp16, $4  }
0x126: {  	s0 =	simm.s32 $0xE0;
	s4 =	sand.u32 @!p0 $0x7, s4;
	s5 =	sadd.s32 @!p0 s1, s5  }
0x127: {  	[hbm4b:s5+s4] =	stream.linear.scatter @!p0 [tilespmem:s0], [sflag:$0x5], $0x1, $0x38;
	[tilespmem:$0xB7F0] =	vst v63  }
0x128: {  	s5 =	simm.s32 $0x0  }
0x129: {  	s4 =	simm.s32 $0xC1;
	s5 =	simm.s32 @!p0 $0x4  }
.LBB2_22:
0x12a: {  	v0 =	vld.msk [tilespmem:s4+$0x0], $0x1;
	s2 =	sadd.s32 $0xFFFFFFFF, s2;
	s3 =	sadd.s32 s3, s5  }
0x12b: {  	p0 =	sne.s32 s2, $0x0;
	_ =	sdelay $0x3  }
0x12c: {  	(v2sf) =	vpush v0, $0x0;
	_ =	sdelay $0xe  }
.Ltmp17:
0x12d: {  	s6 =	spop (v2sf);
	(pc) =	sbr.rel @p0 .LBB2_22-.Ltmp17, $4  }
0x12e: {  	s5 =	simm.s32 $0x0;
	p1 =	sgt.u32 s6, $0x27FF  }
0x12f: {  	s0 =	sadd.s32 $0x1, s0;
	s5 =	simm.s32 @!p1 $0x4;
	s7 =	sshrl.u32 @!p1 s6, $0x3  }
0x130: {  	s4 =	sadd.s32 $0x1, s4;
	s6 =	sand.u32 @!p1 $0x7, s6;
	s7 =	sadd.s32 @!p1 s1, s7  }
0x131: {  	[hbm4b:s7+s6] =	stream.linear.scatter @!p1 [tilespmem:s0], [sflag:$0x5], $0x1, $0x38;
	[tilespmem:$0xB7F0] =	vst v63  }
.LBB2_23:
0x132: {  	s0 =	sadd.s32 s3, s5  }
0x133: {  	s3 =	sshrl.u32 s0, $0x2  }
.LBB2_24:
0x134: {  	s0 =	simm.s32 $0x5  }
0x135: {  	_ =	swait.ge [sflag:s0], s3  }
0x136: {  	s1 =	ssub.s32 $0x0, s3;
	[sflag:s0] =	ssyncset.done $0x0  }
0x137: {  	[sflag:s0] =	ssyncadd.s32 s1  }
0x138: {  	[sflag:s0] =	ssyncpa.u1 $0x1  }
0x139: {  	s29 =	simm.s32 $0x1;
	_ =	sfence  }
0x13a: {  	s30 =	simm.s32 $0x2;
	[sflag:s29] =	ssyncpa.u1 $0x1  }
0x13b: {  	[sflag:s30] =	ssyncpa.u1 $0x1  }
0x13c: {  	_ =	strace $0x90000047  }
0x13d: {  	[bflag:$0x2] =	sbarrier.arrive $0xFFFF  }
0x13e: {  	s31 =	rddreg [dreg:$0x2]  }
0x13f: {  	s0 =	sadd.s32 $0x100000, s31  }
0x140: {  	[sflag:s0] =	ssyncadd.tile.s32 $0x1;
	_ =	shalt  }
.Lfunc_end2:
_tile_overlayer_lowered:
.L_overlay_start_2:
0x141: {  	(tag) =	ssettag $0x2  }
0x142: {  	s0 =	rddreg [dreg:$0x0];
	s2 =	stileid.u32  }
0x143: {  	s1 =	rddreg [dreg:$0x1];
	p0 =	sne.s32 s2, $0x0  }
0x144: {  	s3 =	rddreg [dreg:$0x2];
	[bflag:$0x3] =	sbarrier.arrive $0xFFFF;
	s2 =	simm.s32 @!p0 $0x1C01  }
0x145: {  	[timem:s3], [sflag:s2] =	dma.local @!p0 [hbm:s0], s1  }
0x146: {  	s0 =	simm.s32 @!p0 $0x1  }
0x147: {  	_ =	swait.ge @!p0 [sflag:s0], s1  }
0x148: {  	s1 =	ssub.s32 @!p0 $0x0, s1;
	[sflag:s0] =	ssyncset.done @!p0 $0x0  }
0x149: {  	[sflag:s0] =	ssyncadd.s32 @!p0 s1  }
0x14a: {  	[bflag:$0x3] =	sbarrier.arrive $0xFFFF  }
0x14b: {  	_ =	shalt  }

</sc_bundles>
